<compile_context>
chip_gen: v7x
topology: tpu7x:2x2x1
jax: 0.10.2.dev20260603
libtpu: 0.0.44.dev20260713+nightly
codegen_flags: <defaults>
</compile_context>

<pallas_src>
import functools

import jax
import jax.numpy as jnp
from jax import lax
from jax.experimental import pallas as pl
from jax.experimental.pallas import tpu as pltpu
from jax.experimental.pallas import tpu_sc as plsc

NW = 32
CHUNK = 2
NBUF = 4
LANES = 16
UNROLL = 16


def _sc_fused(table, idx3, tg2):
    n_chunks = idx3.shape[1]
    v = table.shape[1]
    b_per_w = n_chunks * CHUNK
    n = NW * b_per_w
    n_vec = v // LANES
    mesh = plsc.VectorSubcoreMesh(core_axis_name="c", subcore_axis_name="s")

    @functools.partial(
        pl.kernel,
        mesh=mesh,
        out_type=(
            jax.ShapeDtypeStruct((n, v), jnp.float32),
            jax.ShapeDtypeStruct((n, LANES), jnp.float32),
            jax.ShapeDtypeStruct((n, LANES), jnp.float32),
        ),
        scratch_types=[
            pltpu.VMEM((n_chunks, CHUNK), jnp.int32),
            pltpu.VMEM_SHARED((16, b_per_w), jnp.int32),
            pltpu.SMEM((b_per_w,), jnp.int32),
            pltpu.VMEM((b_per_w, LANES), jnp.float32),
            pltpu.VMEM((b_per_w, LANES), jnp.float32),
            pltpu.VMEM((NBUF, CHUNK, v), jnp.float32),
            pltpu.SemaphoreType.DMA,
            pltpu.SemaphoreType.DMA,
        ],
    )
    def k(table_hbm, idx_hbm, tg_hbm, out_hbm, s_hbm, p_hbm,
          idx_v, tgsh, tg_smem, s_v, p_v, rows_v, gsem, wsem):
        cid = lax.axis_index("c")
        sid = lax.axis_index("s")
        wid = sid * 2 + cid
        base = wid * b_per_w
        pltpu.sync_copy(idx_hbm.at[wid], idx_v)
        pltpu.sync_copy(tg_hbm.at[wid], tgsh.at[sid])
        pltpu.sync_copy(tgsh.at[sid], tg_smem)
        lanes = lax.broadcasted_iota(jnp.int32, (LANES,), 0)

        def gather(c, b):
            return pltpu.async_copy(
                table_hbm.at[idx_v.at[c]], rows_v.at[b], gsem
            )

        def write(c, b):
            return pltpu.async_copy(
                rows_v.at[b], out_hbm.at[pl.ds(base + c * CHUNK, CHUNK)], wsem
            )

        def wwait():
            pltpu.make_async_copy(
                rows_v.at[0], out_hbm.at[pl.ds(base, CHUNK)], wsem
            ).wait()

        def gwait():
            pltpu.make_async_copy(
                table_hbm.at[idx_v.at[0]], rows_v.at[0], gsem
            ).wait()

        def compute(c, b):
            buf = rows_v.at[b]
            for r in range(CHUNK):
                i = c * CHUNK + r

                def body(j, acc):
                    jbase = j * (LANES * UNROLL)
                    for u in range(UNROLL):
                        acc = acc + jnp.exp(buf[r, pl.ds(jbase + u * LANES, LANES)])
                    return acc

                acc = lax.fori_loop(
                    0, n_vec // UNROLL, body, jnp.zeros((LANES,), jnp.float32)
                )
                s_v[i, :] = acc
                t = tg_smem[i]
                off = pl.multiple_of((t // LANES) * LANES, LANES)
                pvec = buf[r, pl.ds(off, LANES)]
                p_v[i, :] = jnp.where(lanes == t % LANES, pvec, 0.0)

        gather(0, 0)
        gather(1, 1)

        def outer(o, carry):
            c0 = o * NBUF
            for b in range(NBUF):
                c = c0 + b
                gwait()

                @pl.when(c + 2 < n_chunks)
                def _():
                    @pl.when(c >= 2)
                    def _():
                        wwait()

                    gather(c + 2, (b + 2) % NBUF)

                compute(c, b)
                write(c, b)
            return carry

        lax.fori_loop(0, n_chunks // NBUF, outer, 0)
        for _ in range(NBUF - 1):
            wwait()
        wwait()
        pltpu.sync_copy(s_v, s_hbm.at[pl.ds(base, b_per_w)])
        pltpu.sync_copy(p_v, p_hbm.at[pl.ds(base, b_per_w)])

    return k(table, idx3, tg2)


def _tc_epilogue(s16, p16):
    n = s16.shape[0]

    def body(s_ref, p_ref, loss_ref):
        s = jnp.sum(s_ref[...], axis=1)
        picked = jnp.sum(p_ref[...], axis=1)
        loss_ref[0, 0] = jnp.sum(jnp.log(s) - picked) * (1.0 / n)

    loss = pl.pallas_call(
        body,
        out_specs=pl.BlockSpec(memory_space=pltpu.SMEM),
        out_shape=jax.ShapeDtypeStruct((1, 1), jnp.float32),
    )(s16, p16)
    return loss[0, 0]


def kernel(table, idx, targets):
    n = idx.size
    b_per_w = n // NW
    idx32 = idx.reshape(-1).astype(jnp.int32)
    tg32 = targets.reshape(-1).astype(jnp.int32)
    idx3 = idx32.reshape(NW, b_per_w // CHUNK, CHUNK)
    tg2 = tg32.reshape(NW, b_per_w)
    logits2, s16, p16 = _sc_fused(table, idx3, tg2)
    loss = _tc_epilogue(s16, p16)
    return (logits2, loss)

# --- scband reference (transcript-rebuilt; emitter-appended) ---
"""Pipeline reference for scband-bigram-language-model-7267084665522 (READ-ONLY COPY).

The authoritative reference and input builder live on the scoring server;
editing this copy changes nothing except your own understanding.
"""

import jax, jax.numpy as jnp
import numpy as np

VOCAB = 8192
B, T = 2, 2048

def setup_inputs(seed: int = 0) -> dict:
    key = jax.random.key(seed)
    k1, k2, k3 = jax.random.split(key, 3)
    idx = jax.random.randint(k1, (B, T), 0, VOCAB, dtype=jnp.int64)
    targets = jax.random.randint(k2, (B, T), 0, VOCAB, dtype=jnp.int64)
    table = jax.random.normal(k3, (VOCAB, VOCAB), dtype=jnp.float32)
    return {"table": table, "idx": idx, "targets": targets}

def reference(table, idx, targets):
    # logits = embedding lookup: [B, T, VOCAB]
    logits = jnp.take(table, idx, axis=0)
    b, t, c = logits.shape
    logits2 = logits.reshape(b * t, c)
    tg = targets.reshape(b * t)
    # cross entropy with mean reduction
    lse = jax.scipy.special.logsumexp(logits2, axis=-1)
    picked = jnp.take_along_axis(logits2, tg[:, None], axis=1)[:, 0]
    loss = jnp.mean(lse - picked)
    return (logits2, loss)

if __name__ == "__main__":
    import jax
    _d = setup_inputs()
    print(jax.jit(kernel)(*tuple(_d.values())))

</pallas_src>

<mosaic_0001>
#map = affine_map<(d0, d1) -> (0, 0)>
#map1 = affine_map<(d0, d1) -> (0, 0, 0)>
module attributes {stable_mosaic.version = 14 : i64} {
  func.func @k(%arg0: i32, %arg1: i32, %arg2: memref<8192x8192xf32, #tpu.memory_space<hbm>>, %arg3: memref<32x64x2xi32, #tpu.memory_space<hbm>>, %arg4: memref<32x128xi32, #tpu.memory_space<hbm>>, %arg5: memref<4096x8192xf32, #tpu.memory_space<hbm>>, %arg6: memref<4096x16xf32, #tpu.memory_space<hbm>>, %arg7: memref<4096x16xf32, #tpu.memory_space<hbm>>, %arg8: memref<64x2xi32, #tpu.memory_space<vmem>>, %arg9: memref<16x128xi32, #tpu.memory_space<vmem_shared>>, %arg10: memref<128xi32, #tpu.memory_space<smem>>, %arg11: memref<128x16xf32, #tpu.memory_space<vmem>>, %arg12: memref<128x16xf32, #tpu.memory_space<vmem>>, %arg13: memref<4x2x8192xf32, #tpu.memory_space<vmem>>, %arg14: memref<!tpu.dma_semaphore, #tpu.memory_space<semaphore_mem>>, %arg15: memref<!tpu.dma_semaphore, #tpu.memory_space<semaphore_mem>>) attributes {dimension_semantics = [#tpu.dimension_semantics<core_parallel>, #tpu.dimension_semantics<subcore_parallel>], iteration_bounds = array<i64: 2, 16>, scalar_prefetch = 0 : i64, scratch_operands = 8 : i64, tpu.core_type = #tpu.core_type<sc_vector_subcore>, window_params = [{transform_indices = #map}, {transform_indices = #map1}, {transform_indices = #map}, {transform_indices = #map}, {transform_indices = #map}, {transform_indices = #map}]} {
    %mul3A = arith.constant 2 : i32
    %mul3A_0 = arith.muli %arg1, %mul3A : i32
    %add3A = arith.addi %mul3A_0, %arg0 : i32
    %mul3A_1 = arith.constant 128 : i32
    %mul3A_2 = arith.muli %add3A, %mul3A_1 : i32
    "tpu.region"() ({
      %run_scoped3A = tpu.sem_alloc : memref<!tpu.dma_semaphore, #tpu.memory_space<semaphore_mem>>
      %dma_start3A_82 = arith.constant 0 : i32
      %dma_start3A_83 = arith.constant 0 : i32
      %dma_start3A_84 = tpu.memref_slice %arg3[%add3A, %dma_start3A_82, %dma_start3A_83] : memref<32x64x2xi32, #tpu.memory_space<hbm>> -> memref<1x64x2xi32, #tpu.memory_space<hbm>>
      %dma_start3A_85 = tpu.memref_squeeze %dma_start3A_84 : memref<1x64x2xi32, #tpu.memory_space<hbm>> -> memref<64x2xi32, #tpu.memory_space<hbm>>
      %dma_start3A_86 = arith.constant 0 : i32
      %dma_start3A_87 = arith.constant 0 : i32
      %dma_start3A_88 = tpu.memref_slice %arg3[%add3A, %dma_start3A_86, %dma_start3A_87] : memref<32x64x2xi32, #tpu.memory_space<hbm>> -> memref<1x64x2xi32, #tpu.memory_space<hbm>>
      %dma_start3A_89 = tpu.memref_squeeze %dma_start3A_88 : memref<1x64x2xi32, #tpu.memory_space<hbm>> -> memref<64x2xi32, #tpu.memory_space<hbm>>
      tpu.enqueue_dma source(%dma_start3A_89 : memref<64x2xi32, #tpu.memory_space<hbm>>) target(%arg8 : memref<64x2xi32, #tpu.memory_space<vmem>>) target_semaphore(%run_scoped3A : memref<!tpu.dma_semaphore, #tpu.memory_space<semaphore_mem>>)
      %dma_wait3A_90 = arith.constant 0 : i32
      %dma_wait3A_91 = arith.constant 0 : i32
      %dma_wait3A_92 = tpu.memref_slice %arg3[%add3A, %dma_wait3A_90, %dma_wait3A_91] : memref<32x64x2xi32, #tpu.memory_space<hbm>> -> memref<1x64x2xi32, #tpu.memory_space<hbm>>
      %dma_wait3A_93 = tpu.memref_squeeze %dma_wait3A_92 : memref<1x64x2xi32, #tpu.memory_space<hbm>> -> memref<64x2xi32, #tpu.memory_space<hbm>>
      %dma_wait3A_94 = arith.constant 0 : i32
      %dma_wait3A_95 = arith.constant 0 : i32
      %dma_wait3A_96 = tpu.memref_slice %arg3[%add3A, %dma_wait3A_94, %dma_wait3A_95] : memref<32x64x2xi32, #tpu.memory_space<hbm>> -> memref<1x64x2xi32, #tpu.memory_space<hbm>>
      %dma_wait3A_97 = tpu.memref_squeeze %dma_wait3A_96 : memref<1x64x2xi32, #tpu.memory_space<hbm>> -> memref<64x2xi32, #tpu.memory_space<hbm>>
      tpu.wait_dma2 semaphore(%run_scoped3A : memref<!tpu.dma_semaphore, #tpu.memory_space<semaphore_mem>>) src(%dma_wait3A_97 : memref<64x2xi32, #tpu.memory_space<hbm>>) dst(%arg8 : memref<64x2xi32, #tpu.memory_space<vmem>>)
      tpu.yield
    }) : () -> ()
    "tpu.region"() ({
      %run_scoped3A = tpu.sem_alloc : memref<!tpu.dma_semaphore, #tpu.memory_space<semaphore_mem>>
      %dma_start3A_82 = arith.constant 0 : i32
      %dma_start3A_83 = tpu.memref_slice %arg9[%arg1, %dma_start3A_82] : memref<16x128xi32, #tpu.memory_space<vmem_shared>> -> memref<1x128xi32, #tpu.memory_space<vmem_shared>>
      %dma_start3A_84 = tpu.memref_squeeze %dma_start3A_83 : memref<1x128xi32, #tpu.memory_space<vmem_shared>> -> memref<128xi32, #tpu.memory_space<vmem_shared>>
      %dma_start3A_85 = arith.constant 0 : i32
      %dma_start3A_86 = tpu.memref_slice %arg4[%add3A, %dma_start3A_85] : memref<32x128xi32, #tpu.memory_space<hbm>> -> memref<1x128xi32, #tpu.memory_space<hbm>>
      %dma_start3A_87 = tpu.memref_squeeze %dma_start3A_86 : memref<1x128xi32, #tpu.memory_space<hbm>> -> memref<128xi32, #tpu.memory_space<hbm>>
      tpu.enqueue_dma source(%dma_start3A_87 : memref<128xi32, #tpu.memory_space<hbm>>) target(%dma_start3A_84 : memref<128xi32, #tpu.memory_space<vmem_shared>>) target_semaphore(%run_scoped3A : memref<!tpu.dma_semaphore, #tpu.memory_space<semaphore_mem>>)
      %dma_wait3A_88 = arith.constant 0 : i32
      %dma_wait3A_89 = tpu.memref_slice %arg9[%arg1, %dma_wait3A_88] : memref<16x128xi32, #tpu.memory_space<vmem_shared>> -> memref<1x128xi32, #tpu.memory_space<vmem_shared>>
      %dma_wait3A_90 = tpu.memref_squeeze %dma_wait3A_89 : memref<1x128xi32, #tpu.memory_space<vmem_shared>> -> memref<128xi32, #tpu.memory_space<vmem_shared>>
      %dma_wait3A_91 = arith.constant 0 : i32
      %dma_wait3A_92 = tpu.memref_slice %arg4[%add3A, %dma_wait3A_91] : memref<32x128xi32, #tpu.memory_space<hbm>> -> memref<1x128xi32, #tpu.memory_space<hbm>>
      %dma_wait3A_93 = tpu.memref_squeeze %dma_wait3A_92 : memref<1x128xi32, #tpu.memory_space<hbm>> -> memref<128xi32, #tpu.memory_space<hbm>>
      tpu.wait_dma2 semaphore(%run_scoped3A : memref<!tpu.dma_semaphore, #tpu.memory_space<semaphore_mem>>) src(%dma_wait3A_93 : memref<128xi32, #tpu.memory_space<hbm>>) dst(%dma_wait3A_90 : memref<128xi32, #tpu.memory_space<vmem_shared>>)
      tpu.yield
    }) : () -> ()
    "tpu.region"() ({
      %run_scoped3A = tpu.sem_alloc : memref<!tpu.dma_semaphore, #tpu.memory_space<semaphore_mem>>
      %dma_start3A_82 = arith.constant 0 : i32
      %dma_start3A_83 = tpu.memref_slice %arg9[%arg1, %dma_start3A_82] : memref<16x128xi32, #tpu.memory_space<vmem_shared>> -> memref<1x128xi32, #tpu.memory_space<vmem_shared>>
      %dma_start3A_84 = tpu.memref_squeeze %dma_start3A_83 : memref<1x128xi32, #tpu.memory_space<vmem_shared>> -> memref<128xi32, #tpu.memory_space<vmem_shared>>
      tpu.enqueue_dma source(%dma_start3A_84 : memref<128xi32, #tpu.memory_space<vmem_shared>>) target(%arg10 : memref<128xi32, #tpu.memory_space<smem>>) target_semaphore(%run_scoped3A : memref<!tpu.dma_semaphore, #tpu.memory_space<semaphore_mem>>)
      %dma_wait3A_85 = arith.constant 0 : i32
      %dma_wait3A_86 = tpu.memref_slice %arg9[%arg1, %dma_wait3A_85] : memref<16x128xi32, #tpu.memory_space<vmem_shared>> -> memref<1x128xi32, #tpu.memory_space<vmem_shared>>
      %dma_wait3A_87 = tpu.memref_squeeze %dma_wait3A_86 : memref<1x128xi32, #tpu.memory_space<vmem_shared>> -> memref<128xi32, #tpu.memory_space<vmem_shared>>
      tpu.wait_dma2 semaphore(%run_scoped3A : memref<!tpu.dma_semaphore, #tpu.memory_space<semaphore_mem>>) src(%dma_wait3A_87 : memref<128xi32, #tpu.memory_space<vmem_shared>>) dst(%arg10 : memref<128xi32, #tpu.memory_space<smem>>)
      tpu.yield
    }) : () -> ()
    %iota3A = tpu.iota {dimensions = array<i32: 0>} : vector<16xi32>
    %dma_start3A = arith.constant 0 : i32
    %dma_start3A_3 = arith.constant 0 : i32
    %dma_start3A_4 = arith.constant 0 : i32
    %dma_start3A_5 = arith.constant 0 : i32
    %dma_start3A_6 = tpu.memref_slice %arg13[%dma_start3A_3, %dma_start3A_4, %dma_start3A_5] : memref<4x2x8192xf32, #tpu.memory_space<vmem>> -> memref<1x2x8192xf32, #tpu.memory_space<vmem>>
    %dma_start3A_7 = tpu.memref_squeeze %dma_start3A_6 : memref<1x2x8192xf32, #tpu.memory_space<vmem>> -> memref<2x8192xf32, #tpu.memory_space<vmem>>
    %dma_start3A_8 = arith.constant 0 : i32
    %dma_start3A_9 = tpu.memref_slice %arg8[%dma_start3A, %dma_start3A_8] : memref<64x2xi32, #tpu.memory_space<vmem>> -> memref<1x2xi32, #tpu.memory_space<vmem>>
    %dma_start3A_10 = tpu.memref_squeeze %dma_start3A_9 : memref<1x2xi32, #tpu.memory_space<vmem>> -> memref<2xi32, #tpu.memory_space<vmem>>
    %dma_start3A_11 = arith.constant 0 : i32
    %dma_start3A_12 = arith.constant 0 : i32
    %dma_start3A_13 = tpu.memref_slice %arg2[%dma_start3A_11, %dma_start3A_12] : memref<8192x8192xf32, #tpu.memory_space<hbm>> -> memref<8192x8192xf32, #tpu.memory_space<hbm>>
    tpu.enqueue_indirect_dma source(%dma_start3A_13 : memref<8192x8192xf32, #tpu.memory_space<hbm>>) target(%dma_start3A_7 : memref<2x8192xf32, #tpu.memory_space<vmem>>) offsets(%dma_start3A_10 : memref<2xi32, #tpu.memory_space<vmem>>) semaphore(%arg14 : memref<!tpu.dma_semaphore, #tpu.memory_space<semaphore_mem>>)
    %dma_start3A_14 = arith.constant 1 : i32
    %dma_start3A_15 = arith.constant 1 : i32
    %dma_start3A_16 = arith.constant 0 : i32
    %dma_start3A_17 = arith.constant 0 : i32
    %dma_start3A_18 = tpu.memref_slice %arg13[%dma_start3A_15, %dma_start3A_16, %dma_start3A_17] : memref<4x2x8192xf32, #tpu.memory_space<vmem>> -> memref<1x2x8192xf32, #tpu.memory_space<vmem>>
    %dma_start3A_19 = tpu.memref_squeeze %dma_start3A_18 : memref<1x2x8192xf32, #tpu.memory_space<vmem>> -> memref<2x8192xf32, #tpu.memory_space<vmem>>
    %dma_start3A_20 = arith.constant 0 : i32
    %dma_start3A_21 = tpu.memref_slice %arg8[%dma_start3A_14, %dma_start3A_20] : memref<64x2xi32, #tpu.memory_space<vmem>> -> memref<1x2xi32, #tpu.memory_space<vmem>>
    %dma_start3A_22 = tpu.memref_squeeze %dma_start3A_21 : memref<1x2xi32, #tpu.memory_space<vmem>> -> memref<2xi32, #tpu.memory_space<vmem>>
    %dma_start3A_23 = arith.constant 0 : i32
    %dma_start3A_24 = arith.constant 0 : i32
    %dma_start3A_25 = tpu.memref_slice %arg2[%dma_start3A_23, %dma_start3A_24] : memref<8192x8192xf32, #tpu.memory_space<hbm>> -> memref<8192x8192xf32, #tpu.memory_space<hbm>>
    tpu.enqueue_indirect_dma source(%dma_start3A_25 : memref<8192x8192xf32, #tpu.memory_space<hbm>>) target(%dma_start3A_19 : memref<2x8192xf32, #tpu.memory_space<vmem>>) offsets(%dma_start3A_22 : memref<2xi32, #tpu.memory_space<vmem>>) semaphore(%arg14 : memref<!tpu.dma_semaphore, #tpu.memory_space<semaphore_mem>>)
    %scan3A = arith.constant 0 : i32
    %scan3A_26 = arith.constant 0 : i32
    %scan3A_27 = arith.constant 16 : i32
    %scan3A_28 = arith.addi %scan3A_26, %scan3A_27 : i32
    %scan3A_29 = arith.constant 1 : i32
    scf.for %scan3A_82 = %scan3A_26 to %scan3A_28 step %scan3A_29  : i32 {
      %mul3A_83 = arith.constant 4 : i32
      %mul3A_84 = arith.muli %scan3A_82, %mul3A_83 : i32
      %add3A_85 = arith.constant 0 : i32
      %add3A_86 = arith.addi %mul3A_84, %add3A_85 : i32
      %dma_wait3A_87 = arith.constant 0 : i32
      %dma_wait3A_88 = arith.constant 0 : i32
      %dma_wait3A_89 = arith.constant 0 : i32
      %dma_wait3A_90 = arith.constant 0 : i32
      %dma_wait3A_91 = tpu.memref_slice %arg13[%dma_wait3A_88, %dma_wait3A_89, %dma_wait3A_90] : memref<4x2x8192xf32, #tpu.memory_space<vmem>> -> memref<1x2x8192xf32, #tpu.memory_space<vmem>>
      %dma_wait3A_92 = tpu.memref_squeeze %dma_wait3A_91 : memref<1x2x8192xf32, #tpu.memory_space<vmem>> -> memref<2x8192xf32, #tpu.memory_space<vmem>>
      %dma_wait3A_93 = arith.constant 0 : i32
      %dma_wait3A_94 = tpu.memref_slice %arg8[%dma_wait3A_87, %dma_wait3A_93] : memref<64x2xi32, #tpu.memory_space<vmem>> -> memref<1x2xi32, #tpu.memory_space<vmem>>
      %dma_wait3A_95 = tpu.memref_squeeze %dma_wait3A_94 : memref<1x2xi32, #tpu.memory_space<vmem>> -> memref<2xi32, #tpu.memory_space<vmem>>
      %dma_wait3A_96 = arith.constant 0 : i32
      %dma_wait3A_97 = arith.constant 0 : i32
      %dma_wait3A_98 = tpu.memref_slice %arg2[%dma_wait3A_96, %dma_wait3A_97] : memref<8192x8192xf32, #tpu.memory_space<hbm>> -> memref<8192x8192xf32, #tpu.memory_space<hbm>>
      tpu.wait_indirect_dma semaphore(%arg14 : memref<!tpu.dma_semaphore, #tpu.memory_space<semaphore_mem>>) src(%dma_wait3A_98 : memref<8192x8192xf32, #tpu.memory_space<hbm>>) dst(%dma_wait3A_92 : memref<2x8192xf32, #tpu.memory_space<vmem>>)
      %add3A_99 = arith.constant 2 : i32
      %add3A_100 = arith.addi %add3A_86, %add3A_99 : i32
      %lt3A = arith.constant 64 : i32
      %lt3A_101 = arith.cmpi slt, %add3A_100, %lt3A : i32
      %convert_element_type3A = arith.extui %lt3A_101 : i1 to i32
      %cond3A = arith.constant 0 : i32
      %cond3A_102 = arith.cmpi ne, %convert_element_type3A, %cond3A : i32
      scf.if %cond3A_102 {
        %ge3A = arith.constant 2 : i32
        %ge3A_881 = arith.cmpi sge, %add3A_86, %ge3A : i32
        %convert_element_type3A_882 = arith.extui %ge3A_881 : i1 to i32
        %cond3A_883 = arith.constant 0 : i32
        %cond3A_884 = arith.cmpi ne, %convert_element_type3A_882, %cond3A_883 : i32
        scf.if %cond3A_884 {
          %dma_wait3A_898 = arith.constant 0 : i32
          %dma_wait3A_899 = arith.constant 0 : i32
          %dma_wait3A_900 = arith.constant 0 : i32
          %dma_wait3A_901 = tpu.memref_slice %arg13[%dma_wait3A_898, %dma_wait3A_899, %dma_wait3A_900] : memref<4x2x8192xf32, #tpu.memory_space<vmem>> -> memref<1x2x8192xf32, #tpu.memory_space<vmem>>
          %dma_wait3A_902 = tpu.memref_squeeze %dma_wait3A_901 : memref<1x2x8192xf32, #tpu.memory_space<vmem>> -> memref<2x8192xf32, #tpu.memory_space<vmem>>
          %dma_wait3A_903 = arith.constant 0 : i32
          %dma_wait3A_904 = tpu.memref_slice %arg5[%mul3A_2, %dma_wait3A_903] : memref<4096x8192xf32, #tpu.memory_space<hbm>> -> memref<2x8192xf32, #tpu.memory_space<hbm>>
          %dma_wait3A_905 = arith.constant 0 : i32
          %dma_wait3A_906 = tpu.memref_slice %arg5[%mul3A_2, %dma_wait3A_905] : memref<4096x8192xf32, #tpu.memory_space<hbm>> -> memref<2x8192xf32, #tpu.memory_space<hbm>>
          %dma_wait3A_907 = arith.constant 0 : i32
          %dma_wait3A_908 = arith.constant 0 : i32
          %dma_wait3A_909 = tpu.memref_slice %arg13[%dma_wait3A_898, %dma_wait3A_907, %dma_wait3A_908] : memref<4x2x8192xf32, #tpu.memory_space<vmem>> -> memref<1x2x8192xf32, #tpu.memory_space<vmem>>
          %dma_wait3A_910 = tpu.memref_squeeze %dma_wait3A_909 : memref<1x2x8192xf32, #tpu.memory_space<vmem>> -> memref<2x8192xf32, #tpu.memory_space<vmem>>
          tpu.wait_dma2 semaphore(%arg15 : memref<!tpu.dma_semaphore, #tpu.memory_space<semaphore_mem>>) src(%dma_wait3A_910 : memref<2x8192xf32, #tpu.memory_space<vmem>>) dst(%dma_wait3A_906 : memref<2x8192xf32, #tpu.memory_space<hbm>>)
        } else {
        }
        %add3A_885 = arith.constant 2 : i32
        %add3A_886 = arith.addi %add3A_86, %add3A_885 : i32
        %dma_start3A_887 = arith.constant 2 : i32
        %dma_start3A_888 = arith.constant 0 : i32
        %dma_start3A_889 = arith.constant 0 : i32
        %dma_start3A_890 = tpu.memref_slice %arg13[%dma_start3A_887, %dma_start3A_888, %dma_start3A_889] : memref<4x2x8192xf32, #tpu.memory_space<vmem>> -> memref<1x2x8192xf32, #tpu.memory_space<vmem>>
        %dma_start3A_891 = tpu.memref_squeeze %dma_start3A_890 : memref<1x2x8192xf32, #tpu.memory_space<vmem>> -> memref<2x8192xf32, #tpu.memory_space<vmem>>
        %dma_start3A_892 = arith.constant 0 : i32
        %dma_start3A_893 = tpu.memref_slice %arg8[%add3A_886, %dma_start3A_892] : memref<64x2xi32, #tpu.memory_space<vmem>> -> memref<1x2xi32, #tpu.memory_space<vmem>>
        %dma_start3A_894 = tpu.memref_squeeze %dma_start3A_893 : memref<1x2xi32, #tpu.memory_space<vmem>> -> memref<2xi32, #tpu.memory_space<vmem>>
        %dma_start3A_895 = arith.constant 0 : i32
        %dma_start3A_896 = arith.constant 0 : i32
        %dma_start3A_897 = tpu.memref_slice %arg2[%dma_start3A_895, %dma_start3A_896] : memref<8192x8192xf32, #tpu.memory_space<hbm>> -> memref<8192x8192xf32, #tpu.memory_space<hbm>>
        tpu.enqueue_indirect_dma source(%dma_start3A_897 : memref<8192x8192xf32, #tpu.memory_space<hbm>>) target(%dma_start3A_891 : memref<2x8192xf32, #tpu.memory_space<vmem>>) offsets(%dma_start3A_894 : memref<2xi32, #tpu.memory_space<vmem>>) semaphore(%arg14 : memref<!tpu.dma_semaphore, #tpu.memory_space<semaphore_mem>>)
      } else {
      }
      %mul3A_103 = arith.constant 2 : i32
      %mul3A_104 = arith.muli %add3A_86, %mul3A_103 : i32
      %add3A_105 = arith.constant 0 : i32
      %add3A_106 = arith.addi %mul3A_104, %add3A_105 : i32
      %broadcast_in_dim3A = arith.constant 0.000000e+00 : f32
      %broadcast_in_dim3A_107 = vector.broadcast %broadcast_in_dim3A : f32 to vector<16xf32>
      %scan3A_108 = arith.constant 0 : i32
      %scan3A_109 = arith.constant 0 : i32
      %scan3A_110 = arith.constant 32 : i32
      %scan3A_111 = arith.addi %scan3A_109, %scan3A_110 : i32
      %scan3A_112 = arith.constant 1 : i32
      %scan3A_113 = scf.for %scan3A_881 = %scan3A_109 to %scan3A_111 step %scan3A_112 iter_args(%scan3A_882 = %broadcast_in_dim3A_107) -> (vector<16xf32>)  : i32 {
        %mul3A_883 = arith.constant 256 : i32
        %mul3A_884 = arith.muli %scan3A_881, %mul3A_883 : i32
        %add3A_885 = arith.constant 0 : i32
        %add3A_886 = arith.addi %mul3A_884, %add3A_885 : i32
        %get3A_887 = arith.constant 0 : i32
        %get3A_888 = arith.constant 0 : i32
        %get3A_889 = arith.constant 0 : i32
        %get3A_890 = tpu.memref_slice %arg13[%scan3A_108, %get3A_888, %get3A_889] : memref<4x2x8192xf32, #tpu.memory_space<vmem>> -> memref<1x2x8192xf32, #tpu.memory_space<vmem>>
        %get3A_891 = tpu.memref_squeeze %get3A_890 : memref<1x2x8192xf32, #tpu.memory_space<vmem>> -> memref<2x8192xf32, #tpu.memory_space<vmem>>
        %get3A_892 = arith.index_cast %get3A_887 : i32 to index
        %get3A_893 = arith.index_cast %add3A_886 : i32 to index
        %get3A_894 = tpu.vector_load %get3A_891[%get3A_892, %get3A_893] {strides = array<i32>} : memref<2x8192xf32, #tpu.memory_space<vmem>>, vector<1x16xf32>,
        %get3A_895 = vector.shape_cast %get3A_894 : vector<1x16xf32> to vector<16xf32>
        %exp3A = math.exp %get3A_895 : vector<16xf32>
        %add3A_896 = arith.addf %scan3A_882, %exp3A : vector<16xf32>
        %add3A_897 = arith.constant 16 : i32
        %add3A_898 = arith.addi %mul3A_884, %add3A_897 : i32
        %get3A_899 = arith.constant 0 : i32
        %get3A_900 = arith.constant 0 : i32
        %get3A_901 = arith.constant 0 : i32
        %get3A_902 = tpu.memref_slice %arg13[%scan3A_108, %get3A_900, %get3A_901] : memref<4x2x8192xf32, #tpu.memory_space<vmem>> -> memref<1x2x8192xf32, #tpu.memory_space<vmem>>
        %get3A_903 = tpu.memref_squeeze %get3A_902 : memref<1x2x8192xf32, #tpu.memory_space<vmem>> -> memref<2x8192xf32, #tpu.memory_space<vmem>>
        %get3A_904 = arith.index_cast %get3A_899 : i32 to index
        %get3A_905 = arith.index_cast %add3A_898 : i32 to index
        %get3A_906 = tpu.vector_load %get3A_903[%get3A_904, %get3A_905] {strides = array<i32>} : memref<2x8192xf32, #tpu.memory_space<vmem>>, vector<1x16xf32>,
        %get3A_907 = vector.shape_cast %get3A_906 : vector<1x16xf32> to vector<16xf32>
        %exp3A_908 = math.exp %get3A_907 : vector<16xf32>
        %add3A_909 = arith.addf %add3A_896, %exp3A_908 : vector<16xf32>
        %add3A_910 = arith.constant 32 : i32
        %add3A_911 = arith.addi %mul3A_884, %add3A_910 : i32
        %get3A_912 = arith.constant 0 : i32
        %get3A_913 = arith.constant 0 : i32
        %get3A_914 = arith.constant 0 : i32
        %get3A_915 = tpu.memref_slice %arg13[%scan3A_108, %get3A_913, %get3A_914] : memref<4x2x8192xf32, #tpu.memory_space<vmem>> -> memref<1x2x8192xf32, #tpu.memory_space<vmem>>
        %get3A_916 = tpu.memref_squeeze %get3A_915 : memref<1x2x8192xf32, #tpu.memory_space<vmem>> -> memref<2x8192xf32, #tpu.memory_space<vmem>>
        %get3A_917 = arith.index_cast %get3A_912 : i32 to index
        %get3A_918 = arith.index_cast %add3A_911 : i32 to index
        %get3A_919 = tpu.vector_load %get3A_916[%get3A_917, %get3A_918] {strides = array<i32>} : memref<2x8192xf32, #tpu.memory_space<vmem>>, vector<1x16xf32>,
        %get3A_920 = vector.shape_cast %get3A_919 : vector<1x16xf32> to vector<16xf32>
        %exp3A_921 = math.exp %get3A_920 : vector<16xf32>
        %add3A_922 = arith.addf %add3A_909, %exp3A_921 : vector<16xf32>
        %add3A_923 = arith.constant 48 : i32
        %add3A_924 = arith.addi %mul3A_884, %add3A_923 : i32
        %get3A_925 = arith.constant 0 : i32
        %get3A_926 = arith.constant 0 : i32
        %get3A_927 = arith.constant 0 : i32
        %get3A_928 = tpu.memref_slice %arg13[%scan3A_108, %get3A_926, %get3A_927] : memref<4x2x8192xf32, #tpu.memory_space<vmem>> -> memref<1x2x8192xf32, #tpu.memory_space<vmem>>
        %get3A_929 = tpu.memref_squeeze %get3A_928 : memref<1x2x8192xf32, #tpu.memory_space<vmem>> -> memref<2x8192xf32, #tpu.memory_space<vmem>>
        %get3A_930 = arith.index_cast %get3A_925 : i32 to index
        %get3A_931 = arith.index_cast %add3A_924 : i32 to index
        %get3A_932 = tpu.vector_load %get3A_929[%get3A_930, %get3A_931] {strides = array<i32>} : memref<2x8192xf32, #tpu.memory_space<vmem>>, vector<1x16xf32>,
        %get3A_933 = vector.shape_cast %get3A_932 : vector<1x16xf32> to vector<16xf32>
        %exp3A_934 = math.exp %get3A_933 : vector<16xf32>
        %add3A_935 = arith.addf %add3A_922, %exp3A_934 : vector<16xf32>
        %add3A_936 = arith.constant 64 : i32
        %add3A_937 = arith.addi %mul3A_884, %add3A_936 : i32
        %get3A_938 = arith.constant 0 : i32
        %get3A_939 = arith.constant 0 : i32
        %get3A_940 = arith.constant 0 : i32
        %get3A_941 = tpu.memref_slice %arg13[%scan3A_108, %get3A_939, %get3A_940] : memref<4x2x8192xf32, #tpu.memory_space<vmem>> -> memref<1x2x8192xf32, #tpu.memory_space<vmem>>
        %get3A_942 = tpu.memref_squeeze %get3A_941 : memref<1x2x8192xf32, #tpu.memory_space<vmem>> -> memref<2x8192xf32, #tpu.memory_space<vmem>>
        %get3A_943 = arith.index_cast %get3A_938 : i32 to index
        %get3A_944 = arith.index_cast %add3A_937 : i32 to index
        %get3A_945 = tpu.vector_load %get3A_942[%get3A_943, %get3A_944] {strides = array<i32>} : memref<2x8192xf32, #tpu.memory_space<vmem>>, vector<1x16xf32>,
        %get3A_946 = vector.shape_cast %get3A_945 : vector<1x16xf32> to vector<16xf32>
        %exp3A_947 = math.exp %get3A_946 : vector<16xf32>
        %add3A_948 = arith.addf %add3A_935, %exp3A_947 : vector<16xf32>
        %add3A_949 = arith.constant 80 : i32
        %add3A_950 = arith.addi %mul3A_884, %add3A_949 : i32
        %get3A_951 = arith.constant 0 : i32
        %get3A_952 = arith.constant 0 : i32
        %get3A_953 = arith.constant 0 : i32
        %get3A_954 = tpu.memref_slice %arg13[%scan3A_108, %get3A_952, %get3A_953] : memref<4x2x8192xf32, #tpu.memory_space<vmem>> -> memref<1x2x8192xf32, #tpu.memory_space<vmem>>
        %get3A_955 = tpu.memref_squeeze %get3A_954 : memref<1x2x8192xf32, #tpu.memory_space<vmem>> -> memref<2x8192xf32, #tpu.memory_space<vmem>>
        %get3A_956 = arith.index_cast %get3A_951 : i32 to index
        %get3A_957 = arith.index_cast %add3A_950 : i32 to index
        %get3A_958 = tpu.vector_load %get3A_955[%get3A_956, %get3A_957] {strides = array<i32>} : memref<2x8192xf32, #tpu.memory_space<vmem>>, vector<1x16xf32>,
        %get3A_959 = vector.shape_cast %get3A_958 : vector<1x16xf32> to vector<16xf32>
        %exp3A_960 = math.exp %get3A_959 : vector<16xf32>
        %add3A_961 = arith.addf %add3A_948, %exp3A_960 : vector<16xf32>
        %add3A_962 = arith.constant 96 : i32
        %add3A_963 = arith.addi %mul3A_884, %add3A_962 : i32
        %get3A_964 = arith.constant 0 : i32
        %get3A_965 = arith.constant 0 : i32
        %get3A_966 = arith.constant 0 : i32
        %get3A_967 = tpu.memref_slice %arg13[%scan3A_108, %get3A_965, %get3A_966] : memref<4x2x8192xf32, #tpu.memory_space<vmem>> -> memref<1x2x8192xf32, #tpu.memory_space<vmem>>
        %get3A_968 = tpu.memref_squeeze %get3A_967 : memref<1x2x8192xf32, #tpu.memory_space<vmem>> -> memref<2x8192xf32, #tpu.memory_space<vmem>>
        %get3A_969 = arith.index_cast %get3A_964 : i32 to index
        %get3A_970 = arith.index_cast %add3A_963 : i32 to index
        %get3A_971 = tpu.vector_load %get3A_968[%get3A_969, %get3A_970] {strides = array<i32>} : memref<2x8192xf32, #tpu.memory_space<vmem>>, vector<1x16xf32>,
        %get3A_972 = vector.shape_cast %get3A_971 : vector<1x16xf32> to vector<16xf32>
        %exp3A_973 = math.exp %get3A_972 : vector<16xf32>
        %add3A_974 = arith.addf %add3A_961, %exp3A_973 : vector<16xf32>
        %add3A_975 = arith.constant 112 : i32
        %add3A_976 = arith.addi %mul3A_884, %add3A_975 : i32
        %get3A_977 = arith.constant 0 : i32
        %get3A_978 = arith.constant 0 : i32
        %get3A_979 = arith.constant 0 : i32
        %get3A_980 = tpu.memref_slice %arg13[%scan3A_108, %get3A_978, %get3A_979] : memref<4x2x8192xf32, #tpu.memory_space<vmem>> -> memref<1x2x8192xf32, #tpu.memory_space<vmem>>
        %get3A_981 = tpu.memref_squeeze %get3A_980 : memref<1x2x8192xf32, #tpu.memory_space<vmem>> -> memref<2x8192xf32, #tpu.memory_space<vmem>>
        %get3A_982 = arith.index_cast %get3A_977 : i32 to index
        %get3A_983 = arith.index_cast %add3A_976 : i32 to index
        %get3A_984 = tpu.vector_load %get3A_981[%get3A_982, %get3A_983] {strides = array<i32>} : memref<2x8192xf32, #tpu.memory_space<vmem>>, vector<1x16xf32>,
        %get3A_985 = vector.shape_cast %get3A_984 : vector<1x16xf32> to vector<16xf32>
        %exp3A_986 = math.exp %get3A_985 : vector<16xf32>
        %add3A_987 = arith.addf %add3A_974, %exp3A_986 : vector<16xf32>
        %add3A_988 = arith.constant 128 : i32
        %add3A_989 = arith.addi %mul3A_884, %add3A_988 : i32
        %get3A_990 = arith.constant 0 : i32
        %get3A_991 = arith.constant 0 : i32
        %get3A_992 = arith.constant 0 : i32
        %get3A_993 = tpu.memref_slice %arg13[%scan3A_108, %get3A_991, %get3A_992] : memref<4x2x8192xf32, #tpu.memory_space<vmem>> -> memref<1x2x8192xf32, #tpu.memory_space<vmem>>
        %get3A_994 = tpu.memref_squeeze %get3A_993 : memref<1x2x8192xf32, #tpu.memory_space<vmem>> -> memref<2x8192xf32, #tpu.memory_space<vmem>>
        %get3A_995 = arith.index_cast %get3A_990 : i32 to index
        %get3A_996 = arith.index_cast %add3A_989 : i32 to index
        %get3A_997 = tpu.vector_load %get3A_994[%get3A_995, %get3A_996] {strides = array<i32>} : memref<2x8192xf32, #tpu.memory_space<vmem>>, vector<1x16xf32>,
        %get3A_998 = vector.shape_cast %get3A_997 : vector<1x16xf32> to vector<16xf32>
        %exp3A_999 = math.exp %get3A_998 : vector<16xf32>
        %add3A_1000 = arith.addf %add3A_987, %exp3A_999 : vector<16xf32>
        %add3A_1001 = arith.constant 144 : i32
        %add3A_1002 = arith.addi %mul3A_884, %add3A_1001 : i32
        %get3A_1003 = arith.constant 0 : i32
        %get3A_1004 = arith.constant 0 : i32
        %get3A_1005 = arith.constant 0 : i32
        %get3A_1006 = tpu.memref_slice %arg13[%scan3A_108, %get3A_1004, %get3A_1005] : memref<4x2x8192xf32, #tpu.memory_space<vmem>> -> memref<1x2x8192xf32, #tpu.memory_space<vmem>>
        %get3A_1007 = tpu.memref_squeeze %get3A_1006 : memref<1x2x8192xf32, #tpu.memory_space<vmem>> -> memref<2x8192xf32, #tpu.memory_space<vmem>>
        %get3A_1008 = arith.index_cast %get3A_1003 : i32 to index
        %get3A_1009 = arith.index_cast %add3A_1002 : i32 to index
        %get3A_1010 = tpu.vector_load %get3A_1007[%get3A_1008, %get3A_1009] {strides = array<i32>} : memref<2x8192xf32, #tpu.memory_space<vmem>>, vector<1x16xf32>,
        %get3A_1011 = vector.shape_cast %get3A_1010 : vector<1x16xf32> to vector<16xf32>
        %exp3A_1012 = math.exp %get3A_1011 : vector<16xf32>
        %add3A_1013 = arith.addf %add3A_1000, %exp3A_1012 : vector<16xf32>
        %add3A_1014 = arith.constant 160 : i32
        %add3A_1015 = arith.addi %mul3A_884, %add3A_1014 : i32
        %get3A_1016 = arith.constant 0 : i32
        %get3A_1017 = arith.constant 0 : i32
        %get3A_1018 = arith.constant 0 : i32
        %get3A_1019 = tpu.memref_slice %arg13[%scan3A_108, %get3A_1017, %get3A_1018] : memref<4x2x8192xf32, #tpu.memory_space<vmem>> -> memref<1x2x8192xf32, #tpu.memory_space<vmem>>
        %get3A_1020 = tpu.memref_squeeze %get3A_1019 : memref<1x2x8192xf32, #tpu.memory_space<vmem>> -> memref<2x8192xf32, #tpu.memory_space<vmem>>
        %get3A_1021 = arith.index_cast %get3A_1016 : i32 to index
        %get3A_1022 = arith.index_cast %add3A_1015 : i32 to index
        %get3A_1023 = tpu.vector_load %get3A_1020[%get3A_1021, %get3A_1022] {strides = array<i32>} : memref<2x8192xf32, #tpu.memory_space<vmem>>, vector<1x16xf32>,
        %get3A_1024 = vector.shape_cast %get3A_1023 : vector<1x16xf32> to vector<16xf32>
        %exp3A_1025 = math.exp %get3A_1024 : vector<16xf32>
        %add3A_1026 = arith.addf %add3A_1013, %exp3A_1025 : vector<16xf32>
        %add3A_1027 = arith.constant 176 : i32
        %add3A_1028 = arith.addi %mul3A_884, %add3A_1027 : i32
        %get3A_1029 = arith.constant 0 : i32
        %get3A_1030 = arith.constant 0 : i32
        %get3A_1031 = arith.constant 0 : i32
        %get3A_1032 = tpu.memref_slice %arg13[%scan3A_108, %get3A_1030, %get3A_1031] : memref<4x2x8192xf32, #tpu.memory_space<vmem>> -> memref<1x2x8192xf32, #tpu.memory_space<vmem>>
        %get3A_1033 = tpu.memref_squeeze %get3A_1032 : memref<1x2x8192xf32, #tpu.memory_space<vmem>> -> memref<2x8192xf32, #tpu.memory_space<vmem>>
        %get3A_1034 = arith.index_cast %get3A_1029 : i32 to index
        %get3A_1035 = arith.index_cast %add3A_1028 : i32 to index
        %get3A_1036 = tpu.vector_load %get3A_1033[%get3A_1034, %get3A_1035] {strides = array<i32>} : memref<2x8192xf32, #tpu.memory_space<vmem>>, vector<1x16xf32>,
        %get3A_1037 = vector.shape_cast %get3A_1036 : vector<1x16xf32> to vector<16xf32>
        %exp3A_1038 = math.exp %get3A_1037 : vector<16xf32>
        %add3A_1039 = arith.addf %add3A_1026, %exp3A_1038 : vector<16xf32>
        %add3A_1040 = arith.constant 192 : i32
        %add3A_1041 = arith.addi %mul3A_884, %add3A_1040 : i32
        %get3A_1042 = arith.constant 0 : i32
        %get3A_1043 = arith.constant 0 : i32
        %get3A_1044 = arith.constant 0 : i32
        %get3A_1045 = tpu.memref_slice %arg13[%scan3A_108, %get3A_1043, %get3A_1044] : memref<4x2x8192xf32, #tpu.memory_space<vmem>> -> memref<1x2x8192xf32, #tpu.memory_space<vmem>>
        %get3A_1046 = tpu.memref_squeeze %get3A_1045 : memref<1x2x8192xf32, #tpu.memory_space<vmem>> -> memref<2x8192xf32, #tpu.memory_space<vmem>>
        %get3A_1047 = arith.index_cast %get3A_1042 : i32 to index
        %get3A_1048 = arith.index_cast %add3A_1041 : i32 to index
        %get3A_1049 = tpu.vector_load %get3A_1046[%get3A_1047, %get3A_1048] {strides = array<i32>} : memref<2x8192xf32, #tpu.memory_space<vmem>>, vector<1x16xf32>,
        %get3A_1050 = vector.shape_cast %get3A_1049 : vector<1x16xf32> to vector<16xf32>
        %exp3A_1051 = math.exp %get3A_1050 : vector<16xf32>
        %add3A_1052 = arith.addf %add3A_1039, %exp3A_1051 : vector<16xf32>
        %add3A_1053 = arith.constant 208 : i32
        %add3A_1054 = arith.addi %mul3A_884, %add3A_1053 : i32
        %get3A_1055 = arith.constant 0 : i32
        %get3A_1056 = arith.constant 0 : i32
        %get3A_1057 = arith.constant 0 : i32
        %get3A_1058 = tpu.memref_slice %arg13[%scan3A_108, %get3A_1056, %get3A_1057] : memref<4x2x8192xf32, #tpu.memory_space<vmem>> -> memref<1x2x8192xf32, #tpu.memory_space<vmem>>
        %get3A_1059 = tpu.memref_squeeze %get3A_1058 : memref<1x2x8192xf32, #tpu.memory_space<vmem>> -> memref<2x8192xf32, #tpu.memory_space<vmem>>
        %get3A_1060 = arith.index_cast %get3A_1055 : i32 to index
        %get3A_1061 = arith.index_cast %add3A_1054 : i32 to index
        %get3A_1062 = tpu.vector_load %get3A_1059[%get3A_1060, %get3A_1061] {strides = array<i32>} : memref<2x8192xf32, #tpu.memory_space<vmem>>, vector<1x16xf32>,
        %get3A_1063 = vector.shape_cast %get3A_1062 : vector<1x16xf32> to vector<16xf32>
        %exp3A_1064 = math.exp %get3A_1063 : vector<16xf32>
        %add3A_1065 = arith.addf %add3A_1052, %exp3A_1064 : vector<16xf32>
        %add3A_1066 = arith.constant 224 : i32
        %add3A_1067 = arith.addi %mul3A_884, %add3A_1066 : i32
        %get3A_1068 = arith.constant 0 : i32
        %get3A_1069 = arith.constant 0 : i32
        %get3A_1070 = arith.constant 0 : i32
        %get3A_1071 = tpu.memref_slice %arg13[%scan3A_108, %get3A_1069, %get3A_1070] : memref<4x2x8192xf32, #tpu.memory_space<vmem>> -> memref<1x2x8192xf32, #tpu.memory_space<vmem>>
        %get3A_1072 = tpu.memref_squeeze %get3A_1071 : memref<1x2x8192xf32, #tpu.memory_space<vmem>> -> memref<2x8192xf32, #tpu.memory_space<vmem>>
        %get3A_1073 = arith.index_cast %get3A_1068 : i32 to index
        %get3A_1074 = arith.index_cast %add3A_1067 : i32 to index
        %get3A_1075 = tpu.vector_load %get3A_1072[%get3A_1073, %get3A_1074] {strides = array<i32>} : memref<2x8192xf32, #tpu.memory_space<vmem>>, vector<1x16xf32>,
        %get3A_1076 = vector.shape_cast %get3A_1075 : vector<1x16xf32> to vector<16xf32>
        %exp3A_1077 = math.exp %get3A_1076 : vector<16xf32>
        %add3A_1078 = arith.addf %add3A_1065, %exp3A_1077 : vector<16xf32>
        %add3A_1079 = arith.constant 240 : i32
        %add3A_1080 = arith.addi %mul3A_884, %add3A_1079 : i32
        %get3A_1081 = arith.constant 0 : i32
        %get3A_1082 = arith.constant 0 : i32
        %get3A_1083 = arith.constant 0 : i32
        %get3A_1084 = tpu.memref_slice %arg13[%scan3A_108, %get3A_1082, %get3A_1083] : memref<4x2x8192xf32, #tpu.memory_space<vmem>> -> memref<1x2x8192xf32, #tpu.memory_space<vmem>>
        %get3A_1085 = tpu.memref_squeeze %get3A_1084 : memref<1x2x8192xf32, #tpu.memory_space<vmem>> -> memref<2x8192xf32, #tpu.memory_space<vmem>>
        %get3A_1086 = arith.index_cast %get3A_1081 : i32 to index
        %get3A_1087 = arith.index_cast %add3A_1080 : i32 to index
        %get3A_1088 = tpu.vector_load %get3A_1085[%get3A_1086, %get3A_1087] {strides = array<i32>} : memref<2x8192xf32, #tpu.memory_space<vmem>>, vector<1x16xf32>,
        %get3A_1089 = vector.shape_cast %get3A_1088 : vector<1x16xf32> to vector<16xf32>
        %exp3A_1090 = math.exp %get3A_1089 : vector<16xf32>
        %add3A_1091 = arith.addf %add3A_1078, %exp3A_1090 : vector<16xf32>
        scf.yield %add3A_1091 : vector<16xf32>
      }
      %scan3A_114 = arith.constant 32 : i32
      %swap3A = arith.index_cast %add3A_106 : i32 to index
      %swap3A_115 = arith.constant 0 : index
      %swap3A_116 = tpu.vector_load %arg11[%swap3A, %swap3A_115] {strides = array<i32>} : memref<128x16xf32, #tpu.memory_space<vmem>>, vector<1x16xf32>,
      %swap3A_117 = vector.shape_cast %swap3A_116 : vector<1x16xf32> to vector<16xf32>
      %swap3A_118 = vector.shape_cast %scan3A_113 : vector<16xf32> to vector<1x16xf32>
      tpu.vector_store %arg11[%swap3A, %swap3A_115], %swap3A_118 {strides = array<i32>} : memref<128x16xf32, #tpu.memory_space<vmem>>, vector<1x16xf32>,
      %get3A = arith.index_cast %add3A_106 : i32 to index
      %get3A_119 = memref.load %arg10[%get3A] : memref<128xi32, #tpu.memory_space<smem>>
      %jit3A = arith.constant 16 : i32
      %div3A = arith.divsi %get3A_119, %jit3A : i32
      %sign3A = arith.constant 0 : i32
      %sign3A_120 = arith.cmpi sgt, %get3A_119, %sign3A : i32
      %sign3A_121 = arith.extui %sign3A_120 : i1 to i32
      %sign3A_122 = arith.constant 0 : i32
      %sign3A_123 = arith.cmpi slt, %get3A_119, %sign3A_122 : i32
      %sign3A_124 = arith.extui %sign3A_123 : i1 to i32
      %sign3A_125 = arith.subi %sign3A_121, %sign3A_124 : i32
      %sign3A_126 = arith.constant 0 : i32
      %sign3A_127 = arith.cmpi sgt, %jit3A, %sign3A_126 : i32
      %sign3A_128 = arith.extui %sign3A_127 : i1 to i32
      %sign3A_129 = arith.constant 0 : i32
      %sign3A_130 = arith.cmpi slt, %jit3A, %sign3A_129 : i32
      %sign3A_131 = arith.extui %sign3A_130 : i1 to i32
      %sign3A_132 = arith.subi %sign3A_128, %sign3A_131 : i32
      %ne3A = arith.cmpi ne, %sign3A_125, %sign3A_132 : i32
      %rem3A = arith.remsi %get3A_119, %jit3A : i32
      %ne3A_133 = arith.constant 0 : i32
      %ne3A_134 = arith.cmpi ne, %rem3A, %ne3A_133 : i32
      %and3A = arith.andi %ne3A, %ne3A_134 : i1
      %sub3A = arith.constant 1 : i32
      %sub3A_135 = arith.subi %div3A, %sub3A : i32
      %select_n3A = arith.select %and3A, %sub3A_135, %div3A : i32
      %mul3A_136 = arith.constant 16 : i32
      %mul3A_137 = arith.muli %select_n3A, %mul3A_136 : i32
      %multiple_of3A = tpu.assume_multiple %mul3A_137, 16 : i32
      %get3A_138 = arith.constant 0 : i32
      %get3A_139 = arith.constant 0 : i32
      %get3A_140 = arith.constant 0 : i32
      %get3A_141 = arith.constant 0 : i32
      %get3A_142 = tpu.memref_slice %arg13[%get3A_138, %get3A_140, %get3A_141] : memref<4x2x8192xf32, #tpu.memory_space<vmem>> -> memref<1x2x8192xf32, #tpu.memory_space<vmem>>
      %get3A_143 = tpu.memref_squeeze %get3A_142 : memref<1x2x8192xf32, #tpu.memory_space<vmem>> -> memref<2x8192xf32, #tpu.memory_space<vmem>>
      %get3A_144 = arith.index_cast %get3A_139 : i32 to index
      %get3A_145 = arith.index_cast %multiple_of3A : i32 to index
      %get3A_146 = tpu.vector_load %get3A_143[%get3A_144, %get3A_145] {strides = array<i32>} : memref<2x8192xf32, #tpu.memory_space<vmem>>, vector<1x16xf32>,
      %get3A_147 = vector.shape_cast %get3A_146 : vector<1x16xf32> to vector<16xf32>
      %jit3A_148 = arith.constant 16 : i32
      %eq3A = arith.constant 0 : i32
      %eq3A_149 = arith.cmpi eq, %jit3A_148, %eq3A : i32
      %jit3A_150 = arith.constant 1 : i32
      %select_n3A_151 = arith.select %eq3A_149, %jit3A_150, %jit3A_148 : i32
      %rem3A_152 = arith.remsi %get3A_119, %select_n3A_151 : i32
      %ne3A_153 = arith.constant 0 : i32
      %ne3A_154 = arith.cmpi ne, %rem3A_152, %ne3A_153 : i32
      %lt3A_155 = arith.constant 0 : i32
      %lt3A_156 = arith.cmpi slt, %rem3A_152, %lt3A_155 : i32
      %lt3A_157 = arith.constant 0 : i32
      %lt3A_158 = arith.cmpi slt, %select_n3A_151, %lt3A_157 : i32
      %ne3A_159 = arith.xori %lt3A_156, %lt3A_158 : i1
      %and3A_160 = arith.andi %ne3A_159, %ne3A_154 : i1
      %add3A_161 = arith.addi %rem3A_152, %select_n3A_151 : i32
      %select_n3A_162 = arith.select %and3A_160, %add3A_161, %rem3A_152 : i32
      %eq3A_163 = vector.broadcast %select_n3A_162 : i32 to vector<16xi32>
      %eq3A_164 = arith.cmpi eq, %iota3A, %eq3A_163 : vector<16xi32>
      %jit3A_165 = arith.constant 0.000000e+00 : f32
      %broadcast_in_dim3A_166 = vector.broadcast %jit3A_165 : f32 to vector<16xf32>
      %select_n3A_167 = arith.select %eq3A_164, %get3A_147, %broadcast_in_dim3A_166 : vector<16xi1>, vector<16xf32>
      %swap3A_168 = arith.index_cast %add3A_106 : i32 to index
      %swap3A_169 = arith.constant 0 : index
      %swap3A_170 = tpu.vector_load %arg12[%swap3A_168, %swap3A_169] {strides = array<i32>} : memref<128x16xf32, #tpu.memory_space<vmem>>, vector<1x16xf32>,
      %swap3A_171 = vector.shape_cast %swap3A_170 : vector<1x16xf32> to vector<16xf32>
      %swap3A_172 = vector.shape_cast %select_n3A_167 : vector<16xf32> to vector<1x16xf32>
      tpu.vector_store %arg12[%swap3A_168, %swap3A_169], %swap3A_172 {strides = array<i32>} : memref<128x16xf32, #tpu.memory_space<vmem>>, vector<1x16xf32>,
      %mul3A_173 = arith.constant 2 : i32
      %mul3A_174 = arith.muli %add3A_86, %mul3A_173 : i32
      %add3A_175 = arith.constant 1 : i32
      %add3A_176 = arith.addi %mul3A_174, %add3A_175 : i32
      %broadcast_in_dim3A_177 = arith.constant 0.000000e+00 : f32
      %broadcast_in_dim3A_178 = vector.broadcast %broadcast_in_dim3A_177 : f32 to vector<16xf32>
      %scan3A_179 = arith.constant 0 : i32
      %scan3A_180 = arith.constant 0 : i32
      %scan3A_181 = arith.constant 32 : i32
      %scan3A_182 = arith.addi %scan3A_180, %scan3A_181 : i32
      %scan3A_183 = arith.constant 1 : i32
      %scan3A_184 = scf.for %scan3A_881 = %scan3A_180 to %scan3A_182 step %scan3A_183 iter_args(%scan3A_882 = %broadcast_in_dim3A_178) -> (vector<16xf32>)  : i32 {
        %mul3A_883 = arith.constant 256 : i32
        %mul3A_884 = arith.muli %scan3A_881, %mul3A_883 : i32
        %add3A_885 = arith.constant 0 : i32
        %add3A_886 = arith.addi %mul3A_884, %add3A_885 : i32
        %get3A_887 = arith.constant 1 : i32
        %get3A_888 = arith.constant 0 : i32
        %get3A_889 = arith.constant 0 : i32
        %get3A_890 = tpu.memref_slice %arg13[%scan3A_179, %get3A_888, %get3A_889] : memref<4x2x8192xf32, #tpu.memory_space<vmem>> -> memref<1x2x8192xf32, #tpu.memory_space<vmem>>
        %get3A_891 = tpu.memref_squeeze %get3A_890 : memref<1x2x8192xf32, #tpu.memory_space<vmem>> -> memref<2x8192xf32, #tpu.memory_space<vmem>>
        %get3A_892 = arith.index_cast %get3A_887 : i32 to index
        %get3A_893 = arith.index_cast %add3A_886 : i32 to index
        %get3A_894 = tpu.vector_load %get3A_891[%get3A_892, %get3A_893] {strides = array<i32>} : memref<2x8192xf32, #tpu.memory_space<vmem>>, vector<1x16xf32>,
        %get3A_895 = vector.shape_cast %get3A_894 : vector<1x16xf32> to vector<16xf32>
        %exp3A = math.exp %get3A_895 : vector<16xf32>
        %add3A_896 = arith.addf %scan3A_882, %exp3A : vector<16xf32>
        %add3A_897 = arith.constant 16 : i32
        %add3A_898 = arith.addi %mul3A_884, %add3A_897 : i32
        %get3A_899 = arith.constant 1 : i32
        %get3A_900 = arith.constant 0 : i32
        %get3A_901 = arith.constant 0 : i32
        %get3A_902 = tpu.memref_slice %arg13[%scan3A_179, %get3A_900, %get3A_901] : memref<4x2x8192xf32, #tpu.memory_space<vmem>> -> memref<1x2x8192xf32, #tpu.memory_space<vmem>>
        %get3A_903 = tpu.memref_squeeze %get3A_902 : memref<1x2x8192xf32, #tpu.memory_space<vmem>> -> memref<2x8192xf32, #tpu.memory_space<vmem>>
        %get3A_904 = arith.index_cast %get3A_899 : i32 to index
        %get3A_905 = arith.index_cast %add3A_898 : i32 to index
        %get3A_906 = tpu.vector_load %get3A_903[%get3A_904, %get3A_905] {strides = array<i32>} : memref<2x8192xf32, #tpu.memory_space<vmem>>, vector<1x16xf32>,
        %get3A_907 = vector.shape_cast %get3A_906 : vector<1x16xf32> to vector<16xf32>
        %exp3A_908 = math.exp %get3A_907 : vector<16xf32>
        %add3A_909 = arith.addf %add3A_896, %exp3A_908 : vector<16xf32>
        %add3A_910 = arith.constant 32 : i32
        %add3A_911 = arith.addi %mul3A_884, %add3A_910 : i32
        %get3A_912 = arith.constant 1 : i32
        %get3A_913 = arith.constant 0 : i32
        %get3A_914 = arith.constant 0 : i32
        %get3A_915 = tpu.memref_slice %arg13[%scan3A_179, %get3A_913, %get3A_914] : memref<4x2x8192xf32, #tpu.memory_space<vmem>> -> memref<1x2x8192xf32, #tpu.memory_space<vmem>>
        %get3A_916 = tpu.memref_squeeze %get3A_915 : memref<1x2x8192xf32, #tpu.memory_space<vmem>> -> memref<2x8192xf32, #tpu.memory_space<vmem>>
        %get3A_917 = arith.index_cast %get3A_912 : i32 to index
        %get3A_918 = arith.index_cast %add3A_911 : i32 to index
        %get3A_919 = tpu.vector_load %get3A_916[%get3A_917, %get3A_918] {strides = array<i32>} : memref<2x8192xf32, #tpu.memory_space<vmem>>, vector<1x16xf32>,
        %get3A_920 = vector.shape_cast %get3A_919 : vector<1x16xf32> to vector<16xf32>
        %exp3A_921 = math.exp %get3A_920 : vector<16xf32>
        %add3A_922 = arith.addf %add3A_909, %exp3A_921 : vector<16xf32>
        %add3A_923 = arith.constant 48 : i32
        %add3A_924 = arith.addi %mul3A_884, %add3A_923 : i32
        %get3A_925 = arith.constant 1 : i32
        %get3A_926 = arith.constant 0 : i32
        %get3A_927 = arith.constant 0 : i32
        %get3A_928 = tpu.memref_slice %arg13[%scan3A_179, %get3A_926, %get3A_927] : memref<4x2x8192xf32, #tpu.memory_space<vmem>> -> memref<1x2x8192xf32, #tpu.memory_space<vmem>>
        %get3A_929 = tpu.memref_squeeze %get3A_928 : memref<1x2x8192xf32, #tpu.memory_space<vmem>> -> memref<2x8192xf32, #tpu.memory_space<vmem>>
        %get3A_930 = arith.index_cast %get3A_925 : i32 to index
        %get3A_931 = arith.index_cast %add3A_924 : i32 to index
        %get3A_932 = tpu.vector_load %get3A_929[%get3A_930, %get3A_931] {strides = array<i32>} : memref<2x8192xf32, #tpu.memory_space<vmem>>, vector<1x16xf32>,
        %get3A_933 = vector.shape_cast %get3A_932 : vector<1x16xf32> to vector<16xf32>
        %exp3A_934 = math.exp %get3A_933 : vector<16xf32>
        %add3A_935 = arith.addf %add3A_922, %exp3A_934 : vector<16xf32>
        %add3A_936 = arith.constant 64 : i32
        %add3A_937 = arith.addi %mul3A_884, %add3A_936 : i32
        %get3A_938 = arith.constant 1 : i32
        %get3A_939 = arith.constant 0 : i32
        %get3A_940 = arith.constant 0 : i32
        %get3A_941 = tpu.memref_slice %arg13[%scan3A_179, %get3A_939, %get3A_940] : memref<4x2x8192xf32, #tpu.memory_space<vmem>> -> memref<1x2x8192xf32, #tpu.memory_space<vmem>>
        %get3A_942 = tpu.memref_squeeze %get3A_941 : memref<1x2x8192xf32, #tpu.memory_space<vmem>> -> memref<2x8192xf32, #tpu.memory_space<vmem>>
        %get3A_943 = arith.index_cast %get3A_938 : i32 to index
        %get3A_944 = arith.index_cast %add3A_937 : i32 to index
        %get3A_945 = tpu.vector_load %get3A_942[%get3A_943, %get3A_944] {strides = array<i32>} : memref<2x8192xf32, #tpu.memory_space<vmem>>, vector<1x16xf32>,
        %get3A_946 = vector.shape_cast %get3A_945 : vector<1x16xf32> to vector<16xf32>
        %exp3A_947 = math.exp %get3A_946 : vector<16xf32>
        %add3A_948 = arith.addf %add3A_935, %exp3A_947 : vector<16xf32>
        %add3A_949 = arith.constant 80 : i32
        %add3A_950 = arith.addi %mul3A_884, %add3A_949 : i32
        %get3A_951 = arith.constant 1 : i32
        %get3A_952 = arith.constant 0 : i32
        %get3A_953 = arith.constant 0 : i32
        %get3A_954 = tpu.memref_slice %arg13[%scan3A_179, %get3A_952, %get3A_953] : memref<4x2x8192xf32, #tpu.memory_space<vmem>> -> memref<1x2x8192xf32, #tpu.memory_space<vmem>>
        %get3A_955 = tpu.memref_squeeze %get3A_954 : memref<1x2x8192xf32, #tpu.memory_space<vmem>> -> memref<2x8192xf32, #tpu.memory_space<vmem>>
        %get3A_956 = arith.index_cast %get3A_951 : i32 to index
        %get3A_957 = arith.index_cast %add3A_950 : i32 to index
        %get3A_958 = tpu.vector_load %get3A_955[%get3A_956, %get3A_957] {strides = array<i32>} : memref<2x8192xf32, #tpu.memory_space<vmem>>, vector<1x16xf32>,
        %get3A_959 = vector.shape_cast %get3A_958 : vector<1x16xf32> to vector<16xf32>
        %exp3A_960 = math.exp %get3A_959 : vector<16xf32>
        %add3A_961 = arith.addf %add3A_948, %exp3A_960 : vector<16xf32>
        %add3A_962 = arith.constant 96 : i32
        %add3A_963 = arith.addi %mul3A_884, %add3A_962 : i32
        %get3A_964 = arith.constant 1 : i32
        %get3A_965 = arith.constant 0 : i32
        %get3A_966 = arith.constant 0 : i32
        %get3A_967 = tpu.memref_slice %arg13[%scan3A_179, %get3A_965, %get3A_966] : memref<4x2x8192xf32, #tpu.memory_space<vmem>> -> memref<1x2x8192xf32, #tpu.memory_space<vmem>>
        %get3A_968 = tpu.memref_squeeze %get3A_967 : memref<1x2x8192xf32, #tpu.memory_space<vmem>> -> memref<2x8192xf32, #tpu.memory_space<vmem>>
        %get3A_969 = arith.index_cast %get3A_964 : i32 to index
        %get3A_970 = arith.index_cast %add3A_963 : i32 to index
        %get3A_971 = tpu.vector_load %get3A_968[%get3A_969, %get3A_970] {strides = array<i32>} : memref<2x8192xf32, #tpu.memory_space<vmem>>, vector<1x16xf32>,
        %get3A_972 = vector.shape_cast %get3A_971 : vector<1x16xf32> to vector<16xf32>
        %exp3A_973 = math.exp %get3A_972 : vector<16xf32>
        %add3A_974 = arith.addf %add3A_961, %exp3A_973 : vector<16xf32>
        %add3A_975 = arith.constant 112 : i32
        %add3A_976 = arith.addi %mul3A_884, %add3A_975 : i32
        %get3A_977 = arith.constant 1 : i32
        %get3A_978 = arith.constant 0 : i32
        %get3A_979 = arith.constant 0 : i32
        %get3A_980 = tpu.memref_slice %arg13[%scan3A_179, %get3A_978, %get3A_979] : memref<4x2x8192xf32, #tpu.memory_space<vmem>> -> memref<1x2x8192xf32, #tpu.memory_space<vmem>>
        %get3A_981 = tpu.memref_squeeze %get3A_980 : memref<1x2x8192xf32, #tpu.memory_space<vmem>> -> memref<2x8192xf32, #tpu.memory_space<vmem>>
        %get3A_982 = arith.index_cast %get3A_977 : i32 to index
        %get3A_983 = arith.index_cast %add3A_976 : i32 to index
        %get3A_984 = tpu.vector_load %get3A_981[%get3A_982, %get3A_983] {strides = array<i32>} : memref<2x8192xf32, #tpu.memory_space<vmem>>, vector<1x16xf32>,
        %get3A_985 = vector.shape_cast %get3A_984 : vector<1x16xf32> to vector<16xf32>
        %exp3A_986 = math.exp %get3A_985 : vector<16xf32>
        %add3A_987 = arith.addf %add3A_974, %exp3A_986 : vector<16xf32>
        %add3A_988 = arith.constant 128 : i32
        %add3A_989 = arith.addi %mul3A_884, %add3A_988 : i32
        %get3A_990 = arith.constant 1 : i32
        %get3A_991 = arith.constant 0 : i32
        %get3A_992 = arith.constant 0 : i32
        %get3A_993 = tpu.memref_slice %arg13[%scan3A_179, %get3A_991, %get3A_992] : memref<4x2x8192xf32, #tpu.memory_space<vmem>> -> memref<1x2x8192xf32, #tpu.memory_space<vmem>>
        %get3A_994 = tpu.memref_squeeze %get3A_993 : memref<1x2x8192xf32, #tpu.memory_space<vmem>> -> memref<2x8192xf32, #tpu.memory_space<vmem>>
        %get3A_995 = arith.index_cast %get3A_990 : i32 to index
        %get3A_996 = arith.index_cast %add3A_989 : i32 to index
        %get3A_997 = tpu.vector_load %get3A_994[%get3A_995, %get3A_996] {strides = array<i32>} : memref<2x8192xf32, #tpu.memory_space<vmem>>, vector<1x16xf32>,
        %get3A_998 = vector.shape_cast %get3A_997 : vector<1x16xf32> to vector<16xf32>
        %exp3A_999 = math.exp %get3A_998 : vector<16xf32>
        %add3A_1000 = arith.addf %add3A_987, %exp3A_999 : vector<16xf32>
        %add3A_1001 = arith.constant 144 : i32
        %add3A_1002 = arith.addi %mul3A_884, %add3A_1001 : i32
        %get3A_1003 = arith.constant 1 : i32
        %get3A_1004 = arith.constant 0 : i32
        %get3A_1005 = arith.constant 0 : i32
        %get3A_1006 = tpu.memref_slice %arg13[%scan3A_179, %get3A_1004, %get3A_1005] : memref<4x2x8192xf32, #tpu.memory_space<vmem>> -> memref<1x2x8192xf32, #tpu.memory_space<vmem>>
        %get3A_1007 = tpu.memref_squeeze %get3A_1006 : memref<1x2x8192xf32, #tpu.memory_space<vmem>> -> memref<2x8192xf32, #tpu.memory_space<vmem>>
        %get3A_1008 = arith.index_cast %get3A_1003 : i32 to index
        %get3A_1009 = arith.index_cast %add3A_1002 : i32 to index
        %get3A_1010 = tpu.vector_load %get3A_1007[%get3A_1008, %get3A_1009] {strides = array<i32>} : memref<2x8192xf32, #tpu.memory_space<vmem>>, vector<1x16xf32>,
        %get3A_1011 = vector.shape_cast %get3A_1010 : vector<1x16xf32> to vector<16xf32>
        %exp3A_1012 = math.exp %get3A_1011 : vector<16xf32>
        %add3A_1013 = arith.addf %add3A_1000, %exp3A_1012 : vector<16xf32>
        %add3A_1014 = arith.constant 160 : i32
        %add3A_1015 = arith.addi %mul3A_884, %add3A_1014 : i32
        %get3A_1016 = arith.constant 1 : i32
        %get3A_1017 = arith.constant 0 : i32
        %get3A_1018 = arith.constant 0 : i32
        %get3A_1019 = tpu.memref_slice %arg13[%scan3A_179, %get3A_1017, %get3A_1018] : memref<4x2x8192xf32, #tpu.memory_space<vmem>> -> memref<1x2x8192xf32, #tpu.memory_space<vmem>>
        %get3A_1020 = tpu.memref_squeeze %get3A_1019 : memref<1x2x8192xf32, #tpu.memory_space<vmem>> -> memref<2x8192xf32, #tpu.memory_space<vmem>>
        %get3A_1021 = arith.index_cast %get3A_1016 : i32 to index
        %get3A_1022 = arith.index_cast %add3A_1015 : i32 to index
        %get3A_1023 = tpu.vector_load %get3A_1020[%get3A_1021, %get3A_1022] {strides = array<i32>} : memref<2x8192xf32, #tpu.memory_space<vmem>>, vector<1x16xf32>,
        %get3A_1024 = vector.shape_cast %get3A_1023 : vector<1x16xf32> to vector<16xf32>
        %exp3A_1025 = math.exp %get3A_1024 : vector<16xf32>
        %add3A_1026 = arith.addf %add3A_1013, %exp3A_1025 : vector<16xf32>
        %add3A_1027 = arith.constant 176 : i32
        %add3A_1028 = arith.addi %mul3A_884, %add3A_1027 : i32
        %get3A_1029 = arith.constant 1 : i32
        %get3A_1030 = arith.constant 0 : i32
        %get3A_1031 = arith.constant 0 : i32
        %get3A_1032 = tpu.memref_slice %arg13[%scan3A_179, %get3A_1030, %get3A_1031] : memref<4x2x8192xf32, #tpu.memory_space<vmem>> -> memref<1x2x8192xf32, #tpu.memory_space<vmem>>
        %get3A_1033 = tpu.memref_squeeze %get3A_1032 : memref<1x2x8192xf32, #tpu.memory_space<vmem>> -> memref<2x8192xf32, #tpu.memory_space<vmem>>
        %get3A_1034 = arith.index_cast %get3A_1029 : i32 to index
        %get3A_1035 = arith.index_cast %add3A_1028 : i32 to index
        %get3A_1036 = tpu.vector_load %get3A_1033[%get3A_1034, %get3A_1035] {strides = array<i32>} : memref<2x8192xf32, #tpu.memory_space<vmem>>, vector<1x16xf32>,
        %get3A_1037 = vector.shape_cast %get3A_1036 : vector<1x16xf32> to vector<16xf32>
        %exp3A_1038 = math.exp %get3A_1037 : vector<16xf32>
        %add3A_1039 = arith.addf %add3A_1026, %exp3A_1038 : vector<16xf32>
        %add3A_1040 = arith.constant 192 : i32
        %add3A_1041 = arith.addi %mul3A_884, %add3A_1040 : i32
        %get3A_1042 = arith.constant 1 : i32
        %get3A_1043 = arith.constant 0 : i32
        %get3A_1044 = arith.constant 0 : i32
        %get3A_1045 = tpu.memref_slice %arg13[%scan3A_179, %get3A_1043, %get3A_1044] : memref<4x2x8192xf32, #tpu.memory_space<vmem>> -> memref<1x2x8192xf32, #tpu.memory_space<vmem>>
        %get3A_1046 = tpu.memref_squeeze %get3A_1045 : memref<1x2x8192xf32, #tpu.memory_space<vmem>> -> memref<2x8192xf32, #tpu.memory_space<vmem>>
        %get3A_1047 = arith.index_cast %get3A_1042 : i32 to index
        %get3A_1048 = arith.index_cast %add3A_1041 : i32 to index
        %get3A_1049 = tpu.vector_load %get3A_1046[%get3A_1047, %get3A_1048] {strides = array<i32>} : memref<2x8192xf32, #tpu.memory_space<vmem>>, vector<1x16xf32>,
        %get3A_1050 = vector.shape_cast %get3A_1049 : vector<1x16xf32> to vector<16xf32>
        %exp3A_1051 = math.exp %get3A_1050 : vector<16xf32>
        %add3A_1052 = arith.addf %add3A_1039, %exp3A_1051 : vector<16xf32>
        %add3A_1053 = arith.constant 208 : i32
        %add3A_1054 = arith.addi %mul3A_884, %add3A_1053 : i32
        %get3A_1055 = arith.constant 1 : i32
        %get3A_1056 = arith.constant 0 : i32
        %get3A_1057 = arith.constant 0 : i32
        %get3A_1058 = tpu.memref_slice %arg13[%scan3A_179, %get3A_1056, %get3A_1057] : memref<4x2x8192xf32, #tpu.memory_space<vmem>> -> memref<1x2x8192xf32, #tpu.memory_space<vmem>>
        %get3A_1059 = tpu.memref_squeeze %get3A_1058 : memref<1x2x8192xf32, #tpu.memory_space<vmem>> -> memref<2x8192xf32, #tpu.memory_space<vmem>>
        %get3A_1060 = arith.index_cast %get3A_1055 : i32 to index
        %get3A_1061 = arith.index_cast %add3A_1054 : i32 to index
        %get3A_1062 = tpu.vector_load %get3A_1059[%get3A_1060, %get3A_1061] {strides = array<i32>} : memref<2x8192xf32, #tpu.memory_space<vmem>>, vector<1x16xf32>,
        %get3A_1063 = vector.shape_cast %get3A_1062 : vector<1x16xf32> to vector<16xf32>
        %exp3A_1064 = math.exp %get3A_1063 : vector<16xf32>
        %add3A_1065 = arith.addf %add3A_1052, %exp3A_1064 : vector<16xf32>
        %add3A_1066 = arith.constant 224 : i32
        %add3A_1067 = arith.addi %mul3A_884, %add3A_1066 : i32
        %get3A_1068 = arith.constant 1 : i32
        %get3A_1069 = arith.constant 0 : i32
        %get3A_1070 = arith.constant 0 : i32
        %get3A_1071 = tpu.memref_slice %arg13[%scan3A_179, %get3A_1069, %get3A_1070] : memref<4x2x8192xf32, #tpu.memory_space<vmem>> -> memref<1x2x8192xf32, #tpu.memory_space<vmem>>
        %get3A_1072 = tpu.memref_squeeze %get3A_1071 : memref<1x2x8192xf32, #tpu.memory_space<vmem>> -> memref<2x8192xf32, #tpu.memory_space<vmem>>
        %get3A_1073 = arith.index_cast %get3A_1068 : i32 to index
        %get3A_1074 = arith.index_cast %add3A_1067 : i32 to index
        %get3A_1075 = tpu.vector_load %get3A_1072[%get3A_1073, %get3A_1074] {strides = array<i32>} : memref<2x8192xf32, #tpu.memory_space<vmem>>, vector<1x16xf32>,
        %get3A_1076 = vector.shape_cast %get3A_1075 : vector<1x16xf32> to vector<16xf32>
        %exp3A_1077 = math.exp %get3A_1076 : vector<16xf32>
        %add3A_1078 = arith.addf %add3A_1065, %exp3A_1077 : vector<16xf32>
        %add3A_1079 = arith.constant 240 : i32
        %add3A_1080 = arith.addi %mul3A_884, %add3A_1079 : i32
        %get3A_1081 = arith.constant 1 : i32
        %get3A_1082 = arith.constant 0 : i32
        %get3A_1083 = arith.constant 0 : i32
        %get3A_1084 = tpu.memref_slice %arg13[%scan3A_179, %get3A_1082, %get3A_1083] : memref<4x2x8192xf32, #tpu.memory_space<vmem>> -> memref<1x2x8192xf32, #tpu.memory_space<vmem>>
        %get3A_1085 = tpu.memref_squeeze %get3A_1084 : memref<1x2x8192xf32, #tpu.memory_space<vmem>> -> memref<2x8192xf32, #tpu.memory_space<vmem>>
        %get3A_1086 = arith.index_cast %get3A_1081 : i32 to index
        %get3A_1087 = arith.index_cast %add3A_1080 : i32 to index
        %get3A_1088 = tpu.vector_load %get3A_1085[%get3A_1086, %get3A_1087] {strides = array<i32>} : memref<2x8192xf32, #tpu.memory_space<vmem>>, vector<1x16xf32>,
        %get3A_1089 = vector.shape_cast %get3A_1088 : vector<1x16xf32> to vector<16xf32>
        %exp3A_1090 = math.exp %get3A_1089 : vector<16xf32>
        %add3A_1091 = arith.addf %add3A_1078, %exp3A_1090 : vector<16xf32>
        scf.yield %add3A_1091 : vector<16xf32>
      }
      %scan3A_185 = arith.constant 32 : i32
      %swap3A_186 = arith.index_cast %add3A_176 : i32 to index
      %swap3A_187 = arith.constant 0 : index
      %swap3A_188 = tpu.vector_load %arg11[%swap3A_186, %swap3A_187] {strides = array<i32>} : memref<128x16xf32, #tpu.memory_space<vmem>>, vector<1x16xf32>,
      %swap3A_189 = vector.shape_cast %swap3A_188 : vector<1x16xf32> to vector<16xf32>
      %swap3A_190 = vector.shape_cast %scan3A_184 : vector<16xf32> to vector<1x16xf32>
      tpu.vector_store %arg11[%swap3A_186, %swap3A_187], %swap3A_190 {strides = array<i32>} : memref<128x16xf32, #tpu.memory_space<vmem>>, vector<1x16xf32>,
      %get3A_191 = arith.index_cast %add3A_176 : i32 to index
      %get3A_192 = memref.load %arg10[%get3A_191] : memref<128xi32, #tpu.memory_space<smem>>
      %jit3A_193 = arith.constant 16 : i32
      %div3A_194 = arith.divsi %get3A_192, %jit3A_193 : i32
      %sign3A_195 = arith.constant 0 : i32
      %sign3A_196 = arith.cmpi sgt, %get3A_192, %sign3A_195 : i32
      %sign3A_197 = arith.extui %sign3A_196 : i1 to i32
      %sign3A_198 = arith.constant 0 : i32
      %sign3A_199 = arith.cmpi slt, %get3A_192, %sign3A_198 : i32
      %sign3A_200 = arith.extui %sign3A_199 : i1 to i32
      %sign3A_201 = arith.subi %sign3A_197, %sign3A_200 : i32
      %sign3A_202 = arith.constant 0 : i32
      %sign3A_203 = arith.cmpi sgt, %jit3A_193, %sign3A_202 : i32
      %sign3A_204 = arith.extui %sign3A_203 : i1 to i32
      %sign3A_205 = arith.constant 0 : i32
      %sign3A_206 = arith.cmpi slt, %jit3A_193, %sign3A_205 : i32
      %sign3A_207 = arith.extui %sign3A_206 : i1 to i32
      %sign3A_208 = arith.subi %sign3A_204, %sign3A_207 : i32
      %ne3A_209 = arith.cmpi ne, %sign3A_201, %sign3A_208 : i32
      %rem3A_210 = arith.remsi %get3A_192, %jit3A_193 : i32
      %ne3A_211 = arith.constant 0 : i32
      %ne3A_212 = arith.cmpi ne, %rem3A_210, %ne3A_211 : i32
      %and3A_213 = arith.andi %ne3A_209, %ne3A_212 : i1
      %sub3A_214 = arith.constant 1 : i32
      %sub3A_215 = arith.subi %div3A_194, %sub3A_214 : i32
      %select_n3A_216 = arith.select %and3A_213, %sub3A_215, %div3A_194 : i32
      %mul3A_217 = arith.constant 16 : i32
      %mul3A_218 = arith.muli %select_n3A_216, %mul3A_217 : i32
      %multiple_of3A_219 = tpu.assume_multiple %mul3A_218, 16 : i32
      %get3A_220 = arith.constant 0 : i32
      %get3A_221 = arith.constant 1 : i32
      %get3A_222 = arith.constant 0 : i32
      %get3A_223 = arith.constant 0 : i32
      %get3A_224 = tpu.memref_slice %arg13[%get3A_220, %get3A_222, %get3A_223] : memref<4x2x8192xf32, #tpu.memory_space<vmem>> -> memref<1x2x8192xf32, #tpu.memory_space<vmem>>
      %get3A_225 = tpu.memref_squeeze %get3A_224 : memref<1x2x8192xf32, #tpu.memory_space<vmem>> -> memref<2x8192xf32, #tpu.memory_space<vmem>>
      %get3A_226 = arith.index_cast %get3A_221 : i32 to index
      %get3A_227 = arith.index_cast %multiple_of3A_219 : i32 to index
      %get3A_228 = tpu.vector_load %get3A_225[%get3A_226, %get3A_227] {strides = array<i32>} : memref<2x8192xf32, #tpu.memory_space<vmem>>, vector<1x16xf32>,
      %get3A_229 = vector.shape_cast %get3A_228 : vector<1x16xf32> to vector<16xf32>
      %jit3A_230 = arith.constant 16 : i32
      %eq3A_231 = arith.constant 0 : i32
      %eq3A_232 = arith.cmpi eq, %jit3A_230, %eq3A_231 : i32
      %jit3A_233 = arith.constant 1 : i32
      %select_n3A_234 = arith.select %eq3A_232, %jit3A_233, %jit3A_230 : i32
      %rem3A_235 = arith.remsi %get3A_192, %select_n3A_234 : i32
      %ne3A_236 = arith.constant 0 : i32
      %ne3A_237 = arith.cmpi ne, %rem3A_235, %ne3A_236 : i32
      %lt3A_238 = arith.constant 0 : i32
      %lt3A_239 = arith.cmpi slt, %rem3A_235, %lt3A_238 : i32
      %lt3A_240 = arith.constant 0 : i32
      %lt3A_241 = arith.cmpi slt, %select_n3A_234, %lt3A_240 : i32
      %ne3A_242 = arith.xori %lt3A_239, %lt3A_241 : i1
      %and3A_243 = arith.andi %ne3A_242, %ne3A_237 : i1
      %add3A_244 = arith.addi %rem3A_235, %select_n3A_234 : i32
      %select_n3A_245 = arith.select %and3A_243, %add3A_244, %rem3A_235 : i32
      %eq3A_246 = vector.broadcast %select_n3A_245 : i32 to vector<16xi32>
      %eq3A_247 = arith.cmpi eq, %iota3A, %eq3A_246 : vector<16xi32>
      %jit3A_248 = arith.constant 0.000000e+00 : f32
      %broadcast_in_dim3A_249 = vector.broadcast %jit3A_248 : f32 to vector<16xf32>
      %select_n3A_250 = arith.select %eq3A_247, %get3A_229, %broadcast_in_dim3A_249 : vector<16xi1>, vector<16xf32>
      %swap3A_251 = arith.index_cast %add3A_176 : i32 to index
      %swap3A_252 = arith.constant 0 : index
      %swap3A_253 = tpu.vector_load %arg12[%swap3A_251, %swap3A_252] {strides = array<i32>} : memref<128x16xf32, #tpu.memory_space<vmem>>, vector<1x16xf32>,
      %swap3A_254 = vector.shape_cast %swap3A_253 : vector<1x16xf32> to vector<16xf32>
      %swap3A_255 = vector.shape_cast %select_n3A_250 : vector<16xf32> to vector<1x16xf32>
      tpu.vector_store %arg12[%swap3A_251, %swap3A_252], %swap3A_255 {strides = array<i32>} : memref<128x16xf32, #tpu.memory_space<vmem>>, vector<1x16xf32>,
      %mul3A_256 = arith.constant 2 : i32
      %mul3A_257 = arith.muli %add3A_86, %mul3A_256 : i32
      %add3A_258 = arith.addi %mul3A_2, %mul3A_257 : i32
      %dma_start3A_259 = arith.constant 0 : i32
      %dma_start3A_260 = arith.constant 0 : i32
      %dma_start3A_261 = arith.constant 0 : i32
      %dma_start3A_262 = tpu.memref_slice %arg13[%dma_start3A_259, %dma_start3A_260, %dma_start3A_261] : memref<4x2x8192xf32, #tpu.memory_space<vmem>> -> memref<1x2x8192xf32, #tpu.memory_space<vmem>>
      %dma_start3A_263 = tpu.memref_squeeze %dma_start3A_262 : memref<1x2x8192xf32, #tpu.memory_space<vmem>> -> memref<2x8192xf32, #tpu.memory_space<vmem>>
      %dma_start3A_264 = arith.constant 0 : i32
      %dma_start3A_265 = tpu.memref_slice %arg5[%add3A_258, %dma_start3A_264] : memref<4096x8192xf32, #tpu.memory_space<hbm>> -> memref<2x8192xf32, #tpu.memory_space<hbm>>
      %dma_start3A_266 = arith.constant 0 : i32
      %dma_start3A_267 = tpu.memref_slice %arg5[%add3A_258, %dma_start3A_266] : memref<4096x8192xf32, #tpu.memory_space<hbm>> -> memref<2x8192xf32, #tpu.memory_space<hbm>>
      %dma_start3A_268 = arith.constant 0 : i32
      %dma_start3A_269 = arith.constant 0 : i32
      %dma_start3A_270 = tpu.memref_slice %arg13[%dma_start3A_259, %dma_start3A_268, %dma_start3A_269] : memref<4x2x8192xf32, #tpu.memory_space<vmem>> -> memref<1x2x8192xf32, #tpu.memory_space<vmem>>
      %dma_start3A_271 = tpu.memref_squeeze %dma_start3A_270 : memref<1x2x8192xf32, #tpu.memory_space<vmem>> -> memref<2x8192xf32, #tpu.memory_space<vmem>>
      tpu.enqueue_dma source(%dma_start3A_271 : memref<2x8192xf32, #tpu.memory_space<vmem>>) target(%dma_start3A_267 : memref<2x8192xf32, #tpu.memory_space<hbm>>) target_semaphore(%arg15 : memref<!tpu.dma_semaphore, #tpu.memory_space<semaphore_mem>>)
      %add3A_272 = arith.constant 1 : i32
      %add3A_273 = arith.addi %mul3A_84, %add3A_272 : i32
      %dma_wait3A_274 = arith.constant 0 : i32
      %dma_wait3A_275 = arith.constant 0 : i32
      %dma_wait3A_276 = arith.constant 0 : i32
      %dma_wait3A_277 = arith.constant 0 : i32
      %dma_wait3A_278 = tpu.memref_slice %arg13[%dma_wait3A_275, %dma_wait3A_276, %dma_wait3A_277] : memref<4x2x8192xf32, #tpu.memory_space<vmem>> -> memref<1x2x8192xf32, #tpu.memory_space<vmem>>
      %dma_wait3A_279 = tpu.memref_squeeze %dma_wait3A_278 : memref<1x2x8192xf32, #tpu.memory_space<vmem>> -> memref<2x8192xf32, #tpu.memory_space<vmem>>
      %dma_wait3A_280 = arith.constant 0 : i32
      %dma_wait3A_281 = tpu.memref_slice %arg8[%dma_wait3A_274, %dma_wait3A_280] : memref<64x2xi32, #tpu.memory_space<vmem>> -> memref<1x2xi32, #tpu.memory_space<vmem>>
      %dma_wait3A_282 = tpu.memref_squeeze %dma_wait3A_281 : memref<1x2xi32, #tpu.memory_space<vmem>> -> memref<2xi32, #tpu.memory_space<vmem>>
      %dma_wait3A_283 = arith.constant 0 : i32
      %dma_wait3A_284 = arith.constant 0 : i32
      %dma_wait3A_285 = tpu.memref_slice %arg2[%dma_wait3A_283, %dma_wait3A_284] : memref<8192x8192xf32, #tpu.memory_space<hbm>> -> memref<8192x8192xf32, #tpu.memory_space<hbm>>
      tpu.wait_indirect_dma semaphore(%arg14 : memref<!tpu.dma_semaphore, #tpu.memory_space<semaphore_mem>>) src(%dma_wait3A_285 : memref<8192x8192xf32, #tpu.memory_space<hbm>>) dst(%dma_wait3A_279 : memref<2x8192xf32, #tpu.memory_space<vmem>>)
      %add3A_286 = arith.constant 2 : i32
      %add3A_287 = arith.addi %add3A_273, %add3A_286 : i32
      %lt3A_288 = arith.constant 64 : i32
      %lt3A_289 = arith.cmpi slt, %add3A_287, %lt3A_288 : i32
      %convert_element_type3A_290 = arith.extui %lt3A_289 : i1 to i32
      %cond3A_291 = arith.constant 0 : i32
      %cond3A_292 = arith.cmpi ne, %convert_element_type3A_290, %cond3A_291 : i32
      scf.if %cond3A_292 {
        %ge3A = arith.constant 2 : i32
        %ge3A_881 = arith.cmpi sge, %add3A_273, %ge3A : i32
        %convert_element_type3A_882 = arith.extui %ge3A_881 : i1 to i32
        %cond3A_883 = arith.constant 0 : i32
        %cond3A_884 = arith.cmpi ne, %convert_element_type3A_882, %cond3A_883 : i32
        scf.if %cond3A_884 {
          %dma_wait3A_898 = arith.constant 0 : i32
          %dma_wait3A_899 = arith.constant 0 : i32
          %dma_wait3A_900 = arith.constant 0 : i32
          %dma_wait3A_901 = tpu.memref_slice %arg13[%dma_wait3A_898, %dma_wait3A_899, %dma_wait3A_900] : memref<4x2x8192xf32, #tpu.memory_space<vmem>> -> memref<1x2x8192xf32, #tpu.memory_space<vmem>>
          %dma_wait3A_902 = tpu.memref_squeeze %dma_wait3A_901 : memref<1x2x8192xf32, #tpu.memory_space<vmem>> -> memref<2x8192xf32, #tpu.memory_space<vmem>>
          %dma_wait3A_903 = arith.constant 0 : i32
          %dma_wait3A_904 = tpu.memref_slice %arg5[%mul3A_2, %dma_wait3A_903] : memref<4096x8192xf32, #tpu.memory_space<hbm>> -> memref<2x8192xf32, #tpu.memory_space<hbm>>
          %dma_wait3A_905 = arith.constant 0 : i32
          %dma_wait3A_906 = tpu.memref_slice %arg5[%mul3A_2, %dma_wait3A_905] : memref<4096x8192xf32, #tpu.memory_space<hbm>> -> memref<2x8192xf32, #tpu.memory_space<hbm>>
          %dma_wait3A_907 = arith.constant 0 : i32
          %dma_wait3A_908 = arith.constant 0 : i32
          %dma_wait3A_909 = tpu.memref_slice %arg13[%dma_wait3A_898, %dma_wait3A_907, %dma_wait3A_908] : memref<4x2x8192xf32, #tpu.memory_space<vmem>> -> memref<1x2x8192xf32, #tpu.memory_space<vmem>>
          %dma_wait3A_910 = tpu.memref_squeeze %dma_wait3A_909 : memref<1x2x8192xf32, #tpu.memory_space<vmem>> -> memref<2x8192xf32, #tpu.memory_space<vmem>>
          tpu.wait_dma2 semaphore(%arg15 : memref<!tpu.dma_semaphore, #tpu.memory_space<semaphore_mem>>) src(%dma_wait3A_910 : memref<2x8192xf32, #tpu.memory_space<vmem>>) dst(%dma_wait3A_906 : memref<2x8192xf32, #tpu.memory_space<hbm>>)
        } else {
        }
        %add3A_885 = arith.constant 2 : i32
        %add3A_886 = arith.addi %add3A_273, %add3A_885 : i32
        %dma_start3A_887 = arith.constant 3 : i32
        %dma_start3A_888 = arith.constant 0 : i32
        %dma_start3A_889 = arith.constant 0 : i32
        %dma_start3A_890 = tpu.memref_slice %arg13[%dma_start3A_887, %dma_start3A_888, %dma_start3A_889] : memref<4x2x8192xf32, #tpu.memory_space<vmem>> -> memref<1x2x8192xf32, #tpu.memory_space<vmem>>
        %dma_start3A_891 = tpu.memref_squeeze %dma_start3A_890 : memref<1x2x8192xf32, #tpu.memory_space<vmem>> -> memref<2x8192xf32, #tpu.memory_space<vmem>>
        %dma_start3A_892 = arith.constant 0 : i32
        %dma_start3A_893 = tpu.memref_slice %arg8[%add3A_886, %dma_start3A_892] : memref<64x2xi32, #tpu.memory_space<vmem>> -> memref<1x2xi32, #tpu.memory_space<vmem>>
        %dma_start3A_894 = tpu.memref_squeeze %dma_start3A_893 : memref<1x2xi32, #tpu.memory_space<vmem>> -> memref<2xi32, #tpu.memory_space<vmem>>
        %dma_start3A_895 = arith.constant 0 : i32
        %dma_start3A_896 = arith.constant 0 : i32
        %dma_start3A_897 = tpu.memref_slice %arg2[%dma_start3A_895, %dma_start3A_896] : memref<8192x8192xf32, #tpu.memory_space<hbm>> -> memref<8192x8192xf32, #tpu.memory_space<hbm>>
        tpu.enqueue_indirect_dma source(%dma_start3A_897 : memref<8192x8192xf32, #tpu.memory_space<hbm>>) target(%dma_start3A_891 : memref<2x8192xf32, #tpu.memory_space<vmem>>) offsets(%dma_start3A_894 : memref<2xi32, #tpu.memory_space<vmem>>) semaphore(%arg14 : memref<!tpu.dma_semaphore, #tpu.memory_space<semaphore_mem>>)
      } else {
      }
      %mul3A_293 = arith.constant 2 : i32
      %mul3A_294 = arith.muli %add3A_273, %mul3A_293 : i32
      %add3A_295 = arith.constant 0 : i32
      %add3A_296 = arith.addi %mul3A_294, %add3A_295 : i32
      %broadcast_in_dim3A_297 = arith.constant 0.000000e+00 : f32
      %broadcast_in_dim3A_298 = vector.broadcast %broadcast_in_dim3A_297 : f32 to vector<16xf32>
      %scan3A_299 = arith.constant 1 : i32
      %scan3A_300 = arith.constant 0 : i32
      %scan3A_301 = arith.constant 32 : i32
      %scan3A_302 = arith.addi %scan3A_300, %scan3A_301 : i32
      %scan3A_303 = arith.constant 1 : i32
      %scan3A_304 = scf.for %scan3A_881 = %scan3A_300 to %scan3A_302 step %scan3A_303 iter_args(%scan3A_882 = %broadcast_in_dim3A_298) -> (vector<16xf32>)  : i32 {
        %mul3A_883 = arith.constant 256 : i32
        %mul3A_884 = arith.muli %scan3A_881, %mul3A_883 : i32
        %add3A_885 = arith.constant 0 : i32
        %add3A_886 = arith.addi %mul3A_884, %add3A_885 : i32
        %get3A_887 = arith.constant 0 : i32
        %get3A_888 = arith.constant 0 : i32
        %get3A_889 = arith.constant 0 : i32
        %get3A_890 = tpu.memref_slice %arg13[%scan3A_299, %get3A_888, %get3A_889] : memref<4x2x8192xf32, #tpu.memory_space<vmem>> -> memref<1x2x8192xf32, #tpu.memory_space<vmem>>
        %get3A_891 = tpu.memref_squeeze %get3A_890 : memref<1x2x8192xf32, #tpu.memory_space<vmem>> -> memref<2x8192xf32, #tpu.memory_space<vmem>>
        %get3A_892 = arith.index_cast %get3A_887 : i32 to index
        %get3A_893 = arith.index_cast %add3A_886 : i32 to index
        %get3A_894 = tpu.vector_load %get3A_891[%get3A_892, %get3A_893] {strides = array<i32>} : memref<2x8192xf32, #tpu.memory_space<vmem>>, vector<1x16xf32>,
        %get3A_895 = vector.shape_cast %get3A_894 : vector<1x16xf32> to vector<16xf32>
        %exp3A = math.exp %get3A_895 : vector<16xf32>
        %add3A_896 = arith.addf %scan3A_882, %exp3A : vector<16xf32>
        %add3A_897 = arith.constant 16 : i32
        %add3A_898 = arith.addi %mul3A_884, %add3A_897 : i32
        %get3A_899 = arith.constant 0 : i32
        %get3A_900 = arith.constant 0 : i32
        %get3A_901 = arith.constant 0 : i32
        %get3A_902 = tpu.memref_slice %arg13[%scan3A_299, %get3A_900, %get3A_901] : memref<4x2x8192xf32, #tpu.memory_space<vmem>> -> memref<1x2x8192xf32, #tpu.memory_space<vmem>>
        %get3A_903 = tpu.memref_squeeze %get3A_902 : memref<1x2x8192xf32, #tpu.memory_space<vmem>> -> memref<2x8192xf32, #tpu.memory_space<vmem>>
        %get3A_904 = arith.index_cast %get3A_899 : i32 to index
        %get3A_905 = arith.index_cast %add3A_898 : i32 to index
        %get3A_906 = tpu.vector_load %get3A_903[%get3A_904, %get3A_905] {strides = array<i32>} : memref<2x8192xf32, #tpu.memory_space<vmem>>, vector<1x16xf32>,
        %get3A_907 = vector.shape_cast %get3A_906 : vector<1x16xf32> to vector<16xf32>
        %exp3A_908 = math.exp %get3A_907 : vector<16xf32>
        %add3A_909 = arith.addf %add3A_896, %exp3A_908 : vector<16xf32>
        %add3A_910 = arith.constant 32 : i32
        %add3A_911 = arith.addi %mul3A_884, %add3A_910 : i32
        %get3A_912 = arith.constant 0 : i32
        %get3A_913 = arith.constant 0 : i32
        %get3A_914 = arith.constant 0 : i32
        %get3A_915 = tpu.memref_slice %arg13[%scan3A_299, %get3A_913, %get3A_914] : memref<4x2x8192xf32, #tpu.memory_space<vmem>> -> memref<1x2x8192xf32, #tpu.memory_space<vmem>>
        %get3A_916 = tpu.memref_squeeze %get3A_915 : memref<1x2x8192xf32, #tpu.memory_space<vmem>> -> memref<2x8192xf32, #tpu.memory_space<vmem>>
        %get3A_917 = arith.index_cast %get3A_912 : i32 to index
        %get3A_918 = arith.index_cast %add3A_911 : i32 to index
        %get3A_919 = tpu.vector_load %get3A_916[%get3A_917, %get3A_918] {strides = array<i32>} : memref<2x8192xf32, #tpu.memory_space<vmem>>, vector<1x16xf32>,
        %get3A_920 = vector.shape_cast %get3A_919 : vector<1x16xf32> to vector<16xf32>
        %exp3A_921 = math.exp %get3A_920 : vector<16xf32>
        %add3A_922 = arith.addf %add3A_909, %exp3A_921 : vector<16xf32>
        %add3A_923 = arith.constant 48 : i32
        %add3A_924 = arith.addi %mul3A_884, %add3A_923 : i32
        %get3A_925 = arith.constant 0 : i32
        %get3A_926 = arith.constant 0 : i32
        %get3A_927 = arith.constant 0 : i32
        %get3A_928 = tpu.memref_slice %arg13[%scan3A_299, %get3A_926, %get3A_927] : memref<4x2x8192xf32, #tpu.memory_space<vmem>> -> memref<1x2x8192xf32, #tpu.memory_space<vmem>>
        %get3A_929 = tpu.memref_squeeze %get3A_928 : memref<1x2x8192xf32, #tpu.memory_space<vmem>> -> memref<2x8192xf32, #tpu.memory_space<vmem>>
        %get3A_930 = arith.index_cast %get3A_925 : i32 to index
        %get3A_931 = arith.index_cast %add3A_924 : i32 to index
        %get3A_932 = tpu.vector_load %get3A_929[%get3A_930, %get3A_931] {strides = array<i32>} : memref<2x8192xf32, #tpu.memory_space<vmem>>, vector<1x16xf32>,
        %get3A_933 = vector.shape_cast %get3A_932 : vector<1x16xf32> to vector<16xf32>
        %exp3A_934 = math.exp %get3A_933 : vector<16xf32>
        %add3A_935 = arith.addf %add3A_922, %exp3A_934 : vector<16xf32>
        %add3A_936 = arith.constant 64 : i32
        %add3A_937 = arith.addi %mul3A_884, %add3A_936 : i32
        %get3A_938 = arith.constant 0 : i32
        %get3A_939 = arith.constant 0 : i32
        %get3A_940 = arith.constant 0 : i32
        %get3A_941 = tpu.memref_slice %arg13[%scan3A_299, %get3A_939, %get3A_940] : memref<4x2x8192xf32, #tpu.memory_space<vmem>> -> memref<1x2x8192xf32, #tpu.memory_space<vmem>>
        %get3A_942 = tpu.memref_squeeze %get3A_941 : memref<1x2x8192xf32, #tpu.memory_space<vmem>> -> memref<2x8192xf32, #tpu.memory_space<vmem>>
        %get3A_943 = arith.index_cast %get3A_938 : i32 to index
        %get3A_944 = arith.index_cast %add3A_937 : i32 to index
        %get3A_945 = tpu.vector_load %get3A_942[%get3A_943, %get3A_944] {strides = array<i32>} : memref<2x8192xf32, #tpu.memory_space<vmem>>, vector<1x16xf32>,
        %get3A_946 = vector.shape_cast %get3A_945 : vector<1x16xf32> to vector<16xf32>
        %exp3A_947 = math.exp %get3A_946 : vector<16xf32>
        %add3A_948 = arith.addf %add3A_935, %exp3A_947 : vector<16xf32>
        %add3A_949 = arith.constant 80 : i32
        %add3A_950 = arith.addi %mul3A_884, %add3A_949 : i32
        %get3A_951 = arith.constant 0 : i32
        %get3A_952 = arith.constant 0 : i32
        %get3A_953 = arith.constant 0 : i32
        %get3A_954 = tpu.memref_slice %arg13[%scan3A_299, %get3A_952, %get3A_953] : memref<4x2x8192xf32, #tpu.memory_space<vmem>> -> memref<1x2x8192xf32, #tpu.memory_space<vmem>>
        %get3A_955 = tpu.memref_squeeze %get3A_954 : memref<1x2x8192xf32, #tpu.memory_space<vmem>> -> memref<2x8192xf32, #tpu.memory_space<vmem>>
        %get3A_956 = arith.index_cast %get3A_951 : i32 to index
        %get3A_957 = arith.index_cast %add3A_950 : i32 to index
        %get3A_958 = tpu.vector_load %get3A_955[%get3A_956, %get3A_957] {strides = array<i32>} : memref<2x8192xf32, #tpu.memory_space<vmem>>, vector<1x16xf32>,
        %get3A_959 = vector.shape_cast %get3A_958 : vector<1x16xf32> to vector<16xf32>
        %exp3A_960 = math.exp %get3A_959 : vector<16xf32>
        %add3A_961 = arith.addf %add3A_948, %exp3A_960 : vector<16xf32>
        %add3A_962 = arith.constant 96 : i32
        %add3A_963 = arith.addi %mul3A_884, %add3A_962 : i32
        %get3A_964 = arith.constant 0 : i32
        %get3A_965 = arith.constant 0 : i32
        %get3A_966 = arith.constant 0 : i32
        %get3A_967 = tpu.memref_slice %arg13[%scan3A_299, %get3A_965, %get3A_966] : memref<4x2x8192xf32, #tpu.memory_space<vmem>> -> memref<1x2x8192xf32, #tpu.memory_space<vmem>>
        %get3A_968 = tpu.memref_squeeze %get3A_967 : memref<1x2x8192xf32, #tpu.memory_space<vmem>> -> memref<2x8192xf32, #tpu.memory_space<vmem>>
        %get3A_969 = arith.index_cast %get3A_964 : i32 to index
        %get3A_970 = arith.index_cast %add3A_963 : i32 to index
        %get3A_971 = tpu.vector_load %get3A_968[%get3A_969, %get3A_970] {strides = array<i32>} : memref<2x8192xf32, #tpu.memory_space<vmem>>, vector<1x16xf32>,
        %get3A_972 = vector.shape_cast %get3A_971 : vector<1x16xf32> to vector<16xf32>
        %exp3A_973 = math.exp %get3A_972 : vector<16xf32>
        %add3A_974 = arith.addf %add3A_961, %exp3A_973 : vector<16xf32>
        %add3A_975 = arith.constant 112 : i32
        %add3A_976 = arith.addi %mul3A_884, %add3A_975 : i32
        %get3A_977 = arith.constant 0 : i32
        %get3A_978 = arith.constant 0 : i32
        %get3A_979 = arith.constant 0 : i32
        %get3A_980 = tpu.memref_slice %arg13[%scan3A_299, %get3A_978, %get3A_979] : memref<4x2x8192xf32, #tpu.memory_space<vmem>> -> memref<1x2x8192xf32, #tpu.memory_space<vmem>>
        %get3A_981 = tpu.memref_squeeze %get3A_980 : memref<1x2x8192xf32, #tpu.memory_space<vmem>> -> memref<2x8192xf32, #tpu.memory_space<vmem>>
        %get3A_982 = arith.index_cast %get3A_977 : i32 to index
        %get3A_983 = arith.index_cast %add3A_976 : i32 to index
        %get3A_984 = tpu.vector_load %get3A_981[%get3A_982, %get3A_983] {strides = array<i32>} : memref<2x8192xf32, #tpu.memory_space<vmem>>, vector<1x16xf32>,
        %get3A_985 = vector.shape_cast %get3A_984 : vector<1x16xf32> to vector<16xf32>
        %exp3A_986 = math.exp %get3A_985 : vector<16xf32>
        %add3A_987 = arith.addf %add3A_974, %exp3A_986 : vector<16xf32>
        %add3A_988 = arith.constant 128 : i32
        %add3A_989 = arith.addi %mul3A_884, %add3A_988 : i32
        %get3A_990 = arith.constant 0 : i32
        %get3A_991 = arith.constant 0 : i32
        %get3A_992 = arith.constant 0 : i32
        %get3A_993 = tpu.memref_slice %arg13[%scan3A_299, %get3A_991, %get3A_992] : memref<4x2x8192xf32, #tpu.memory_space<vmem>> -> memref<1x2x8192xf32, #tpu.memory_space<vmem>>
        %get3A_994 = tpu.memref_squeeze %get3A_993 : memref<1x2x8192xf32, #tpu.memory_space<vmem>> -> memref<2x8192xf32, #tpu.memory_space<vmem>>
        %get3A_995 = arith.index_cast %get3A_990 : i32 to index
        %get3A_996 = arith.index_cast %add3A_989 : i32 to index
        %get3A_997 = tpu.vector_load %get3A_994[%get3A_995, %get3A_996] {strides = array<i32>} : memref<2x8192xf32, #tpu.memory_space<vmem>>, vector<1x16xf32>,
        %get3A_998 = vector.shape_cast %get3A_997 : vector<1x16xf32> to vector<16xf32>
        %exp3A_999 = math.exp %get3A_998 : vector<16xf32>
        %add3A_1000 = arith.addf %add3A_987, %exp3A_999 : vector<16xf32>
        %add3A_1001 = arith.constant 144 : i32
        %add3A_1002 = arith.addi %mul3A_884, %add3A_1001 : i32
        %get3A_1003 = arith.constant 0 : i32
        %get3A_1004 = arith.constant 0 : i32
        %get3A_1005 = arith.constant 0 : i32
        %get3A_1006 = tpu.memref_slice %arg13[%scan3A_299, %get3A_1004, %get3A_1005] : memref<4x2x8192xf32, #tpu.memory_space<vmem>> -> memref<1x2x8192xf32, #tpu.memory_space<vmem>>
        %get3A_1007 = tpu.memref_squeeze %get3A_1006 : memref<1x2x8192xf32, #tpu.memory_space<vmem>> -> memref<2x8192xf32, #tpu.memory_space<vmem>>
        %get3A_1008 = arith.index_cast %get3A_1003 : i32 to index
        %get3A_1009 = arith.index_cast %add3A_1002 : i32 to index
        %get3A_1010 = tpu.vector_load %get3A_1007[%get3A_1008, %get3A_1009] {strides = array<i32>} : memref<2x8192xf32, #tpu.memory_space<vmem>>, vector<1x16xf32>,
        %get3A_1011 = vector.shape_cast %get3A_1010 : vector<1x16xf32> to vector<16xf32>
        %exp3A_1012 = math.exp %get3A_1011 : vector<16xf32>
        %add3A_1013 = arith.addf %add3A_1000, %exp3A_1012 : vector<16xf32>
        %add3A_1014 = arith.constant 160 : i32
        %add3A_1015 = arith.addi %mul3A_884, %add3A_1014 : i32
        %get3A_1016 = arith.constant 0 : i32
        %get3A_1017 = arith.constant 0 : i32
        %get3A_1018 = arith.constant 0 : i32
        %get3A_1019 = tpu.memref_slice %arg13[%scan3A_299, %get3A_1017, %get3A_1018] : memref<4x2x8192xf32, #tpu.memory_space<vmem>> -> memref<1x2x8192xf32, #tpu.memory_space<vmem>>
        %get3A_1020 = tpu.memref_squeeze %get3A_1019 : memref<1x2x8192xf32, #tpu.memory_space<vmem>> -> memref<2x8192xf32, #tpu.memory_space<vmem>>
        %get3A_1021 = arith.index_cast %get3A_1016 : i32 to index
        %get3A_1022 = arith.index_cast %add3A_1015 : i32 to index
        %get3A_1023 = tpu.vector_load %get3A_1020[%get3A_1021, %get3A_1022] {strides = array<i32>} : memref<2x8192xf32, #tpu.memory_space<vmem>>, vector<1x16xf32>,
        %get3A_1024 = vector.shape_cast %get3A_1023 : vector<1x16xf32> to vector<16xf32>
        %exp3A_1025 = math.exp %get3A_1024 : vector<16xf32>
        %add3A_1026 = arith.addf %add3A_1013, %exp3A_1025 : vector<16xf32>
        %add3A_1027 = arith.constant 176 : i32
        %add3A_1028 = arith.addi %mul3A_884, %add3A_1027 : i32
        %get3A_1029 = arith.constant 0 : i32
        %get3A_1030 = arith.constant 0 : i32
        %get3A_1031 = arith.constant 0 : i32
        %get3A_1032 = tpu.memref_slice %arg13[%scan3A_299, %get3A_1030, %get3A_1031] : memref<4x2x8192xf32, #tpu.memory_space<vmem>> -> memref<1x2x8192xf32, #tpu.memory_space<vmem>>
        %get3A_1033 = tpu.memref_squeeze %get3A_1032 : memref<1x2x8192xf32, #tpu.memory_space<vmem>> -> memref<2x8192xf32, #tpu.memory_space<vmem>>
        %get3A_1034 = arith.index_cast %get3A_1029 : i32 to index
        %get3A_1035 = arith.index_cast %add3A_1028 : i32 to index
        %get3A_1036 = tpu.vector_load %get3A_1033[%get3A_1034, %get3A_1035] {strides = array<i32>} : memref<2x8192xf32, #tpu.memory_space<vmem>>, vector<1x16xf32>,
        %get3A_1037 = vector.shape_cast %get3A_1036 : vector<1x16xf32> to vector<16xf32>
        %exp3A_1038 = math.exp %get3A_1037 : vector<16xf32>
        %add3A_1039 = arith.addf %add3A_1026, %exp3A_1038 : vector<16xf32>
        %add3A_1040 = arith.constant 192 : i32
        %add3A_1041 = arith.addi %mul3A_884, %add3A_1040 : i32
        %get3A_1042 = arith.constant 0 : i32
        %get3A_1043 = arith.constant 0 : i32
        %get3A_1044 = arith.constant 0 : i32
        %get3A_1045 = tpu.memref_slice %arg13[%scan3A_299, %get3A_1043, %get3A_1044] : memref<4x2x8192xf32, #tpu.memory_space<vmem>> -> memref<1x2x8192xf32, #tpu.memory_space<vmem>>
        %get3A_1046 = tpu.memref_squeeze %get3A_1045 : memref<1x2x8192xf32, #tpu.memory_space<vmem>> -> memref<2x8192xf32, #tpu.memory_space<vmem>>
        %get3A_1047 = arith.index_cast %get3A_1042 : i32 to index
        %get3A_1048 = arith.index_cast %add3A_1041 : i32 to index
        %get3A_1049 = tpu.vector_load %get3A_1046[%get3A_1047, %get3A_1048] {strides = array<i32>} : memref<2x8192xf32, #tpu.memory_space<vmem>>, vector<1x16xf32>,
        %get3A_1050 = vector.shape_cast %get3A_1049 : vector<1x16xf32> to vector<16xf32>
        %exp3A_1051 = math.exp %get3A_1050 : vector<16xf32>
        %add3A_1052 = arith.addf %add3A_1039, %exp3A_1051 : vector<16xf32>
        %add3A_1053 = arith.constant 208 : i32
        %add3A_1054 = arith.addi %mul3A_884, %add3A_1053 : i32
        %get3A_1055 = arith.constant 0 : i32
        %get3A_1056 = arith.constant 0 : i32
        %get3A_1057 = arith.constant 0 : i32
        %get3A_1058 = tpu.memref_slice %arg13[%scan3A_299, %get3A_1056, %get3A_1057] : memref<4x2x8192xf32, #tpu.memory_space<vmem>> -> memref<1x2x8192xf32, #tpu.memory_space<vmem>>
        %get3A_1059 = tpu.memref_squeeze %get3A_1058 : memref<1x2x8192xf32, #tpu.memory_space<vmem>> -> memref<2x8192xf32, #tpu.memory_space<vmem>>
        %get3A_1060 = arith.index_cast %get3A_1055 : i32 to index
        %get3A_1061 = arith.index_cast %add3A_1054 : i32 to index
        %get3A_1062 = tpu.vector_load %get3A_1059[%get3A_1060, %get3A_1061] {strides = array<i32>} : memref<2x8192xf32, #tpu.memory_space<vmem>>, vector<1x16xf32>,
        %get3A_1063 = vector.shape_cast %get3A_1062 : vector<1x16xf32> to vector<16xf32>
        %exp3A_1064 = math.exp %get3A_1063 : vector<16xf32>
        %add3A_1065 = arith.addf %add3A_1052, %exp3A_1064 : vector<16xf32>
        %add3A_1066 = arith.constant 224 : i32
        %add3A_1067 = arith.addi %mul3A_884, %add3A_1066 : i32
        %get3A_1068 = arith.constant 0 : i32
        %get3A_1069 = arith.constant 0 : i32
        %get3A_1070 = arith.constant 0 : i32
        %get3A_1071 = tpu.memref_slice %arg13[%scan3A_299, %get3A_1069, %get3A_1070] : memref<4x2x8192xf32, #tpu.memory_space<vmem>> -> memref<1x2x8192xf32, #tpu.memory_space<vmem>>
        %get3A_1072 = tpu.memref_squeeze %get3A_1071 : memref<1x2x8192xf32, #tpu.memory_space<vmem>> -> memref<2x8192xf32, #tpu.memory_space<vmem>>
        %get3A_1073 = arith.index_cast %get3A_1068 : i32 to index
        %get3A_1074 = arith.index_cast %add3A_1067 : i32 to index
        %get3A_1075 = tpu.vector_load %get3A_1072[%get3A_1073, %get3A_1074] {strides = array<i32>} : memref<2x8192xf32, #tpu.memory_space<vmem>>, vector<1x16xf32>,
        %get3A_1076 = vector.shape_cast %get3A_1075 : vector<1x16xf32> to vector<16xf32>
        %exp3A_1077 = math.exp %get3A_1076 : vector<16xf32>
        %add3A_1078 = arith.addf %add3A_1065, %exp3A_1077 : vector<16xf32>
        %add3A_1079 = arith.constant 240 : i32
        %add3A_1080 = arith.addi %mul3A_884, %add3A_1079 : i32
        %get3A_1081 = arith.constant 0 : i32
        %get3A_1082 = arith.constant 0 : i32
        %get3A_1083 = arith.constant 0 : i32
        %get3A_1084 = tpu.memref_slice %arg13[%scan3A_299, %get3A_1082, %get3A_1083] : memref<4x2x8192xf32, #tpu.memory_space<vmem>> -> memref<1x2x8192xf32, #tpu.memory_space<vmem>>
        %get3A_1085 = tpu.memref_squeeze %get3A_1084 : memref<1x2x8192xf32, #tpu.memory_space<vmem>> -> memref<2x8192xf32, #tpu.memory_space<vmem>>
        %get3A_1086 = arith.index_cast %get3A_1081 : i32 to index
        %get3A_1087 = arith.index_cast %add3A_1080 : i32 to index
        %get3A_1088 = tpu.vector_load %get3A_1085[%get3A_1086, %get3A_1087] {strides = array<i32>} : memref<2x8192xf32, #tpu.memory_space<vmem>>, vector<1x16xf32>,
        %get3A_1089 = vector.shape_cast %get3A_1088 : vector<1x16xf32> to vector<16xf32>
        %exp3A_1090 = math.exp %get3A_1089 : vector<16xf32>
        %add3A_1091 = arith.addf %add3A_1078, %exp3A_1090 : vector<16xf32>
        scf.yield %add3A_1091 : vector<16xf32>
      }
      %scan3A_305 = arith.constant 32 : i32
      %swap3A_306 = arith.index_cast %add3A_296 : i32 to index
      %swap3A_307 = arith.constant 0 : index
      %swap3A_308 = tpu.vector_load %arg11[%swap3A_306, %swap3A_307] {strides = array<i32>} : memref<128x16xf32, #tpu.memory_space<vmem>>, vector<1x16xf32>,
      %swap3A_309 = vector.shape_cast %swap3A_308 : vector<1x16xf32> to vector<16xf32>
      %swap3A_310 = vector.shape_cast %scan3A_304 : vector<16xf32> to vector<1x16xf32>
      tpu.vector_store %arg11[%swap3A_306, %swap3A_307], %swap3A_310 {strides = array<i32>} : memref<128x16xf32, #tpu.memory_space<vmem>>, vector<1x16xf32>,
      %get3A_311 = arith.index_cast %add3A_296 : i32 to index
      %get3A_312 = memref.load %arg10[%get3A_311] : memref<128xi32, #tpu.memory_space<smem>>
      %jit3A_313 = arith.constant 16 : i32
      %div3A_314 = arith.divsi %get3A_312, %jit3A_313 : i32
      %sign3A_315 = arith.constant 0 : i32
      %sign3A_316 = arith.cmpi sgt, %get3A_312, %sign3A_315 : i32
      %sign3A_317 = arith.extui %sign3A_316 : i1 to i32
      %sign3A_318 = arith.constant 0 : i32
      %sign3A_319 = arith.cmpi slt, %get3A_312, %sign3A_318 : i32
      %sign3A_320 = arith.extui %sign3A_319 : i1 to i32
      %sign3A_321 = arith.subi %sign3A_317, %sign3A_320 : i32
      %sign3A_322 = arith.constant 0 : i32
      %sign3A_323 = arith.cmpi sgt, %jit3A_313, %sign3A_322 : i32
      %sign3A_324 = arith.extui %sign3A_323 : i1 to i32
      %sign3A_325 = arith.constant 0 : i32
      %sign3A_326 = arith.cmpi slt, %jit3A_313, %sign3A_325 : i32
      %sign3A_327 = arith.extui %sign3A_326 : i1 to i32
      %sign3A_328 = arith.subi %sign3A_324, %sign3A_327 : i32
      %ne3A_329 = arith.cmpi ne, %sign3A_321, %sign3A_328 : i32
      %rem3A_330 = arith.remsi %get3A_312, %jit3A_313 : i32
      %ne3A_331 = arith.constant 0 : i32
      %ne3A_332 = arith.cmpi ne, %rem3A_330, %ne3A_331 : i32
      %and3A_333 = arith.andi %ne3A_329, %ne3A_332 : i1
      %sub3A_334 = arith.constant 1 : i32
      %sub3A_335 = arith.subi %div3A_314, %sub3A_334 : i32
      %select_n3A_336 = arith.select %and3A_333, %sub3A_335, %div3A_314 : i32
      %mul3A_337 = arith.constant 16 : i32
      %mul3A_338 = arith.muli %select_n3A_336, %mul3A_337 : i32
      %multiple_of3A_339 = tpu.assume_multiple %mul3A_338, 16 : i32
      %get3A_340 = arith.constant 1 : i32
      %get3A_341 = arith.constant 0 : i32
      %get3A_342 = arith.constant 0 : i32
      %get3A_343 = arith.constant 0 : i32
      %get3A_344 = tpu.memref_slice %arg13[%get3A_340, %get3A_342, %get3A_343] : memref<4x2x8192xf32, #tpu.memory_space<vmem>> -> memref<1x2x8192xf32, #tpu.memory_space<vmem>>
      %get3A_345 = tpu.memref_squeeze %get3A_344 : memref<1x2x8192xf32, #tpu.memory_space<vmem>> -> memref<2x8192xf32, #tpu.memory_space<vmem>>
      %get3A_346 = arith.index_cast %get3A_341 : i32 to index
      %get3A_347 = arith.index_cast %multiple_of3A_339 : i32 to index
      %get3A_348 = tpu.vector_load %get3A_345[%get3A_346, %get3A_347] {strides = array<i32>} : memref<2x8192xf32, #tpu.memory_space<vmem>>, vector<1x16xf32>,
      %get3A_349 = vector.shape_cast %get3A_348 : vector<1x16xf32> to vector<16xf32>
      %jit3A_350 = arith.constant 16 : i32
      %eq3A_351 = arith.constant 0 : i32
      %eq3A_352 = arith.cmpi eq, %jit3A_350, %eq3A_351 : i32
      %jit3A_353 = arith.constant 1 : i32
      %select_n3A_354 = arith.select %eq3A_352, %jit3A_353, %jit3A_350 : i32
      %rem3A_355 = arith.remsi %get3A_312, %select_n3A_354 : i32
      %ne3A_356 = arith.constant 0 : i32
      %ne3A_357 = arith.cmpi ne, %rem3A_355, %ne3A_356 : i32
      %lt3A_358 = arith.constant 0 : i32
      %lt3A_359 = arith.cmpi slt, %rem3A_355, %lt3A_358 : i32
      %lt3A_360 = arith.constant 0 : i32
      %lt3A_361 = arith.cmpi slt, %select_n3A_354, %lt3A_360 : i32
      %ne3A_362 = arith.xori %lt3A_359, %lt3A_361 : i1
      %and3A_363 = arith.andi %ne3A_362, %ne3A_357 : i1
      %add3A_364 = arith.addi %rem3A_355, %select_n3A_354 : i32
      %select_n3A_365 = arith.select %and3A_363, %add3A_364, %rem3A_355 : i32
      %eq3A_366 = vector.broadcast %select_n3A_365 : i32 to vector<16xi32>
      %eq3A_367 = arith.cmpi eq, %iota3A, %eq3A_366 : vector<16xi32>
      %jit3A_368 = arith.constant 0.000000e+00 : f32
      %broadcast_in_dim3A_369 = vector.broadcast %jit3A_368 : f32 to vector<16xf32>
      %select_n3A_370 = arith.select %eq3A_367, %get3A_349, %broadcast_in_dim3A_369 : vector<16xi1>, vector<16xf32>
      %swap3A_371 = arith.index_cast %add3A_296 : i32 to index
      %swap3A_372 = arith.constant 0 : index
      %swap3A_373 = tpu.vector_load %arg12[%swap3A_371, %swap3A_372] {strides = array<i32>} : memref<128x16xf32, #tpu.memory_space<vmem>>, vector<1x16xf32>,
      %swap3A_374 = vector.shape_cast %swap3A_373 : vector<1x16xf32> to vector<16xf32>
      %swap3A_375 = vector.shape_cast %select_n3A_370 : vector<16xf32> to vector<1x16xf32>
      tpu.vector_store %arg12[%swap3A_371, %swap3A_372], %swap3A_375 {strides = array<i32>} : memref<128x16xf32, #tpu.memory_space<vmem>>, vector<1x16xf32>,
      %mul3A_376 = arith.constant 2 : i32
      %mul3A_377 = arith.muli %add3A_273, %mul3A_376 : i32
      %add3A_378 = arith.constant 1 : i32
      %add3A_379 = arith.addi %mul3A_377, %add3A_378 : i32
      %broadcast_in_dim3A_380 = arith.constant 0.000000e+00 : f32
      %broadcast_in_dim3A_381 = vector.broadcast %broadcast_in_dim3A_380 : f32 to vector<16xf32>
      %scan3A_382 = arith.constant 1 : i32
      %scan3A_383 = arith.constant 0 : i32
      %scan3A_384 = arith.constant 32 : i32
      %scan3A_385 = arith.addi %scan3A_383, %scan3A_384 : i32
      %scan3A_386 = arith.constant 1 : i32
      %scan3A_387 = scf.for %scan3A_881 = %scan3A_383 to %scan3A_385 step %scan3A_386 iter_args(%scan3A_882 = %broadcast_in_dim3A_381) -> (vector<16xf32>)  : i32 {
        %mul3A_883 = arith.constant 256 : i32
        %mul3A_884 = arith.muli %scan3A_881, %mul3A_883 : i32
        %add3A_885 = arith.constant 0 : i32
        %add3A_886 = arith.addi %mul3A_884, %add3A_885 : i32
        %get3A_887 = arith.constant 1 : i32
        %get3A_888 = arith.constant 0 : i32
        %get3A_889 = arith.constant 0 : i32
        %get3A_890 = tpu.memref_slice %arg13[%scan3A_382, %get3A_888, %get3A_889] : memref<4x2x8192xf32, #tpu.memory_space<vmem>> -> memref<1x2x8192xf32, #tpu.memory_space<vmem>>
        %get3A_891 = tpu.memref_squeeze %get3A_890 : memref<1x2x8192xf32, #tpu.memory_space<vmem>> -> memref<2x8192xf32, #tpu.memory_space<vmem>>
        %get3A_892 = arith.index_cast %get3A_887 : i32 to index
        %get3A_893 = arith.index_cast %add3A_886 : i32 to index
        %get3A_894 = tpu.vector_load %get3A_891[%get3A_892, %get3A_893] {strides = array<i32>} : memref<2x8192xf32, #tpu.memory_space<vmem>>, vector<1x16xf32>,
        %get3A_895 = vector.shape_cast %get3A_894 : vector<1x16xf32> to vector<16xf32>
        %exp3A = math.exp %get3A_895 : vector<16xf32>
        %add3A_896 = arith.addf %scan3A_882, %exp3A : vector<16xf32>
        %add3A_897 = arith.constant 16 : i32
        %add3A_898 = arith.addi %mul3A_884, %add3A_897 : i32
        %get3A_899 = arith.constant 1 : i32
        %get3A_900 = arith.constant 0 : i32
        %get3A_901 = arith.constant 0 : i32
        %get3A_902 = tpu.memref_slice %arg13[%scan3A_382, %get3A_900, %get3A_901] : memref<4x2x8192xf32, #tpu.memory_space<vmem>> -> memref<1x2x8192xf32, #tpu.memory_space<vmem>>
        %get3A_903 = tpu.memref_squeeze %get3A_902 : memref<1x2x8192xf32, #tpu.memory_space<vmem>> -> memref<2x8192xf32, #tpu.memory_space<vmem>>
        %get3A_904 = arith.index_cast %get3A_899 : i32 to index
        %get3A_905 = arith.index_cast %add3A_898 : i32 to index
        %get3A_906 = tpu.vector_load %get3A_903[%get3A_904, %get3A_905] {strides = array<i32>} : memref<2x8192xf32, #tpu.memory_space<vmem>>, vector<1x16xf32>,
        %get3A_907 = vector.shape_cast %get3A_906 : vector<1x16xf32> to vector<16xf32>
        %exp3A_908 = math.exp %get3A_907 : vector<16xf32>
        %add3A_909 = arith.addf %add3A_896, %exp3A_908 : vector<16xf32>
        %add3A_910 = arith.constant 32 : i32
        %add3A_911 = arith.addi %mul3A_884, %add3A_910 : i32
        %get3A_912 = arith.constant 1 : i32
        %get3A_913 = arith.constant 0 : i32
        %get3A_914 = arith.constant 0 : i32
        %get3A_915 = tpu.memref_slice %arg13[%scan3A_382, %get3A_913, %get3A_914] : memref<4x2x8192xf32, #tpu.memory_space<vmem>> -> memref<1x2x8192xf32, #tpu.memory_space<vmem>>
        %get3A_916 = tpu.memref_squeeze %get3A_915 : memref<1x2x8192xf32, #tpu.memory_space<vmem>> -> memref<2x8192xf32, #tpu.memory_space<vmem>>
        %get3A_917 = arith.index_cast %get3A_912 : i32 to index
        %get3A_918 = arith.index_cast %add3A_911 : i32 to index
        %get3A_919 = tpu.vector_load %get3A_916[%get3A_917, %get3A_918] {strides = array<i32>} : memref<2x8192xf32, #tpu.memory_space<vmem>>, vector<1x16xf32>,
        %get3A_920 = vector.shape_cast %get3A_919 : vector<1x16xf32> to vector<16xf32>
        %exp3A_921 = math.exp %get3A_920 : vector<16xf32>
        %add3A_922 = arith.addf %add3A_909, %exp3A_921 : vector<16xf32>
        %add3A_923 = arith.constant 48 : i32
        %add3A_924 = arith.addi %mul3A_884, %add3A_923 : i32
        %get3A_925 = arith.constant 1 : i32
        %get3A_926 = arith.constant 0 : i32
        %get3A_927 = arith.constant 0 : i32
        %get3A_928 = tpu.memref_slice %arg13[%scan3A_382, %get3A_926, %get3A_927] : memref<4x2x8192xf32, #tpu.memory_space<vmem>> -> memref<1x2x8192xf32, #tpu.memory_space<vmem>>
        %get3A_929 = tpu.memref_squeeze %get3A_928 : memref<1x2x8192xf32, #tpu.memory_space<vmem>> -> memref<2x8192xf32, #tpu.memory_space<vmem>>
        %get3A_930 = arith.index_cast %get3A_925 : i32 to index
        %get3A_931 = arith.index_cast %add3A_924 : i32 to index
        %get3A_932 = tpu.vector_load %get3A_929[%get3A_930, %get3A_931] {strides = array<i32>} : memref<2x8192xf32, #tpu.memory_space<vmem>>, vector<1x16xf32>,
        %get3A_933 = vector.shape_cast %get3A_932 : vector<1x16xf32> to vector<16xf32>
        %exp3A_934 = math.exp %get3A_933 : vector<16xf32>
        %add3A_935 = arith.addf %add3A_922, %exp3A_934 : vector<16xf32>
        %add3A_936 = arith.constant 64 : i32
        %add3A_937 = arith.addi %mul3A_884, %add3A_936 : i32
        %get3A_938 = arith.constant 1 : i32
        %get3A_939 = arith.constant 0 : i32
        %get3A_940 = arith.constant 0 : i32
        %get3A_941 = tpu.memref_slice %arg13[%scan3A_382, %get3A_939, %get3A_940] : memref<4x2x8192xf32, #tpu.memory_space<vmem>> -> memref<1x2x8192xf32, #tpu.memory_space<vmem>>
        %get3A_942 = tpu.memref_squeeze %get3A_941 : memref<1x2x8192xf32, #tpu.memory_space<vmem>> -> memref<2x8192xf32, #tpu.memory_space<vmem>>
        %get3A_943 = arith.index_cast %get3A_938 : i32 to index
        %get3A_944 = arith.index_cast %add3A_937 : i32 to index
        %get3A_945 = tpu.vector_load %get3A_942[%get3A_943, %get3A_944] {strides = array<i32>} : memref<2x8192xf32, #tpu.memory_space<vmem>>, vector<1x16xf32>,
        %get3A_946 = vector.shape_cast %get3A_945 : vector<1x16xf32> to vector<16xf32>
        %exp3A_947 = math.exp %get3A_946 : vector<16xf32>
        %add3A_948 = arith.addf %add3A_935, %exp3A_947 : vector<16xf32>
        %add3A_949 = arith.constant 80 : i32
        %add3A_950 = arith.addi %mul3A_884, %add3A_949 : i32
        %get3A_951 = arith.constant 1 : i32
        %get3A_952 = arith.constant 0 : i32
        %get3A_953 = arith.constant 0 : i32
        %get3A_954 = tpu.memref_slice %arg13[%scan3A_382, %get3A_952, %get3A_953] : memref<4x2x8192xf32, #tpu.memory_space<vmem>> -> memref<1x2x8192xf32, #tpu.memory_space<vmem>>
        %get3A_955 = tpu.memref_squeeze %get3A_954 : memref<1x2x8192xf32, #tpu.memory_space<vmem>> -> memref<2x8192xf32, #tpu.memory_space<vmem>>
        %get3A_956 = arith.index_cast %get3A_951 : i32 to index
        %get3A_957 = arith.index_cast %add3A_950 : i32 to index
        %get3A_958 = tpu.vector_load %get3A_955[%get3A_956, %get3A_957] {strides = array<i32>} : memref<2x8192xf32, #tpu.memory_space<vmem>>, vector<1x16xf32>,
        %get3A_959 = vector.shape_cast %get3A_958 : vector<1x16xf32> to vector<16xf32>
        %exp3A_960 = math.exp %get3A_959 : vector<16xf32>
        %add3A_961 = arith.addf %add3A_948, %exp3A_960 : vector<16xf32>
        %add3A_962 = arith.constant 96 : i32
        %add3A_963 = arith.addi %mul3A_884, %add3A_962 : i32
        %get3A_964 = arith.constant 1 : i32
        %get3A_965 = arith.constant 0 : i32
        %get3A_966 = arith.constant 0 : i32
        %get3A_967 = tpu.memref_slice %arg13[%scan3A_382, %get3A_965, %get3A_966] : memref<4x2x8192xf32, #tpu.memory_space<vmem>> -> memref<1x2x8192xf32, #tpu.memory_space<vmem>>
        %get3A_968 = tpu.memref_squeeze %get3A_967 : memref<1x2x8192xf32, #tpu.memory_space<vmem>> -> memref<2x8192xf32, #tpu.memory_space<vmem>>
        %get3A_969 = arith.index_cast %get3A_964 : i32 to index
        %get3A_970 = arith.index_cast %add3A_963 : i32 to index
        %get3A_971 = tpu.vector_load %get3A_968[%get3A_969, %get3A_970] {strides = array<i32>} : memref<2x8192xf32, #tpu.memory_space<vmem>>, vector<1x16xf32>,
        %get3A_972 = vector.shape_cast %get3A_971 : vector<1x16xf32> to vector<16xf32>
        %exp3A_973 = math.exp %get3A_972 : vector<16xf32>
        %add3A_974 = arith.addf %add3A_961, %exp3A_973 : vector<16xf32>
        %add3A_975 = arith.constant 112 : i32
        %add3A_976 = arith.addi %mul3A_884, %add3A_975 : i32
        %get3A_977 = arith.constant 1 : i32
        %get3A_978 = arith.constant 0 : i32
        %get3A_979 = arith.constant 0 : i32
        %get3A_980 = tpu.memref_slice %arg13[%scan3A_382, %get3A_978, %get3A_979] : memref<4x2x8192xf32, #tpu.memory_space<vmem>> -> memref<1x2x8192xf32, #tpu.memory_space<vmem>>
        %get3A_981 = tpu.memref_squeeze %get3A_980 : memref<1x2x8192xf32, #tpu.memory_space<vmem>> -> memref<2x8192xf32, #tpu.memory_space<vmem>>
        %get3A_982 = arith.index_cast %get3A_977 : i32 to index
        %get3A_983 = arith.index_cast %add3A_976 : i32 to index
        %get3A_984 = tpu.vector_load %get3A_981[%get3A_982, %get3A_983] {strides = array<i32>} : memref<2x8192xf32, #tpu.memory_space<vmem>>, vector<1x16xf32>,
        %get3A_985 = vector.shape_cast %get3A_984 : vector<1x16xf32> to vector<16xf32>
        %exp3A_986 = math.exp %get3A_985 : vector<16xf32>
        %add3A_987 = arith.addf %add3A_974, %exp3A_986 : vector<16xf32>
        %add3A_988 = arith.constant 128 : i32
        %add3A_989 = arith.addi %mul3A_884, %add3A_988 : i32
        %get3A_990 = arith.constant 1 : i32
        %get3A_991 = arith.constant 0 : i32
        %get3A_992 = arith.constant 0 : i32
        %get3A_993 = tpu.memref_slice %arg13[%scan3A_382, %get3A_991, %get3A_992] : memref<4x2x8192xf32, #tpu.memory_space<vmem>> -> memref<1x2x8192xf32, #tpu.memory_space<vmem>>
        %get3A_994 = tpu.memref_squeeze %get3A_993 : memref<1x2x8192xf32, #tpu.memory_space<vmem>> -> memref<2x8192xf32, #tpu.memory_space<vmem>>
        %get3A_995 = arith.index_cast %get3A_990 : i32 to index
        %get3A_996 = arith.index_cast %add3A_989 : i32 to index
        %get3A_997 = tpu.vector_load %get3A_994[%get3A_995, %get3A_996] {strides = array<i32>} : memref<2x8192xf32, #tpu.memory_space<vmem>>, vector<1x16xf32>,
        %get3A_998 = vector.shape_cast %get3A_997 : vector<1x16xf32> to vector<16xf32>
        %exp3A_999 = math.exp %get3A_998 : vector<16xf32>
        %add3A_1000 = arith.addf %add3A_987, %exp3A_999 : vector<16xf32>
        %add3A_1001 = arith.constant 144 : i32
        %add3A_1002 = arith.addi %mul3A_884, %add3A_1001 : i32
        %get3A_1003 = arith.constant 1 : i32
        %get3A_1004 = arith.constant 0 : i32
        %get3A_1005 = arith.constant 0 : i32
        %get3A_1006 = tpu.memref_slice %arg13[%scan3A_382, %get3A_1004, %get3A_1005] : memref<4x2x8192xf32, #tpu.memory_space<vmem>> -> memref<1x2x8192xf32, #tpu.memory_space<vmem>>
        %get3A_1007 = tpu.memref_squeeze %get3A_1006 : memref<1x2x8192xf32, #tpu.memory_space<vmem>> -> memref<2x8192xf32, #tpu.memory_space<vmem>>
        %get3A_1008 = arith.index_cast %get3A_1003 : i32 to index
        %get3A_1009 = arith.index_cast %add3A_1002 : i32 to index
        %get3A_1010 = tpu.vector_load %get3A_1007[%get3A_1008, %get3A_1009] {strides = array<i32>} : memref<2x8192xf32, #tpu.memory_space<vmem>>, vector<1x16xf32>,
        %get3A_1011 = vector.shape_cast %get3A_1010 : vector<1x16xf32> to vector<16xf32>
        %exp3A_1012 = math.exp %get3A_1011 : vector<16xf32>
        %add3A_1013 = arith.addf %add3A_1000, %exp3A_1012 : vector<16xf32>
        %add3A_1014 = arith.constant 160 : i32
        %add3A_1015 = arith.addi %mul3A_884, %add3A_1014 : i32
        %get3A_1016 = arith.constant 1 : i32
        %get3A_1017 = arith.constant 0 : i32
        %get3A_1018 = arith.constant 0 : i32
        %get3A_1019 = tpu.memref_slice %arg13[%scan3A_382, %get3A_1017, %get3A_1018] : memref<4x2x8192xf32, #tpu.memory_space<vmem>> -> memref<1x2x8192xf32, #tpu.memory_space<vmem>>
        %get3A_1020 = tpu.memref_squeeze %get3A_1019 : memref<1x2x8192xf32, #tpu.memory_space<vmem>> -> memref<2x8192xf32, #tpu.memory_space<vmem>>
        %get3A_1021 = arith.index_cast %get3A_1016 : i32 to index
        %get3A_1022 = arith.index_cast %add3A_1015 : i32 to index
        %get3A_1023 = tpu.vector_load %get3A_1020[%get3A_1021, %get3A_1022] {strides = array<i32>} : memref<2x8192xf32, #tpu.memory_space<vmem>>, vector<1x16xf32>,
        %get3A_1024 = vector.shape_cast %get3A_1023 : vector<1x16xf32> to vector<16xf32>
        %exp3A_1025 = math.exp %get3A_1024 : vector<16xf32>
        %add3A_1026 = arith.addf %add3A_1013, %exp3A_1025 : vector<16xf32>
        %add3A_1027 = arith.constant 176 : i32
        %add3A_1028 = arith.addi %mul3A_884, %add3A_1027 : i32
        %get3A_1029 = arith.constant 1 : i32
        %get3A_1030 = arith.constant 0 : i32
        %get3A_1031 = arith.constant 0 : i32
        %get3A_1032 = tpu.memref_slice %arg13[%scan3A_382, %get3A_1030, %get3A_1031] : memref<4x2x8192xf32, #tpu.memory_space<vmem>> -> memref<1x2x8192xf32, #tpu.memory_space<vmem>>
        %get3A_1033 = tpu.memref_squeeze %get3A_1032 : memref<1x2x8192xf32, #tpu.memory_space<vmem>> -> memref<2x8192xf32, #tpu.memory_space<vmem>>
        %get3A_1034 = arith.index_cast %get3A_1029 : i32 to index
        %get3A_1035 = arith.index_cast %add3A_1028 : i32 to index
        %get3A_1036 = tpu.vector_load %get3A_1033[%get3A_1034, %get3A_1035] {strides = array<i32>} : memref<2x8192xf32, #tpu.memory_space<vmem>>, vector<1x16xf32>,
        %get3A_1037 = vector.shape_cast %get3A_1036 : vector<1x16xf32> to vector<16xf32>
        %exp3A_1038 = math.exp %get3A_1037 : vector<16xf32>
        %add3A_1039 = arith.addf %add3A_1026, %exp3A_1038 : vector<16xf32>
        %add3A_1040 = arith.constant 192 : i32
        %add3A_1041 = arith.addi %mul3A_884, %add3A_1040 : i32
        %get3A_1042 = arith.constant 1 : i32
        %get3A_1043 = arith.constant 0 : i32
        %get3A_1044 = arith.constant 0 : i32
        %get3A_1045 = tpu.memref_slice %arg13[%scan3A_382, %get3A_1043, %get3A_1044] : memref<4x2x8192xf32, #tpu.memory_space<vmem>> -> memref<1x2x8192xf32, #tpu.memory_space<vmem>>
        %get3A_1046 = tpu.memref_squeeze %get3A_1045 : memref<1x2x8192xf32, #tpu.memory_space<vmem>> -> memref<2x8192xf32, #tpu.memory_space<vmem>>
        %get3A_1047 = arith.index_cast %get3A_1042 : i32 to index
        %get3A_1048 = arith.index_cast %add3A_1041 : i32 to index
        %get3A_1049 = tpu.vector_load %get3A_1046[%get3A_1047, %get3A_1048] {strides = array<i32>} : memref<2x8192xf32, #tpu.memory_space<vmem>>, vector<1x16xf32>,
        %get3A_1050 = vector.shape_cast %get3A_1049 : vector<1x16xf32> to vector<16xf32>
        %exp3A_1051 = math.exp %get3A_1050 : vector<16xf32>
        %add3A_1052 = arith.addf %add3A_1039, %exp3A_1051 : vector<16xf32>
        %add3A_1053 = arith.constant 208 : i32
        %add3A_1054 = arith.addi %mul3A_884, %add3A_1053 : i32
        %get3A_1055 = arith.constant 1 : i32
        %get3A_1056 = arith.constant 0 : i32
        %get3A_1057 = arith.constant 0 : i32
        %get3A_1058 = tpu.memref_slice %arg13[%scan3A_382, %get3A_1056, %get3A_1057] : memref<4x2x8192xf32, #tpu.memory_space<vmem>> -> memref<1x2x8192xf32, #tpu.memory_space<vmem>>
        %get3A_1059 = tpu.memref_squeeze %get3A_1058 : memref<1x2x8192xf32, #tpu.memory_space<vmem>> -> memref<2x8192xf32, #tpu.memory_space<vmem>>
        %get3A_1060 = arith.index_cast %get3A_1055 : i32 to index
        %get3A_1061 = arith.index_cast %add3A_1054 : i32 to index
        %get3A_1062 = tpu.vector_load %get3A_1059[%get3A_1060, %get3A_1061] {strides = array<i32>} : memref<2x8192xf32, #tpu.memory_space<vmem>>, vector<1x16xf32>,
        %get3A_1063 = vector.shape_cast %get3A_1062 : vector<1x16xf32> to vector<16xf32>
        %exp3A_1064 = math.exp %get3A_1063 : vector<16xf32>
        %add3A_1065 = arith.addf %add3A_1052, %exp3A_1064 : vector<16xf32>
        %add3A_1066 = arith.constant 224 : i32
        %add3A_1067 = arith.addi %mul3A_884, %add3A_1066 : i32
        %get3A_1068 = arith.constant 1 : i32
        %get3A_1069 = arith.constant 0 : i32
        %get3A_1070 = arith.constant 0 : i32
        %get3A_1071 = tpu.memref_slice %arg13[%scan3A_382, %get3A_1069, %get3A_1070] : memref<4x2x8192xf32, #tpu.memory_space<vmem>> -> memref<1x2x8192xf32, #tpu.memory_space<vmem>>
        %get3A_1072 = tpu.memref_squeeze %get3A_1071 : memref<1x2x8192xf32, #tpu.memory_space<vmem>> -> memref<2x8192xf32, #tpu.memory_space<vmem>>
        %get3A_1073 = arith.index_cast %get3A_1068 : i32 to index
        %get3A_1074 = arith.index_cast %add3A_1067 : i32 to index
        %get3A_1075 = tpu.vector_load %get3A_1072[%get3A_1073, %get3A_1074] {strides = array<i32>} : memref<2x8192xf32, #tpu.memory_space<vmem>>, vector<1x16xf32>,
        %get3A_1076 = vector.shape_cast %get3A_1075 : vector<1x16xf32> to vector<16xf32>
        %exp3A_1077 = math.exp %get3A_1076 : vector<16xf32>
        %add3A_1078 = arith.addf %add3A_1065, %exp3A_1077 : vector<16xf32>
        %add3A_1079 = arith.constant 240 : i32
        %add3A_1080 = arith.addi %mul3A_884, %add3A_1079 : i32
        %get3A_1081 = arith.constant 1 : i32
        %get3A_1082 = arith.constant 0 : i32
        %get3A_1083 = arith.constant 0 : i32
        %get3A_1084 = tpu.memref_slice %arg13[%scan3A_382, %get3A_1082, %get3A_1083] : memref<4x2x8192xf32, #tpu.memory_space<vmem>> -> memref<1x2x8192xf32, #tpu.memory_space<vmem>>
        %get3A_1085 = tpu.memref_squeeze %get3A_1084 : memref<1x2x8192xf32, #tpu.memory_space<vmem>> -> memref<2x8192xf32, #tpu.memory_space<vmem>>
        %get3A_1086 = arith.index_cast %get3A_1081 : i32 to index
        %get3A_1087 = arith.index_cast %add3A_1080 : i32 to index
        %get3A_1088 = tpu.vector_load %get3A_1085[%get3A_1086, %get3A_1087] {strides = array<i32>} : memref<2x8192xf32, #tpu.memory_space<vmem>>, vector<1x16xf32>,
        %get3A_1089 = vector.shape_cast %get3A_1088 : vector<1x16xf32> to vector<16xf32>
        %exp3A_1090 = math.exp %get3A_1089 : vector<16xf32>
        %add3A_1091 = arith.addf %add3A_1078, %exp3A_1090 : vector<16xf32>
        scf.yield %add3A_1091 : vector<16xf32>
      }
      %scan3A_388 = arith.constant 32 : i32
      %swap3A_389 = arith.index_cast %add3A_379 : i32 to index
      %swap3A_390 = arith.constant 0 : index
      %swap3A_391 = tpu.vector_load %arg11[%swap3A_389, %swap3A_390] {strides = array<i32>} : memref<128x16xf32, #tpu.memory_space<vmem>>, vector<1x16xf32>,
      %swap3A_392 = vector.shape_cast %swap3A_391 : vector<1x16xf32> to vector<16xf32>
      %swap3A_393 = vector.shape_cast %scan3A_387 : vector<16xf32> to vector<1x16xf32>
      tpu.vector_store %arg11[%swap3A_389, %swap3A_390], %swap3A_393 {strides = array<i32>} : memref<128x16xf32, #tpu.memory_space<vmem>>, vector<1x16xf32>,
      %get3A_394 = arith.index_cast %add3A_379 : i32 to index
      %get3A_395 = memref.load %arg10[%get3A_394] : memref<128xi32, #tpu.memory_space<smem>>
      %jit3A_396 = arith.constant 16 : i32
      %div3A_397 = arith.divsi %get3A_395, %jit3A_396 : i32
      %sign3A_398 = arith.constant 0 : i32
      %sign3A_399 = arith.cmpi sgt, %get3A_395, %sign3A_398 : i32
      %sign3A_400 = arith.extui %sign3A_399 : i1 to i32
      %sign3A_401 = arith.constant 0 : i32
      %sign3A_402 = arith.cmpi slt, %get3A_395, %sign3A_401 : i32
      %sign3A_403 = arith.extui %sign3A_402 : i1 to i32
      %sign3A_404 = arith.subi %sign3A_400, %sign3A_403 : i32
      %sign3A_405 = arith.constant 0 : i32
      %sign3A_406 = arith.cmpi sgt, %jit3A_396, %sign3A_405 : i32
      %sign3A_407 = arith.extui %sign3A_406 : i1 to i32
      %sign3A_408 = arith.constant 0 : i32
      %sign3A_409 = arith.cmpi slt, %jit3A_396, %sign3A_408 : i32
      %sign3A_410 = arith.extui %sign3A_409 : i1 to i32
      %sign3A_411 = arith.subi %sign3A_407, %sign3A_410 : i32
      %ne3A_412 = arith.cmpi ne, %sign3A_404, %sign3A_411 : i32
      %rem3A_413 = arith.remsi %get3A_395, %jit3A_396 : i32
      %ne3A_414 = arith.constant 0 : i32
      %ne3A_415 = arith.cmpi ne, %rem3A_413, %ne3A_414 : i32
      %and3A_416 = arith.andi %ne3A_412, %ne3A_415 : i1
      %sub3A_417 = arith.constant 1 : i32
      %sub3A_418 = arith.subi %div3A_397, %sub3A_417 : i32
      %select_n3A_419 = arith.select %and3A_416, %sub3A_418, %div3A_397 : i32
      %mul3A_420 = arith.constant 16 : i32
      %mul3A_421 = arith.muli %select_n3A_419, %mul3A_420 : i32
      %multiple_of3A_422 = tpu.assume_multiple %mul3A_421, 16 : i32
      %get3A_423 = arith.constant 1 : i32
      %get3A_424 = arith.constant 1 : i32
      %get3A_425 = arith.constant 0 : i32
      %get3A_426 = arith.constant 0 : i32
      %get3A_427 = tpu.memref_slice %arg13[%get3A_423, %get3A_425, %get3A_426] : memref<4x2x8192xf32, #tpu.memory_space<vmem>> -> memref<1x2x8192xf32, #tpu.memory_space<vmem>>
      %get3A_428 = tpu.memref_squeeze %get3A_427 : memref<1x2x8192xf32, #tpu.memory_space<vmem>> -> memref<2x8192xf32, #tpu.memory_space<vmem>>
      %get3A_429 = arith.index_cast %get3A_424 : i32 to index
      %get3A_430 = arith.index_cast %multiple_of3A_422 : i32 to index
      %get3A_431 = tpu.vector_load %get3A_428[%get3A_429, %get3A_430] {strides = array<i32>} : memref<2x8192xf32, #tpu.memory_space<vmem>>, vector<1x16xf32>,
      %get3A_432 = vector.shape_cast %get3A_431 : vector<1x16xf32> to vector<16xf32>
      %jit3A_433 = arith.constant 16 : i32
      %eq3A_434 = arith.constant 0 : i32
      %eq3A_435 = arith.cmpi eq, %jit3A_433, %eq3A_434 : i32
      %jit3A_436 = arith.constant 1 : i32
      %select_n3A_437 = arith.select %eq3A_435, %jit3A_436, %jit3A_433 : i32
      %rem3A_438 = arith.remsi %get3A_395, %select_n3A_437 : i32
      %ne3A_439 = arith.constant 0 : i32
      %ne3A_440 = arith.cmpi ne, %rem3A_438, %ne3A_439 : i32
      %lt3A_441 = arith.constant 0 : i32
      %lt3A_442 = arith.cmpi slt, %rem3A_438, %lt3A_441 : i32
      %lt3A_443 = arith.constant 0 : i32
      %lt3A_444 = arith.cmpi slt, %select_n3A_437, %lt3A_443 : i32
      %ne3A_445 = arith.xori %lt3A_442, %lt3A_444 : i1
      %and3A_446 = arith.andi %ne3A_445, %ne3A_440 : i1
      %add3A_447 = arith.addi %rem3A_438, %select_n3A_437 : i32
      %select_n3A_448 = arith.select %and3A_446, %add3A_447, %rem3A_438 : i32
      %eq3A_449 = vector.broadcast %select_n3A_448 : i32 to vector<16xi32>
      %eq3A_450 = arith.cmpi eq, %iota3A, %eq3A_449 : vector<16xi32>
      %jit3A_451 = arith.constant 0.000000e+00 : f32
      %broadcast_in_dim3A_452 = vector.broadcast %jit3A_451 : f32 to vector<16xf32>
      %select_n3A_453 = arith.select %eq3A_450, %get3A_432, %broadcast_in_dim3A_452 : vector<16xi1>, vector<16xf32>
      %swap3A_454 = arith.index_cast %add3A_379 : i32 to index
      %swap3A_455 = arith.constant 0 : index
      %swap3A_456 = tpu.vector_load %arg12[%swap3A_454, %swap3A_455] {strides = array<i32>} : memref<128x16xf32, #tpu.memory_space<vmem>>, vector<1x16xf32>,
      %swap3A_457 = vector.shape_cast %swap3A_456 : vector<1x16xf32> to vector<16xf32>
      %swap3A_458 = vector.shape_cast %select_n3A_453 : vector<16xf32> to vector<1x16xf32>
      tpu.vector_store %arg12[%swap3A_454, %swap3A_455], %swap3A_458 {strides = array<i32>} : memref<128x16xf32, #tpu.memory_space<vmem>>, vector<1x16xf32>,
      %mul3A_459 = arith.constant 2 : i32
      %mul3A_460 = arith.muli %add3A_273, %mul3A_459 : i32
      %add3A_461 = arith.addi %mul3A_2, %mul3A_460 : i32
      %dma_start3A_462 = arith.constant 1 : i32
      %dma_start3A_463 = arith.constant 0 : i32
      %dma_start3A_464 = arith.constant 0 : i32
      %dma_start3A_465 = tpu.memref_slice %arg13[%dma_start3A_462, %dma_start3A_463, %dma_start3A_464] : memref<4x2x8192xf32, #tpu.memory_space<vmem>> -> memref<1x2x8192xf32, #tpu.memory_space<vmem>>
      %dma_start3A_466 = tpu.memref_squeeze %dma_start3A_465 : memref<1x2x8192xf32, #tpu.memory_space<vmem>> -> memref<2x8192xf32, #tpu.memory_space<vmem>>
      %dma_start3A_467 = arith.constant 0 : i32
      %dma_start3A_468 = tpu.memref_slice %arg5[%add3A_461, %dma_start3A_467] : memref<4096x8192xf32, #tpu.memory_space<hbm>> -> memref<2x8192xf32, #tpu.memory_space<hbm>>
      %dma_start3A_469 = arith.constant 0 : i32
      %dma_start3A_470 = tpu.memref_slice %arg5[%add3A_461, %dma_start3A_469] : memref<4096x8192xf32, #tpu.memory_space<hbm>> -> memref<2x8192xf32, #tpu.memory_space<hbm>>
      %dma_start3A_471 = arith.constant 0 : i32
      %dma_start3A_472 = arith.constant 0 : i32
      %dma_start3A_473 = tpu.memref_slice %arg13[%dma_start3A_462, %dma_start3A_471, %dma_start3A_472] : memref<4x2x8192xf32, #tpu.memory_space<vmem>> -> memref<1x2x8192xf32, #tpu.memory_space<vmem>>
      %dma_start3A_474 = tpu.memref_squeeze %dma_start3A_473 : memref<1x2x8192xf32, #tpu.memory_space<vmem>> -> memref<2x8192xf32, #tpu.memory_space<vmem>>
      tpu.enqueue_dma source(%dma_start3A_474 : memref<2x8192xf32, #tpu.memory_space<vmem>>) target(%dma_start3A_470 : memref<2x8192xf32, #tpu.memory_space<hbm>>) target_semaphore(%arg15 : memref<!tpu.dma_semaphore, #tpu.memory_space<semaphore_mem>>)
      %add3A_475 = arith.constant 2 : i32
      %add3A_476 = arith.addi %mul3A_84, %add3A_475 : i32
      %dma_wait3A_477 = arith.constant 0 : i32
      %dma_wait3A_478 = arith.constant 0 : i32
      %dma_wait3A_479 = arith.constant 0 : i32
      %dma_wait3A_480 = arith.constant 0 : i32
      %dma_wait3A_481 = tpu.memref_slice %arg13[%dma_wait3A_478, %dma_wait3A_479, %dma_wait3A_480] : memref<4x2x8192xf32, #tpu.memory_space<vmem>> -> memref<1x2x8192xf32, #tpu.memory_space<vmem>>
      %dma_wait3A_482 = tpu.memref_squeeze %dma_wait3A_481 : memref<1x2x8192xf32, #tpu.memory_space<vmem>> -> memref<2x8192xf32, #tpu.memory_space<vmem>>
      %dma_wait3A_483 = arith.constant 0 : i32
      %dma_wait3A_484 = tpu.memref_slice %arg8[%dma_wait3A_477, %dma_wait3A_483] : memref<64x2xi32, #tpu.memory_space<vmem>> -> memref<1x2xi32, #tpu.memory_space<vmem>>
      %dma_wait3A_485 = tpu.memref_squeeze %dma_wait3A_484 : memref<1x2xi32, #tpu.memory_space<vmem>> -> memref<2xi32, #tpu.memory_space<vmem>>
      %dma_wait3A_486 = arith.constant 0 : i32
      %dma_wait3A_487 = arith.constant 0 : i32
      %dma_wait3A_488 = tpu.memref_slice %arg2[%dma_wait3A_486, %dma_wait3A_487] : memref<8192x8192xf32, #tpu.memory_space<hbm>> -> memref<8192x8192xf32, #tpu.memory_space<hbm>>
      tpu.wait_indirect_dma semaphore(%arg14 : memref<!tpu.dma_semaphore, #tpu.memory_space<semaphore_mem>>) src(%dma_wait3A_488 : memref<8192x8192xf32, #tpu.memory_space<hbm>>) dst(%dma_wait3A_482 : memref<2x8192xf32, #tpu.memory_space<vmem>>)
      %add3A_489 = arith.constant 2 : i32
      %add3A_490 = arith.addi %add3A_476, %add3A_489 : i32
      %lt3A_491 = arith.constant 64 : i32
      %lt3A_492 = arith.cmpi slt, %add3A_490, %lt3A_491 : i32
      %convert_element_type3A_493 = arith.extui %lt3A_492 : i1 to i32
      %cond3A_494 = arith.constant 0 : i32
      %cond3A_495 = arith.cmpi ne, %convert_element_type3A_493, %cond3A_494 : i32
      scf.if %cond3A_495 {
        %ge3A = arith.constant 2 : i32
        %ge3A_881 = arith.cmpi sge, %add3A_476, %ge3A : i32
        %convert_element_type3A_882 = arith.extui %ge3A_881 : i1 to i32
        %cond3A_883 = arith.constant 0 : i32
        %cond3A_884 = arith.cmpi ne, %convert_element_type3A_882, %cond3A_883 : i32
        scf.if %cond3A_884 {
          %dma_wait3A_898 = arith.constant 0 : i32
          %dma_wait3A_899 = arith.constant 0 : i32
          %dma_wait3A_900 = arith.constant 0 : i32
          %dma_wait3A_901 = tpu.memref_slice %arg13[%dma_wait3A_898, %dma_wait3A_899, %dma_wait3A_900] : memref<4x2x8192xf32, #tpu.memory_space<vmem>> -> memref<1x2x8192xf32, #tpu.memory_space<vmem>>
          %dma_wait3A_902 = tpu.memref_squeeze %dma_wait3A_901 : memref<1x2x8192xf32, #tpu.memory_space<vmem>> -> memref<2x8192xf32, #tpu.memory_space<vmem>>
          %dma_wait3A_903 = arith.constant 0 : i32
          %dma_wait3A_904 = tpu.memref_slice %arg5[%mul3A_2, %dma_wait3A_903] : memref<4096x8192xf32, #tpu.memory_space<hbm>> -> memref<2x8192xf32, #tpu.memory_space<hbm>>
          %dma_wait3A_905 = arith.constant 0 : i32
          %dma_wait3A_906 = tpu.memref_slice %arg5[%mul3A_2, %dma_wait3A_905] : memref<4096x8192xf32, #tpu.memory_space<hbm>> -> memref<2x8192xf32, #tpu.memory_space<hbm>>
          %dma_wait3A_907 = arith.constant 0 : i32
          %dma_wait3A_908 = arith.constant 0 : i32
          %dma_wait3A_909 = tpu.memref_slice %arg13[%dma_wait3A_898, %dma_wait3A_907, %dma_wait3A_908] : memref<4x2x8192xf32, #tpu.memory_space<vmem>> -> memref<1x2x8192xf32, #tpu.memory_space<vmem>>
          %dma_wait3A_910 = tpu.memref_squeeze %dma_wait3A_909 : memref<1x2x8192xf32, #tpu.memory_space<vmem>> -> memref<2x8192xf32, #tpu.memory_space<vmem>>
          tpu.wait_dma2 semaphore(%arg15 : memref<!tpu.dma_semaphore, #tpu.memory_space<semaphore_mem>>) src(%dma_wait3A_910 : memref<2x8192xf32, #tpu.memory_space<vmem>>) dst(%dma_wait3A_906 : memref<2x8192xf32, #tpu.memory_space<hbm>>)
        } else {
        }
        %add3A_885 = arith.constant 2 : i32
        %add3A_886 = arith.addi %add3A_476, %add3A_885 : i32
        %dma_start3A_887 = arith.constant 0 : i32
        %dma_start3A_888 = arith.constant 0 : i32
        %dma_start3A_889 = arith.constant 0 : i32
        %dma_start3A_890 = tpu.memref_slice %arg13[%dma_start3A_887, %dma_start3A_888, %dma_start3A_889] : memref<4x2x8192xf32, #tpu.memory_space<vmem>> -> memref<1x2x8192xf32, #tpu.memory_space<vmem>>
        %dma_start3A_891 = tpu.memref_squeeze %dma_start3A_890 : memref<1x2x8192xf32, #tpu.memory_space<vmem>> -> memref<2x8192xf32, #tpu.memory_space<vmem>>
        %dma_start3A_892 = arith.constant 0 : i32
        %dma_start3A_893 = tpu.memref_slice %arg8[%add3A_886, %dma_start3A_892] : memref<64x2xi32, #tpu.memory_space<vmem>> -> memref<1x2xi32, #tpu.memory_space<vmem>>
        %dma_start3A_894 = tpu.memref_squeeze %dma_start3A_893 : memref<1x2xi32, #tpu.memory_space<vmem>> -> memref<2xi32, #tpu.memory_space<vmem>>
        %dma_start3A_895 = arith.constant 0 : i32
        %dma_start3A_896 = arith.constant 0 : i32
        %dma_start3A_897 = tpu.memref_slice %arg2[%dma_start3A_895, %dma_start3A_896] : memref<8192x8192xf32, #tpu.memory_space<hbm>> -> memref<8192x8192xf32, #tpu.memory_space<hbm>>
        tpu.enqueue_indirect_dma source(%dma_start3A_897 : memref<8192x8192xf32, #tpu.memory_space<hbm>>) target(%dma_start3A_891 : memref<2x8192xf32, #tpu.memory_space<vmem>>) offsets(%dma_start3A_894 : memref<2xi32, #tpu.memory_space<vmem>>) semaphore(%arg14 : memref<!tpu.dma_semaphore, #tpu.memory_space<semaphore_mem>>)
      } else {
      }
      %mul3A_496 = arith.constant 2 : i32
      %mul3A_497 = arith.muli %add3A_476, %mul3A_496 : i32
      %add3A_498 = arith.constant 0 : i32
      %add3A_499 = arith.addi %mul3A_497, %add3A_498 : i32
      %broadcast_in_dim3A_500 = arith.constant 0.000000e+00 : f32
      %broadcast_in_dim3A_501 = vector.broadcast %broadcast_in_dim3A_500 : f32 to vector<16xf32>
      %scan3A_502 = arith.constant 2 : i32
      %scan3A_503 = arith.constant 0 : i32
      %scan3A_504 = arith.constant 32 : i32
      %scan3A_505 = arith.addi %scan3A_503, %scan3A_504 : i32
      %scan3A_506 = arith.constant 1 : i32
      %scan3A_507 = scf.for %scan3A_881 = %scan3A_503 to %scan3A_505 step %scan3A_506 iter_args(%scan3A_882 = %broadcast_in_dim3A_501) -> (vector<16xf32>)  : i32 {
        %mul3A_883 = arith.constant 256 : i32
        %mul3A_884 = arith.muli %scan3A_881, %mul3A_883 : i32
        %add3A_885 = arith.constant 0 : i32
        %add3A_886 = arith.addi %mul3A_884, %add3A_885 : i32
        %get3A_887 = arith.constant 0 : i32
        %get3A_888 = arith.constant 0 : i32
        %get3A_889 = arith.constant 0 : i32
        %get3A_890 = tpu.memref_slice %arg13[%scan3A_502, %get3A_888, %get3A_889] : memref<4x2x8192xf32, #tpu.memory_space<vmem>> -> memref<1x2x8192xf32, #tpu.memory_space<vmem>>
        %get3A_891 = tpu.memref_squeeze %get3A_890 : memref<1x2x8192xf32, #tpu.memory_space<vmem>> -> memref<2x8192xf32, #tpu.memory_space<vmem>>
        %get3A_892 = arith.index_cast %get3A_887 : i32 to index
        %get3A_893 = arith.index_cast %add3A_886 : i32 to index
        %get3A_894 = tpu.vector_load %get3A_891[%get3A_892, %get3A_893] {strides = array<i32>} : memref<2x8192xf32, #tpu.memory_space<vmem>>, vector<1x16xf32>,
        %get3A_895 = vector.shape_cast %get3A_894 : vector<1x16xf32> to vector<16xf32>
        %exp3A = math.exp %get3A_895 : vector<16xf32>
        %add3A_896 = arith.addf %scan3A_882, %exp3A : vector<16xf32>
        %add3A_897 = arith.constant 16 : i32
        %add3A_898 = arith.addi %mul3A_884, %add3A_897 : i32
        %get3A_899 = arith.constant 0 : i32
        %get3A_900 = arith.constant 0 : i32
        %get3A_901 = arith.constant 0 : i32
        %get3A_902 = tpu.memref_slice %arg13[%scan3A_502, %get3A_900, %get3A_901] : memref<4x2x8192xf32, #tpu.memory_space<vmem>> -> memref<1x2x8192xf32, #tpu.memory_space<vmem>>
        %get3A_903 = tpu.memref_squeeze %get3A_902 : memref<1x2x8192xf32, #tpu.memory_space<vmem>> -> memref<2x8192xf32, #tpu.memory_space<vmem>>
        %get3A_904 = arith.index_cast %get3A_899 : i32 to index
        %get3A_905 = arith.index_cast %add3A_898 : i32 to index
        %get3A_906 = tpu.vector_load %get3A_903[%get3A_904, %get3A_905] {strides = array<i32>} : memref<2x8192xf32, #tpu.memory_space<vmem>>, vector<1x16xf32>,
        %get3A_907 = vector.shape_cast %get3A_906 : vector<1x16xf32> to vector<16xf32>
        %exp3A_908 = math.exp %get3A_907 : vector<16xf32>
        %add3A_909 = arith.addf %add3A_896, %exp3A_908 : vector<16xf32>
        %add3A_910 = arith.constant 32 : i32
        %add3A_911 = arith.addi %mul3A_884, %add3A_910 : i32
        %get3A_912 = arith.constant 0 : i32
        %get3A_913 = arith.constant 0 : i32
        %get3A_914 = arith.constant 0 : i32
        %get3A_915 = tpu.memref_slice %arg13[%scan3A_502, %get3A_913, %get3A_914] : memref<4x2x8192xf32, #tpu.memory_space<vmem>> -> memref<1x2x8192xf32, #tpu.memory_space<vmem>>
        %get3A_916 = tpu.memref_squeeze %get3A_915 : memref<1x2x8192xf32, #tpu.memory_space<vmem>> -> memref<2x8192xf32, #tpu.memory_space<vmem>>
        %get3A_917 = arith.index_cast %get3A_912 : i32 to index
        %get3A_918 = arith.index_cast %add3A_911 : i32 to index
        %get3A_919 = tpu.vector_load %get3A_916[%get3A_917, %get3A_918] {strides = array<i32>} : memref<2x8192xf32, #tpu.memory_space<vmem>>, vector<1x16xf32>,
        %get3A_920 = vector.shape_cast %get3A_919 : vector<1x16xf32> to vector<16xf32>
        %exp3A_921 = math.exp %get3A_920 : vector<16xf32>
        %add3A_922 = arith.addf %add3A_909, %exp3A_921 : vector<16xf32>
        %add3A_923 = arith.constant 48 : i32
        %add3A_924 = arith.addi %mul3A_884, %add3A_923 : i32
        %get3A_925 = arith.constant 0 : i32
        %get3A_926 = arith.constant 0 : i32
        %get3A_927 = arith.constant 0 : i32
        %get3A_928 = tpu.memref_slice %arg13[%scan3A_502, %get3A_926, %get3A_927] : memref<4x2x8192xf32, #tpu.memory_space<vmem>> -> memref<1x2x8192xf32, #tpu.memory_space<vmem>>
        %get3A_929 = tpu.memref_squeeze %get3A_928 : memref<1x2x8192xf32, #tpu.memory_space<vmem>> -> memref<2x8192xf32, #tpu.memory_space<vmem>>
        %get3A_930 = arith.index_cast %get3A_925 : i32 to index
        %get3A_931 = arith.index_cast %add3A_924 : i32 to index
        %get3A_932 = tpu.vector_load %get3A_929[%get3A_930, %get3A_931] {strides = array<i32>} : memref<2x8192xf32, #tpu.memory_space<vmem>>, vector<1x16xf32>,
        %get3A_933 = vector.shape_cast %get3A_932 : vector<1x16xf32> to vector<16xf32>
        %exp3A_934 = math.exp %get3A_933 : vector<16xf32>
        %add3A_935 = arith.addf %add3A_922, %exp3A_934 : vector<16xf32>
        %add3A_936 = arith.constant 64 : i32
        %add3A_937 = arith.addi %mul3A_884, %add3A_936 : i32
        %get3A_938 = arith.constant 0 : i32
        %get3A_939 = arith.constant 0 : i32
        %get3A_940 = arith.constant 0 : i32
        %get3A_941 = tpu.memref_slice %arg13[%scan3A_502, %get3A_939, %get3A_940] : memref<4x2x8192xf32, #tpu.memory_space<vmem>> -> memref<1x2x8192xf32, #tpu.memory_space<vmem>>
        %get3A_942 = tpu.memref_squeeze %get3A_941 : memref<1x2x8192xf32, #tpu.memory_space<vmem>> -> memref<2x8192xf32, #tpu.memory_space<vmem>>
        %get3A_943 = arith.index_cast %get3A_938 : i32 to index
        %get3A_944 = arith.index_cast %add3A_937 : i32 to index
        %get3A_945 = tpu.vector_load %get3A_942[%get3A_943, %get3A_944] {strides = array<i32>} : memref<2x8192xf32, #tpu.memory_space<vmem>>, vector<1x16xf32>,
        %get3A_946 = vector.shape_cast %get3A_945 : vector<1x16xf32> to vector<16xf32>
        %exp3A_947 = math.exp %get3A_946 : vector<16xf32>
        %add3A_948 = arith.addf %add3A_935, %exp3A_947 : vector<16xf32>
        %add3A_949 = arith.constant 80 : i32
        %add3A_950 = arith.addi %mul3A_884, %add3A_949 : i32
        %get3A_951 = arith.constant 0 : i32
        %get3A_952 = arith.constant 0 : i32
        %get3A_953 = arith.constant 0 : i32
        %get3A_954 = tpu.memref_slice %arg13[%scan3A_502, %get3A_952, %get3A_953] : memref<4x2x8192xf32, #tpu.memory_space<vmem>> -> memref<1x2x8192xf32, #tpu.memory_space<vmem>>
        %get3A_955 = tpu.memref_squeeze %get3A_954 : memref<1x2x8192xf32, #tpu.memory_space<vmem>> -> memref<2x8192xf32, #tpu.memory_space<vmem>>
        %get3A_956 = arith.index_cast %get3A_951 : i32 to index
        %get3A_957 = arith.index_cast %add3A_950 : i32 to index
        %get3A_958 = tpu.vector_load %get3A_955[%get3A_956, %get3A_957] {strides = array<i32>} : memref<2x8192xf32, #tpu.memory_space<vmem>>, vector<1x16xf32>,
        %get3A_959 = vector.shape_cast %get3A_958 : vector<1x16xf32> to vector<16xf32>
        %exp3A_960 = math.exp %get3A_959 : vector<16xf32>
        %add3A_961 = arith.addf %add3A_948, %exp3A_960 : vector<16xf32>
        %add3A_962 = arith.constant 96 : i32
        %add3A_963 = arith.addi %mul3A_884, %add3A_962 : i32
        %get3A_964 = arith.constant 0 : i32
        %get3A_965 = arith.constant 0 : i32
        %get3A_966 = arith.constant 0 : i32
        %get3A_967 = tpu.memref_slice %arg13[%scan3A_502, %get3A_965, %get3A_966] : memref<4x2x8192xf32, #tpu.memory_space<vmem>> -> memref<1x2x8192xf32, #tpu.memory_space<vmem>>
        %get3A_968 = tpu.memref_squeeze %get3A_967 : memref<1x2x8192xf32, #tpu.memory_space<vmem>> -> memref<2x8192xf32, #tpu.memory_space<vmem>>
        %get3A_969 = arith.index_cast %get3A_964 : i32 to index
        %get3A_970 = arith.index_cast %add3A_963 : i32 to index
        %get3A_971 = tpu.vector_load %get3A_968[%get3A_969, %get3A_970] {strides = array<i32>} : memref<2x8192xf32, #tpu.memory_space<vmem>>, vector<1x16xf32>,
        %get3A_972 = vector.shape_cast %get3A_971 : vector<1x16xf32> to vector<16xf32>
        %exp3A_973 = math.exp %get3A_972 : vector<16xf32>
        %add3A_974 = arith.addf %add3A_961, %exp3A_973 : vector<16xf32>
        %add3A_975 = arith.constant 112 : i32
        %add3A_976 = arith.addi %mul3A_884, %add3A_975 : i32
        %get3A_977 = arith.constant 0 : i32
        %get3A_978 = arith.constant 0 : i32
        %get3A_979 = arith.constant 0 : i32
        %get3A_980 = tpu.memref_slice %arg13[%scan3A_502, %get3A_978, %get3A_979] : memref<4x2x8192xf32, #tpu.memory_space<vmem>> -> memref<1x2x8192xf32, #tpu.memory_space<vmem>>
        %get3A_981 = tpu.memref_squeeze %get3A_980 : memref<1x2x8192xf32, #tpu.memory_space<vmem>> -> memref<2x8192xf32, #tpu.memory_space<vmem>>
        %get3A_982 = arith.index_cast %get3A_977 : i32 to index
        %get3A_983 = arith.index_cast %add3A_976 : i32 to index
        %get3A_984 = tpu.vector_load %get3A_981[%get3A_982, %get3A_983] {strides = array<i32>} : memref<2x8192xf32, #tpu.memory_space<vmem>>, vector<1x16xf32>,
        %get3A_985 = vector.shape_cast %get3A_984 : vector<1x16xf32> to vector<16xf32>
        %exp3A_986 = math.exp %get3A_985 : vector<16xf32>
        %add3A_987 = arith.addf %add3A_974, %exp3A_986 : vector<16xf32>
        %add3A_988 = arith.constant 128 : i32
        %add3A_989 = arith.addi %mul3A_884, %add3A_988 : i32
        %get3A_990 = arith.constant 0 : i32
        %get3A_991 = arith.constant 0 : i32
        %get3A_992 = arith.constant 0 : i32
        %get3A_993 = tpu.memref_slice %arg13[%scan3A_502, %get3A_991, %get3A_992] : memref<4x2x8192xf32, #tpu.memory_space<vmem>> -> memref<1x2x8192xf32, #tpu.memory_space<vmem>>
        %get3A_994 = tpu.memref_squeeze %get3A_993 : memref<1x2x8192xf32, #tpu.memory_space<vmem>> -> memref<2x8192xf32, #tpu.memory_space<vmem>>
        %get3A_995 = arith.index_cast %get3A_990 : i32 to index
        %get3A_996 = arith.index_cast %add3A_989 : i32 to index
        %get3A_997 = tpu.vector_load %get3A_994[%get3A_995, %get3A_996] {strides = array<i32>} : memref<2x8192xf32, #tpu.memory_space<vmem>>, vector<1x16xf32>,
        %get3A_998 = vector.shape_cast %get3A_997 : vector<1x16xf32> to vector<16xf32>
        %exp3A_999 = math.exp %get3A_998 : vector<16xf32>
        %add3A_1000 = arith.addf %add3A_987, %exp3A_999 : vector<16xf32>
        %add3A_1001 = arith.constant 144 : i32
        %add3A_1002 = arith.addi %mul3A_884, %add3A_1001 : i32
        %get3A_1003 = arith.constant 0 : i32
        %get3A_1004 = arith.constant 0 : i32
        %get3A_1005 = arith.constant 0 : i32
        %get3A_1006 = tpu.memref_slice %arg13[%scan3A_502, %get3A_1004, %get3A_1005] : memref<4x2x8192xf32, #tpu.memory_space<vmem>> -> memref<1x2x8192xf32, #tpu.memory_space<vmem>>
        %get3A_1007 = tpu.memref_squeeze %get3A_1006 : memref<1x2x8192xf32, #tpu.memory_space<vmem>> -> memref<2x8192xf32, #tpu.memory_space<vmem>>
        %get3A_1008 = arith.index_cast %get3A_1003 : i32 to index
        %get3A_1009 = arith.index_cast %add3A_1002 : i32 to index
        %get3A_1010 = tpu.vector_load %get3A_1007[%get3A_1008, %get3A_1009] {strides = array<i32>} : memref<2x8192xf32, #tpu.memory_space<vmem>>, vector<1x16xf32>,
        %get3A_1011 = vector.shape_cast %get3A_1010 : vector<1x16xf32> to vector<16xf32>
        %exp3A_1012 = math.exp %get3A_1011 : vector<16xf32>
        %add3A_1013 = arith.addf %add3A_1000, %exp3A_1012 : vector<16xf32>
        %add3A_1014 = arith.constant 160 : i32
        %add3A_1015 = arith.addi %mul3A_884, %add3A_1014 : i32
        %get3A_1016 = arith.constant 0 : i32
        %get3A_1017 = arith.constant 0 : i32
        %get3A_1018 = arith.constant 0 : i32
        %get3A_1019 = tpu.memref_slice %arg13[%scan3A_502, %get3A_1017, %get3A_1018] : memref<4x2x8192xf32, #tpu.memory_space<vmem>> -> memref<1x2x8192xf32, #tpu.memory_space<vmem>>
        %get3A_1020 = tpu.memref_squeeze %get3A_1019 : memref<1x2x8192xf32, #tpu.memory_space<vmem>> -> memref<2x8192xf32, #tpu.memory_space<vmem>>
        %get3A_1021 = arith.index_cast %get3A_1016 : i32 to index
        %get3A_1022 = arith.index_cast %add3A_1015 : i32 to index
        %get3A_1023 = tpu.vector_load %get3A_1020[%get3A_1021, %get3A_1022] {strides = array<i32>} : memref<2x8192xf32, #tpu.memory_space<vmem>>, vector<1x16xf32>,
        %get3A_1024 = vector.shape_cast %get3A_1023 : vector<1x16xf32> to vector<16xf32>
        %exp3A_1025 = math.exp %get3A_1024 : vector<16xf32>
        %add3A_1026 = arith.addf %add3A_1013, %exp3A_1025 : vector<16xf32>
        %add3A_1027 = arith.constant 176 : i32
        %add3A_1028 = arith.addi %mul3A_884, %add3A_1027 : i32
        %get3A_1029 = arith.constant 0 : i32
        %get3A_1030 = arith.constant 0 : i32
        %get3A_1031 = arith.constant 0 : i32
        %get3A_1032 = tpu.memref_slice %arg13[%scan3A_502, %get3A_1030, %get3A_1031] : memref<4x2x8192xf32, #tpu.memory_space<vmem>> -> memref<1x2x8192xf32, #tpu.memory_space<vmem>>
        %get3A_1033 = tpu.memref_squeeze %get3A_1032 : memref<1x2x8192xf32, #tpu.memory_space<vmem>> -> memref<2x8192xf32, #tpu.memory_space<vmem>>
        %get3A_1034 = arith.index_cast %get3A_1029 : i32 to index
        %get3A_1035 = arith.index_cast %add3A_1028 : i32 to index
        %get3A_1036 = tpu.vector_load %get3A_1033[%get3A_1034, %get3A_1035] {strides = array<i32>} : memref<2x8192xf32, #tpu.memory_space<vmem>>, vector<1x16xf32>,
        %get3A_1037 = vector.shape_cast %get3A_1036 : vector<1x16xf32> to vector<16xf32>
        %exp3A_1038 = math.exp %get3A_1037 : vector<16xf32>
        %add3A_1039 = arith.addf %add3A_1026, %exp3A_1038 : vector<16xf32>
        %add3A_1040 = arith.constant 192 : i32
        %add3A_1041 = arith.addi %mul3A_884, %add3A_1040 : i32
        %get3A_1042 = arith.constant 0 : i32
        %get3A_1043 = arith.constant 0 : i32
        %get3A_1044 = arith.constant 0 : i32
        %get3A_1045 = tpu.memref_slice %arg13[%scan3A_502, %get3A_1043, %get3A_1044] : memref<4x2x8192xf32, #tpu.memory_space<vmem>> -> memref<1x2x8192xf32, #tpu.memory_space<vmem>>
        %get3A_1046 = tpu.memref_squeeze %get3A_1045 : memref<1x2x8192xf32, #tpu.memory_space<vmem>> -> memref<2x8192xf32, #tpu.memory_space<vmem>>
        %get3A_1047 = arith.index_cast %get3A_1042 : i32 to index
        %get3A_1048 = arith.index_cast %add3A_1041 : i32 to index
        %get3A_1049 = tpu.vector_load %get3A_1046[%get3A_1047, %get3A_1048] {strides = array<i32>} : memref<2x8192xf32, #tpu.memory_space<vmem>>, vector<1x16xf32>,
        %get3A_1050 = vector.shape_cast %get3A_1049 : vector<1x16xf32> to vector<16xf32>
        %exp3A_1051 = math.exp %get3A_1050 : vector<16xf32>
        %add3A_1052 = arith.addf %add3A_1039, %exp3A_1051 : vector<16xf32>
        %add3A_1053 = arith.constant 208 : i32
        %add3A_1054 = arith.addi %mul3A_884, %add3A_1053 : i32
        %get3A_1055 = arith.constant 0 : i32
        %get3A_1056 = arith.constant 0 : i32
        %get3A_1057 = arith.constant 0 : i32
        %get3A_1058 = tpu.memref_slice %arg13[%scan3A_502, %get3A_1056, %get3A_1057] : memref<4x2x8192xf32, #tpu.memory_space<vmem>> -> memref<1x2x8192xf32, #tpu.memory_space<vmem>>
        %get3A_1059 = tpu.memref_squeeze %get3A_1058 : memref<1x2x8192xf32, #tpu.memory_space<vmem>> -> memref<2x8192xf32, #tpu.memory_space<vmem>>
        %get3A_1060 = arith.index_cast %get3A_1055 : i32 to index
        %get3A_1061 = arith.index_cast %add3A_1054 : i32 to index
        %get3A_1062 = tpu.vector_load %get3A_1059[%get3A_1060, %get3A_1061] {strides = array<i32>} : memref<2x8192xf32, #tpu.memory_space<vmem>>, vector<1x16xf32>,
        %get3A_1063 = vector.shape_cast %get3A_1062 : vector<1x16xf32> to vector<16xf32>
        %exp3A_1064 = math.exp %get3A_1063 : vector<16xf32>
        %add3A_1065 = arith.addf %add3A_1052, %exp3A_1064 : vector<16xf32>
        %add3A_1066 = arith.constant 224 : i32
        %add3A_1067 = arith.addi %mul3A_884, %add3A_1066 : i32
        %get3A_1068 = arith.constant 0 : i32
        %get3A_1069 = arith.constant 0 : i32
        %get3A_1070 = arith.constant 0 : i32
        %get3A_1071 = tpu.memref_slice %arg13[%scan3A_502, %get3A_1069, %get3A_1070] : memref<4x2x8192xf32, #tpu.memory_space<vmem>> -> memref<1x2x8192xf32, #tpu.memory_space<vmem>>
        %get3A_1072 = tpu.memref_squeeze %get3A_1071 : memref<1x2x8192xf32, #tpu.memory_space<vmem>> -> memref<2x8192xf32, #tpu.memory_space<vmem>>
        %get3A_1073 = arith.index_cast %get3A_1068 : i32 to index
        %get3A_1074 = arith.index_cast %add3A_1067 : i32 to index
        %get3A_1075 = tpu.vector_load %get3A_1072[%get3A_1073, %get3A_1074] {strides = array<i32>} : memref<2x8192xf32, #tpu.memory_space<vmem>>, vector<1x16xf32>,
        %get3A_1076 = vector.shape_cast %get3A_1075 : vector<1x16xf32> to vector<16xf32>
        %exp3A_1077 = math.exp %get3A_1076 : vector<16xf32>
        %add3A_1078 = arith.addf %add3A_1065, %exp3A_1077 : vector<16xf32>
        %add3A_1079 = arith.constant 240 : i32
        %add3A_1080 = arith.addi %mul3A_884, %add3A_1079 : i32
        %get3A_1081 = arith.constant 0 : i32
        %get3A_1082 = arith.constant 0 : i32
        %get3A_1083 = arith.constant 0 : i32
        %get3A_1084 = tpu.memref_slice %arg13[%scan3A_502, %get3A_1082, %get3A_1083] : memref<4x2x8192xf32, #tpu.memory_space<vmem>> -> memref<1x2x8192xf32, #tpu.memory_space<vmem>>
        %get3A_1085 = tpu.memref_squeeze %get3A_1084 : memref<1x2x8192xf32, #tpu.memory_space<vmem>> -> memref<2x8192xf32, #tpu.memory_space<vmem>>
        %get3A_1086 = arith.index_cast %get3A_1081 : i32 to index
        %get3A_1087 = arith.index_cast %add3A_1080 : i32 to index
        %get3A_1088 = tpu.vector_load %get3A_1085[%get3A_1086, %get3A_1087] {strides = array<i32>} : memref<2x8192xf32, #tpu.memory_space<vmem>>, vector<1x16xf32>,
        %get3A_1089 = vector.shape_cast %get3A_1088 : vector<1x16xf32> to vector<16xf32>
        %exp3A_1090 = math.exp %get3A_1089 : vector<16xf32>
        %add3A_1091 = arith.addf %add3A_1078, %exp3A_1090 : vector<16xf32>
        scf.yield %add3A_1091 : vector<16xf32>
      }
      %scan3A_508 = arith.constant 32 : i32
      %swap3A_509 = arith.index_cast %add3A_499 : i32 to index
      %swap3A_510 = arith.constant 0 : index
      %swap3A_511 = tpu.vector_load %arg11[%swap3A_509, %swap3A_510] {strides = array<i32>} : memref<128x16xf32, #tpu.memory_space<vmem>>, vector<1x16xf32>,
      %swap3A_512 = vector.shape_cast %swap3A_511 : vector<1x16xf32> to vector<16xf32>
      %swap3A_513 = vector.shape_cast %scan3A_507 : vector<16xf32> to vector<1x16xf32>
      tpu.vector_store %arg11[%swap3A_509, %swap3A_510], %swap3A_513 {strides = array<i32>} : memref<128x16xf32, #tpu.memory_space<vmem>>, vector<1x16xf32>,
      %get3A_514 = arith.index_cast %add3A_499 : i32 to index
      %get3A_515 = memref.load %arg10[%get3A_514] : memref<128xi32, #tpu.memory_space<smem>>
      %jit3A_516 = arith.constant 16 : i32
      %div3A_517 = arith.divsi %get3A_515, %jit3A_516 : i32
      %sign3A_518 = arith.constant 0 : i32
      %sign3A_519 = arith.cmpi sgt, %get3A_515, %sign3A_518 : i32
      %sign3A_520 = arith.extui %sign3A_519 : i1 to i32
      %sign3A_521 = arith.constant 0 : i32
      %sign3A_522 = arith.cmpi slt, %get3A_515, %sign3A_521 : i32
      %sign3A_523 = arith.extui %sign3A_522 : i1 to i32
      %sign3A_524 = arith.subi %sign3A_520, %sign3A_523 : i32
      %sign3A_525 = arith.constant 0 : i32
      %sign3A_526 = arith.cmpi sgt, %jit3A_516, %sign3A_525 : i32
      %sign3A_527 = arith.extui %sign3A_526 : i1 to i32
      %sign3A_528 = arith.constant 0 : i32
      %sign3A_529 = arith.cmpi slt, %jit3A_516, %sign3A_528 : i32
      %sign3A_530 = arith.extui %sign3A_529 : i1 to i32
      %sign3A_531 = arith.subi %sign3A_527, %sign3A_530 : i32
      %ne3A_532 = arith.cmpi ne, %sign3A_524, %sign3A_531 : i32
      %rem3A_533 = arith.remsi %get3A_515, %jit3A_516 : i32
      %ne3A_534 = arith.constant 0 : i32
      %ne3A_535 = arith.cmpi ne, %rem3A_533, %ne3A_534 : i32
      %and3A_536 = arith.andi %ne3A_532, %ne3A_535 : i1
      %sub3A_537 = arith.constant 1 : i32
      %sub3A_538 = arith.subi %div3A_517, %sub3A_537 : i32
      %select_n3A_539 = arith.select %and3A_536, %sub3A_538, %div3A_517 : i32
      %mul3A_540 = arith.constant 16 : i32
      %mul3A_541 = arith.muli %select_n3A_539, %mul3A_540 : i32
      %multiple_of3A_542 = tpu.assume_multiple %mul3A_541, 16 : i32
      %get3A_543 = arith.constant 2 : i32
      %get3A_544 = arith.constant 0 : i32
      %get3A_545 = arith.constant 0 : i32
      %get3A_546 = arith.constant 0 : i32
      %get3A_547 = tpu.memref_slice %arg13[%get3A_543, %get3A_545, %get3A_546] : memref<4x2x8192xf32, #tpu.memory_space<vmem>> -> memref<1x2x8192xf32, #tpu.memory_space<vmem>>
      %get3A_548 = tpu.memref_squeeze %get3A_547 : memref<1x2x8192xf32, #tpu.memory_space<vmem>> -> memref<2x8192xf32, #tpu.memory_space<vmem>>
      %get3A_549 = arith.index_cast %get3A_544 : i32 to index
      %get3A_550 = arith.index_cast %multiple_of3A_542 : i32 to index
      %get3A_551 = tpu.vector_load %get3A_548[%get3A_549, %get3A_550] {strides = array<i32>} : memref<2x8192xf32, #tpu.memory_space<vmem>>, vector<1x16xf32>,
      %get3A_552 = vector.shape_cast %get3A_551 : vector<1x16xf32> to vector<16xf32>
      %jit3A_553 = arith.constant 16 : i32
      %eq3A_554 = arith.constant 0 : i32
      %eq3A_555 = arith.cmpi eq, %jit3A_553, %eq3A_554 : i32
      %jit3A_556 = arith.constant 1 : i32
      %select_n3A_557 = arith.select %eq3A_555, %jit3A_556, %jit3A_553 : i32
      %rem3A_558 = arith.remsi %get3A_515, %select_n3A_557 : i32
      %ne3A_559 = arith.constant 0 : i32
      %ne3A_560 = arith.cmpi ne, %rem3A_558, %ne3A_559 : i32
      %lt3A_561 = arith.constant 0 : i32
      %lt3A_562 = arith.cmpi slt, %rem3A_558, %lt3A_561 : i32
      %lt3A_563 = arith.constant 0 : i32
      %lt3A_564 = arith.cmpi slt, %select_n3A_557, %lt3A_563 : i32
      %ne3A_565 = arith.xori %lt3A_562, %lt3A_564 : i1
      %and3A_566 = arith.andi %ne3A_565, %ne3A_560 : i1
      %add3A_567 = arith.addi %rem3A_558, %select_n3A_557 : i32
      %select_n3A_568 = arith.select %and3A_566, %add3A_567, %rem3A_558 : i32
      %eq3A_569 = vector.broadcast %select_n3A_568 : i32 to vector<16xi32>
      %eq3A_570 = arith.cmpi eq, %iota3A, %eq3A_569 : vector<16xi32>
      %jit3A_571 = arith.constant 0.000000e+00 : f32
      %broadcast_in_dim3A_572 = vector.broadcast %jit3A_571 : f32 to vector<16xf32>
      %select_n3A_573 = arith.select %eq3A_570, %get3A_552, %broadcast_in_dim3A_572 : vector<16xi1>, vector<16xf32>
      %swap3A_574 = arith.index_cast %add3A_499 : i32 to index
      %swap3A_575 = arith.constant 0 : index
      %swap3A_576 = tpu.vector_load %arg12[%swap3A_574, %swap3A_575] {strides = array<i32>} : memref<128x16xf32, #tpu.memory_space<vmem>>, vector<1x16xf32>,
      %swap3A_577 = vector.shape_cast %swap3A_576 : vector<1x16xf32> to vector<16xf32>
      %swap3A_578 = vector.shape_cast %select_n3A_573 : vector<16xf32> to vector<1x16xf32>
      tpu.vector_store %arg12[%swap3A_574, %swap3A_575], %swap3A_578 {strides = array<i32>} : memref<128x16xf32, #tpu.memory_space<vmem>>, vector<1x16xf32>,
      %mul3A_579 = arith.constant 2 : i32
      %mul3A_580 = arith.muli %add3A_476, %mul3A_579 : i32
      %add3A_581 = arith.constant 1 : i32
      %add3A_582 = arith.addi %mul3A_580, %add3A_581 : i32
      %broadcast_in_dim3A_583 = arith.constant 0.000000e+00 : f32
      %broadcast_in_dim3A_584 = vector.broadcast %broadcast_in_dim3A_583 : f32 to vector<16xf32>
      %scan3A_585 = arith.constant 2 : i32
      %scan3A_586 = arith.constant 0 : i32
      %scan3A_587 = arith.constant 32 : i32
      %scan3A_588 = arith.addi %scan3A_586, %scan3A_587 : i32
      %scan3A_589 = arith.constant 1 : i32
      %scan3A_590 = scf.for %scan3A_881 = %scan3A_586 to %scan3A_588 step %scan3A_589 iter_args(%scan3A_882 = %broadcast_in_dim3A_584) -> (vector<16xf32>)  : i32 {
        %mul3A_883 = arith.constant 256 : i32
        %mul3A_884 = arith.muli %scan3A_881, %mul3A_883 : i32
        %add3A_885 = arith.constant 0 : i32
        %add3A_886 = arith.addi %mul3A_884, %add3A_885 : i32
        %get3A_887 = arith.constant 1 : i32
        %get3A_888 = arith.constant 0 : i32
        %get3A_889 = arith.constant 0 : i32
        %get3A_890 = tpu.memref_slice %arg13[%scan3A_585, %get3A_888, %get3A_889] : memref<4x2x8192xf32, #tpu.memory_space<vmem>> -> memref<1x2x8192xf32, #tpu.memory_space<vmem>>
        %get3A_891 = tpu.memref_squeeze %get3A_890 : memref<1x2x8192xf32, #tpu.memory_space<vmem>> -> memref<2x8192xf32, #tpu.memory_space<vmem>>
        %get3A_892 = arith.index_cast %get3A_887 : i32 to index
        %get3A_893 = arith.index_cast %add3A_886 : i32 to index
        %get3A_894 = tpu.vector_load %get3A_891[%get3A_892, %get3A_893] {strides = array<i32>} : memref<2x8192xf32, #tpu.memory_space<vmem>>, vector<1x16xf32>,
        %get3A_895 = vector.shape_cast %get3A_894 : vector<1x16xf32> to vector<16xf32>
        %exp3A = math.exp %get3A_895 : vector<16xf32>
        %add3A_896 = arith.addf %scan3A_882, %exp3A : vector<16xf32>
        %add3A_897 = arith.constant 16 : i32
        %add3A_898 = arith.addi %mul3A_884, %add3A_897 : i32
        %get3A_899 = arith.constant 1 : i32
        %get3A_900 = arith.constant 0 : i32
        %get3A_901 = arith.constant 0 : i32
        %get3A_902 = tpu.memref_slice %arg13[%scan3A_585, %get3A_900, %get3A_901] : memref<4x2x8192xf32, #tpu.memory_space<vmem>> -> memref<1x2x8192xf32, #tpu.memory_space<vmem>>
        %get3A_903 = tpu.memref_squeeze %get3A_902 : memref<1x2x8192xf32, #tpu.memory_space<vmem>> -> memref<2x8192xf32, #tpu.memory_space<vmem>>
        %get3A_904 = arith.index_cast %get3A_899 : i32 to index
        %get3A_905 = arith.index_cast %add3A_898 : i32 to index
        %get3A_906 = tpu.vector_load %get3A_903[%get3A_904, %get3A_905] {strides = array<i32>} : memref<2x8192xf32, #tpu.memory_space<vmem>>, vector<1x16xf32>,
        %get3A_907 = vector.shape_cast %get3A_906 : vector<1x16xf32> to vector<16xf32>
        %exp3A_908 = math.exp %get3A_907 : vector<16xf32>
        %add3A_909 = arith.addf %add3A_896, %exp3A_908 : vector<16xf32>
        %add3A_910 = arith.constant 32 : i32
        %add3A_911 = arith.addi %mul3A_884, %add3A_910 : i32
        %get3A_912 = arith.constant 1 : i32
        %get3A_913 = arith.constant 0 : i32
        %get3A_914 = arith.constant 0 : i32
        %get3A_915 = tpu.memref_slice %arg13[%scan3A_585, %get3A_913, %get3A_914] : memref<4x2x8192xf32, #tpu.memory_space<vmem>> -> memref<1x2x8192xf32, #tpu.memory_space<vmem>>
        %get3A_916 = tpu.memref_squeeze %get3A_915 : memref<1x2x8192xf32, #tpu.memory_space<vmem>> -> memref<2x8192xf32, #tpu.memory_space<vmem>>
        %get3A_917 = arith.index_cast %get3A_912 : i32 to index
        %get3A_918 = arith.index_cast %add3A_911 : i32 to index
        %get3A_919 = tpu.vector_load %get3A_916[%get3A_917, %get3A_918] {strides = array<i32>} : memref<2x8192xf32, #tpu.memory_space<vmem>>, vector<1x16xf32>,
        %get3A_920 = vector.shape_cast %get3A_919 : vector<1x16xf32> to vector<16xf32>
        %exp3A_921 = math.exp %get3A_920 : vector<16xf32>
        %add3A_922 = arith.addf %add3A_909, %exp3A_921 : vector<16xf32>
        %add3A_923 = arith.constant 48 : i32
        %add3A_924 = arith.addi %mul3A_884, %add3A_923 : i32
        %get3A_925 = arith.constant 1 : i32
        %get3A_926 = arith.constant 0 : i32
        %get3A_927 = arith.constant 0 : i32
        %get3A_928 = tpu.memref_slice %arg13[%scan3A_585, %get3A_926, %get3A_927] : memref<4x2x8192xf32, #tpu.memory_space<vmem>> -> memref<1x2x8192xf32, #tpu.memory_space<vmem>>
        %get3A_929 = tpu.memref_squeeze %get3A_928 : memref<1x2x8192xf32, #tpu.memory_space<vmem>> -> memref<2x8192xf32, #tpu.memory_space<vmem>>
        %get3A_930 = arith.index_cast %get3A_925 : i32 to index
        %get3A_931 = arith.index_cast %add3A_924 : i32 to index
        %get3A_932 = tpu.vector_load %get3A_929[%get3A_930, %get3A_931] {strides = array<i32>} : memref<2x8192xf32, #tpu.memory_space<vmem>>, vector<1x16xf32>,
        %get3A_933 = vector.shape_cast %get3A_932 : vector<1x16xf32> to vector<16xf32>
        %exp3A_934 = math.exp %get3A_933 : vector<16xf32>
        %add3A_935 = arith.addf %add3A_922, %exp3A_934 : vector<16xf32>
        %add3A_936 = arith.constant 64 : i32
        %add3A_937 = arith.addi %mul3A_884, %add3A_936 : i32
        %get3A_938 = arith.constant 1 : i32
        %get3A_939 = arith.constant 0 : i32
        %get3A_940 = arith.constant 0 : i32
        %get3A_941 = tpu.memref_slice %arg13[%scan3A_585, %get3A_939, %get3A_940] : memref<4x2x8192xf32, #tpu.memory_space<vmem>> -> memref<1x2x8192xf32, #tpu.memory_space<vmem>>
        %get3A_942 = tpu.memref_squeeze %get3A_941 : memref<1x2x8192xf32, #tpu.memory_space<vmem>> -> memref<2x8192xf32, #tpu.memory_space<vmem>>
        %get3A_943 = arith.index_cast %get3A_938 : i32 to index
        %get3A_944 = arith.index_cast %add3A_937 : i32 to index
        %get3A_945 = tpu.vector_load %get3A_942[%get3A_943, %get3A_944] {strides = array<i32>} : memref<2x8192xf32, #tpu.memory_space<vmem>>, vector<1x16xf32>,
        %get3A_946 = vector.shape_cast %get3A_945 : vector<1x16xf32> to vector<16xf32>
        %exp3A_947 = math.exp %get3A_946 : vector<16xf32>
        %add3A_948 = arith.addf %add3A_935, %exp3A_947 : vector<16xf32>
        %add3A_949 = arith.constant 80 : i32
        %add3A_950 = arith.addi %mul3A_884, %add3A_949 : i32
        %get3A_951 = arith.constant 1 : i32
        %get3A_952 = arith.constant 0 : i32
        %get3A_953 = arith.constant 0 : i32
        %get3A_954 = tpu.memref_slice %arg13[%scan3A_585, %get3A_952, %get3A_953] : memref<4x2x8192xf32, #tpu.memory_space<vmem>> -> memref<1x2x8192xf32, #tpu.memory_space<vmem>>
        %get3A_955 = tpu.memref_squeeze %get3A_954 : memref<1x2x8192xf32, #tpu.memory_space<vmem>> -> memref<2x8192xf32, #tpu.memory_space<vmem>>
        %get3A_956 = arith.index_cast %get3A_951 : i32 to index
        %get3A_957 = arith.index_cast %add3A_950 : i32 to index
        %get3A_958 = tpu.vector_load %get3A_955[%get3A_956, %get3A_957] {strides = array<i32>} : memref<2x8192xf32, #tpu.memory_space<vmem>>, vector<1x16xf32>,
        %get3A_959 = vector.shape_cast %get3A_958 : vector<1x16xf32> to vector<16xf32>
        %exp3A_960 = math.exp %get3A_959 : vector<16xf32>
        %add3A_961 = arith.addf %add3A_948, %exp3A_960 : vector<16xf32>
        %add3A_962 = arith.constant 96 : i32
        %add3A_963 = arith.addi %mul3A_884, %add3A_962 : i32
        %get3A_964 = arith.constant 1 : i32
        %get3A_965 = arith.constant 0 : i32
        %get3A_966 = arith.constant 0 : i32
        %get3A_967 = tpu.memref_slice %arg13[%scan3A_585, %get3A_965, %get3A_966] : memref<4x2x8192xf32, #tpu.memory_space<vmem>> -> memref<1x2x8192xf32, #tpu.memory_space<vmem>>
        %get3A_968 = tpu.memref_squeeze %get3A_967 : memref<1x2x8192xf32, #tpu.memory_space<vmem>> -> memref<2x8192xf32, #tpu.memory_space<vmem>>
        %get3A_969 = arith.index_cast %get3A_964 : i32 to index
        %get3A_970 = arith.index_cast %add3A_963 : i32 to index
        %get3A_971 = tpu.vector_load %get3A_968[%get3A_969, %get3A_970] {strides = array<i32>} : memref<2x8192xf32, #tpu.memory_space<vmem>>, vector<1x16xf32>,
        %get3A_972 = vector.shape_cast %get3A_971 : vector<1x16xf32> to vector<16xf32>
        %exp3A_973 = math.exp %get3A_972 : vector<16xf32>
        %add3A_974 = arith.addf %add3A_961, %exp3A_973 : vector<16xf32>
        %add3A_975 = arith.constant 112 : i32
        %add3A_976 = arith.addi %mul3A_884, %add3A_975 : i32
        %get3A_977 = arith.constant 1 : i32
        %get3A_978 = arith.constant 0 : i32
        %get3A_979 = arith.constant 0 : i32
        %get3A_980 = tpu.memref_slice %arg13[%scan3A_585, %get3A_978, %get3A_979] : memref<4x2x8192xf32, #tpu.memory_space<vmem>> -> memref<1x2x8192xf32, #tpu.memory_space<vmem>>
        %get3A_981 = tpu.memref_squeeze %get3A_980 : memref<1x2x8192xf32, #tpu.memory_space<vmem>> -> memref<2x8192xf32, #tpu.memory_space<vmem>>
        %get3A_982 = arith.index_cast %get3A_977 : i32 to index
        %get3A_983 = arith.index_cast %add3A_976 : i32 to index
        %get3A_984 = tpu.vector_load %get3A_981[%get3A_982, %get3A_983] {strides = array<i32>} : memref<2x8192xf32, #tpu.memory_space<vmem>>, vector<1x16xf32>,
        %get3A_985 = vector.shape_cast %get3A_984 : vector<1x16xf32> to vector<16xf32>
        %exp3A_986 = math.exp %get3A_985 : vector<16xf32>
        %add3A_987 = arith.addf %add3A_974, %exp3A_986 : vector<16xf32>
        %add3A_988 = arith.constant 128 : i32
        %add3A_989 = arith.addi %mul3A_884, %add3A_988 : i32
        %get3A_990 = arith.constant 1 : i32
        %get3A_991 = arith.constant 0 : i32
        %get3A_992 = arith.constant 0 : i32
        %get3A_993 = tpu.memref_slice %arg13[%scan3A_585, %get3A_991, %get3A_992] : memref<4x2x8192xf32, #tpu.memory_space<vmem>> -> memref<1x2x8192xf32, #tpu.memory_space<vmem>>
        %get3A_994 = tpu.memref_squeeze %get3A_993 : memref<1x2x8192xf32, #tpu.memory_space<vmem>> -> memref<2x8192xf32, #tpu.memory_space<vmem>>
        %get3A_995 = arith.index_cast %get3A_990 : i32 to index
        %get3A_996 = arith.index_cast %add3A_989 : i32 to index
        %get3A_997 = tpu.vector_load %get3A_994[%get3A_995, %get3A_996] {strides = array<i32>} : memref<2x8192xf32, #tpu.memory_space<vmem>>, vector<1x16xf32>,
        %get3A_998 = vector.shape_cast %get3A_997 : vector<1x16xf32> to vector<16xf32>
        %exp3A_999 = math.exp %get3A_998 : vector<16xf32>
        %add3A_1000 = arith.addf %add3A_987, %exp3A_999 : vector<16xf32>
        %add3A_1001 = arith.constant 144 : i32
        %add3A_1002 = arith.addi %mul3A_884, %add3A_1001 : i32
        %get3A_1003 = arith.constant 1 : i32
        %get3A_1004 = arith.constant 0 : i32
        %get3A_1005 = arith.constant 0 : i32
        %get3A_1006 = tpu.memref_slice %arg13[%scan3A_585, %get3A_1004, %get3A_1005] : memref<4x2x8192xf32, #tpu.memory_space<vmem>> -> memref<1x2x8192xf32, #tpu.memory_space<vmem>>
        %get3A_1007 = tpu.memref_squeeze %get3A_1006 : memref<1x2x8192xf32, #tpu.memory_space<vmem>> -> memref<2x8192xf32, #tpu.memory_space<vmem>>
        %get3A_1008 = arith.index_cast %get3A_1003 : i32 to index
        %get3A_1009 = arith.index_cast %add3A_1002 : i32 to index
        %get3A_1010 = tpu.vector_load %get3A_1007[%get3A_1008, %get3A_1009] {strides = array<i32>} : memref<2x8192xf32, #tpu.memory_space<vmem>>, vector<1x16xf32>,
        %get3A_1011 = vector.shape_cast %get3A_1010 : vector<1x16xf32> to vector<16xf32>
        %exp3A_1012 = math.exp %get3A_1011 : vector<16xf32>
        %add3A_1013 = arith.addf %add3A_1000, %exp3A_1012 : vector<16xf32>
        %add3A_1014 = arith.constant 160 : i32
        %add3A_1015 = arith.addi %mul3A_884, %add3A_1014 : i32
        %get3A_1016 = arith.constant 1 : i32
        %get3A_1017 = arith.constant 0 : i32
        %get3A_1018 = arith.constant 0 : i32
        %get3A_1019 = tpu.memref_slice %arg13[%scan3A_585, %get3A_1017, %get3A_1018] : memref<4x2x8192xf32, #tpu.memory_space<vmem>> -> memref<1x2x8192xf32, #tpu.memory_space<vmem>>
        %get3A_1020 = tpu.memref_squeeze %get3A_1019 : memref<1x2x8192xf32, #tpu.memory_space<vmem>> -> memref<2x8192xf32, #tpu.memory_space<vmem>>
        %get3A_1021 = arith.index_cast %get3A_1016 : i32 to index
        %get3A_1022 = arith.index_cast %add3A_1015 : i32 to index
        %get3A_1023 = tpu.vector_load %get3A_1020[%get3A_1021, %get3A_1022] {strides = array<i32>} : memref<2x8192xf32, #tpu.memory_space<vmem>>, vector<1x16xf32>,
        %get3A_1024 = vector.shape_cast %get3A_1023 : vector<1x16xf32> to vector<16xf32>
        %exp3A_1025 = math.exp %get3A_1024 : vector<16xf32>
        %add3A_1026 = arith.addf %add3A_1013, %exp3A_1025 : vector<16xf32>
        %add3A_1027 = arith.constant 176 : i32
        %add3A_1028 = arith.addi %mul3A_884, %add3A_1027 : i32
        %get3A_1029 = arith.constant 1 : i32
        %get3A_1030 = arith.constant 0 : i32
        %get3A_1031 = arith.constant 0 : i32
        %get3A_1032 = tpu.memref_slice %arg13[%scan3A_585, %get3A_1030, %get3A_1031] : memref<4x2x8192xf32, #tpu.memory_space<vmem>> -> memref<1x2x8192xf32, #tpu.memory_space<vmem>>
        %get3A_1033 = tpu.memref_squeeze %get3A_1032 : memref<1x2x8192xf32, #tpu.memory_space<vmem>> -> memref<2x8192xf32, #tpu.memory_space<vmem>>
        %get3A_1034 = arith.index_cast %get3A_1029 : i32 to index
        %get3A_1035 = arith.index_cast %add3A_1028 : i32 to index
        %get3A_1036 = tpu.vector_load %get3A_1033[%get3A_1034, %get3A_1035] {strides = array<i32>} : memref<2x8192xf32, #tpu.memory_space<vmem>>, vector<1x16xf32>,
        %get3A_1037 = vector.shape_cast %get3A_1036 : vector<1x16xf32> to vector<16xf32>
        %exp3A_1038 = math.exp %get3A_1037 : vector<16xf32>
        %add3A_1039 = arith.addf %add3A_1026, %exp3A_1038 : vector<16xf32>
        %add3A_1040 = arith.constant 192 : i32
        %add3A_1041 = arith.addi %mul3A_884, %add3A_1040 : i32
        %get3A_1042 = arith.constant 1 : i32
        %get3A_1043 = arith.constant 0 : i32
        %get3A_1044 = arith.constant 0 : i32
        %get3A_1045 = tpu.memref_slice %arg13[%scan3A_585, %get3A_1043, %get3A_1044] : memref<4x2x8192xf32, #tpu.memory_space<vmem>> -> memref<1x2x8192xf32, #tpu.memory_space<vmem>>
        %get3A_1046 = tpu.memref_squeeze %get3A_1045 : memref<1x2x8192xf32, #tpu.memory_space<vmem>> -> memref<2x8192xf32, #tpu.memory_space<vmem>>
        %get3A_1047 = arith.index_cast %get3A_1042 : i32 to index
        %get3A_1048 = arith.index_cast %add3A_1041 : i32 to index
        %get3A_1049 = tpu.vector_load %get3A_1046[%get3A_1047, %get3A_1048] {strides = array<i32>} : memref<2x8192xf32, #tpu.memory_space<vmem>>, vector<1x16xf32>,
        %get3A_1050 = vector.shape_cast %get3A_1049 : vector<1x16xf32> to vector<16xf32>
        %exp3A_1051 = math.exp %get3A_1050 : vector<16xf32>
        %add3A_1052 = arith.addf %add3A_1039, %exp3A_1051 : vector<16xf32>
        %add3A_1053 = arith.constant 208 : i32
        %add3A_1054 = arith.addi %mul3A_884, %add3A_1053 : i32
        %get3A_1055 = arith.constant 1 : i32
        %get3A_1056 = arith.constant 0 : i32
        %get3A_1057 = arith.constant 0 : i32
        %get3A_1058 = tpu.memref_slice %arg13[%scan3A_585, %get3A_1056, %get3A_1057] : memref<4x2x8192xf32, #tpu.memory_space<vmem>> -> memref<1x2x8192xf32, #tpu.memory_space<vmem>>
        %get3A_1059 = tpu.memref_squeeze %get3A_1058 : memref<1x2x8192xf32, #tpu.memory_space<vmem>> -> memref<2x8192xf32, #tpu.memory_space<vmem>>
        %get3A_1060 = arith.index_cast %get3A_1055 : i32 to index
        %get3A_1061 = arith.index_cast %add3A_1054 : i32 to index
        %get3A_1062 = tpu.vector_load %get3A_1059[%get3A_1060, %get3A_1061] {strides = array<i32>} : memref<2x8192xf32, #tpu.memory_space<vmem>>, vector<1x16xf32>,
        %get3A_1063 = vector.shape_cast %get3A_1062 : vector<1x16xf32> to vector<16xf32>
        %exp3A_1064 = math.exp %get3A_1063 : vector<16xf32>
        %add3A_1065 = arith.addf %add3A_1052, %exp3A_1064 : vector<16xf32>
        %add3A_1066 = arith.constant 224 : i32
        %add3A_1067 = arith.addi %mul3A_884, %add3A_1066 : i32
        %get3A_1068 = arith.constant 1 : i32
        %get3A_1069 = arith.constant 0 : i32
        %get3A_1070 = arith.constant 0 : i32
        %get3A_1071 = tpu.memref_slice %arg13[%scan3A_585, %get3A_1069, %get3A_1070] : memref<4x2x8192xf32, #tpu.memory_space<vmem>> -> memref<1x2x8192xf32, #tpu.memory_space<vmem>>
        %get3A_1072 = tpu.memref_squeeze %get3A_1071 : memref<1x2x8192xf32, #tpu.memory_space<vmem>> -> memref<2x8192xf32, #tpu.memory_space<vmem>>
        %get3A_1073 = arith.index_cast %get3A_1068 : i32 to index
        %get3A_1074 = arith.index_cast %add3A_1067 : i32 to index
        %get3A_1075 = tpu.vector_load %get3A_1072[%get3A_1073, %get3A_1074] {strides = array<i32>} : memref<2x8192xf32, #tpu.memory_space<vmem>>, vector<1x16xf32>,
        %get3A_1076 = vector.shape_cast %get3A_1075 : vector<1x16xf32> to vector<16xf32>
        %exp3A_1077 = math.exp %get3A_1076 : vector<16xf32>
        %add3A_1078 = arith.addf %add3A_1065, %exp3A_1077 : vector<16xf32>
        %add3A_1079 = arith.constant 240 : i32
        %add3A_1080 = arith.addi %mul3A_884, %add3A_1079 : i32
        %get3A_1081 = arith.constant 1 : i32
        %get3A_1082 = arith.constant 0 : i32
        %get3A_1083 = arith.constant 0 : i32
        %get3A_1084 = tpu.memref_slice %arg13[%scan3A_585, %get3A_1082, %get3A_1083] : memref<4x2x8192xf32, #tpu.memory_space<vmem>> -> memref<1x2x8192xf32, #tpu.memory_space<vmem>>
        %get3A_1085 = tpu.memref_squeeze %get3A_1084 : memref<1x2x8192xf32, #tpu.memory_space<vmem>> -> memref<2x8192xf32, #tpu.memory_space<vmem>>
        %get3A_1086 = arith.index_cast %get3A_1081 : i32 to index
        %get3A_1087 = arith.index_cast %add3A_1080 : i32 to index
        %get3A_1088 = tpu.vector_load %get3A_1085[%get3A_1086, %get3A_1087] {strides = array<i32>} : memref<2x8192xf32, #tpu.memory_space<vmem>>, vector<1x16xf32>,
        %get3A_1089 = vector.shape_cast %get3A_1088 : vector<1x16xf32> to vector<16xf32>
        %exp3A_1090 = math.exp %get3A_1089 : vector<16xf32>
        %add3A_1091 = arith.addf %add3A_1078, %exp3A_1090 : vector<16xf32>
        scf.yield %add3A_1091 : vector<16xf32>
      }
      %scan3A_591 = arith.constant 32 : i32
      %swap3A_592 = arith.index_cast %add3A_582 : i32 to index
      %swap3A_593 = arith.constant 0 : index
      %swap3A_594 = tpu.vector_load %arg11[%swap3A_592, %swap3A_593] {strides = array<i32>} : memref<128x16xf32, #tpu.memory_space<vmem>>, vector<1x16xf32>,
      %swap3A_595 = vector.shape_cast %swap3A_594 : vector<1x16xf32> to vector<16xf32>
      %swap3A_596 = vector.shape_cast %scan3A_590 : vector<16xf32> to vector<1x16xf32>
      tpu.vector_store %arg11[%swap3A_592, %swap3A_593], %swap3A_596 {strides = array<i32>} : memref<128x16xf32, #tpu.memory_space<vmem>>, vector<1x16xf32>,
      %get3A_597 = arith.index_cast %add3A_582 : i32 to index
      %get3A_598 = memref.load %arg10[%get3A_597] : memref<128xi32, #tpu.memory_space<smem>>
      %jit3A_599 = arith.constant 16 : i32
      %div3A_600 = arith.divsi %get3A_598, %jit3A_599 : i32
      %sign3A_601 = arith.constant 0 : i32
      %sign3A_602 = arith.cmpi sgt, %get3A_598, %sign3A_601 : i32
      %sign3A_603 = arith.extui %sign3A_602 : i1 to i32
      %sign3A_604 = arith.constant 0 : i32
      %sign3A_605 = arith.cmpi slt, %get3A_598, %sign3A_604 : i32
      %sign3A_606 = arith.extui %sign3A_605 : i1 to i32
      %sign3A_607 = arith.subi %sign3A_603, %sign3A_606 : i32
      %sign3A_608 = arith.constant 0 : i32
      %sign3A_609 = arith.cmpi sgt, %jit3A_599, %sign3A_608 : i32
      %sign3A_610 = arith.extui %sign3A_609 : i1 to i32
      %sign3A_611 = arith.constant 0 : i32
      %sign3A_612 = arith.cmpi slt, %jit3A_599, %sign3A_611 : i32
      %sign3A_613 = arith.extui %sign3A_612 : i1 to i32
      %sign3A_614 = arith.subi %sign3A_610, %sign3A_613 : i32
      %ne3A_615 = arith.cmpi ne, %sign3A_607, %sign3A_614 : i32
      %rem3A_616 = arith.remsi %get3A_598, %jit3A_599 : i32
      %ne3A_617 = arith.constant 0 : i32
      %ne3A_618 = arith.cmpi ne, %rem3A_616, %ne3A_617 : i32
      %and3A_619 = arith.andi %ne3A_615, %ne3A_618 : i1
      %sub3A_620 = arith.constant 1 : i32
      %sub3A_621 = arith.subi %div3A_600, %sub3A_620 : i32
      %select_n3A_622 = arith.select %and3A_619, %sub3A_621, %div3A_600 : i32
      %mul3A_623 = arith.constant 16 : i32
      %mul3A_624 = arith.muli %select_n3A_622, %mul3A_623 : i32
      %multiple_of3A_625 = tpu.assume_multiple %mul3A_624, 16 : i32
      %get3A_626 = arith.constant 2 : i32
      %get3A_627 = arith.constant 1 : i32
      %get3A_628 = arith.constant 0 : i32
      %get3A_629 = arith.constant 0 : i32
      %get3A_630 = tpu.memref_slice %arg13[%get3A_626, %get3A_628, %get3A_629] : memref<4x2x8192xf32, #tpu.memory_space<vmem>> -> memref<1x2x8192xf32, #tpu.memory_space<vmem>>
      %get3A_631 = tpu.memref_squeeze %get3A_630 : memref<1x2x8192xf32, #tpu.memory_space<vmem>> -> memref<2x8192xf32, #tpu.memory_space<vmem>>
      %get3A_632 = arith.index_cast %get3A_627 : i32 to index
      %get3A_633 = arith.index_cast %multiple_of3A_625 : i32 to index
      %get3A_634 = tpu.vector_load %get3A_631[%get3A_632, %get3A_633] {strides = array<i32>} : memref<2x8192xf32, #tpu.memory_space<vmem>>, vector<1x16xf32>,
      %get3A_635 = vector.shape_cast %get3A_634 : vector<1x16xf32> to vector<16xf32>
      %jit3A_636 = arith.constant 16 : i32
      %eq3A_637 = arith.constant 0 : i32
      %eq3A_638 = arith.cmpi eq, %jit3A_636, %eq3A_637 : i32
      %jit3A_639 = arith.constant 1 : i32
      %select_n3A_640 = arith.select %eq3A_638, %jit3A_639, %jit3A_636 : i32
      %rem3A_641 = arith.remsi %get3A_598, %select_n3A_640 : i32
      %ne3A_642 = arith.constant 0 : i32
      %ne3A_643 = arith.cmpi ne, %rem3A_641, %ne3A_642 : i32
      %lt3A_644 = arith.constant 0 : i32
      %lt3A_645 = arith.cmpi slt, %rem3A_641, %lt3A_644 : i32
      %lt3A_646 = arith.constant 0 : i32
      %lt3A_647 = arith.cmpi slt, %select_n3A_640, %lt3A_646 : i32
      %ne3A_648 = arith.xori %lt3A_645, %lt3A_647 : i1
      %and3A_649 = arith.andi %ne3A_648, %ne3A_643 : i1
      %add3A_650 = arith.addi %rem3A_641, %select_n3A_640 : i32
      %select_n3A_651 = arith.select %and3A_649, %add3A_650, %rem3A_641 : i32
      %eq3A_652 = vector.broadcast %select_n3A_651 : i32 to vector<16xi32>
      %eq3A_653 = arith.cmpi eq, %iota3A, %eq3A_652 : vector<16xi32>
      %jit3A_654 = arith.constant 0.000000e+00 : f32
      %broadcast_in_dim3A_655 = vector.broadcast %jit3A_654 : f32 to vector<16xf32>
      %select_n3A_656 = arith.select %eq3A_653, %get3A_635, %broadcast_in_dim3A_655 : vector<16xi1>, vector<16xf32>
      %swap3A_657 = arith.index_cast %add3A_582 : i32 to index
      %swap3A_658 = arith.constant 0 : index
      %swap3A_659 = tpu.vector_load %arg12[%swap3A_657, %swap3A_658] {strides = array<i32>} : memref<128x16xf32, #tpu.memory_space<vmem>>, vector<1x16xf32>,
      %swap3A_660 = vector.shape_cast %swap3A_659 : vector<1x16xf32> to vector<16xf32>
      %swap3A_661 = vector.shape_cast %select_n3A_656 : vector<16xf32> to vector<1x16xf32>
      tpu.vector_store %arg12[%swap3A_657, %swap3A_658], %swap3A_661 {strides = array<i32>} : memref<128x16xf32, #tpu.memory_space<vmem>>, vector<1x16xf32>,
      %mul3A_662 = arith.constant 2 : i32
      %mul3A_663 = arith.muli %add3A_476, %mul3A_662 : i32
      %add3A_664 = arith.addi %mul3A_2, %mul3A_663 : i32
      %dma_start3A_665 = arith.constant 2 : i32
      %dma_start3A_666 = arith.constant 0 : i32
      %dma_start3A_667 = arith.constant 0 : i32
      %dma_start3A_668 = tpu.memref_slice %arg13[%dma_start3A_665, %dma_start3A_666, %dma_start3A_667] : memref<4x2x8192xf32, #tpu.memory_space<vmem>> -> memref<1x2x8192xf32, #tpu.memory_space<vmem>>
      %dma_start3A_669 = tpu.memref_squeeze %dma_start3A_668 : memref<1x2x8192xf32, #tpu.memory_space<vmem>> -> memref<2x8192xf32, #tpu.memory_space<vmem>>
      %dma_start3A_670 = arith.constant 0 : i32
      %dma_start3A_671 = tpu.memref_slice %arg5[%add3A_664, %dma_start3A_670] : memref<4096x8192xf32, #tpu.memory_space<hbm>> -> memref<2x8192xf32, #tpu.memory_space<hbm>>
      %dma_start3A_672 = arith.constant 0 : i32
      %dma_start3A_673 = tpu.memref_slice %arg5[%add3A_664, %dma_start3A_672] : memref<4096x8192xf32, #tpu.memory_space<hbm>> -> memref<2x8192xf32, #tpu.memory_space<hbm>>
      %dma_start3A_674 = arith.constant 0 : i32
      %dma_start3A_675 = arith.constant 0 : i32
      %dma_start3A_676 = tpu.memref_slice %arg13[%dma_start3A_665, %dma_start3A_674, %dma_start3A_675] : memref<4x2x8192xf32, #tpu.memory_space<vmem>> -> memref<1x2x8192xf32, #tpu.memory_space<vmem>>
      %dma_start3A_677 = tpu.memref_squeeze %dma_start3A_676 : memref<1x2x8192xf32, #tpu.memory_space<vmem>> -> memref<2x8192xf32, #tpu.memory_space<vmem>>
      tpu.enqueue_dma source(%dma_start3A_677 : memref<2x8192xf32, #tpu.memory_space<vmem>>) target(%dma_start3A_673 : memref<2x8192xf32, #tpu.memory_space<hbm>>) target_semaphore(%arg15 : memref<!tpu.dma_semaphore, #tpu.memory_space<semaphore_mem>>)
      %add3A_678 = arith.constant 3 : i32
      %add3A_679 = arith.addi %mul3A_84, %add3A_678 : i32
      %dma_wait3A_680 = arith.constant 0 : i32
      %dma_wait3A_681 = arith.constant 0 : i32
      %dma_wait3A_682 = arith.constant 0 : i32
      %dma_wait3A_683 = arith.constant 0 : i32
      %dma_wait3A_684 = tpu.memref_slice %arg13[%dma_wait3A_681, %dma_wait3A_682, %dma_wait3A_683] : memref<4x2x8192xf32, #tpu.memory_space<vmem>> -> memref<1x2x8192xf32, #tpu.memory_space<vmem>>
      %dma_wait3A_685 = tpu.memref_squeeze %dma_wait3A_684 : memref<1x2x8192xf32, #tpu.memory_space<vmem>> -> memref<2x8192xf32, #tpu.memory_space<vmem>>
      %dma_wait3A_686 = arith.constant 0 : i32
      %dma_wait3A_687 = tpu.memref_slice %arg8[%dma_wait3A_680, %dma_wait3A_686] : memref<64x2xi32, #tpu.memory_space<vmem>> -> memref<1x2xi32, #tpu.memory_space<vmem>>
      %dma_wait3A_688 = tpu.memref_squeeze %dma_wait3A_687 : memref<1x2xi32, #tpu.memory_space<vmem>> -> memref<2xi32, #tpu.memory_space<vmem>>
      %dma_wait3A_689 = arith.constant 0 : i32
      %dma_wait3A_690 = arith.constant 0 : i32
      %dma_wait3A_691 = tpu.memref_slice %arg2[%dma_wait3A_689, %dma_wait3A_690] : memref<8192x8192xf32, #tpu.memory_space<hbm>> -> memref<8192x8192xf32, #tpu.memory_space<hbm>>
      tpu.wait_indirect_dma semaphore(%arg14 : memref<!tpu.dma_semaphore, #tpu.memory_space<semaphore_mem>>) src(%dma_wait3A_691 : memref<8192x8192xf32, #tpu.memory_space<hbm>>) dst(%dma_wait3A_685 : memref<2x8192xf32, #tpu.memory_space<vmem>>)
      %add3A_692 = arith.constant 2 : i32
      %add3A_693 = arith.addi %add3A_679, %add3A_692 : i32
      %lt3A_694 = arith.constant 64 : i32
      %lt3A_695 = arith.cmpi slt, %add3A_693, %lt3A_694 : i32
      %convert_element_type3A_696 = arith.extui %lt3A_695 : i1 to i32
      %cond3A_697 = arith.constant 0 : i32
      %cond3A_698 = arith.cmpi ne, %convert_element_type3A_696, %cond3A_697 : i32
      scf.if %cond3A_698 {
        %ge3A = arith.constant 2 : i32
        %ge3A_881 = arith.cmpi sge, %add3A_679, %ge3A : i32
        %convert_element_type3A_882 = arith.extui %ge3A_881 : i1 to i32
        %cond3A_883 = arith.constant 0 : i32
        %cond3A_884 = arith.cmpi ne, %convert_element_type3A_882, %cond3A_883 : i32
        scf.if %cond3A_884 {
          %dma_wait3A_898 = arith.constant 0 : i32
          %dma_wait3A_899 = arith.constant 0 : i32
          %dma_wait3A_900 = arith.constant 0 : i32
          %dma_wait3A_901 = tpu.memref_slice %arg13[%dma_wait3A_898, %dma_wait3A_899, %dma_wait3A_900] : memref<4x2x8192xf32, #tpu.memory_space<vmem>> -> memref<1x2x8192xf32, #tpu.memory_space<vmem>>
          %dma_wait3A_902 = tpu.memref_squeeze %dma_wait3A_901 : memref<1x2x8192xf32, #tpu.memory_space<vmem>> -> memref<2x8192xf32, #tpu.memory_space<vmem>>
          %dma_wait3A_903 = arith.constant 0 : i32
          %dma_wait3A_904 = tpu.memref_slice %arg5[%mul3A_2, %dma_wait3A_903] : memref<4096x8192xf32, #tpu.memory_space<hbm>> -> memref<2x8192xf32, #tpu.memory_space<hbm>>
          %dma_wait3A_905 = arith.constant 0 : i32
          %dma_wait3A_906 = tpu.memref_slice %arg5[%mul3A_2, %dma_wait3A_905] : memref<4096x8192xf32, #tpu.memory_space<hbm>> -> memref<2x8192xf32, #tpu.memory_space<hbm>>
          %dma_wait3A_907 = arith.constant 0 : i32
          %dma_wait3A_908 = arith.constant 0 : i32
          %dma_wait3A_909 = tpu.memref_slice %arg13[%dma_wait3A_898, %dma_wait3A_907, %dma_wait3A_908] : memref<4x2x8192xf32, #tpu.memory_space<vmem>> -> memref<1x2x8192xf32, #tpu.memory_space<vmem>>
          %dma_wait3A_910 = tpu.memref_squeeze %dma_wait3A_909 : memref<1x2x8192xf32, #tpu.memory_space<vmem>> -> memref<2x8192xf32, #tpu.memory_space<vmem>>
          tpu.wait_dma2 semaphore(%arg15 : memref<!tpu.dma_semaphore, #tpu.memory_space<semaphore_mem>>) src(%dma_wait3A_910 : memref<2x8192xf32, #tpu.memory_space<vmem>>) dst(%dma_wait3A_906 : memref<2x8192xf32, #tpu.memory_space<hbm>>)
        } else {
        }
        %add3A_885 = arith.constant 2 : i32
        %add3A_886 = arith.addi %add3A_679, %add3A_885 : i32
        %dma_start3A_887 = arith.constant 1 : i32
        %dma_start3A_888 = arith.constant 0 : i32
        %dma_start3A_889 = arith.constant 0 : i32
        %dma_start3A_890 = tpu.memref_slice %arg13[%dma_start3A_887, %dma_start3A_888, %dma_start3A_889] : memref<4x2x8192xf32, #tpu.memory_space<vmem>> -> memref<1x2x8192xf32, #tpu.memory_space<vmem>>
        %dma_start3A_891 = tpu.memref_squeeze %dma_start3A_890 : memref<1x2x8192xf32, #tpu.memory_space<vmem>> -> memref<2x8192xf32, #tpu.memory_space<vmem>>
        %dma_start3A_892 = arith.constant 0 : i32
        %dma_start3A_893 = tpu.memref_slice %arg8[%add3A_886, %dma_start3A_892] : memref<64x2xi32, #tpu.memory_space<vmem>> -> memref<1x2xi32, #tpu.memory_space<vmem>>
        %dma_start3A_894 = tpu.memref_squeeze %dma_start3A_893 : memref<1x2xi32, #tpu.memory_space<vmem>> -> memref<2xi32, #tpu.memory_space<vmem>>
        %dma_start3A_895 = arith.constant 0 : i32
        %dma_start3A_896 = arith.constant 0 : i32
        %dma_start3A_897 = tpu.memref_slice %arg2[%dma_start3A_895, %dma_start3A_896] : memref<8192x8192xf32, #tpu.memory_space<hbm>> -> memref<8192x8192xf32, #tpu.memory_space<hbm>>
        tpu.enqueue_indirect_dma source(%dma_start3A_897 : memref<8192x8192xf32, #tpu.memory_space<hbm>>) target(%dma_start3A_891 : memref<2x8192xf32, #tpu.memory_space<vmem>>) offsets(%dma_start3A_894 : memref<2xi32, #tpu.memory_space<vmem>>) semaphore(%arg14 : memref<!tpu.dma_semaphore, #tpu.memory_space<semaphore_mem>>)
      } else {
      }
      %mul3A_699 = arith.constant 2 : i32
      %mul3A_700 = arith.muli %add3A_679, %mul3A_699 : i32
      %add3A_701 = arith.constant 0 : i32
      %add3A_702 = arith.addi %mul3A_700, %add3A_701 : i32
      %broadcast_in_dim3A_703 = arith.constant 0.000000e+00 : f32
      %broadcast_in_dim3A_704 = vector.broadcast %broadcast_in_dim3A_703 : f32 to vector<16xf32>
      %scan3A_705 = arith.constant 3 : i32
      %scan3A_706 = arith.constant 0 : i32
      %scan3A_707 = arith.constant 32 : i32
      %scan3A_708 = arith.addi %scan3A_706, %scan3A_707 : i32
      %scan3A_709 = arith.constant 1 : i32
      %scan3A_710 = scf.for %scan3A_881 = %scan3A_706 to %scan3A_708 step %scan3A_709 iter_args(%scan3A_882 = %broadcast_in_dim3A_704) -> (vector<16xf32>)  : i32 {
        %mul3A_883 = arith.constant 256 : i32
        %mul3A_884 = arith.muli %scan3A_881, %mul3A_883 : i32
        %add3A_885 = arith.constant 0 : i32
        %add3A_886 = arith.addi %mul3A_884, %add3A_885 : i32
        %get3A_887 = arith.constant 0 : i32
        %get3A_888 = arith.constant 0 : i32
        %get3A_889 = arith.constant 0 : i32
        %get3A_890 = tpu.memref_slice %arg13[%scan3A_705, %get3A_888, %get3A_889] : memref<4x2x8192xf32, #tpu.memory_space<vmem>> -> memref<1x2x8192xf32, #tpu.memory_space<vmem>>
        %get3A_891 = tpu.memref_squeeze %get3A_890 : memref<1x2x8192xf32, #tpu.memory_space<vmem>> -> memref<2x8192xf32, #tpu.memory_space<vmem>>
        %get3A_892 = arith.index_cast %get3A_887 : i32 to index
        %get3A_893 = arith.index_cast %add3A_886 : i32 to index
        %get3A_894 = tpu.vector_load %get3A_891[%get3A_892, %get3A_893] {strides = array<i32>} : memref<2x8192xf32, #tpu.memory_space<vmem>>, vector<1x16xf32>,
        %get3A_895 = vector.shape_cast %get3A_894 : vector<1x16xf32> to vector<16xf32>
        %exp3A = math.exp %get3A_895 : vector<16xf32>
        %add3A_896 = arith.addf %scan3A_882, %exp3A : vector<16xf32>
        %add3A_897 = arith.constant 16 : i32
        %add3A_898 = arith.addi %mul3A_884, %add3A_897 : i32
        %get3A_899 = arith.constant 0 : i32
        %get3A_900 = arith.constant 0 : i32
        %get3A_901 = arith.constant 0 : i32
        %get3A_902 = tpu.memref_slice %arg13[%scan3A_705, %get3A_900, %get3A_901] : memref<4x2x8192xf32, #tpu.memory_space<vmem>> -> memref<1x2x8192xf32, #tpu.memory_space<vmem>>
        %get3A_903 = tpu.memref_squeeze %get3A_902 : memref<1x2x8192xf32, #tpu.memory_space<vmem>> -> memref<2x8192xf32, #tpu.memory_space<vmem>>
        %get3A_904 = arith.index_cast %get3A_899 : i32 to index
        %get3A_905 = arith.index_cast %add3A_898 : i32 to index
        %get3A_906 = tpu.vector_load %get3A_903[%get3A_904, %get3A_905] {strides = array<i32>} : memref<2x8192xf32, #tpu.memory_space<vmem>>, vector<1x16xf32>,
        %get3A_907 = vector.shape_cast %get3A_906 : vector<1x16xf32> to vector<16xf32>
        %exp3A_908 = math.exp %get3A_907 : vector<16xf32>
        %add3A_909 = arith.addf %add3A_896, %exp3A_908 : vector<16xf32>
        %add3A_910 = arith.constant 32 : i32
        %add3A_911 = arith.addi %mul3A_884, %add3A_910 : i32
        %get3A_912 = arith.constant 0 : i32
        %get3A_913 = arith.constant 0 : i32
        %get3A_914 = arith.constant 0 : i32
        %get3A_915 = tpu.memref_slice %arg13[%scan3A_705, %get3A_913, %get3A_914] : memref<4x2x8192xf32, #tpu.memory_space<vmem>> -> memref<1x2x8192xf32, #tpu.memory_space<vmem>>
        %get3A_916 = tpu.memref_squeeze %get3A_915 : memref<1x2x8192xf32, #tpu.memory_space<vmem>> -> memref<2x8192xf32, #tpu.memory_space<vmem>>
        %get3A_917 = arith.index_cast %get3A_912 : i32 to index
        %get3A_918 = arith.index_cast %add3A_911 : i32 to index
        %get3A_919 = tpu.vector_load %get3A_916[%get3A_917, %get3A_918] {strides = array<i32>} : memref<2x8192xf32, #tpu.memory_space<vmem>>, vector<1x16xf32>,
        %get3A_920 = vector.shape_cast %get3A_919 : vector<1x16xf32> to vector<16xf32>
        %exp3A_921 = math.exp %get3A_920 : vector<16xf32>
        %add3A_922 = arith.addf %add3A_909, %exp3A_921 : vector<16xf32>
        %add3A_923 = arith.constant 48 : i32
        %add3A_924 = arith.addi %mul3A_884, %add3A_923 : i32
        %get3A_925 = arith.constant 0 : i32
        %get3A_926 = arith.constant 0 : i32
        %get3A_927 = arith.constant 0 : i32
        %get3A_928 = tpu.memref_slice %arg13[%scan3A_705, %get3A_926, %get3A_927] : memref<4x2x8192xf32, #tpu.memory_space<vmem>> -> memref<1x2x8192xf32, #tpu.memory_space<vmem>>
        %get3A_929 = tpu.memref_squeeze %get3A_928 : memref<1x2x8192xf32, #tpu.memory_space<vmem>> -> memref<2x8192xf32, #tpu.memory_space<vmem>>
        %get3A_930 = arith.index_cast %get3A_925 : i32 to index
        %get3A_931 = arith.index_cast %add3A_924 : i32 to index
        %get3A_932 = tpu.vector_load %get3A_929[%get3A_930, %get3A_931] {strides = array<i32>} : memref<2x8192xf32, #tpu.memory_space<vmem>>, vector<1x16xf32>,
        %get3A_933 = vector.shape_cast %get3A_932 : vector<1x16xf32> to vector<16xf32>
        %exp3A_934 = math.exp %get3A_933 : vector<16xf32>
        %add3A_935 = arith.addf %add3A_922, %exp3A_934 : vector<16xf32>
        %add3A_936 = arith.constant 64 : i32
        %add3A_937 = arith.addi %mul3A_884, %add3A_936 : i32
        %get3A_938 = arith.constant 0 : i32
        %get3A_939 = arith.constant 0 : i32
        %get3A_940 = arith.constant 0 : i32
        %get3A_941 = tpu.memref_slice %arg13[%scan3A_705, %get3A_939, %get3A_940] : memref<4x2x8192xf32, #tpu.memory_space<vmem>> -> memref<1x2x8192xf32, #tpu.memory_space<vmem>>
        %get3A_942 = tpu.memref_squeeze %get3A_941 : memref<1x2x8192xf32, #tpu.memory_space<vmem>> -> memref<2x8192xf32, #tpu.memory_space<vmem>>
        %get3A_943 = arith.index_cast %get3A_938 : i32 to index
        %get3A_944 = arith.index_cast %add3A_937 : i32 to index
        %get3A_945 = tpu.vector_load %get3A_942[%get3A_943, %get3A_944] {strides = array<i32>} : memref<2x8192xf32, #tpu.memory_space<vmem>>, vector<1x16xf32>,
        %get3A_946 = vector.shape_cast %get3A_945 : vector<1x16xf32> to vector<16xf32>
        %exp3A_947 = math.exp %get3A_946 : vector<16xf32>
        %add3A_948 = arith.addf %add3A_935, %exp3A_947 : vector<16xf32>
        %add3A_949 = arith.constant 80 : i32
        %add3A_950 = arith.addi %mul3A_884, %add3A_949 : i32
        %get3A_951 = arith.constant 0 : i32
        %get3A_952 = arith.constant 0 : i32
        %get3A_953 = arith.constant 0 : i32
        %get3A_954 = tpu.memref_slice %arg13[%scan3A_705, %get3A_952, %get3A_953] : memref<4x2x8192xf32, #tpu.memory_space<vmem>> -> memref<1x2x8192xf32, #tpu.memory_space<vmem>>
        %get3A_955 = tpu.memref_squeeze %get3A_954 : memref<1x2x8192xf32, #tpu.memory_space<vmem>> -> memref<2x8192xf32, #tpu.memory_space<vmem>>
        %get3A_956 = arith.index_cast %get3A_951 : i32 to index
        %get3A_957 = arith.index_cast %add3A_950 : i32 to index
        %get3A_958 = tpu.vector_load %get3A_955[%get3A_956, %get3A_957] {strides = array<i32>} : memref<2x8192xf32, #tpu.memory_space<vmem>>, vector<1x16xf32>,
        %get3A_959 = vector.shape_cast %get3A_958 : vector<1x16xf32> to vector<16xf32>
        %exp3A_960 = math.exp %get3A_959 : vector<16xf32>
        %add3A_961 = arith.addf %add3A_948, %exp3A_960 : vector<16xf32>
        %add3A_962 = arith.constant 96 : i32
        %add3A_963 = arith.addi %mul3A_884, %add3A_962 : i32
        %get3A_964 = arith.constant 0 : i32
        %get3A_965 = arith.constant 0 : i32
        %get3A_966 = arith.constant 0 : i32
        %get3A_967 = tpu.memref_slice %arg13[%scan3A_705, %get3A_965, %get3A_966] : memref<4x2x8192xf32, #tpu.memory_space<vmem>> -> memref<1x2x8192xf32, #tpu.memory_space<vmem>>
        %get3A_968 = tpu.memref_squeeze %get3A_967 : memref<1x2x8192xf32, #tpu.memory_space<vmem>> -> memref<2x8192xf32, #tpu.memory_space<vmem>>
        %get3A_969 = arith.index_cast %get3A_964 : i32 to index
        %get3A_970 = arith.index_cast %add3A_963 : i32 to index
        %get3A_971 = tpu.vector_load %get3A_968[%get3A_969, %get3A_970] {strides = array<i32>} : memref<2x8192xf32, #tpu.memory_space<vmem>>, vector<1x16xf32>,
        %get3A_972 = vector.shape_cast %get3A_971 : vector<1x16xf32> to vector<16xf32>
        %exp3A_973 = math.exp %get3A_972 : vector<16xf32>
        %add3A_974 = arith.addf %add3A_961, %exp3A_973 : vector<16xf32>
        %add3A_975 = arith.constant 112 : i32
        %add3A_976 = arith.addi %mul3A_884, %add3A_975 : i32
        %get3A_977 = arith.constant 0 : i32
        %get3A_978 = arith.constant 0 : i32
        %get3A_979 = arith.constant 0 : i32
        %get3A_980 = tpu.memref_slice %arg13[%scan3A_705, %get3A_978, %get3A_979] : memref<4x2x8192xf32, #tpu.memory_space<vmem>> -> memref<1x2x8192xf32, #tpu.memory_space<vmem>>
        %get3A_981 = tpu.memref_squeeze %get3A_980 : memref<1x2x8192xf32, #tpu.memory_space<vmem>> -> memref<2x8192xf32, #tpu.memory_space<vmem>>
        %get3A_982 = arith.index_cast %get3A_977 : i32 to index
        %get3A_983 = arith.index_cast %add3A_976 : i32 to index
        %get3A_984 = tpu.vector_load %get3A_981[%get3A_982, %get3A_983] {strides = array<i32>} : memref<2x8192xf32, #tpu.memory_space<vmem>>, vector<1x16xf32>,
        %get3A_985 = vector.shape_cast %get3A_984 : vector<1x16xf32> to vector<16xf32>
        %exp3A_986 = math.exp %get3A_985 : vector<16xf32>
        %add3A_987 = arith.addf %add3A_974, %exp3A_986 : vector<16xf32>
        %add3A_988 = arith.constant 128 : i32
        %add3A_989 = arith.addi %mul3A_884, %add3A_988 : i32
        %get3A_990 = arith.constant 0 : i32
        %get3A_991 = arith.constant 0 : i32
        %get3A_992 = arith.constant 0 : i32
        %get3A_993 = tpu.memref_slice %arg13[%scan3A_705, %get3A_991, %get3A_992] : memref<4x2x8192xf32, #tpu.memory_space<vmem>> -> memref<1x2x8192xf32, #tpu.memory_space<vmem>>
        %get3A_994 = tpu.memref_squeeze %get3A_993 : memref<1x2x8192xf32, #tpu.memory_space<vmem>> -> memref<2x8192xf32, #tpu.memory_space<vmem>>
        %get3A_995 = arith.index_cast %get3A_990 : i32 to index
        %get3A_996 = arith.index_cast %add3A_989 : i32 to index
        %get3A_997 = tpu.vector_load %get3A_994[%get3A_995, %get3A_996] {strides = array<i32>} : memref<2x8192xf32, #tpu.memory_space<vmem>>, vector<1x16xf32>,
        %get3A_998 = vector.shape_cast %get3A_997 : vector<1x16xf32> to vector<16xf32>
        %exp3A_999 = math.exp %get3A_998 : vector<16xf32>
        %add3A_1000 = arith.addf %add3A_987, %exp3A_999 : vector<16xf32>
        %add3A_1001 = arith.constant 144 : i32
        %add3A_1002 = arith.addi %mul3A_884, %add3A_1001 : i32
        %get3A_1003 = arith.constant 0 : i32
        %get3A_1004 = arith.constant 0 : i32
        %get3A_1005 = arith.constant 0 : i32
        %get3A_1006 = tpu.memref_slice %arg13[%scan3A_705, %get3A_1004, %get3A_1005] : memref<4x2x8192xf32, #tpu.memory_space<vmem>> -> memref<1x2x8192xf32, #tpu.memory_space<vmem>>
        %get3A_1007 = tpu.memref_squeeze %get3A_1006 : memref<1x2x8192xf32, #tpu.memory_space<vmem>> -> memref<2x8192xf32, #tpu.memory_space<vmem>>
        %get3A_1008 = arith.index_cast %get3A_1003 : i32 to index
        %get3A_1009 = arith.index_cast %add3A_1002 : i32 to index
        %get3A_1010 = tpu.vector_load %get3A_1007[%get3A_1008, %get3A_1009] {strides = array<i32>} : memref<2x8192xf32, #tpu.memory_space<vmem>>, vector<1x16xf32>,
        %get3A_1011 = vector.shape_cast %get3A_1010 : vector<1x16xf32> to vector<16xf32>
        %exp3A_1012 = math.exp %get3A_1011 : vector<16xf32>
        %add3A_1013 = arith.addf %add3A_1000, %exp3A_1012 : vector<16xf32>
        %add3A_1014 = arith.constant 160 : i32
        %add3A_1015 = arith.addi %mul3A_884, %add3A_1014 : i32
        %get3A_1016 = arith.constant 0 : i32
        %get3A_1017 = arith.constant 0 : i32
        %get3A_1018 = arith.constant 0 : i32
        %get3A_1019 = tpu.memref_slice %arg13[%scan3A_705, %get3A_1017, %get3A_1018] : memref<4x2x8192xf32, #tpu.memory_space<vmem>> -> memref<1x2x8192xf32, #tpu.memory_space<vmem>>
        %get3A_1020 = tpu.memref_squeeze %get3A_1019 : memref<1x2x8192xf32, #tpu.memory_space<vmem>> -> memref<2x8192xf32, #tpu.memory_space<vmem>>
        %get3A_1021 = arith.index_cast %get3A_1016 : i32 to index
        %get3A_1022 = arith.index_cast %add3A_1015 : i32 to index
        %get3A_1023 = tpu.vector_load %get3A_1020[%get3A_1021, %get3A_1022] {strides = array<i32>} : memref<2x8192xf32, #tpu.memory_space<vmem>>, vector<1x16xf32>,
        %get3A_1024 = vector.shape_cast %get3A_1023 : vector<1x16xf32> to vector<16xf32>
        %exp3A_1025 = math.exp %get3A_1024 : vector<16xf32>
        %add3A_1026 = arith.addf %add3A_1013, %exp3A_1025 : vector<16xf32>
        %add3A_1027 = arith.constant 176 : i32
        %add3A_1028 = arith.addi %mul3A_884, %add3A_1027 : i32
        %get3A_1029 = arith.constant 0 : i32
        %get3A_1030 = arith.constant 0 : i32
        %get3A_1031 = arith.constant 0 : i32
        %get3A_1032 = tpu.memref_slice %arg13[%scan3A_705, %get3A_1030, %get3A_1031] : memref<4x2x8192xf32, #tpu.memory_space<vmem>> -> memref<1x2x8192xf32, #tpu.memory_space<vmem>>
        %get3A_1033 = tpu.memref_squeeze %get3A_1032 : memref<1x2x8192xf32, #tpu.memory_space<vmem>> -> memref<2x8192xf32, #tpu.memory_space<vmem>>
        %get3A_1034 = arith.index_cast %get3A_1029 : i32 to index
        %get3A_1035 = arith.index_cast %add3A_1028 : i32 to index
        %get3A_1036 = tpu.vector_load %get3A_1033[%get3A_1034, %get3A_1035] {strides = array<i32>} : memref<2x8192xf32, #tpu.memory_space<vmem>>, vector<1x16xf32>,
        %get3A_1037 = vector.shape_cast %get3A_1036 : vector<1x16xf32> to vector<16xf32>
        %exp3A_1038 = math.exp %get3A_1037 : vector<16xf32>
        %add3A_1039 = arith.addf %add3A_1026, %exp3A_1038 : vector<16xf32>
        %add3A_1040 = arith.constant 192 : i32
        %add3A_1041 = arith.addi %mul3A_884, %add3A_1040 : i32
        %get3A_1042 = arith.constant 0 : i32
        %get3A_1043 = arith.constant 0 : i32
        %get3A_1044 = arith.constant 0 : i32
        %get3A_1045 = tpu.memref_slice %arg13[%scan3A_705, %get3A_1043, %get3A_1044] : memref<4x2x8192xf32, #tpu.memory_space<vmem>> -> memref<1x2x8192xf32, #tpu.memory_space<vmem>>
        %get3A_1046 = tpu.memref_squeeze %get3A_1045 : memref<1x2x8192xf32, #tpu.memory_space<vmem>> -> memref<2x8192xf32, #tpu.memory_space<vmem>>
        %get3A_1047 = arith.index_cast %get3A_1042 : i32 to index
        %get3A_1048 = arith.index_cast %add3A_1041 : i32 to index
        %get3A_1049 = tpu.vector_load %get3A_1046[%get3A_1047, %get3A_1048] {strides = array<i32>} : memref<2x8192xf32, #tpu.memory_space<vmem>>, vector<1x16xf32>,
        %get3A_1050 = vector.shape_cast %get3A_1049 : vector<1x16xf32> to vector<16xf32>
        %exp3A_1051 = math.exp %get3A_1050 : vector<16xf32>
        %add3A_1052 = arith.addf %add3A_1039, %exp3A_1051 : vector<16xf32>
        %add3A_1053 = arith.constant 208 : i32
        %add3A_1054 = arith.addi %mul3A_884, %add3A_1053 : i32
        %get3A_1055 = arith.constant 0 : i32
        %get3A_1056 = arith.constant 0 : i32
        %get3A_1057 = arith.constant 0 : i32
        %get3A_1058 = tpu.memref_slice %arg13[%scan3A_705, %get3A_1056, %get3A_1057] : memref<4x2x8192xf32, #tpu.memory_space<vmem>> -> memref<1x2x8192xf32, #tpu.memory_space<vmem>>
        %get3A_1059 = tpu.memref_squeeze %get3A_1058 : memref<1x2x8192xf32, #tpu.memory_space<vmem>> -> memref<2x8192xf32, #tpu.memory_space<vmem>>
        %get3A_1060 = arith.index_cast %get3A_1055 : i32 to index
        %get3A_1061 = arith.index_cast %add3A_1054 : i32 to index
        %get3A_1062 = tpu.vector_load %get3A_1059[%get3A_1060, %get3A_1061] {strides = array<i32>} : memref<2x8192xf32, #tpu.memory_space<vmem>>, vector<1x16xf32>,
        %get3A_1063 = vector.shape_cast %get3A_1062 : vector<1x16xf32> to vector<16xf32>
        %exp3A_1064 = math.exp %get3A_1063 : vector<16xf32>
        %add3A_1065 = arith.addf %add3A_1052, %exp3A_1064 : vector<16xf32>
        %add3A_1066 = arith.constant 224 : i32
        %add3A_1067 = arith.addi %mul3A_884, %add3A_1066 : i32
        %get3A_1068 = arith.constant 0 : i32
        %get3A_1069 = arith.constant 0 : i32
        %get3A_1070 = arith.constant 0 : i32
        %get3A_1071 = tpu.memref_slice %arg13[%scan3A_705, %get3A_1069, %get3A_1070] : memref<4x2x8192xf32, #tpu.memory_space<vmem>> -> memref<1x2x8192xf32, #tpu.memory_space<vmem>>
        %get3A_1072 = tpu.memref_squeeze %get3A_1071 : memref<1x2x8192xf32, #tpu.memory_space<vmem>> -> memref<2x8192xf32, #tpu.memory_space<vmem>>
        %get3A_1073 = arith.index_cast %get3A_1068 : i32 to index
        %get3A_1074 = arith.index_cast %add3A_1067 : i32 to index
        %get3A_1075 = tpu.vector_load %get3A_1072[%get3A_1073, %get3A_1074] {strides = array<i32>} : memref<2x8192xf32, #tpu.memory_space<vmem>>, vector<1x16xf32>,
        %get3A_1076 = vector.shape_cast %get3A_1075 : vector<1x16xf32> to vector<16xf32>
        %exp3A_1077 = math.exp %get3A_1076 : vector<16xf32>
        %add3A_1078 = arith.addf %add3A_1065, %exp3A_1077 : vector<16xf32>
        %add3A_1079 = arith.constant 240 : i32
        %add3A_1080 = arith.addi %mul3A_884, %add3A_1079 : i32
        %get3A_1081 = arith.constant 0 : i32
        %get3A_1082 = arith.constant 0 : i32
        %get3A_1083 = arith.constant 0 : i32
        %get3A_1084 = tpu.memref_slice %arg13[%scan3A_705, %get3A_1082, %get3A_1083] : memref<4x2x8192xf32, #tpu.memory_space<vmem>> -> memref<1x2x8192xf32, #tpu.memory_space<vmem>>
        %get3A_1085 = tpu.memref_squeeze %get3A_1084 : memref<1x2x8192xf32, #tpu.memory_space<vmem>> -> memref<2x8192xf32, #tpu.memory_space<vmem>>
        %get3A_1086 = arith.index_cast %get3A_1081 : i32 to index
        %get3A_1087 = arith.index_cast %add3A_1080 : i32 to index
        %get3A_1088 = tpu.vector_load %get3A_1085[%get3A_1086, %get3A_1087] {strides = array<i32>} : memref<2x8192xf32, #tpu.memory_space<vmem>>, vector<1x16xf32>,
        %get3A_1089 = vector.shape_cast %get3A_1088 : vector<1x16xf32> to vector<16xf32>
        %exp3A_1090 = math.exp %get3A_1089 : vector<16xf32>
        %add3A_1091 = arith.addf %add3A_1078, %exp3A_1090 : vector<16xf32>
        scf.yield %add3A_1091 : vector<16xf32>
      }
      %scan3A_711 = arith.constant 32 : i32
      %swap3A_712 = arith.index_cast %add3A_702 : i32 to index
      %swap3A_713 = arith.constant 0 : index
      %swap3A_714 = tpu.vector_load %arg11[%swap3A_712, %swap3A_713] {strides = array<i32>} : memref<128x16xf32, #tpu.memory_space<vmem>>, vector<1x16xf32>,
      %swap3A_715 = vector.shape_cast %swap3A_714 : vector<1x16xf32> to vector<16xf32>
      %swap3A_716 = vector.shape_cast %scan3A_710 : vector<16xf32> to vector<1x16xf32>
      tpu.vector_store %arg11[%swap3A_712, %swap3A_713], %swap3A_716 {strides = array<i32>} : memref<128x16xf32, #tpu.memory_space<vmem>>, vector<1x16xf32>,
      %get3A_717 = arith.index_cast %add3A_702 : i32 to index
      %get3A_718 = memref.load %arg10[%get3A_717] : memref<128xi32, #tpu.memory_space<smem>>
      %jit3A_719 = arith.constant 16 : i32
      %div3A_720 = arith.divsi %get3A_718, %jit3A_719 : i32
      %sign3A_721 = arith.constant 0 : i32
      %sign3A_722 = arith.cmpi sgt, %get3A_718, %sign3A_721 : i32
      %sign3A_723 = arith.extui %sign3A_722 : i1 to i32
      %sign3A_724 = arith.constant 0 : i32
      %sign3A_725 = arith.cmpi slt, %get3A_718, %sign3A_724 : i32
      %sign3A_726 = arith.extui %sign3A_725 : i1 to i32
      %sign3A_727 = arith.subi %sign3A_723, %sign3A_726 : i32
      %sign3A_728 = arith.constant 0 : i32
      %sign3A_729 = arith.cmpi sgt, %jit3A_719, %sign3A_728 : i32
      %sign3A_730 = arith.extui %sign3A_729 : i1 to i32
      %sign3A_731 = arith.constant 0 : i32
      %sign3A_732 = arith.cmpi slt, %jit3A_719, %sign3A_731 : i32
      %sign3A_733 = arith.extui %sign3A_732 : i1 to i32
      %sign3A_734 = arith.subi %sign3A_730, %sign3A_733 : i32
      %ne3A_735 = arith.cmpi ne, %sign3A_727, %sign3A_734 : i32
      %rem3A_736 = arith.remsi %get3A_718, %jit3A_719 : i32
      %ne3A_737 = arith.constant 0 : i32
      %ne3A_738 = arith.cmpi ne, %rem3A_736, %ne3A_737 : i32
      %and3A_739 = arith.andi %ne3A_735, %ne3A_738 : i1
      %sub3A_740 = arith.constant 1 : i32
      %sub3A_741 = arith.subi %div3A_720, %sub3A_740 : i32
      %select_n3A_742 = arith.select %and3A_739, %sub3A_741, %div3A_720 : i32
      %mul3A_743 = arith.constant 16 : i32
      %mul3A_744 = arith.muli %select_n3A_742, %mul3A_743 : i32
      %multiple_of3A_745 = tpu.assume_multiple %mul3A_744, 16 : i32
      %get3A_746 = arith.constant 3 : i32
      %get3A_747 = arith.constant 0 : i32
      %get3A_748 = arith.constant 0 : i32
      %get3A_749 = arith.constant 0 : i32
      %get3A_750 = tpu.memref_slice %arg13[%get3A_746, %get3A_748, %get3A_749] : memref<4x2x8192xf32, #tpu.memory_space<vmem>> -> memref<1x2x8192xf32, #tpu.memory_space<vmem>>
      %get3A_751 = tpu.memref_squeeze %get3A_750 : memref<1x2x8192xf32, #tpu.memory_space<vmem>> -> memref<2x8192xf32, #tpu.memory_space<vmem>>
      %get3A_752 = arith.index_cast %get3A_747 : i32 to index
      %get3A_753 = arith.index_cast %multiple_of3A_745 : i32 to index
      %get3A_754 = tpu.vector_load %get3A_751[%get3A_752, %get3A_753] {strides = array<i32>} : memref<2x8192xf32, #tpu.memory_space<vmem>>, vector<1x16xf32>,
      %get3A_755 = vector.shape_cast %get3A_754 : vector<1x16xf32> to vector<16xf32>
      %jit3A_756 = arith.constant 16 : i32
      %eq3A_757 = arith.constant 0 : i32
      %eq3A_758 = arith.cmpi eq, %jit3A_756, %eq3A_757 : i32
      %jit3A_759 = arith.constant 1 : i32
      %select_n3A_760 = arith.select %eq3A_758, %jit3A_759, %jit3A_756 : i32
      %rem3A_761 = arith.remsi %get3A_718, %select_n3A_760 : i32
      %ne3A_762 = arith.constant 0 : i32
      %ne3A_763 = arith.cmpi ne, %rem3A_761, %ne3A_762 : i32
      %lt3A_764 = arith.constant 0 : i32
      %lt3A_765 = arith.cmpi slt, %rem3A_761, %lt3A_764 : i32
      %lt3A_766 = arith.constant 0 : i32
      %lt3A_767 = arith.cmpi slt, %select_n3A_760, %lt3A_766 : i32
      %ne3A_768 = arith.xori %lt3A_765, %lt3A_767 : i1
      %and3A_769 = arith.andi %ne3A_768, %ne3A_763 : i1
      %add3A_770 = arith.addi %rem3A_761, %select_n3A_760 : i32
      %select_n3A_771 = arith.select %and3A_769, %add3A_770, %rem3A_761 : i32
      %eq3A_772 = vector.broadcast %select_n3A_771 : i32 to vector<16xi32>
      %eq3A_773 = arith.cmpi eq, %iota3A, %eq3A_772 : vector<16xi32>
      %jit3A_774 = arith.constant 0.000000e+00 : f32
      %broadcast_in_dim3A_775 = vector.broadcast %jit3A_774 : f32 to vector<16xf32>
      %select_n3A_776 = arith.select %eq3A_773, %get3A_755, %broadcast_in_dim3A_775 : vector<16xi1>, vector<16xf32>
      %swap3A_777 = arith.index_cast %add3A_702 : i32 to index
      %swap3A_778 = arith.constant 0 : index
      %swap3A_779 = tpu.vector_load %arg12[%swap3A_777, %swap3A_778] {strides = array<i32>} : memref<128x16xf32, #tpu.memory_space<vmem>>, vector<1x16xf32>,
      %swap3A_780 = vector.shape_cast %swap3A_779 : vector<1x16xf32> to vector<16xf32>
      %swap3A_781 = vector.shape_cast %select_n3A_776 : vector<16xf32> to vector<1x16xf32>
      tpu.vector_store %arg12[%swap3A_777, %swap3A_778], %swap3A_781 {strides = array<i32>} : memref<128x16xf32, #tpu.memory_space<vmem>>, vector<1x16xf32>,
      %mul3A_782 = arith.constant 2 : i32
      %mul3A_783 = arith.muli %add3A_679, %mul3A_782 : i32
      %add3A_784 = arith.constant 1 : i32
      %add3A_785 = arith.addi %mul3A_783, %add3A_784 : i32
      %broadcast_in_dim3A_786 = arith.constant 0.000000e+00 : f32
      %broadcast_in_dim3A_787 = vector.broadcast %broadcast_in_dim3A_786 : f32 to vector<16xf32>
      %scan3A_788 = arith.constant 3 : i32
      %scan3A_789 = arith.constant 0 : i32
      %scan3A_790 = arith.constant 32 : i32
      %scan3A_791 = arith.addi %scan3A_789, %scan3A_790 : i32
      %scan3A_792 = arith.constant 1 : i32
      %scan3A_793 = scf.for %scan3A_881 = %scan3A_789 to %scan3A_791 step %scan3A_792 iter_args(%scan3A_882 = %broadcast_in_dim3A_787) -> (vector<16xf32>)  : i32 {
        %mul3A_883 = arith.constant 256 : i32
        %mul3A_884 = arith.muli %scan3A_881, %mul3A_883 : i32
        %add3A_885 = arith.constant 0 : i32
        %add3A_886 = arith.addi %mul3A_884, %add3A_885 : i32
        %get3A_887 = arith.constant 1 : i32
        %get3A_888 = arith.constant 0 : i32
        %get3A_889 = arith.constant 0 : i32
        %get3A_890 = tpu.memref_slice %arg13[%scan3A_788, %get3A_888, %get3A_889] : memref<4x2x8192xf32, #tpu.memory_space<vmem>> -> memref<1x2x8192xf32, #tpu.memory_space<vmem>>
        %get3A_891 = tpu.memref_squeeze %get3A_890 : memref<1x2x8192xf32, #tpu.memory_space<vmem>> -> memref<2x8192xf32, #tpu.memory_space<vmem>>
        %get3A_892 = arith.index_cast %get3A_887 : i32 to index
        %get3A_893 = arith.index_cast %add3A_886 : i32 to index
        %get3A_894 = tpu.vector_load %get3A_891[%get3A_892, %get3A_893] {strides = array<i32>} : memref<2x8192xf32, #tpu.memory_space<vmem>>, vector<1x16xf32>,
        %get3A_895 = vector.shape_cast %get3A_894 : vector<1x16xf32> to vector<16xf32>
        %exp3A = math.exp %get3A_895 : vector<16xf32>
        %add3A_896 = arith.addf %scan3A_882, %exp3A : vector<16xf32>
        %add3A_897 = arith.constant 16 : i32
        %add3A_898 = arith.addi %mul3A_884, %add3A_897 : i32
        %get3A_899 = arith.constant 1 : i32
        %get3A_900 = arith.constant 0 : i32
        %get3A_901 = arith.constant 0 : i32
        %get3A_902 = tpu.memref_slice %arg13[%scan3A_788, %get3A_900, %get3A_901] : memref<4x2x8192xf32, #tpu.memory_space<vmem>> -> memref<1x2x8192xf32, #tpu.memory_space<vmem>>
        %get3A_903 = tpu.memref_squeeze %get3A_902 : memref<1x2x8192xf32, #tpu.memory_space<vmem>> -> memref<2x8192xf32, #tpu.memory_space<vmem>>
        %get3A_904 = arith.index_cast %get3A_899 : i32 to index
        %get3A_905 = arith.index_cast %add3A_898 : i32 to index
        %get3A_906 = tpu.vector_load %get3A_903[%get3A_904, %get3A_905] {strides = array<i32>} : memref<2x8192xf32, #tpu.memory_space<vmem>>, vector<1x16xf32>,
        %get3A_907 = vector.shape_cast %get3A_906 : vector<1x16xf32> to vector<16xf32>
        %exp3A_908 = math.exp %get3A_907 : vector<16xf32>
        %add3A_909 = arith.addf %add3A_896, %exp3A_908 : vector<16xf32>
        %add3A_910 = arith.constant 32 : i32
        %add3A_911 = arith.addi %mul3A_884, %add3A_910 : i32
        %get3A_912 = arith.constant 1 : i32
        %get3A_913 = arith.constant 0 : i32
        %get3A_914 = arith.constant 0 : i32
        %get3A_915 = tpu.memref_slice %arg13[%scan3A_788, %get3A_913, %get3A_914] : memref<4x2x8192xf32, #tpu.memory_space<vmem>> -> memref<1x2x8192xf32, #tpu.memory_space<vmem>>
        %get3A_916 = tpu.memref_squeeze %get3A_915 : memref<1x2x8192xf32, #tpu.memory_space<vmem>> -> memref<2x8192xf32, #tpu.memory_space<vmem>>
        %get3A_917 = arith.index_cast %get3A_912 : i32 to index
        %get3A_918 = arith.index_cast %add3A_911 : i32 to index
        %get3A_919 = tpu.vector_load %get3A_916[%get3A_917, %get3A_918] {strides = array<i32>} : memref<2x8192xf32, #tpu.memory_space<vmem>>, vector<1x16xf32>,
        %get3A_920 = vector.shape_cast %get3A_919 : vector<1x16xf32> to vector<16xf32>
        %exp3A_921 = math.exp %get3A_920 : vector<16xf32>
        %add3A_922 = arith.addf %add3A_909, %exp3A_921 : vector<16xf32>
        %add3A_923 = arith.constant 48 : i32
        %add3A_924 = arith.addi %mul3A_884, %add3A_923 : i32
        %get3A_925 = arith.constant 1 : i32
        %get3A_926 = arith.constant 0 : i32
        %get3A_927 = arith.constant 0 : i32
        %get3A_928 = tpu.memref_slice %arg13[%scan3A_788, %get3A_926, %get3A_927] : memref<4x2x8192xf32, #tpu.memory_space<vmem>> -> memref<1x2x8192xf32, #tpu.memory_space<vmem>>
        %get3A_929 = tpu.memref_squeeze %get3A_928 : memref<1x2x8192xf32, #tpu.memory_space<vmem>> -> memref<2x8192xf32, #tpu.memory_space<vmem>>
        %get3A_930 = arith.index_cast %get3A_925 : i32 to index
        %get3A_931 = arith.index_cast %add3A_924 : i32 to index
        %get3A_932 = tpu.vector_load %get3A_929[%get3A_930, %get3A_931] {strides = array<i32>} : memref<2x8192xf32, #tpu.memory_space<vmem>>, vector<1x16xf32>,
        %get3A_933 = vector.shape_cast %get3A_932 : vector<1x16xf32> to vector<16xf32>
        %exp3A_934 = math.exp %get3A_933 : vector<16xf32>
        %add3A_935 = arith.addf %add3A_922, %exp3A_934 : vector<16xf32>
        %add3A_936 = arith.constant 64 : i32
        %add3A_937 = arith.addi %mul3A_884, %add3A_936 : i32
        %get3A_938 = arith.constant 1 : i32
        %get3A_939 = arith.constant 0 : i32
        %get3A_940 = arith.constant 0 : i32
        %get3A_941 = tpu.memref_slice %arg13[%scan3A_788, %get3A_939, %get3A_940] : memref<4x2x8192xf32, #tpu.memory_space<vmem>> -> memref<1x2x8192xf32, #tpu.memory_space<vmem>>
        %get3A_942 = tpu.memref_squeeze %get3A_941 : memref<1x2x8192xf32, #tpu.memory_space<vmem>> -> memref<2x8192xf32, #tpu.memory_space<vmem>>
        %get3A_943 = arith.index_cast %get3A_938 : i32 to index
        %get3A_944 = arith.index_cast %add3A_937 : i32 to index
        %get3A_945 = tpu.vector_load %get3A_942[%get3A_943, %get3A_944] {strides = array<i32>} : memref<2x8192xf32, #tpu.memory_space<vmem>>, vector<1x16xf32>,
        %get3A_946 = vector.shape_cast %get3A_945 : vector<1x16xf32> to vector<16xf32>
        %exp3A_947 = math.exp %get3A_946 : vector<16xf32>
        %add3A_948 = arith.addf %add3A_935, %exp3A_947 : vector<16xf32>
        %add3A_949 = arith.constant 80 : i32
        %add3A_950 = arith.addi %mul3A_884, %add3A_949 : i32
        %get3A_951 = arith.constant 1 : i32
        %get3A_952 = arith.constant 0 : i32
        %get3A_953 = arith.constant 0 : i32
        %get3A_954 = tpu.memref_slice %arg13[%scan3A_788, %get3A_952, %get3A_953] : memref<4x2x8192xf32, #tpu.memory_space<vmem>> -> memref<1x2x8192xf32, #tpu.memory_space<vmem>>
        %get3A_955 = tpu.memref_squeeze %get3A_954 : memref<1x2x8192xf32, #tpu.memory_space<vmem>> -> memref<2x8192xf32, #tpu.memory_space<vmem>>
        %get3A_956 = arith.index_cast %get3A_951 : i32 to index
        %get3A_957 = arith.index_cast %add3A_950 : i32 to index
        %get3A_958 = tpu.vector_load %get3A_955[%get3A_956, %get3A_957] {strides = array<i32>} : memref<2x8192xf32, #tpu.memory_space<vmem>>, vector<1x16xf32>,
        %get3A_959 = vector.shape_cast %get3A_958 : vector<1x16xf32> to vector<16xf32>
        %exp3A_960 = math.exp %get3A_959 : vector<16xf32>
        %add3A_961 = arith.addf %add3A_948, %exp3A_960 : vector<16xf32>
        %add3A_962 = arith.constant 96 : i32
        %add3A_963 = arith.addi %mul3A_884, %add3A_962 : i32
        %get3A_964 = arith.constant 1 : i32
        %get3A_965 = arith.constant 0 : i32
        %get3A_966 = arith.constant 0 : i32
        %get3A_967 = tpu.memref_slice %arg13[%scan3A_788, %get3A_965, %get3A_966] : memref<4x2x8192xf32, #tpu.memory_space<vmem>> -> memref<1x2x8192xf32, #tpu.memory_space<vmem>>
        %get3A_968 = tpu.memref_squeeze %get3A_967 : memref<1x2x8192xf32, #tpu.memory_space<vmem>> -> memref<2x8192xf32, #tpu.memory_space<vmem>>
        %get3A_969 = arith.index_cast %get3A_964 : i32 to index
        %get3A_970 = arith.index_cast %add3A_963 : i32 to index
        %get3A_971 = tpu.vector_load %get3A_968[%get3A_969, %get3A_970] {strides = array<i32>} : memref<2x8192xf32, #tpu.memory_space<vmem>>, vector<1x16xf32>,
        %get3A_972 = vector.shape_cast %get3A_971 : vector<1x16xf32> to vector<16xf32>
        %exp3A_973 = math.exp %get3A_972 : vector<16xf32>
        %add3A_974 = arith.addf %add3A_961, %exp3A_973 : vector<16xf32>
        %add3A_975 = arith.constant 112 : i32
        %add3A_976 = arith.addi %mul3A_884, %add3A_975 : i32
        %get3A_977 = arith.constant 1 : i32
        %get3A_978 = arith.constant 0 : i32
        %get3A_979 = arith.constant 0 : i32
        %get3A_980 = tpu.memref_slice %arg13[%scan3A_788, %get3A_978, %get3A_979] : memref<4x2x8192xf32, #tpu.memory_space<vmem>> -> memref<1x2x8192xf32, #tpu.memory_space<vmem>>
        %get3A_981 = tpu.memref_squeeze %get3A_980 : memref<1x2x8192xf32, #tpu.memory_space<vmem>> -> memref<2x8192xf32, #tpu.memory_space<vmem>>
        %get3A_982 = arith.index_cast %get3A_977 : i32 to index
        %get3A_983 = arith.index_cast %add3A_976 : i32 to index
        %get3A_984 = tpu.vector_load %get3A_981[%get3A_982, %get3A_983] {strides = array<i32>} : memref<2x8192xf32, #tpu.memory_space<vmem>>, vector<1x16xf32>,
        %get3A_985 = vector.shape_cast %get3A_984 : vector<1x16xf32> to vector<16xf32>
        %exp3A_986 = math.exp %get3A_985 : vector<16xf32>
        %add3A_987 = arith.addf %add3A_974, %exp3A_986 : vector<16xf32>
        %add3A_988 = arith.constant 128 : i32
        %add3A_989 = arith.addi %mul3A_884, %add3A_988 : i32
        %get3A_990 = arith.constant 1 : i32
        %get3A_991 = arith.constant 0 : i32
        %get3A_992 = arith.constant 0 : i32
        %get3A_993 = tpu.memref_slice %arg13[%scan3A_788, %get3A_991, %get3A_992] : memref<4x2x8192xf32, #tpu.memory_space<vmem>> -> memref<1x2x8192xf32, #tpu.memory_space<vmem>>
        %get3A_994 = tpu.memref_squeeze %get3A_993 : memref<1x2x8192xf32, #tpu.memory_space<vmem>> -> memref<2x8192xf32, #tpu.memory_space<vmem>>
        %get3A_995 = arith.index_cast %get3A_990 : i32 to index
        %get3A_996 = arith.index_cast %add3A_989 : i32 to index
        %get3A_997 = tpu.vector_load %get3A_994[%get3A_995, %get3A_996] {strides = array<i32>} : memref<2x8192xf32, #tpu.memory_space<vmem>>, vector<1x16xf32>,
        %get3A_998 = vector.shape_cast %get3A_997 : vector<1x16xf32> to vector<16xf32>
        %exp3A_999 = math.exp %get3A_998 : vector<16xf32>
        %add3A_1000 = arith.addf %add3A_987, %exp3A_999 : vector<16xf32>
        %add3A_1001 = arith.constant 144 : i32
        %add3A_1002 = arith.addi %mul3A_884, %add3A_1001 : i32
        %get3A_1003 = arith.constant 1 : i32
        %get3A_1004 = arith.constant 0 : i32
        %get3A_1005 = arith.constant 0 : i32
        %get3A_1006 = tpu.memref_slice %arg13[%scan3A_788, %get3A_1004, %get3A_1005] : memref<4x2x8192xf32, #tpu.memory_space<vmem>> -> memref<1x2x8192xf32, #tpu.memory_space<vmem>>
        %get3A_1007 = tpu.memref_squeeze %get3A_1006 : memref<1x2x8192xf32, #tpu.memory_space<vmem>> -> memref<2x8192xf32, #tpu.memory_space<vmem>>
        %get3A_1008 = arith.index_cast %get3A_1003 : i32 to index
        %get3A_1009 = arith.index_cast %add3A_1002 : i32 to index
        %get3A_1010 = tpu.vector_load %get3A_1007[%get3A_1008, %get3A_1009] {strides = array<i32>} : memref<2x8192xf32, #tpu.memory_space<vmem>>, vector<1x16xf32>,
        %get3A_1011 = vector.shape_cast %get3A_1010 : vector<1x16xf32> to vector<16xf32>
        %exp3A_1012 = math.exp %get3A_1011 : vector<16xf32>
        %add3A_1013 = arith.addf %add3A_1000, %exp3A_1012 : vector<16xf32>
        %add3A_1014 = arith.constant 160 : i32
        %add3A_1015 = arith.addi %mul3A_884, %add3A_1014 : i32
        %get3A_1016 = arith.constant 1 : i32
        %get3A_1017 = arith.constant 0 : i32
        %get3A_1018 = arith.constant 0 : i32
        %get3A_1019 = tpu.memref_slice %arg13[%scan3A_788, %get3A_1017, %get3A_1018] : memref<4x2x8192xf32, #tpu.memory_space<vmem>> -> memref<1x2x8192xf32, #tpu.memory_space<vmem>>
        %get3A_1020 = tpu.memref_squeeze %get3A_1019 : memref<1x2x8192xf32, #tpu.memory_space<vmem>> -> memref<2x8192xf32, #tpu.memory_space<vmem>>
        %get3A_1021 = arith.index_cast %get3A_1016 : i32 to index
        %get3A_1022 = arith.index_cast %add3A_1015 : i32 to index
        %get3A_1023 = tpu.vector_load %get3A_1020[%get3A_1021, %get3A_1022] {strides = array<i32>} : memref<2x8192xf32, #tpu.memory_space<vmem>>, vector<1x16xf32>,
        %get3A_1024 = vector.shape_cast %get3A_1023 : vector<1x16xf32> to vector<16xf32>
        %exp3A_1025 = math.exp %get3A_1024 : vector<16xf32>
        %add3A_1026 = arith.addf %add3A_1013, %exp3A_1025 : vector<16xf32>
        %add3A_1027 = arith.constant 176 : i32
        %add3A_1028 = arith.addi %mul3A_884, %add3A_1027 : i32
        %get3A_1029 = arith.constant 1 : i32
        %get3A_1030 = arith.constant 0 : i32
        %get3A_1031 = arith.constant 0 : i32
        %get3A_1032 = tpu.memref_slice %arg13[%scan3A_788, %get3A_1030, %get3A_1031] : memref<4x2x8192xf32, #tpu.memory_space<vmem>> -> memref<1x2x8192xf32, #tpu.memory_space<vmem>>
        %get3A_1033 = tpu.memref_squeeze %get3A_1032 : memref<1x2x8192xf32, #tpu.memory_space<vmem>> -> memref<2x8192xf32, #tpu.memory_space<vmem>>
        %get3A_1034 = arith.index_cast %get3A_1029 : i32 to index
        %get3A_1035 = arith.index_cast %add3A_1028 : i32 to index
        %get3A_1036 = tpu.vector_load %get3A_1033[%get3A_1034, %get3A_1035] {strides = array<i32>} : memref<2x8192xf32, #tpu.memory_space<vmem>>, vector<1x16xf32>,
        %get3A_1037 = vector.shape_cast %get3A_1036 : vector<1x16xf32> to vector<16xf32>
        %exp3A_1038 = math.exp %get3A_1037 : vector<16xf32>
        %add3A_1039 = arith.addf %add3A_1026, %exp3A_1038 : vector<16xf32>
        %add3A_1040 = arith.constant 192 : i32
        %add3A_1041 = arith.addi %mul3A_884, %add3A_1040 : i32
        %get3A_1042 = arith.constant 1 : i32
        %get3A_1043 = arith.constant 0 : i32
        %get3A_1044 = arith.constant 0 : i32
        %get3A_1045 = tpu.memref_slice %arg13[%scan3A_788, %get3A_1043, %get3A_1044] : memref<4x2x8192xf32, #tpu.memory_space<vmem>> -> memref<1x2x8192xf32, #tpu.memory_space<vmem>>
        %get3A_1046 = tpu.memref_squeeze %get3A_1045 : memref<1x2x8192xf32, #tpu.memory_space<vmem>> -> memref<2x8192xf32, #tpu.memory_space<vmem>>
        %get3A_1047 = arith.index_cast %get3A_1042 : i32 to index
        %get3A_1048 = arith.index_cast %add3A_1041 : i32 to index
        %get3A_1049 = tpu.vector_load %get3A_1046[%get3A_1047, %get3A_1048] {strides = array<i32>} : memref<2x8192xf32, #tpu.memory_space<vmem>>, vector<1x16xf32>,
        %get3A_1050 = vector.shape_cast %get3A_1049 : vector<1x16xf32> to vector<16xf32>
        %exp3A_1051 = math.exp %get3A_1050 : vector<16xf32>
        %add3A_1052 = arith.addf %add3A_1039, %exp3A_1051 : vector<16xf32>
        %add3A_1053 = arith.constant 208 : i32
        %add3A_1054 = arith.addi %mul3A_884, %add3A_1053 : i32
        %get3A_1055 = arith.constant 1 : i32
        %get3A_1056 = arith.constant 0 : i32
        %get3A_1057 = arith.constant 0 : i32
        %get3A_1058 = tpu.memref_slice %arg13[%scan3A_788, %get3A_1056, %get3A_1057] : memref<4x2x8192xf32, #tpu.memory_space<vmem>> -> memref<1x2x8192xf32, #tpu.memory_space<vmem>>
        %get3A_1059 = tpu.memref_squeeze %get3A_1058 : memref<1x2x8192xf32, #tpu.memory_space<vmem>> -> memref<2x8192xf32, #tpu.memory_space<vmem>>
        %get3A_1060 = arith.index_cast %get3A_1055 : i32 to index
        %get3A_1061 = arith.index_cast %add3A_1054 : i32 to index
        %get3A_1062 = tpu.vector_load %get3A_1059[%get3A_1060, %get3A_1061] {strides = array<i32>} : memref<2x8192xf32, #tpu.memory_space<vmem>>, vector<1x16xf32>,
        %get3A_1063 = vector.shape_cast %get3A_1062 : vector<1x16xf32> to vector<16xf32>
        %exp3A_1064 = math.exp %get3A_1063 : vector<16xf32>
        %add3A_1065 = arith.addf %add3A_1052, %exp3A_1064 : vector<16xf32>
        %add3A_1066 = arith.constant 224 : i32
        %add3A_1067 = arith.addi %mul3A_884, %add3A_1066 : i32
        %get3A_1068 = arith.constant 1 : i32
        %get3A_1069 = arith.constant 0 : i32
        %get3A_1070 = arith.constant 0 : i32
        %get3A_1071 = tpu.memref_slice %arg13[%scan3A_788, %get3A_1069, %get3A_1070] : memref<4x2x8192xf32, #tpu.memory_space<vmem>> -> memref<1x2x8192xf32, #tpu.memory_space<vmem>>
        %get3A_1072 = tpu.memref_squeeze %get3A_1071 : memref<1x2x8192xf32, #tpu.memory_space<vmem>> -> memref<2x8192xf32, #tpu.memory_space<vmem>>
        %get3A_1073 = arith.index_cast %get3A_1068 : i32 to index
        %get3A_1074 = arith.index_cast %add3A_1067 : i32 to index
        %get3A_1075 = tpu.vector_load %get3A_1072[%get3A_1073, %get3A_1074] {strides = array<i32>} : memref<2x8192xf32, #tpu.memory_space<vmem>>, vector<1x16xf32>,
        %get3A_1076 = vector.shape_cast %get3A_1075 : vector<1x16xf32> to vector<16xf32>
        %exp3A_1077 = math.exp %get3A_1076 : vector<16xf32>
        %add3A_1078 = arith.addf %add3A_1065, %exp3A_1077 : vector<16xf32>
        %add3A_1079 = arith.constant 240 : i32
        %add3A_1080 = arith.addi %mul3A_884, %add3A_1079 : i32
        %get3A_1081 = arith.constant 1 : i32
        %get3A_1082 = arith.constant 0 : i32
        %get3A_1083 = arith.constant 0 : i32
        %get3A_1084 = tpu.memref_slice %arg13[%scan3A_788, %get3A_1082, %get3A_1083] : memref<4x2x8192xf32, #tpu.memory_space<vmem>> -> memref<1x2x8192xf32, #tpu.memory_space<vmem>>
        %get3A_1085 = tpu.memref_squeeze %get3A_1084 : memref<1x2x8192xf32, #tpu.memory_space<vmem>> -> memref<2x8192xf32, #tpu.memory_space<vmem>>
        %get3A_1086 = arith.index_cast %get3A_1081 : i32 to index
        %get3A_1087 = arith.index_cast %add3A_1080 : i32 to index
        %get3A_1088 = tpu.vector_load %get3A_1085[%get3A_1086, %get3A_1087] {strides = array<i32>} : memref<2x8192xf32, #tpu.memory_space<vmem>>, vector<1x16xf32>,
        %get3A_1089 = vector.shape_cast %get3A_1088 : vector<1x16xf32> to vector<16xf32>
        %exp3A_1090 = math.exp %get3A_1089 : vector<16xf32>
        %add3A_1091 = arith.addf %add3A_1078, %exp3A_1090 : vector<16xf32>
        scf.yield %add3A_1091 : vector<16xf32>
      }
      %scan3A_794 = arith.constant 32 : i32
      %swap3A_795 = arith.index_cast %add3A_785 : i32 to index
      %swap3A_796 = arith.constant 0 : index
      %swap3A_797 = tpu.vector_load %arg11[%swap3A_795, %swap3A_796] {strides = array<i32>} : memref<128x16xf32, #tpu.memory_space<vmem>>, vector<1x16xf32>,
      %swap3A_798 = vector.shape_cast %swap3A_797 : vector<1x16xf32> to vector<16xf32>
      %swap3A_799 = vector.shape_cast %scan3A_793 : vector<16xf32> to vector<1x16xf32>
      tpu.vector_store %arg11[%swap3A_795, %swap3A_796], %swap3A_799 {strides = array<i32>} : memref<128x16xf32, #tpu.memory_space<vmem>>, vector<1x16xf32>,
      %get3A_800 = arith.index_cast %add3A_785 : i32 to index
      %get3A_801 = memref.load %arg10[%get3A_800] : memref<128xi32, #tpu.memory_space<smem>>
      %jit3A_802 = arith.constant 16 : i32
      %div3A_803 = arith.divsi %get3A_801, %jit3A_802 : i32
      %sign3A_804 = arith.constant 0 : i32
      %sign3A_805 = arith.cmpi sgt, %get3A_801, %sign3A_804 : i32
      %sign3A_806 = arith.extui %sign3A_805 : i1 to i32
      %sign3A_807 = arith.constant 0 : i32
      %sign3A_808 = arith.cmpi slt, %get3A_801, %sign3A_807 : i32
      %sign3A_809 = arith.extui %sign3A_808 : i1 to i32
      %sign3A_810 = arith.subi %sign3A_806, %sign3A_809 : i32
      %sign3A_811 = arith.constant 0 : i32
      %sign3A_812 = arith.cmpi sgt, %jit3A_802, %sign3A_811 : i32
      %sign3A_813 = arith.extui %sign3A_812 : i1 to i32
      %sign3A_814 = arith.constant 0 : i32
      %sign3A_815 = arith.cmpi slt, %jit3A_802, %sign3A_814 : i32
      %sign3A_816 = arith.extui %sign3A_815 : i1 to i32
      %sign3A_817 = arith.subi %sign3A_813, %sign3A_816 : i32
      %ne3A_818 = arith.cmpi ne, %sign3A_810, %sign3A_817 : i32
      %rem3A_819 = arith.remsi %get3A_801, %jit3A_802 : i32
      %ne3A_820 = arith.constant 0 : i32
      %ne3A_821 = arith.cmpi ne, %rem3A_819, %ne3A_820 : i32
      %and3A_822 = arith.andi %ne3A_818, %ne3A_821 : i1
      %sub3A_823 = arith.constant 1 : i32
      %sub3A_824 = arith.subi %div3A_803, %sub3A_823 : i32
      %select_n3A_825 = arith.select %and3A_822, %sub3A_824, %div3A_803 : i32
      %mul3A_826 = arith.constant 16 : i32
      %mul3A_827 = arith.muli %select_n3A_825, %mul3A_826 : i32
      %multiple_of3A_828 = tpu.assume_multiple %mul3A_827, 16 : i32
      %get3A_829 = arith.constant 3 : i32
      %get3A_830 = arith.constant 1 : i32
      %get3A_831 = arith.constant 0 : i32
      %get3A_832 = arith.constant 0 : i32
      %get3A_833 = tpu.memref_slice %arg13[%get3A_829, %get3A_831, %get3A_832] : memref<4x2x8192xf32, #tpu.memory_space<vmem>> -> memref<1x2x8192xf32, #tpu.memory_space<vmem>>
      %get3A_834 = tpu.memref_squeeze %get3A_833 : memref<1x2x8192xf32, #tpu.memory_space<vmem>> -> memref<2x8192xf32, #tpu.memory_space<vmem>>
      %get3A_835 = arith.index_cast %get3A_830 : i32 to index
      %get3A_836 = arith.index_cast %multiple_of3A_828 : i32 to index
      %get3A_837 = tpu.vector_load %get3A_834[%get3A_835, %get3A_836] {strides = array<i32>} : memref<2x8192xf32, #tpu.memory_space<vmem>>, vector<1x16xf32>,
      %get3A_838 = vector.shape_cast %get3A_837 : vector<1x16xf32> to vector<16xf32>
      %jit3A_839 = arith.constant 16 : i32
      %eq3A_840 = arith.constant 0 : i32
      %eq3A_841 = arith.cmpi eq, %jit3A_839, %eq3A_840 : i32
      %jit3A_842 = arith.constant 1 : i32
      %select_n3A_843 = arith.select %eq3A_841, %jit3A_842, %jit3A_839 : i32
      %rem3A_844 = arith.remsi %get3A_801, %select_n3A_843 : i32
      %ne3A_845 = arith.constant 0 : i32
      %ne3A_846 = arith.cmpi ne, %rem3A_844, %ne3A_845 : i32
      %lt3A_847 = arith.constant 0 : i32
      %lt3A_848 = arith.cmpi slt, %rem3A_844, %lt3A_847 : i32
      %lt3A_849 = arith.constant 0 : i32
      %lt3A_850 = arith.cmpi slt, %select_n3A_843, %lt3A_849 : i32
      %ne3A_851 = arith.xori %lt3A_848, %lt3A_850 : i1
      %and3A_852 = arith.andi %ne3A_851, %ne3A_846 : i1
      %add3A_853 = arith.addi %rem3A_844, %select_n3A_843 : i32
      %select_n3A_854 = arith.select %and3A_852, %add3A_853, %rem3A_844 : i32
      %eq3A_855 = vector.broadcast %select_n3A_854 : i32 to vector<16xi32>
      %eq3A_856 = arith.cmpi eq, %iota3A, %eq3A_855 : vector<16xi32>
      %jit3A_857 = arith.constant 0.000000e+00 : f32
      %broadcast_in_dim3A_858 = vector.broadcast %jit3A_857 : f32 to vector<16xf32>
      %select_n3A_859 = arith.select %eq3A_856, %get3A_838, %broadcast_in_dim3A_858 : vector<16xi1>, vector<16xf32>
      %swap3A_860 = arith.index_cast %add3A_785 : i32 to index
      %swap3A_861 = arith.constant 0 : index
      %swap3A_862 = tpu.vector_load %arg12[%swap3A_860, %swap3A_861] {strides = array<i32>} : memref<128x16xf32, #tpu.memory_space<vmem>>, vector<1x16xf32>,
      %swap3A_863 = vector.shape_cast %swap3A_862 : vector<1x16xf32> to vector<16xf32>
      %swap3A_864 = vector.shape_cast %select_n3A_859 : vector<16xf32> to vector<1x16xf32>
      tpu.vector_store %arg12[%swap3A_860, %swap3A_861], %swap3A_864 {strides = array<i32>} : memref<128x16xf32, #tpu.memory_space<vmem>>, vector<1x16xf32>,
      %mul3A_865 = arith.constant 2 : i32
      %mul3A_866 = arith.muli %add3A_679, %mul3A_865 : i32
      %add3A_867 = arith.addi %mul3A_2, %mul3A_866 : i32
      %dma_start3A_868 = arith.constant 3 : i32
      %dma_start3A_869 = arith.constant 0 : i32
      %dma_start3A_870 = arith.constant 0 : i32
      %dma_start3A_871 = tpu.memref_slice %arg13[%dma_start3A_868, %dma_start3A_869, %dma_start3A_870] : memref<4x2x8192xf32, #tpu.memory_space<vmem>> -> memref<1x2x8192xf32, #tpu.memory_space<vmem>>
      %dma_start3A_872 = tpu.memref_squeeze %dma_start3A_871 : memref<1x2x8192xf32, #tpu.memory_space<vmem>> -> memref<2x8192xf32, #tpu.memory_space<vmem>>
      %dma_start3A_873 = arith.constant 0 : i32
      %dma_start3A_874 = tpu.memref_slice %arg5[%add3A_867, %dma_start3A_873] : memref<4096x8192xf32, #tpu.memory_space<hbm>> -> memref<2x8192xf32, #tpu.memory_space<hbm>>
      %dma_start3A_875 = arith.constant 0 : i32
      %dma_start3A_876 = tpu.memref_slice %arg5[%add3A_867, %dma_start3A_875] : memref<4096x8192xf32, #tpu.memory_space<hbm>> -> memref<2x8192xf32, #tpu.memory_space<hbm>>
      %dma_start3A_877 = arith.constant 0 : i32
      %dma_start3A_878 = arith.constant 0 : i32
      %dma_start3A_879 = tpu.memref_slice %arg13[%dma_start3A_868, %dma_start3A_877, %dma_start3A_878] : memref<4x2x8192xf32, #tpu.memory_space<vmem>> -> memref<1x2x8192xf32, #tpu.memory_space<vmem>>
      %dma_start3A_880 = tpu.memref_squeeze %dma_start3A_879 : memref<1x2x8192xf32, #tpu.memory_space<vmem>> -> memref<2x8192xf32, #tpu.memory_space<vmem>>
      tpu.enqueue_dma source(%dma_start3A_880 : memref<2x8192xf32, #tpu.memory_space<vmem>>) target(%dma_start3A_876 : memref<2x8192xf32, #tpu.memory_space<hbm>>) target_semaphore(%arg15 : memref<!tpu.dma_semaphore, #tpu.memory_space<semaphore_mem>>)
    }
    %scan3A_30 = arith.constant 16 : i32
    %dma_wait3A = arith.constant 0 : i32
    %dma_wait3A_31 = arith.constant 0 : i32
    %dma_wait3A_32 = arith.constant 0 : i32
    %dma_wait3A_33 = tpu.memref_slice %arg13[%dma_wait3A, %dma_wait3A_31, %dma_wait3A_32] : memref<4x2x8192xf32, #tpu.memory_space<vmem>> -> memref<1x2x8192xf32, #tpu.memory_space<vmem>>
    %dma_wait3A_34 = tpu.memref_squeeze %dma_wait3A_33 : memref<1x2x8192xf32, #tpu.memory_space<vmem>> -> memref<2x8192xf32, #tpu.memory_space<vmem>>
    %dma_wait3A_35 = arith.constant 0 : i32
    %dma_wait3A_36 = tpu.memref_slice %arg5[%mul3A_2, %dma_wait3A_35] : memref<4096x8192xf32, #tpu.memory_space<hbm>> -> memref<2x8192xf32, #tpu.memory_space<hbm>>
    %dma_wait3A_37 = arith.constant 0 : i32
    %dma_wait3A_38 = tpu.memref_slice %arg5[%mul3A_2, %dma_wait3A_37] : memref<4096x8192xf32, #tpu.memory_space<hbm>> -> memref<2x8192xf32, #tpu.memory_space<hbm>>
    %dma_wait3A_39 = arith.constant 0 : i32
    %dma_wait3A_40 = arith.constant 0 : i32
    %dma_wait3A_41 = tpu.memref_slice %arg13[%dma_wait3A, %dma_wait3A_39, %dma_wait3A_40] : memref<4x2x8192xf32, #tpu.memory_space<vmem>> -> memref<1x2x8192xf32, #tpu.memory_space<vmem>>
    %dma_wait3A_42 = tpu.memref_squeeze %dma_wait3A_41 : memref<1x2x8192xf32, #tpu.memory_space<vmem>> -> memref<2x8192xf32, #tpu.memory_space<vmem>>
    tpu.wait_dma2 semaphore(%arg15 : memref<!tpu.dma_semaphore, #tpu.memory_space<semaphore_mem>>) src(%dma_wait3A_42 : memref<2x8192xf32, #tpu.memory_space<vmem>>) dst(%dma_wait3A_38 : memref<2x8192xf32, #tpu.memory_space<hbm>>)
    %dma_wait3A_43 = arith.constant 0 : i32
    %dma_wait3A_44 = arith.constant 0 : i32
    %dma_wait3A_45 = arith.constant 0 : i32
    %dma_wait3A_46 = tpu.memref_slice %arg13[%dma_wait3A_43, %dma_wait3A_44, %dma_wait3A_45] : memref<4x2x8192xf32, #tpu.memory_space<vmem>> -> memref<1x2x8192xf32, #tpu.memory_space<vmem>>
    %dma_wait3A_47 = tpu.memref_squeeze %dma_wait3A_46 : memref<1x2x8192xf32, #tpu.memory_space<vmem>> -> memref<2x8192xf32, #tpu.memory_space<vmem>>
    %dma_wait3A_48 = arith.constant 0 : i32
    %dma_wait3A_49 = tpu.memref_slice %arg5[%mul3A_2, %dma_wait3A_48] : memref<4096x8192xf32, #tpu.memory_space<hbm>> -> memref<2x8192xf32, #tpu.memory_space<hbm>>
    %dma_wait3A_50 = arith.constant 0 : i32
    %dma_wait3A_51 = tpu.memref_slice %arg5[%mul3A_2, %dma_wait3A_50] : memref<4096x8192xf32, #tpu.memory_space<hbm>> -> memref<2x8192xf32, #tpu.memory_space<hbm>>
    %dma_wait3A_52 = arith.constant 0 : i32
    %dma_wait3A_53 = arith.constant 0 : i32
    %dma_wait3A_54 = tpu.memref_slice %arg13[%dma_wait3A_43, %dma_wait3A_52, %dma_wait3A_53] : memref<4x2x8192xf32, #tpu.memory_space<vmem>> -> memref<1x2x8192xf32, #tpu.memory_space<vmem>>
    %dma_wait3A_55 = tpu.memref_squeeze %dma_wait3A_54 : memref<1x2x8192xf32, #tpu.memory_space<vmem>> -> memref<2x8192xf32, #tpu.memory_space<vmem>>
    tpu.wait_dma2 semaphore(%arg15 : memref<!tpu.dma_semaphore, #tpu.memory_space<semaphore_mem>>) src(%dma_wait3A_55 : memref<2x8192xf32, #tpu.memory_space<vmem>>) dst(%dma_wait3A_51 : memref<2x8192xf32, #tpu.memory_space<hbm>>)
    %dma_wait3A_56 = arith.constant 0 : i32
    %dma_wait3A_57 = arith.constant 0 : i32
    %dma_wait3A_58 = arith.constant 0 : i32
    %dma_wait3A_59 = tpu.memref_slice %arg13[%dma_wait3A_56, %dma_wait3A_57, %dma_wait3A_58] : memref<4x2x8192xf32, #tpu.memory_space<vmem>> -> memref<1x2x8192xf32, #tpu.memory_space<vmem>>
    %dma_wait3A_60 = tpu.memref_squeeze %dma_wait3A_59 : memref<1x2x8192xf32, #tpu.memory_space<vmem>> -> memref<2x8192xf32, #tpu.memory_space<vmem>>
    %dma_wait3A_61 = arith.constant 0 : i32
    %dma_wait3A_62 = tpu.memref_slice %arg5[%mul3A_2, %dma_wait3A_61] : memref<4096x8192xf32, #tpu.memory_space<hbm>> -> memref<2x8192xf32, #tpu.memory_space<hbm>>
    %dma_wait3A_63 = arith.constant 0 : i32
    %dma_wait3A_64 = tpu.memref_slice %arg5[%mul3A_2, %dma_wait3A_63] : memref<4096x8192xf32, #tpu.memory_space<hbm>> -> memref<2x8192xf32, #tpu.memory_space<hbm>>
    %dma_wait3A_65 = arith.constant 0 : i32
    %dma_wait3A_66 = arith.constant 0 : i32
    %dma_wait3A_67 = tpu.memref_slice %arg13[%dma_wait3A_56, %dma_wait3A_65, %dma_wait3A_66] : memref<4x2x8192xf32, #tpu.memory_space<vmem>> -> memref<1x2x8192xf32, #tpu.memory_space<vmem>>
    %dma_wait3A_68 = tpu.memref_squeeze %dma_wait3A_67 : memref<1x2x8192xf32, #tpu.memory_space<vmem>> -> memref<2x8192xf32, #tpu.memory_space<vmem>>
    tpu.wait_dma2 semaphore(%arg15 : memref<!tpu.dma_semaphore, #tpu.memory_space<semaphore_mem>>) src(%dma_wait3A_68 : memref<2x8192xf32, #tpu.memory_space<vmem>>) dst(%dma_wait3A_64 : memref<2x8192xf32, #tpu.memory_space<hbm>>)
    %dma_wait3A_69 = arith.constant 0 : i32
    %dma_wait3A_70 = arith.constant 0 : i32
    %dma_wait3A_71 = arith.constant 0 : i32
    %dma_wait3A_72 = tpu.memref_slice %arg13[%dma_wait3A_69, %dma_wait3A_70, %dma_wait3A_71] : memref<4x2x8192xf32, #tpu.memory_space<vmem>> -> memref<1x2x8192xf32, #tpu.memory_space<vmem>>
    %dma_wait3A_73 = tpu.memref_squeeze %dma_wait3A_72 : memref<1x2x8192xf32, #tpu.memory_space<vmem>> -> memref<2x8192xf32, #tpu.memory_space<vmem>>
    %dma_wait3A_74 = arith.constant 0 : i32
    %dma_wait3A_75 = tpu.memref_slice %arg5[%mul3A_2, %dma_wait3A_74] : memref<4096x8192xf32, #tpu.memory_space<hbm>> -> memref<2x8192xf32, #tpu.memory_space<hbm>>
    %dma_wait3A_76 = arith.constant 0 : i32
    %dma_wait3A_77 = tpu.memref_slice %arg5[%mul3A_2, %dma_wait3A_76] : memref<4096x8192xf32, #tpu.memory_space<hbm>> -> memref<2x8192xf32, #tpu.memory_space<hbm>>
    %dma_wait3A_78 = arith.constant 0 : i32
    %dma_wait3A_79 = arith.constant 0 : i32
    %dma_wait3A_80 = tpu.memref_slice %arg13[%dma_wait3A_69, %dma_wait3A_78, %dma_wait3A_79] : memref<4x2x8192xf32, #tpu.memory_space<vmem>> -> memref<1x2x8192xf32, #tpu.memory_space<vmem>>
    %dma_wait3A_81 = tpu.memref_squeeze %dma_wait3A_80 : memref<1x2x8192xf32, #tpu.memory_space<vmem>> -> memref<2x8192xf32, #tpu.memory_space<vmem>>
    tpu.wait_dma2 semaphore(%arg15 : memref<!tpu.dma_semaphore, #tpu.memory_space<semaphore_mem>>) src(%dma_wait3A_81 : memref<2x8192xf32, #tpu.memory_space<vmem>>) dst(%dma_wait3A_77 : memref<2x8192xf32, #tpu.memory_space<hbm>>)
    "tpu.region"() ({
      %run_scoped3A = tpu.sem_alloc : memref<!tpu.dma_semaphore, #tpu.memory_space<semaphore_mem>>
      %dma_start3A_82 = arith.constant 0 : i32
      %dma_start3A_83 = tpu.memref_slice %arg6[%mul3A_2, %dma_start3A_82] : memref<4096x16xf32, #tpu.memory_space<hbm>> -> memref<128x16xf32, #tpu.memory_space<hbm>>
      %dma_start3A_84 = arith.constant 0 : i32
      %dma_start3A_85 = tpu.memref_slice %arg6[%mul3A_2, %dma_start3A_84] : memref<4096x16xf32, #tpu.memory_space<hbm>> -> memref<128x16xf32, #tpu.memory_space<hbm>>
      tpu.enqueue_dma source(%arg11 : memref<128x16xf32, #tpu.memory_space<vmem>>) target(%dma_start3A_85 : memref<128x16xf32, #tpu.memory_space<hbm>>) target_semaphore(%run_scoped3A : memref<!tpu.dma_semaphore, #tpu.memory_space<semaphore_mem>>)
      %dma_wait3A_86 = arith.constant 0 : i32
      %dma_wait3A_87 = tpu.memref_slice %arg6[%mul3A_2, %dma_wait3A_86] : memref<4096x16xf32, #tpu.memory_space<hbm>> -> memref<128x16xf32, #tpu.memory_space<hbm>>
      %dma_wait3A_88 = arith.constant 0 : i32
      %dma_wait3A_89 = tpu.memref_slice %arg6[%mul3A_2, %dma_wait3A_88] : memref<4096x16xf32, #tpu.memory_space<hbm>> -> memref<128x16xf32, #tpu.memory_space<hbm>>
      tpu.wait_dma2 semaphore(%run_scoped3A : memref<!tpu.dma_semaphore, #tpu.memory_space<semaphore_mem>>) src(%arg11 : memref<128x16xf32, #tpu.memory_space<vmem>>) dst(%dma_wait3A_89 : memref<128x16xf32, #tpu.memory_space<hbm>>)
      tpu.yield
    }) : () -> ()
    "tpu.region"() ({
      %run_scoped3A = tpu.sem_alloc : memref<!tpu.dma_semaphore, #tpu.memory_space<semaphore_mem>>
      %dma_start3A_82 = arith.constant 0 : i32
      %dma_start3A_83 = tpu.memref_slice %arg7[%mul3A_2, %dma_start3A_82] : memref<4096x16xf32, #tpu.memory_space<hbm>> -> memref<128x16xf32, #tpu.memory_space<hbm>>
      %dma_start3A_84 = arith.constant 0 : i32
      %dma_start3A_85 = tpu.memref_slice %arg7[%mul3A_2, %dma_start3A_84] : memref<4096x16xf32, #tpu.memory_space<hbm>> -> memref<128x16xf32, #tpu.memory_space<hbm>>
      tpu.enqueue_dma source(%arg12 : memref<128x16xf32, #tpu.memory_space<vmem>>) target(%dma_start3A_85 : memref<128x16xf32, #tpu.memory_space<hbm>>) target_semaphore(%run_scoped3A : memref<!tpu.dma_semaphore, #tpu.memory_space<semaphore_mem>>)
      %dma_wait3A_86 = arith.constant 0 : i32
      %dma_wait3A_87 = tpu.memref_slice %arg7[%mul3A_2, %dma_wait3A_86] : memref<4096x16xf32, #tpu.memory_space<hbm>> -> memref<128x16xf32, #tpu.memory_space<hbm>>
      %dma_wait3A_88 = arith.constant 0 : i32
      %dma_wait3A_89 = tpu.memref_slice %arg7[%mul3A_2, %dma_wait3A_88] : memref<4096x16xf32, #tpu.memory_space<hbm>> -> memref<128x16xf32, #tpu.memory_space<hbm>>
      tpu.wait_dma2 semaphore(%run_scoped3A : memref<!tpu.dma_semaphore, #tpu.memory_space<semaphore_mem>>) src(%arg12 : memref<128x16xf32, #tpu.memory_space<vmem>>) dst(%dma_wait3A_89 : memref<128x16xf32, #tpu.memory_space<hbm>>)
      tpu.yield
    }) : () -> ()
    return
  }
}

module attributes {stable_mosaic.version = 14 : i64} {
  func.func @body(%arg0: memref<4096x16xf32, #tpu.memory_space<vmem>>, %arg1: memref<4096x16xf32, #tpu.memory_space<vmem>>, %arg2: memref<1x1xf32, #tpu.memory_space<smem>>) attributes {dimension_semantics = [], scalar_prefetch = 0 : i64, scratch_operands = 0 : i64, tpu.core_type = #tpu.core_type<tc>} {
    %get3A = arith.constant 0 : index
    %get3A_0 = arith.constant 0 : index
    %get3A_1 = vector.load %arg0[%get3A, %get3A_0] : memref<4096x16xf32, #tpu.memory_space<vmem>>, vector<4096x16xf32>
    %reduce_sum3A = arith.constant dense<0.000000e+00> : vector<4096xf32>
    %reduce_sum3A_2 = vector.multi_reduction <add>, %get3A_1, %reduce_sum3A [1] : vector<4096x16xf32> to vector<4096xf32>
    %get3A_3 = arith.constant 0 : index
    %get3A_4 = arith.constant 0 : index
    %get3A_5 = vector.load %arg1[%get3A_3, %get3A_4] : memref<4096x16xf32, #tpu.memory_space<vmem>>, vector<4096x16xf32>
    %reduce_sum3A_6 = arith.constant dense<0.000000e+00> : vector<4096xf32>
    %reduce_sum3A_7 = vector.multi_reduction <add>, %get3A_5, %reduce_sum3A_6 [1] : vector<4096x16xf32> to vector<4096xf32>
    %log3A = math.log %reduce_sum3A_2 : vector<4096xf32>
    %sub3A = arith.subf %log3A, %reduce_sum3A_7 : vector<4096xf32>
    %reduce_sum3A_8 = vector.shape_cast %sub3A : vector<4096xf32> to vector<1x4096xf32>
    %reduce_sum3A_9 = arith.constant dense<0.000000e+00> : vector<1xf32>
    %reduce_sum3A_10 = vector.multi_reduction <add>, %reduce_sum3A_8, %reduce_sum3A_9 [1] : vector<1x4096xf32> to vector<1xf32>
    %reduce_sum3A_11 = vector.shape_cast %reduce_sum3A_10 : vector<1xf32> to vector<1x1xf32>
    %reduce_sum3A_12 = vector.extract %reduce_sum3A_11[0, 0] : f32 from vector<1x1xf32>
    %mul3A = arith.constant 2.44140625E-4 : f32
    %mul3A_13 = arith.mulf %reduce_sum3A_12, %mul3A : f32
    %swap3A = arith.constant 0 : index
    %swap3A_14 = arith.constant 0 : index
    %swap3A_15 = memref.load %arg2[%swap3A, %swap3A_14] : memref<1x1xf32, #tpu.memory_space<smem>>
    memref.store %mul3A_13, %arg2[%swap3A, %swap3A_14] : memref<1x1xf32, #tpu.memory_space<smem>>
    return
  }
}

</mosaic_0001>

<sc_bundles>
// kernel: kernel.4.cloned.1.call-start
scs
__scs_entry_jumppad:
0x0: {  	(pc) =	sbr.rel $0x88, $3  }
0x1: {  	(tag) =	ssettag $0x0;
	lr =	simm.s32 $0x1  }
0x2: {  	[smem:$0x3F9E] =	sst lr;
	_ =	strace $0xD0000000  }
0x3: {  	_ = 	snop  }
0x4: {  	_ = 	snop  }
0x5: {  	_ = 	snop  }
0x6: {  	_ = 	snop  }
0x7: {  	_ = 	snop  }
__scs_overlays_trampoline_lowered:
0x8: {  	[smem:$0x3FAD] =	sst s0  }
0x9: {  	[smem:$0x3FAE] =	sst s1  }
0xa: {  	[smem:$0x3FAF] =	sst s2  }
0xb: {  	[smem:$0x3FB0] =	sst s3  }
0xc: {  	[smem:$0x3FB1] =	sst s4  }
0xd: {  	[smem:$0x3FB2] =	sst s5  }
0xe: {  	[smem:$0x3FB3] =	sst s6  }
0xf: {  	[smem:$0x3FB4] =	sst s7  }
0x10: {  	[smem:$0x3FB5] =	sst s8  }
0x11: {  	[smem:$0x3FB6] =	sst s9;
	s0 =	simm.s32 @!p0 $0x0  }
0x12: {  	s1 =	sld [smem:$0x3F9C];
	s0 =	simm.s32 @p0 $0x1  }
0x13: {  	[smem:$0x3FB7] =	sst s0;
	s0 =	simm.s32 @!p1 $0x0  }
0x14: {  	s2 =	sld [smem:$0x3F9B];
	s0 =	simm.s32 @p1 $0x1  }
0x15: {  	[smem:$0x3FB8] =	sst s0;
	s0 =	simm.s32 @!p2 $0x0  }
0x16: {  	s3 =	sld [smem:$0x3FDB];
	s0 =	simm.s32 @p2 $0x1  }
0x17: {  	s4 =	simm.s32 $0x1BF5;
	[smem:$0x3FBA] =	sst s0  }
0x18: {  	s0 =	sld [smem:$0x3F9D];
	_ =	swait.ge [sflag:s4], $0x0  }
0x19: {  	s7 =	sld [smem:$0x3F9E]  }
0x1a: {  	s8 =	sadd.s32 $0xFFFFE003, lr  }
0x1b: {  	s9 =	sadd.s32 $0xFFFFFEF7, lr;
	s5 =	simm.s32 $0xFFFFFFFF;
	p2 =	slt.u32 s8, $0xFFFFF086  }
0x1c: {  	p1 =	slt.u32 s9, $0xF7A;
	s5 =	simm.s32 @!p2 $0x0  }
0x1d: {  	s5 =	simm.s32 @p1 $0x1;
	p0 =	seq.s32 s7, s2  }
0x1e: {  	s7 =	smul.u32 @!p0 $0xF7A, s2;
	p2 =	seq.s32 @!p0 s5, $0x0  }
0x1f: {  	s9 =	smul.u32 $0xF7A, s1;
	s8 =	simm.s32 @!p0 $0x1BF5;
	p2 =	por !p2, p0  }
0x20: {  	[sflag:s8] =	ssyncset.s32 @!p0 $0xFFFFF086;
	s6 =	sadd.s32 @!p0 s3, s7;
	s7 =	simm.s32 @!p0 $0x108  }
0x21: {  	s3 =	sadd.s32 s3, s9;
	s6 =	sadd.s32 @!p0 $0x88, s6;
	s7 =	simm.s32 @p2 $0x1082  }
0x22: {  	[simem:s7], [sflag:s8] =	dma.local @!p0 [hbm:s6], $0xF7A  }
0x23: {  	s9 =	sor.u32 $0xD0000000, s2;
	s6 =	simm.s32 $0x108;
	_ =	swait.ge @!p0 [sflag:s8], $0x0  }
0x24: {  	s3 =	sadd.s32 $0x88, s3;
	s6 =	simm.s32 @!p1 $0x1082;
	[sflag:s4] =	ssyncset.s32 $0xFFFFF086  }
0x25: {  	[simem:s6], [sflag:s4] =	dma.local [hbm:s3], $0xF7A  }
0x26: {  	[smem:$0x3F9E] =	sst s1;
	(tag) =	ssettag s2;
	_ =	strace s9  }
0x27: {  	s1 =	sld [smem:$0x3FAE]  }
0x28: {  	s2 =	sld [smem:$0x3FAF]  }
0x29: {  	s4 =	sld [smem:$0x3FB1]  }
0x2a: {  	p0 =	seq.s32 s5, $0x0;
	s5 =	sld [smem:$0x3FB2]  }
0x2b: {  	s6 =	sld [smem:$0x3FB3]  }
0x2c: {  	s7 =	sld [smem:$0x3FB4]  }
0x2d: {  	s3 =	simm.s32 $0x108;
	s8 =	sld [smem:$0x3FB5]  }
0x2e: {  	s3 =	simm.s32 @!p0 $0x1082;
	s9 =	sld [smem:$0x3FB6]  }
0x2f: {  	lr =	sadd.s32 s0, s3;
	s0 =	sld [smem:$0x3FAD]  }
0x30: {  	s3 =	sld [smem:$0x3FB0]  }
0x31: {  	[smem:$0x3FB9] =	sst s10  }
0x32: {  	s10 =	sld [smem:$0x3FB7];
	_ =	sdelay $0x3  }
0x33: {  	p0 =	seq.s32 s10, $0x1;
	s10 =	sld [smem:$0x3FB9];
	_ =	sdelay $0x3  }
0x34: {  	[smem:$0x3FB9] =	sst s10  }
0x35: {  	s10 =	sld [smem:$0x3FB8];
	_ =	sdelay $0x3  }
0x36: {  	p1 =	seq.s32 s10, $0x1;
	s10 =	sld [smem:$0x3FB9];
	_ =	sdelay $0x3  }
0x37: {  	[smem:$0x3FB9] =	sst s10  }
0x38: {  	s10 =	sld [smem:$0x3FBA]  }
0x39: {  	_ = 	snop;
	(pc) =	sbr.ind lr, $3  }
0x3a: {  	_ = 	snop  }
0x3b: {  	_ = 	snop  }
0x3c: {  	p2 =	seq.s32 s10, $0x1;
	s10 =	sld [smem:$0x3FB9]  }
0x3d: {  	_ =	shalt  }
0x3e: {  	_ =	shalt  }
0x3f: {  	_ =	shalt  }
0x40: {  	_ =	shalt  }
0x41: {  	_ =	shalt  }
0x42: {  	_ =	shalt  }
0x43: {  	_ =	shalt  }
0x44: {  	_ =	shalt  }
0x45: {  	_ =	shalt  }
0x46: {  	_ =	shalt  }
0x47: {  	_ =	shalt  }
0x48: {  	_ =	shalt  }
0x49: {  	_ =	shalt  }
0x4a: {  	_ =	shalt  }
0x4b: {  	_ =	shalt  }
0x4c: {  	_ =	shalt  }
0x4d: {  	_ =	shalt  }
0x4e: {  	_ =	shalt  }
0x4f: {  	_ =	shalt  }
0x50: {  	_ =	shalt  }
0x51: {  	_ =	shalt  }
0x52: {  	_ =	shalt  }
0x53: {  	_ =	shalt  }
0x54: {  	_ =	shalt  }
0x55: {  	_ =	shalt  }
0x56: {  	_ =	shalt  }
0x57: {  	_ =	shalt  }
0x58: {  	_ =	shalt  }
0x59: {  	_ =	shalt  }
0x5a: {  	_ =	shalt  }
0x5b: {  	_ =	shalt  }
0x5c: {  	_ =	shalt  }
0x5d: {  	_ =	shalt  }
0x5e: {  	_ =	shalt  }
0x5f: {  	_ =	shalt  }
0x60: {  	_ =	shalt  }
0x61: {  	_ =	shalt  }
0x62: {  	_ =	shalt  }
0x63: {  	_ =	shalt  }
0x64: {  	_ =	shalt  }
0x65: {  	_ =	shalt  }
0x66: {  	_ =	shalt  }
0x67: {  	_ =	shalt  }
0x68: {  	_ =	shalt  }
0x69: {  	_ =	shalt  }
0x6a: {  	_ =	shalt  }
0x6b: {  	_ =	shalt  }
0x6c: {  	_ =	shalt  }
0x6d: {  	_ =	shalt  }
0x6e: {  	_ =	shalt  }
0x6f: {  	_ =	shalt  }
0x70: {  	_ =	shalt  }
0x71: {  	_ =	shalt  }
0x72: {  	_ =	shalt  }
0x73: {  	_ =	shalt  }
0x74: {  	_ =	shalt  }
0x75: {  	_ =	shalt  }
0x76: {  	_ =	shalt  }
0x77: {  	_ =	shalt  }
0x78: {  	_ =	shalt  }
0x79: {  	_ =	shalt  }
0x7a: {  	_ =	shalt  }
0x7b: {  	_ =	shalt  }
0x7c: {  	_ =	shalt  }
0x7d: {  	_ =	shalt  }
0x7e: {  	_ =	shalt  }
0x7f: {  	_ =	shalt  }
0x80: {  	_ =	shalt  }
0x81: {  	_ =	shalt  }
0x82: {  	_ =	shalt  }
0x83: {  	_ =	shalt  }
0x84: {  	_ =	shalt  }
0x85: {  	_ =	shalt  }
0x86: {  	_ =	shalt  }
0x87: {  	_ =	shalt  }
.Lfunc_end0:
.L_simem_size_0:
called_computation_lowered:
.L_overlay_start_0:
0x88: {  	s2 =	sld [smem:$0x3FD9]  }
0x89: {  	s3 =	sld [smem:$0x3FFE];
	_ =	sdelay $0x1  }
0x8a: {  	s1 =	srdreg.scid  }
0x8b: {  	s0 =	sand.u32 $0x1, s1  }
0x8c: {  	s14 =	sshll.u32 s0, $0xA;
	s2 =	sadd.s32 s3, s2  }
0x8d: {  	s2 =	sadd.s32 s2, s14  }
0x8e: {  	[smem:$0x3FC5] =	sst s2  }
0x8f: {  	_ = 	snop  }
0x90: {  	s2 =	sld [smem:$0x3FD0];
	_ =	sdelay $0x2  }
0x91: {  	s4 =	simm.s32 $0xA;
	s5 =	simm.s32 $0x10;
	s15 =	sld [smem:$0x3FC9]  }
0x92: {  	[smem:s5], [sflag:s4] =	dma.local [hbm:s2], $0x1  }
0x93: {  	_ =	swait.eq [sflag:s4], $0x1  }
0x94: {  	[sflag:s4] =	ssyncset.done $0x0  }
0x95: {  	[sflag:s4] =	ssyncadd.s32 $0xFFFFFFFF  }
0x96: {  	s16 =	sld [smem:$0x10];
	(tm) =	ssettm $0x1  }
0x97: {  	s17 =	sld [smem:$0x3FFB];
	_ =	sdelay $0x3  }
0x98: {  	_ =	strace s17  }
0x99: {  	s4 =	sld [smem:$0x3FFC];
	_ =	sdelay $0x3  }
0x9a: {  	_ =	strace s4  }
0x9b: {  	s4 =	sld [smem:$0x3FFD];
	_ =	sdelay $0x3  }
0x9c: {  	_ =	strace s4  }
0x9d: {  	_ =	strace $0x8FFFFFFF  }
0x9e: {  	s18 =	sld [smem:$0x3FDB];
	_ =	sdelay $0x1  }
0x9f: {  	s19 =	simm.s32 $_scs_section_size  }
0xa0: {  	s6 =	simm.s32 $_size__tile_overlayer_lowered;
	s7 =	simm.s32 $_tile_overlayer_lowered  }
0xa1: {  	s22 =	simm.s32 $0x1BFF;
	s21 =	sshll.u32 s7, $0x1;
	s4 =	sadd.s32 s19, s18  }
0xa2: {  	s8 =	simm.s32 $0x0;
	s20 =	sshll.u32 s6, $0x1;
	s6 =	sadd.s32 s21, s4  }
0xa3: {  	[timem:s8], [sflag:s22] =	dma.local [hbm:s6], s20  }
0xa4: {  	_ =	swait.ge [sflag:s22], s20  }
0xa5: {  	s5 =	ssub.s32 $0x0, s20;
	[sflag:s22] =	ssyncset.done $0x0  }
0xa6: {  	[sflag:s22] =	ssyncadd.s32 s5;
	_ =	sdelay $0x1  }
0xa7: {  	s23 =	simm.s32 $0x1B8B  }
0xa8: {  	_ =	swait.ge [sflag:s23], $0x1  }
0xa9: {  	[sflag:s23] =	ssyncset.done $0x0  }
0xaa: {  	s25 =	simm.s32 $0x1B8E;
	s24 =	sld [smem:$0x3FFE];
	[sflag:s23] =	ssyncadd.s32 $0xFFFFFFFF  }
0xab: {  	s26 =	simm.s32 $execute0_lowered;
	[smem:$0x3FD2] =	sst s25  }
0xac: {  	s6 =	sshll.u32 s26, $0x1;
	_ =	strace $0x80000046;
	[dreg:$0x1] =	wrdreg $0xFFFFFFFF  }
0xad: {  	s28 =	simm.s32 $_size_execute0_lowered;
	s4 =	sadd.s32 s4, s6;
	[dreg:$0x0] =	wrdreg $0x0  }
0xae: {  	s6 =	sshll.u32 s28, $0x1;
	[dreg:$0x2] =	wrdreg s4  }
0xaf: {  	[dreg:$0x3] =	wrdreg s6  }
0xb0: {  	[dreg:$0x4] =	wrdreg $0xC0  }
0xb1: {  	_ =	task [dreg:s8], $0x5FFFF  }
0xb2: {  	[dreg:$0x1] =	wrdreg $0xFFFFFFFF  }
0xb3: {  	[dreg:$0x0] =	wrdreg $0x60  }
0xb4: {  	[dreg:$0x2] =	wrdreg s15  }
0xb5: {  	[dreg:$0x3] =	wrdreg s24  }
0xb6: {  	[dreg:$0x4] =	wrdreg s16  }
0xb7: {  	[dreg:$0x5] =	wrdreg $0x20000  }
0xb8: {  	[dreg:$0x6] =	wrdreg $0x9  }
0xb9: {  	_ =	task.clear_ibuf [dreg:s8], $0x7FFFF;
	_ =	strace $0x90000046  }
0xba: {  	s29 =	simm.s32 $0x9;
	_ =	strace $0x80000048  }
0xbb: {  	_ =	swait.ge [sflag:s29], $0x1  }
0xbc: {  	[sflag:s29] =	ssyncadd.s32 $0xFFFFFFFF  }
0xbd: {  	_ =	strace $0x90000048  }
0xbe: {  	_ =	sfence  }
0xbf: {  	s30 =	sld [smem:$0x0];
	_ =	sdelay $0x2  }
0xc0: {  	s31 =	sshll.u32 s1, $0xD;
	s1 =	sshrl.u32 s1, $0x2  }
0xc1: {  	s3 =	sand.u32 $0x4000, s31;
	s1 =	sadd.s32 s1, s30  }
0xc2: {  	s0 =	sor.u32 s3, s0;
	s1 =	sshll.u32 s1, $0x11  }
0xc3: {  	s0 =	sor.u32 s1, s0  }
0xc4: {  	s0 =	sadd.s32 $0x8F2B, s0  }
0xc5: {  	[sflag:s0] =	ssyncadd.remote.s32 $0x1  }
0xc6: {  	_ =	sfence.sel $0xFFFF  }
0xc7: {  	[dreg:$0x0] =	wrdreg $0xFFFFFFFF;
	(pc) =	sbr.abs _section_cstart, $3  }
0xc8: {  	[dreg:$0x1] =	wrdreg $0xFFFFFFFF  }
0xc9: {  	_ =	task.clear_ibuf [dreg:s8], $0x2FFFF;
	_ =	strace $0x9FFFFFFF  }
0xca: {  	(tm) =	ssettm $0x7FFFFFFF  }
0xcb: {  	_ =	shalt  }
tec
execute0_lowered:
.L_overlay_start_1:
0x0: {  	(tag) =	ssettag $0x1  }
0x1: {  	s1 =	rddreg [dreg:$0x0]  }
0x2: {  	s0 =	rddreg [dreg:$0x1]  }
0x3: {  	s18 =	rddreg [dreg:$0x2]  }
0x4: {  	s2 =	rddreg [dreg:$0x3];
	s3 =	srdreg.scid  }
0x5: {  	s19 =	stileid.u32;
	s22 =	simm.s32 $0x0;
	s29 =	simm.s32 $0x1  }
0x6: {  	s30 =	simm.s32 $0x12080;
	s31 =	simm.s32 $0x19080;
	s3 =	sand.u32 $0x1, s3  }
0x7: {  	s4 =	sshll.u32 s19, $0x1;
	[smem:$0x7FF] =	sst s22;
	s20 =	sshll.u32 s19, $0x7  }
0x8: {  	s9 =	sadd.s32 $0x400, s1;
	s10 =	sadd.s32 $0x800, s1;
	s11 =	sadd.s32 $0xC00, s1  }
0x9: {  	s12 =	sadd.s32 $0x1000, s1;
	s13 =	sadd.s32 $0x1400, s1;
	s14 =	sadd.s32 $0x1800, s1  }
0xa: {  	s15 =	sadd.s32 $0x1C00, s1;
	s26 =	sshll.u32 s19, $0x6;
	s4 =	sor.u32 s3, s4  }
0xb: {  	_ =	strace $0x80000047;
	s3 =	ssub.s32 $0x2, s3;
	s2 =	sadd.s32 s20, s2  }
0xc: {  	s20 =	simm.s32 $0x100;
	s5 =	sshll.u32 s4, $0xA;
	s16 =	sshll.u32 s4, $0x4  }
0xd: {  	s17 =	sshll.u32 s4, $0xB;
	s8 =	sshrl.u32 s3, $0x1;
	[dreg:$0x6] =	wrdreg s2  }
0xe: {  	s28 =	sshrl.u32 s2, $0x3;
	s6 =	sadd.s32 s5, s0;
	s7 =	sadd.s32 s16, s0  }
0xf: {  	s0 =	sadd.s32 s17, s0;
	s3 =	ssub.s32 s3, s8;
	s5 =	sshll.u32 s4, $0x7  }
0x10: {  	s16 =	sadd.s32 $0x20, s18;
	[dreg:$0xc] =	wrdreg s28;
	s21 =	sadd.s32 $0xE00, s6  }
0x11: {  	s17 =	sadd.s32 $0x40, s18;
	s23 =	sadd.s32 $0xC00, s7;
	[dreg:$0x5] =	wrdreg s21  }
0x12: {  	s18 =	sadd.s32 $0x60, s18;
	s24 =	sadd.s32 $0x8E00, s0;
	[dreg:$0x7] =	wrdreg s23  }
0x13: {  	s4 =	simm.s32 $0x3;
	s0 =	sadd.s32 $0x18E00, s0;
	[dreg:$0x8] =	wrdreg s24  }
0x14: {  	s25 =	smax.u32 s3, $0x1;
	s3 =	simm.s32 $0x18880;
	[dreg:$0x9] =	wrdreg s0  }
0x15: {  	v0 =	vlaneseq.u32;
	s6 =	simm.s32 $0x0;
	[dreg:$0xa] =	wrdreg s25;
	s0 =	sor.u32 $0x1C03, s26  }
0x16: {  	v2 =	vshrl.u32 v0, $0x1;
	s25 =	simm.s32 $0xA080;
	s26 =	simm.s32 $0xE080;
	s21 =	simm.s32 $0x400  }
0x17: {  	vm0 =	vmmov $0xffff;
	v1 =	vand.u32 $0x1, v0;
	v2 =	vmul.u32 $0x8, v2;
	s23 =	simm.s32 $0x16080;
	[dreg:$0xb] =	wrdreg s0;
	s0 =	simm.s32 $0x19880  }
.LBB2_1:
0x18: {  	[dreg:$0xd] =	wrdreg s6  }
0x19: {  	s2 =	rddreg [dreg:$0x5]  }
0x1a: {  	[tilespmem:s22], [sflag:$0x3] =	stream.linear.gather [hbm4b:s2+s22], $0x2000, $0x38;
	[tilespmem:$0x1A080] =	vst v63  }
0x1b: {  	_ =	swait.ge [sflag:s4], $0x2000  }
0x1c: {  	s19 =	rddreg [dreg:$0x7]  }
0x1d: {  	[sflag:s4] =	ssyncset.done $0x0;
	s24 =	rddreg [dreg:$0xb]  }
0x1e: {  	s7 =	rddreg [dreg:$0xc];
	[sflag:s4] =	ssyncadd.s32 $0xFFFFE000  }
0x1f: {  	[spmem:s7], [sflag:s24] =	dma.local [hbm:s19], $0x10  }
0x20: {  	_ =	swait.ge [sflag:s4], $0x10  }
0x21: {  	[sflag:s4] =	ssyncset.done $0x0  }
0x22: {  	s28 =	rddreg [dreg:$0x6];
	[sflag:s4] =	ssyncadd.s32 $0xFFFFFFF0  }
0x23: {  	[smem:s22], [sflag:$0x3] =	stream.linear.gather [spmem:s28], $0x80, $0x38;
	[tilespmem:$0x1A080] =	vst v63  }
0x24: {  	_ =	swait.ge [sflag:s4], $0x80  }
0x25: {  	[sflag:s4] =	ssyncset.done $0x0  }
0x26: {  	[sflag:s4] =	ssyncadd.s32 $0xFFFFFF80  }
0x27: {  	v3 =	vld.msk [tilespmem:$0x0], $0x3;
	_ =	sdelay $0x4  }
0x28: {  	v4 =	vshll.u32 v3, $0x6  }
0x29: {  	v3 =	vand.u32 $0x7, v3;
	v4 =	vand.u32 $0xFFFFFE00, v4  }
0x2a: {  	v3 =	vor.u32 v3, v4  }
0x2b: {  	v3 =	vperm.xlane v3, v1;
	_ =	sdelay $0x1  }
0x2c: {  	v3 =	vadd.s32 v2, v3;
	_ =	sdelay $0x4  }
0x2d: {  	[tilespmem:s25], [sflag:$0x1] =	stream.indirect_vreg.gather [hbm4b:s1+s22], $0x80, v3, vm0, $0xb8;
	[tilespmem:$0x1A080] =	vst v63  }
0x2e: {  	s4 =	simm.s32 $0xA880  }
0x2f: {  	[tilespmem:s4], [sflag:$0x1] =	stream.indirect_vreg.gather [hbm4b:s9+s22], $0x80, v3, vm0, $0xb8;
	[tilespmem:$0x1A080] =	vst v63  }
0x30: {  	s6 =	simm.s32 $0xB080  }
0x31: {  	[tilespmem:s6], [sflag:$0x1] =	stream.indirect_vreg.gather [hbm4b:s10+s22], $0x80, v3, vm0, $0xb8;
	[tilespmem:$0x1A080] =	vst v63  }
0x32: {  	s7 =	simm.s32 $0xB880  }
0x33: {  	[tilespmem:s7], [sflag:$0x1] =	stream.indirect_vreg.gather [hbm4b:s11+s22], $0x80, v3, vm0, $0xb8;
	[tilespmem:$0x1A080] =	vst v63  }
0x34: {  	s8 =	simm.s32 $0xC080  }
0x35: {  	[tilespmem:s8], [sflag:$0x1] =	stream.indirect_vreg.gather [hbm4b:s12+s22], $0x80, v3, vm0, $0xb8;
	[tilespmem:$0x1A080] =	vst v63  }
0x36: {  	s19 =	simm.s32 $0xC880  }
0x37: {  	[tilespmem:s19], [sflag:$0x1] =	stream.indirect_vreg.gather [hbm4b:s13+s22], $0x80, v3, vm0, $0xb8;
	[tilespmem:$0x1A080] =	vst v63  }
0x38: {  	s24 =	simm.s32 $0xD080  }
0x39: {  	[tilespmem:s24], [sflag:$0x1] =	stream.indirect_vreg.gather [hbm4b:s14+s22], $0x80, v3, vm0, $0xb8;
	[tilespmem:$0x1A080] =	vst v63  }
0x3a: {  	s28 =	simm.s32 $0xD880  }
0x3b: {  	[tilespmem:s28], [sflag:$0x1] =	stream.indirect_vreg.gather [hbm4b:s15+s22], $0x80, v3, vm0, $0xb8;
	[tilespmem:$0x1A080] =	vst v63  }
0x3c: {  	v3 =	vld.msk [tilespmem:$0x80], $0x3;
	_ =	sdelay $0x4  }
0x3d: {  	v63 =	vshll.u32 v3, $0x6  }
0x3e: {  	v3 =	vand.u32 $0x7, v3;
	v4 =	vand.u32 $0xFFFFFE00, v63  }
0x3f: {  	v3 =	vor.u32 v3, v4  }
0x40: {  	v3 =	vperm.xlane v3, v1;
	_ =	sdelay $0x1  }
0x41: {  	v3 =	vadd.s32 v2, v3;
	_ =	sdelay $0x4  }
0x42: {  	[tilespmem:s26], [sflag:$0x1] =	stream.indirect_vreg.gather [hbm4b:s1+s22], $0x80, v3, vm0, $0xb8;
	[tilespmem:$0x1A080] =	vst v63  }
0x43: {  	s4 =	simm.s32 $0xE880  }
0x44: {  	[tilespmem:s4], [sflag:$0x1] =	stream.indirect_vreg.gather [hbm4b:s9+s22], $0x80, v3, vm0, $0xb8;
	[tilespmem:$0x1A080] =	vst v63  }
0x45: {  	s6 =	simm.s32 $0xF080  }
0x46: {  	[tilespmem:s6], [sflag:$0x1] =	stream.indirect_vreg.gather [hbm4b:s10+s22], $0x80, v3, vm0, $0xb8;
	[tilespmem:$0x1A080] =	vst v63  }
0x47: {  	s7 =	simm.s32 $0xF880  }
0x48: {  	[tilespmem:s7], [sflag:$0x1] =	stream.indirect_vreg.gather [hbm4b:s11+s22], $0x80, v3, vm0, $0xb8;
	[tilespmem:$0x1A080] =	vst v63  }
0x49: {  	s8 =	simm.s32 $0x10080  }
0x4a: {  	[tilespmem:s8], [sflag:$0x1] =	stream.indirect_vreg.gather [hbm4b:s12+s22], $0x80, v3, vm0, $0xb8;
	[tilespmem:$0x1A080] =	vst v63  }
0x4b: {  	s19 =	simm.s32 $0x10880  }
0x4c: {  	[tilespmem:s19], [sflag:$0x1] =	stream.indirect_vreg.gather [hbm4b:s13+s22], $0x80, v3, vm0, $0xb8;
	[tilespmem:$0x1A080] =	vst v63  }
0x4d: {  	s24 =	simm.s32 $0x11080  }
0x4e: {  	[tilespmem:s24], [sflag:$0x1] =	stream.indirect_vreg.gather [hbm4b:s14+s22], $0x80, v3, vm0, $0xb8;
	[tilespmem:$0x1A080] =	vst v63  }
0x4f: {  	s2 =	simm.s32 $0x0;
	s28 =	simm.s32 $0x11880  }
0x50: {  	[tilespmem:s28], [sflag:$0x1] =	stream.indirect_vreg.gather [hbm4b:s15+s22], $0x80, v3, vm0, $0xb8;
	[tilespmem:$0x1A080] =	vst v63  }
.LBB2_2:
0x51: {  	_ =	swait.ge [sflag:s29], $0x4000  }
0x52: {  	p0 =	seq.s32 s2, $0x0;
	[sflag:s29] =	ssyncset.done $0x0  }
0x53: {  	s28 =	sshll.u32 s2, $0x2;
	s7 =	simm.s32 @!p0 $0x2;
	[sflag:s29] =	ssyncadd.s32 $0xFFFFC000  }
0x54: {  	s6 =	sor.u32 $0x2, s28;
	_ =	swait.ge @!p0 [sflag:s7], $0x4000  }
0x55: {  	s8 =	sshll.u32 s6, $0x7;
	[sflag:s7] =	ssyncset.done @!p0 $0x0  }
0x56: {  	s8 =	sand.u32 $0x3FFFFF80, s8;
	[sflag:s7] =	ssyncadd.s32 @!p0 $0xFFFFC000  }
0x57: {  	v3 =	vld.msk [tilespmem:s8+$0x0], $0x3;
	_ =	sdelay $0x4  }
0x58: {  	v4 =	vshll.u32 v3, $0x6  }
0x59: {  	v3 =	vand.u32 $0x7, v3;
	v4 =	vand.u32 $0xFFFFFE00, v4  }
0x5a: {  	v3 =	vor.u32 v3, v4  }
0x5b: {  	v3 =	vperm.xlane v3, v1;
	_ =	sdelay $0x1  }
0x5c: {  	v3 =	vadd.s32 v2, v3;
	_ =	sdelay $0x3  }
0x5d: {  	s7 =	simm.s32 $0x0  }
0x5e: {  	[tilespmem:s30], [sflag:$0x1] =	stream.indirect_vreg.gather [hbm4b:s1+s7], $0x80, v3, vm0, $0xb8;
	[tilespmem:$0x1A080] =	vst v63  }
0x5f: {  	s4 =	simm.s32 $0x12880  }
0x60: {  	[tilespmem:s4], [sflag:$0x1] =	stream.indirect_vreg.gather [hbm4b:s9+s7], $0x80, v3, vm0, $0xb8;
	[tilespmem:$0x1A080] =	vst v63  }
0x61: {  	s19 =	simm.s32 $0x13080  }
0x62: {  	[tilespmem:s19], [sflag:$0x1] =	stream.indirect_vreg.gather [hbm4b:s10+s7], $0x80, v3, vm0, $0xb8;
	[tilespmem:$0x1A080] =	vst v63  }
0x63: {  	s22 =	simm.s32 $0x13880  }
0x64: {  	[tilespmem:s22], [sflag:$0x1] =	stream.indirect_vreg.gather [hbm4b:s11+s7], $0x80, v3, vm0, $0xb8;
	[tilespmem:$0x1A080] =	vst v63  }
0x65: {  	s24 =	simm.s32 $0x14080  }
0x66: {  	[tilespmem:s24], [sflag:$0x1] =	stream.indirect_vreg.gather [hbm4b:s12+s7], $0x80, v3, vm0, $0xb8;
	[tilespmem:$0x1A080] =	vst v63  }
0x67: {  	s8 =	simm.s32 $0x14880  }
0x68: {  	[tilespmem:s8], [sflag:$0x1] =	stream.indirect_vreg.gather [hbm4b:s13+s7], $0x80, v3, vm0, $0xb8;
	[tilespmem:$0x1A080] =	vst v63  }
0x69: {  	s19 =	simm.s32 $0x15080  }
0x6a: {  	[tilespmem:s19], [sflag:$0x1] =	stream.indirect_vreg.gather [hbm4b:s14+s7], $0x80, v3, vm0, $0xb8;
	[tilespmem:$0x1A080] =	vst v63  }
0x6b: {  	s22 =	simm.s32 $0x15880;
	s24 =	simm.s32 $0x0  }
0x6c: {  	[tilespmem:s22], [sflag:$0x1] =	stream.indirect_vreg.gather [hbm4b:s15+s7], $0x80, v3, vm0, $0xb8;
	[tilespmem:$0x1A080] =	vst v63  }
0x6d: {  	v3 =	vld [tilespmem:s24+$0xA080]  }
0x6e: {  	v4 =	vld [tilespmem:s24+$0xA090];
	_ =	sdelay $0x1  }
0x6f: {  	v5 =	vld [tilespmem:s24+$0xA0A0];
	_ =	sdelay $0x1  }
0x70: {  	v3 =	vmul.f32 $1.442695020e+00, v3  }
0x71: {  	v6 =	vld [tilespmem:s24+$0xA0B0];
	v4 =	vmul.f32 $1.442695020e+00, v4  }
0x72: {  	(erf) = vpow2.f32 v3;
	v3 =	vld [tilespmem:s24+$0xA0C0]  }
0x73: {  	v5 =	vmul.f32 $1.442695020e+00, v5;
	(erf) = vpow2.f32 v4;
	v4 =	vld [tilespmem:s24+$0xA0D0];
	_ =	sdelay $0x1  }
0x74: {  	(erf) = vpow2.f32 v5;
	v5 =	vld [tilespmem:s24+$0xA0E0];
	_ =	sdelay $0x1  }
0x75: {  	v6 =	vmul.f32 $1.442695020e+00, v6  }
0x76: {  	v3 =	vmul.f32 $1.442695020e+00, v3;
	v4 =	vmul.f32 $1.442695020e+00, v4  }
0x77: {  	(erf) = vpow2.f32 v6;
	v6 =	vld [tilespmem:s24+$0xA0F0]  }
0x78: {  	(erf) = vpow2.f32 v3;
	v5 =	vmul.f32 $1.442695020e+00, v5  }
0x79: {  	v3 =	vimm.f32 $0.0e+00;
	v7 =	vpop (erf);
	(erf) = vpow2.f32 v4  }
0x7a: {  	v3 =	vadd.f32 v7, v3;
	v4 =	vpop (erf);
	(erf) = vpow2.f32 v5;
	v5 =	vld [tilespmem:s24+$0xA180];
	_ =	sdelay $0x1  }
0x7b: {  	v7 =	vld [tilespmem:s24+$0xA190];
	v3 =	vadd.f32 v4, v3;
	v4 =	vmul.f32 $1.442695020e+00, v6;
	_ =	sdelay $0x1  }
0x7c: {  	v6 =	vpop (erf);
	(erf) = vpow2.f32 v4;
	v4 =	vld [tilespmem:s24+$0xA1A0]  }
0x7d: {  	v8 =	vld [tilespmem:s24+$0xA1B0];
	v3 =	vadd.f32 v6, v3;
	v5 =	vmul.f32 $1.442695020e+00, v5  }
0x7e: {  	v6 =	vpop (erf)  }
0x7f: {  	v7 =	vmul.f32 $1.442695020e+00, v7;
	v3 =	vadd.f32 v6, v3;
	v9 =	vpop (erf);
	(erf) = vpow2.f32 v5  }
0x80: {  	v6 =	vld [tilespmem:s24+$0xA1C0]  }
0x81: {  	v3 =	vadd.f32 v9, v3;
	(erf) = vpow2.f32 v7;
	v4 =	vmul.f32 $1.442695020e+00, v4  }
0x82: {  	v63 =	vld [tilespmem:s24+$0xA1D0];
	v5 =	vmul.f32 $1.442695020e+00, v8;
	v10 =	vpop (erf)  }
0x83: {  	v7 =	vpop (erf);
	v3 =	vadd.f32 v10, v3;
	(erf) = vpow2.f32 v4  }
0x84: {  	v4 =	vld [tilespmem:s24+$0xA1E0]  }
0x85: {  	v8 =	vmul.f32 $1.442695020e+00, v6;
	v7 =	vadd.f32 v7, v3;
	(erf) = vpow2.f32 v5  }
0x86: {  	v3 =	vld [tilespmem:s24+$0xA1F0];
	v5 =	vpop (erf)  }
0x87: {  	s8 =	simm.s32 $0x200;
	s19 =	simm.s32 $0x1000;
	(erf) = vpow2.f32 v8;
	v6 =	vadd.f32 v5, v7;
	v5 =	vmul.f32 $1.442695020e+00, v63  }
.LBB2_3:
0x88: {  	p1 =	sne.s32 s19, $0xF800;
	v7 =	vld [tilespmem:s8+$0xA080];
	v8 =	vpop (erf)  }
0x89: {  	v6 =	vadd.f32 v8, v6;
	v4 =	vmul.f32 $1.442695020e+00, v4;
	(erf) = vpow2.f32 v5  }
0x8a: {  	v5 =	vld [tilespmem:s8+$0xA090];
	v8 =	vpop (erf)  }
0x8b: {  	v6 =	vadd.f32 v8, v6;
	v3 =	vmul.f32 $1.442695020e+00, v3;
	(erf) = vpow2.f32 v4  }
0x8c: {  	v4 =	vld [tilespmem:s8+$0xA0A0];
	v8 =	vpop (erf)  }
0x8d: {  	v7 =	vmul.f32 $1.442695020e+00, v7;
	v6 =	vadd.f32 v8, v6;
	(erf) = vpow2.f32 v3  }
0x8e: {  	v3 =	vld [tilespmem:s8+$0xA0B0];
	v8 =	vpop (erf)  }
0x8f: {  	v5 =	vmul.f32 $1.442695020e+00, v5;
	(erf) = vpow2.f32 v7;
	v6 =	vadd.f32 v8, v6  }
0x90: {  	v7 =	vld [tilespmem:s8+$0xA0C0];
	v8 =	vpop (erf)  }
0x91: {  	v4 =	vmul.f32 $1.442695020e+00, v4;
	(erf) = vpow2.f32 v5;
	v5 =	vadd.f32 v8, v6  }
0x92: {  	v6 =	vld [tilespmem:s8+$0xA0D0];
	v8 =	vpop (erf)  }
0x93: {  	v3 =	vmul.f32 $1.442695020e+00, v3;
	(erf) = vpow2.f32 v4;
	v4 =	vadd.f32 v8, v5  }
0x94: {  	v5 =	vld [tilespmem:s8+$0xA0E0];
	v8 =	vpop (erf)  }
0x95: {  	v7 =	vmul.f32 $1.442695020e+00, v7;
	(erf) = vpow2.f32 v3;
	v3 =	vadd.f32 v8, v4  }
0x96: {  	v4 =	vld [tilespmem:s8+$0xA0F0];
	v8 =	vpop (erf)  }
0x97: {  	v6 =	vmul.f32 $1.442695020e+00, v6;
	(erf) = vpow2.f32 v7;
	v3 =	vadd.f32 v8, v3  }
0x98: {  	v7 =	vld [tilespmem:s8+$0xA180];
	v8 =	vpop (erf)  }
0x99: {  	v3 =	vadd.f32 v8, v3;
	v5 =	vmul.f32 $1.442695020e+00, v5;
	(erf) = vpow2.f32 v6  }
0x9a: {  	v6 =	vld [tilespmem:s8+$0xA190];
	v8 =	vpop (erf)  }
0x9b: {  	v3 =	vadd.f32 v8, v3;
	v4 =	vmul.f32 $1.442695020e+00, v4;
	(erf) = vpow2.f32 v5  }
0x9c: {  	v5 =	vld [tilespmem:s8+$0xA1A0];
	v8 =	vpop (erf)  }
0x9d: {  	v3 =	vadd.f32 v8, v3;
	v7 =	vmul.f32 $1.442695020e+00, v7;
	(erf) = vpow2.f32 v4  }
0x9e: {  	v4 =	vld [tilespmem:s8+$0xA1B0];
	v8 =	vpop (erf)  }
0x9f: {  	v3 =	vadd.f32 v8, v3;
	v9 =	vmul.f32 $1.442695020e+00, v6;
	(erf) = vpow2.f32 v7  }
0xa0: {  	v7 =	vld [tilespmem:s8+$0xA1C0];
	v8 =	vpop (erf)  }
0xa1: {  	v3 =	vadd.f32 v8, v3;
	v10 =	vmul.f32 $1.442695020e+00, v5;
	(erf) = vpow2.f32 v9  }
0xa2: {  	v8 =	vld [tilespmem:s8+$0xA1D0];
	v6 =	vpop (erf)  }
.Ltmp0:
0xa3: {  	v3 =	vadd.f32 v6, v3;
	v9 =	vmul.f32 $1.442695020e+00, v4;
	(erf) = vpow2.f32 v10;
	(pc) =	sbr.rel @p1 .LBB2_3-.Ltmp0, $4  }
0xa4: {  	v4 =	vld [tilespmem:s8+$0xA1E0];
	v5 =	vpop (erf)  }
0xa5: {  	v5 =	vadd.f32 v5, v3;
	v7 =	vmul.f32 $1.442695020e+00, v7;
	(erf) = vpow2.f32 v9  }
0xa6: {  	v3 =	vld [tilespmem:s8+$0xA1F0];
	v6 =	vpop (erf)  }
0xa7: {  	s8 =	sshra.s32 s19, $0x2;
	s19 =	sadd.s32 $0x800, s19;
	v6 =	vadd.f32 v6, v5;
	v5 =	vmul.f32 $1.442695020e+00, v8;
	(erf) = vpow2.f32 v7  }
0xa8: {  	v7 =	vld [tilespmem:s8+$0xA080];
	v8 =	vpop (erf)  }
0xa9: {  	v6 =	vadd.f32 v8, v6;
	v4 =	vmul.f32 $1.442695020e+00, v4;
	(erf) = vpow2.f32 v5  }
0xaa: {  	v5 =	vld [tilespmem:s8+$0xA090];
	v8 =	vpop (erf)  }
0xab: {  	v6 =	vadd.f32 v8, v6;
	v3 =	vmul.f32 $1.442695020e+00, v3;
	(erf) = vpow2.f32 v4  }
0xac: {  	v4 =	vld [tilespmem:s8+$0xA0A0];
	v8 =	vpop (erf)  }
0xad: {  	v7 =	vmul.f32 $1.442695020e+00, v7;
	v6 =	vadd.f32 v8, v6;
	(erf) = vpow2.f32 v3  }
0xae: {  	v3 =	vld [tilespmem:s8+$0xA0B0];
	v8 =	vpop (erf)  }
0xaf: {  	v5 =	vmul.f32 $1.442695020e+00, v5;
	(erf) = vpow2.f32 v7;
	v6 =	vadd.f32 v8, v6  }
0xb0: {  	v7 =	vld [tilespmem:s8+$0xA0C0];
	v8 =	vpop (erf)  }
0xb1: {  	v4 =	vmul.f32 $1.442695020e+00, v4;
	(erf) = vpow2.f32 v5;
	v5 =	vadd.f32 v8, v6  }
0xb2: {  	v6 =	vld [tilespmem:s8+$0xA0D0];
	v8 =	vpop (erf)  }
0xb3: {  	v3 =	vmul.f32 $1.442695020e+00, v3;
	(erf) = vpow2.f32 v4;
	v4 =	vadd.f32 v8, v5  }
0xb4: {  	v5 =	vld [tilespmem:s8+$0xA0E0];
	v8 =	vpop (erf)  }
0xb5: {  	v7 =	vmul.f32 $1.442695020e+00, v7;
	(erf) = vpow2.f32 v3;
	v3 =	vadd.f32 v8, v4  }
0xb6: {  	v4 =	vld [tilespmem:s8+$0xA0F0];
	v8 =	vpop (erf)  }
0xb7: {  	v6 =	vmul.f32 $1.442695020e+00, v6;
	(erf) = vpow2.f32 v7;
	v3 =	vadd.f32 v8, v3  }
0xb8: {  	v7 =	vld [tilespmem:s8+$0xA180];
	v8 =	vpop (erf)  }
0xb9: {  	v5 =	vmul.f32 $1.442695020e+00, v5;
	(erf) = vpow2.f32 v6;
	v3 =	vadd.f32 v8, v3  }
0xba: {  	v6 =	vld [tilespmem:s8+$0xA190];
	v8 =	vpop (erf)  }
0xbb: {  	v4 =	vmul.f32 $1.442695020e+00, v4;
	(erf) = vpow2.f32 v5;
	v3 =	vadd.f32 v8, v3  }
0xbc: {  	v5 =	vld [tilespmem:s8+$0xA1A0];
	v8 =	vpop (erf)  }
0xbd: {  	v7 =	vmul.f32 $1.442695020e+00, v7;
	(erf) = vpow2.f32 v4;
	v3 =	vadd.f32 v8, v3  }
0xbe: {  	v4 =	vld [tilespmem:s8+$0xA1B0];
	v8 =	vpop (erf)  }
0xbf: {  	v6 =	vmul.f32 $1.442695020e+00, v6;
	(erf) = vpow2.f32 v7;
	v7 =	vld [tilespmem:s8+$0xA1C0];
	v3 =	vadd.f32 v8, v3  }
0xc0: {  	v8 =	vpop (erf)  }
0xc1: {  	v5 =	vmul.f32 $1.442695020e+00, v5;
	(erf) = vpow2.f32 v6;
	v6 =	vld [tilespmem:s8+$0xA1D0];
	v3 =	vadd.f32 v8, v3  }
0xc2: {  	v8 =	vpop (erf)  }
0xc3: {  	v4 =	vmul.f32 $1.442695020e+00, v4;
	(erf) = vpow2.f32 v5;
	v5 =	vld [tilespmem:s8+$0xA1E0];
	v3 =	vadd.f32 v8, v3  }
0xc4: {  	v7 =	vmul.f32 $1.442695020e+00, v7;
	v8 =	vpop (erf)  }
0xc5: {  	(erf) = vpow2.f32 v4;
	v4 =	vld [tilespmem:s8+$0xA1F0];
	v3 =	vadd.f32 v8, v3  }
0xc6: {  	v6 =	vmul.f32 $1.442695020e+00, v6;
	v8 =	vpop (erf)  }
0xc7: {  	(erf) = vpow2.f32 v7;
	v3 =	vadd.f32 v8, v3  }
0xc8: {  	v7 =	vpop (erf);
	v5 =	vmul.f32 $1.442695020e+00, v5  }
0xc9: {  	(erf) = vpow2.f32 v6;
	v3 =	vadd.f32 v7, v3  }
0xca: {  	s8 =	sshll.u32 s2, $0x3;
	v6 =	vpop (erf);
	v4 =	vmul.f32 $1.442695020e+00, v4  }
0xcb: {  	s7 =	sld [smem:s8+$0x0];
	(erf) = vpow2.f32 v5;
	v3 =	vadd.f32 v6, v3  }
0xcc: {  	v5 =	vpop (erf)  }
0xcd: {  	(erf) = vpow2.f32 v4;
	v3 =	vadd.f32 v5, v3  }
0xce: {  	s19 =	sshra.s32 s7, $0x1F;
	v4 =	vpop (erf)  }
0xcf: {  	s19 =	sshrl.u32 s19, $0x1C;
	v3 =	vadd.f32 v4, v3  }
0xd0: {  	s19 =	sadd.s32 s19, s7;
	v4 =	vpop (erf)  }
0xd1: {  	s24 =	sand.u32 $0xFFFFFFF0, s19;
	v3 =	vadd.f32 v4, v3  }
0xd2: {  	p1 =	slt.s32 s7, $0x1;
	p2 =	sne.s32 s7, s24;
	v4 =	vpop (erf)  }
0xd3: {  	p1 =	por !p1, !p2;
	v3 =	vadd.f32 v4, v3  }
0xd4: {  	s24 =	simm.s32 $0x1;
	p1 =	por !p1, !p1;
	v4 =	vpop (erf)  }
0xd5: {  	s19 =	sshra.s32 s19, $0x4;
	s24 =	simm.s32 @!p1 $0x0;
	v3 =	vadd.f32 v4, v3  }
0xd6: {  	s19 =	ssub.s32 s19, s24;
	v4 =	vpop (erf)  }
0xd7: {  	s24 =	sshll.u32 s19, $0x4;
	s19 =	sshll.u32 s19, $0x5;
	v3 =	vadd.f32 v4, v3  }
0xd8: {  	s22 =	sshll.u32 s2, $0xA;
	s24 =	sand.u32 $0x70, s24;
	s19 =	sand.u32 $0xFFFFFF00, s19  }
0xd9: {  	s19 =	sor.u32 s24, s19;
	[tilespmem:s22+$0x2080] =	vst v3  }
0xda: {  	v3 =	vld [tilespmem:s19+$0xA080];
	_ =	sdelay $0x1  }
0xdb: {  	s7 =	sand.u32 $0xF, s7  }
0xdc: {  	v4 =	vmov s7  }
0xdd: {  	vm1 =	veq.s32 v4, v0  }
0xde: {  	v3 =	vnsel vm1, $0x0, v3  }
0xdf: {  	s24 =	simm.s32 $0x0;
	[tilespmem:s22+$0x6080] =	vst v3  }
0xe0: {  	v3 =	vld [tilespmem:s24+$0xA100];
	_ =	sdelay $0x1  }
0xe1: {  	v4 =	vld [tilespmem:s24+$0xA110]  }
0xe2: {  	v5 =	vld [tilespmem:s24+$0xA120];
	_ =	sdelay $0x1  }
0xe3: {  	v3 =	vmul.f32 $1.442695020e+00, v3;
	_ =	sdelay $0x1  }
0xe4: {  	v6 =	vld [tilespmem:s24+$0xA130];
	v4 =	vmul.f32 $1.442695020e+00, v4;
	(erf) = vpow2.f32 v3  }
0xe5: {  	v5 =	vmul.f32 $1.442695020e+00, v5;
	v3 =	vld [tilespmem:s24+$0xA140]  }
0xe6: {  	(erf) = vpow2.f32 v4;
	v4 =	vld [tilespmem:s24+$0xA150]  }
0xe7: {  	(erf) = vpow2.f32 v5;
	v5 =	vld [tilespmem:s24+$0xA160];
	_ =	sdelay $0x1  }
0xe8: {  	v6 =	vmul.f32 $1.442695020e+00, v6  }
0xe9: {  	v3 =	vmul.f32 $1.442695020e+00, v3  }
0xea: {  	(erf) = vpow2.f32 v6;
	v6 =	vld [tilespmem:s24+$0xA170];
	v4 =	vmul.f32 $1.442695020e+00, v4  }
0xeb: {  	(erf) = vpow2.f32 v3;
	v5 =	vmul.f32 $1.442695020e+00, v5  }
0xec: {  	v3 =	vimm.f32 $0.0e+00;
	(erf) = vpow2.f32 v4;
	v7 =	vpop (erf)  }
0xed: {  	(erf) = vpow2.f32 v5;
	v5 =	vld [tilespmem:s24+$0xA200];
	v3 =	vadd.f32 v7, v3  }
0xee: {  	v4 =	vpop (erf)  }
0xef: {  	v7 =	vld [tilespmem:s24+$0xA210];
	v3 =	vadd.f32 v4, v3;
	v4 =	vmul.f32 $1.442695020e+00, v6;
	_ =	sdelay $0x1  }
0xf0: {  	v6 =	vpop (erf);
	(erf) = vpow2.f32 v4;
	v4 =	vld [tilespmem:s24+$0xA220]  }
0xf1: {  	v8 =	vld [tilespmem:s24+$0xA230];
	v3 =	vadd.f32 v6, v3;
	v5 =	vmul.f32 $1.442695020e+00, v5  }
0xf2: {  	v6 =	vpop (erf)  }
0xf3: {  	v7 =	vmul.f32 $1.442695020e+00, v7;
	v3 =	vadd.f32 v6, v3;
	v9 =	vpop (erf);
	(erf) = vpow2.f32 v5  }
0xf4: {  	v6 =	vld [tilespmem:s24+$0xA240]  }
0xf5: {  	(erf) = vpow2.f32 v7;
	v3 =	vadd.f32 v9, v3;
	v4 =	vmul.f32 $1.442695020e+00, v4  }
0xf6: {  	v63 =	vld [tilespmem:s24+$0xA250];
	v5 =	vmul.f32 $1.442695020e+00, v8;
	v10 =	vpop (erf)  }
0xf7: {  	v7 =	vpop (erf);
	v3 =	vadd.f32 v10, v3;
	(erf) = vpow2.f32 v4  }
0xf8: {  	v4 =	vld [tilespmem:s24+$0xA260]  }
0xf9: {  	v8 =	vmul.f32 $1.442695020e+00, v6;
	v7 =	vadd.f32 v7, v3;
	(erf) = vpow2.f32 v5  }
0xfa: {  	v3 =	vld [tilespmem:s24+$0xA270];
	v5 =	vpop (erf)  }
0xfb: {  	s19 =	simm.s32 $0x200;
	s24 =	simm.s32 $0x1000;
	(erf) = vpow2.f32 v8;
	v6 =	vadd.f32 v5, v7;
	v5 =	vmul.f32 $1.442695020e+00, v63  }
.LBB2_5:
0xfc: {  	p1 =	sne.s32 s24, $0xF800;
	v7 =	vld [tilespmem:s19+$0xA100];
	v8 =	vpop (erf)  }
0xfd: {  	v6 =	vadd.f32 v8, v6;
	v4 =	vmul.f32 $1.442695020e+00, v4;
	(erf) = vpow2.f32 v5  }
0xfe: {  	v5 =	vld [tilespmem:s19+$0xA110];
	v8 =	vpop (erf)  }
0xff: {  	v6 =	vadd.f32 v8, v6;
	v3 =	vmul.f32 $1.442695020e+00, v3;
	(erf) = vpow2.f32 v4  }
0x100: {  	v4 =	vld [tilespmem:s19+$0xA120];
	v8 =	vpop (erf)  }
0x101: {  	v7 =	vmul.f32 $1.442695020e+00, v7;
	v6 =	vadd.f32 v8, v6;
	(erf) = vpow2.f32 v3  }
0x102: {  	v3 =	vld [tilespmem:s19+$0xA130];
	v8 =	vpop (erf)  }
0x103: {  	v5 =	vmul.f32 $1.442695020e+00, v5;
	(erf) = vpow2.f32 v7;
	v6 =	vadd.f32 v8, v6  }
0x104: {  	v7 =	vld [tilespmem:s19+$0xA140];
	v8 =	vpop (erf)  }
0x105: {  	v4 =	vmul.f32 $1.442695020e+00, v4;
	(erf) = vpow2.f32 v5;
	v5 =	vadd.f32 v8, v6  }
0x106: {  	v6 =	vld [tilespmem:s19+$0xA150];
	v8 =	vpop (erf)  }
0x107: {  	v3 =	vmul.f32 $1.442695020e+00, v3;
	(erf) = vpow2.f32 v4;
	v4 =	vadd.f32 v8, v5  }
0x108: {  	v5 =	vld [tilespmem:s19+$0xA160];
	v8 =	vpop (erf)  }
0x109: {  	v7 =	vmul.f32 $1.442695020e+00, v7;
	(erf) = vpow2.f32 v3;
	v3 =	vadd.f32 v8, v4  }
0x10a: {  	v4 =	vld [tilespmem:s19+$0xA170];
	v8 =	vpop (erf)  }
0x10b: {  	v6 =	vmul.f32 $1.442695020e+00, v6;
	(erf) = vpow2.f32 v7;
	v3 =	vadd.f32 v8, v3  }
0x10c: {  	v7 =	vld [tilespmem:s19+$0xA200];
	v8 =	vpop (erf)  }
0x10d: {  	v3 =	vadd.f32 v8, v3;
	v5 =	vmul.f32 $1.442695020e+00, v5;
	(erf) = vpow2.f32 v6  }
0x10e: {  	v6 =	vld [tilespmem:s19+$0xA210];
	v8 =	vpop (erf)  }
0x10f: {  	v3 =	vadd.f32 v8, v3;
	v4 =	vmul.f32 $1.442695020e+00, v4;
	(erf) = vpow2.f32 v5  }
0x110: {  	v5 =	vld [tilespmem:s19+$0xA220];
	v8 =	vpop (erf)  }
0x111: {  	v3 =	vadd.f32 v8, v3;
	v7 =	vmul.f32 $1.442695020e+00, v7;
	(erf) = vpow2.f32 v4  }
0x112: {  	v4 =	vld [tilespmem:s19+$0xA230];
	v8 =	vpop (erf)  }
0x113: {  	v3 =	vadd.f32 v8, v3;
	v9 =	vmul.f32 $1.442695020e+00, v6;
	(erf) = vpow2.f32 v7  }
0x114: {  	v7 =	vld [tilespmem:s19+$0xA240];
	v8 =	vpop (erf)  }
0x115: {  	v3 =	vadd.f32 v8, v3;
	v10 =	vmul.f32 $1.442695020e+00, v5;
	(erf) = vpow2.f32 v9  }
0x116: {  	v8 =	vld [tilespmem:s19+$0xA250];
	v6 =	vpop (erf)  }
.Ltmp1:
0x117: {  	v3 =	vadd.f32 v6, v3;
	v9 =	vmul.f32 $1.442695020e+00, v4;
	(erf) = vpow2.f32 v10;
	(pc) =	sbr.rel @p1 .LBB2_5-.Ltmp1, $4  }
0x118: {  	v4 =	vld [tilespmem:s19+$0xA260];
	v5 =	vpop (erf)  }
0x119: {  	v5 =	vadd.f32 v5, v3;
	v7 =	vmul.f32 $1.442695020e+00, v7;
	(erf) = vpow2.f32 v9  }
0x11a: {  	v3 =	vld [tilespmem:s19+$0xA270];
	v6 =	vpop (erf)  }
0x11b: {  	s19 =	sshra.s32 s24, $0x2;
	s24 =	sadd.s32 $0x800, s24;
	v6 =	vadd.f32 v6, v5;
	v5 =	vmul.f32 $1.442695020e+00, v8;
	(erf) = vpow2.f32 v7  }
0x11c: {  	v7 =	vld [tilespmem:s19+$0xA100];
	v8 =	vpop (erf)  }
0x11d: {  	v6 =	vadd.f32 v8, v6;
	v4 =	vmul.f32 $1.442695020e+00, v4;
	(erf) = vpow2.f32 v5  }
0x11e: {  	v5 =	vld [tilespmem:s19+$0xA110];
	v8 =	vpop (erf)  }
0x11f: {  	v6 =	vadd.f32 v8, v6;
	v3 =	vmul.f32 $1.442695020e+00, v3;
	(erf) = vpow2.f32 v4  }
0x120: {  	v4 =	vld [tilespmem:s19+$0xA120];
	v8 =	vpop (erf)  }
0x121: {  	v7 =	vmul.f32 $1.442695020e+00, v7;
	v6 =	vadd.f32 v8, v6;
	(erf) = vpow2.f32 v3  }
0x122: {  	v3 =	vld [tilespmem:s19+$0xA130];
	v8 =	vpop (erf)  }
0x123: {  	v5 =	vmul.f32 $1.442695020e+00, v5;
	(erf) = vpow2.f32 v7;
	v6 =	vadd.f32 v8, v6  }
0x124: {  	v7 =	vld [tilespmem:s19+$0xA140];
	v8 =	vpop (erf)  }
0x125: {  	v4 =	vmul.f32 $1.442695020e+00, v4;
	(erf) = vpow2.f32 v5;
	v5 =	vadd.f32 v8, v6  }
0x126: {  	v6 =	vld [tilespmem:s19+$0xA150];
	v8 =	vpop (erf)  }
0x127: {  	v3 =	vmul.f32 $1.442695020e+00, v3;
	(erf) = vpow2.f32 v4;
	v4 =	vadd.f32 v8, v5  }
0x128: {  	v5 =	vld [tilespmem:s19+$0xA160];
	v8 =	vpop (erf)  }
0x129: {  	v7 =	vmul.f32 $1.442695020e+00, v7;
	(erf) = vpow2.f32 v3;
	v3 =	vadd.f32 v8, v4  }
0x12a: {  	v4 =	vld [tilespmem:s19+$0xA170];
	v8 =	vpop (erf)  }
0x12b: {  	v6 =	vmul.f32 $1.442695020e+00, v6;
	(erf) = vpow2.f32 v7;
	v3 =	vadd.f32 v8, v3  }
0x12c: {  	v7 =	vld [tilespmem:s19+$0xA200];
	v8 =	vpop (erf)  }
0x12d: {  	v5 =	vmul.f32 $1.442695020e+00, v5;
	(erf) = vpow2.f32 v6;
	v3 =	vadd.f32 v8, v3  }
0x12e: {  	v6 =	vld [tilespmem:s19+$0xA210];
	v8 =	vpop (erf)  }
0x12f: {  	v4 =	vmul.f32 $1.442695020e+00, v4;
	(erf) = vpow2.f32 v5;
	v3 =	vadd.f32 v8, v3  }
0x130: {  	v5 =	vld [tilespmem:s19+$0xA220];
	v8 =	vpop (erf)  }
0x131: {  	v7 =	vmul.f32 $1.442695020e+00, v7;
	(erf) = vpow2.f32 v4;
	v3 =	vadd.f32 v8, v3  }
0x132: {  	v4 =	vld [tilespmem:s19+$0xA230];
	v8 =	vpop (erf)  }
0x133: {  	v6 =	vmul.f32 $1.442695020e+00, v6;
	(erf) = vpow2.f32 v7;
	v7 =	vld [tilespmem:s19+$0xA240];
	v3 =	vadd.f32 v8, v3  }
0x134: {  	v8 =	vpop (erf)  }
0x135: {  	v5 =	vmul.f32 $1.442695020e+00, v5;
	(erf) = vpow2.f32 v6;
	v6 =	vld [tilespmem:s19+$0xA250];
	v3 =	vadd.f32 v8, v3  }
0x136: {  	v8 =	vpop (erf)  }
0x137: {  	v4 =	vmul.f32 $1.442695020e+00, v4;
	(erf) = vpow2.f32 v5;
	v5 =	vld [tilespmem:s19+$0xA260];
	v3 =	vadd.f32 v8, v3  }
0x138: {  	v7 =	vmul.f32 $1.442695020e+00, v7;
	v8 =	vpop (erf)  }
0x139: {  	(erf) = vpow2.f32 v4;
	v4 =	vld [tilespmem:s19+$0xA270];
	v3 =	vadd.f32 v8, v3  }
0x13a: {  	v6 =	vmul.f32 $1.442695020e+00, v6;
	v8 =	vpop (erf)  }
0x13b: {  	(erf) = vpow2.f32 v7;
	v3 =	vadd.f32 v8, v3  }
0x13c: {  	v7 =	vpop (erf);
	v5 =	vmul.f32 $1.442695020e+00, v5  }
0x13d: {  	(erf) = vpow2.f32 v6;
	v3 =	vadd.f32 v7, v3  }
0x13e: {  	s7 =	sor.u32 $0x1, s8;
	v6 =	vpop (erf);
	v4 =	vmul.f32 $1.442695020e+00, v4  }
0x13f: {  	s4 =	sld [smem:s7+$0x0];
	(erf) = vpow2.f32 v5;
	v3 =	vadd.f32 v6, v3  }
0x140: {  	v5 =	vpop (erf)  }
0x141: {  	(erf) = vpow2.f32 v4;
	v3 =	vadd.f32 v5, v3  }
0x142: {  	s22 =	sshra.s32 s4, $0x1F;
	v4 =	vpop (erf)  }
0x143: {  	s22 =	sshrl.u32 s22, $0x1C;
	v3 =	vadd.f32 v4, v3  }
0x144: {  	s22 =	sadd.s32 s22, s4;
	v4 =	vpop (erf)  }
0x145: {  	s24 =	sand.u32 $0xFFFFFFF0, s22;
	v3 =	vadd.f32 v4, v3  }
0x146: {  	p1 =	slt.s32 s4, $0x1;
	p2 =	sne.s32 s4, s24;
	v4 =	vpop (erf)  }
0x147: {  	p1 =	por !p1, !p2;
	v3 =	vadd.f32 v4, v3  }
0x148: {  	s24 =	simm.s32 $0x1;
	p1 =	por !p1, !p1;
	v4 =	vpop (erf)  }
0x149: {  	s22 =	sshra.s32 s22, $0x4;
	s24 =	simm.s32 @!p1 $0x0;
	v3 =	vadd.f32 v4, v3  }
0x14a: {  	s22 =	ssub.s32 s22, s24;
	v4 =	vpop (erf)  }
0x14b: {  	s24 =	sshll.u32 s22, $0x4;
	s22 =	sshll.u32 s22, $0x5;
	v3 =	vadd.f32 v4, v3  }
0x14c: {  	s7 =	sshll.u32 s7, $0x7;
	s24 =	sand.u32 $0x70, s24;
	s22 =	sand.u32 $0xFFFFFF00, s22  }
0x14d: {  	s22 =	sor.u32 s24, s22;
	[tilespmem:s7+$0x2080] =	vst v3  }
0x14e: {  	v3 =	vld [tilespmem:s22+$0xA100];
	_ =	sdelay $0x1  }
0x14f: {  	s19 =	sand.u32 $0xF, s4  }
0x150: {  	v4 =	vmov s19  }
0x151: {  	vm1 =	veq.s32 v4, v0;
	s22 =	sadd.s32 s5, s8  }
0x152: {  	s4 =	rddreg [dreg:$0x2];
	s19 =	sshll.u32 s22, $0xA;
	v3 =	vnsel vm1, $0x0, v3  }
0x153: {  	s24 =	sadd.s32 s4, s19;
	[tilespmem:s7+$0x6080] =	vst v3  }
0x154: {  	[hbm4b:s24+s20] =	stream.strided.scatter [tilespmem:s25], [sflag:$0x2], $0x4000, s21, s20, $0x38;
	[tilespmem:$0x1A080] =	vst v63  }
0x155: {  	_ =	swait.ge [sflag:s29], $0x4000  }
0x156: {  	[sflag:s29] =	ssyncset.done $0x0  }
0x157: {  	s7 =	simm.s32 @!p0 $0x2;
	[sflag:s29] =	ssyncadd.s32 $0xFFFFC000  }
0x158: {  	s28 =	sor.u32 $0x3, s28;
	_ =	swait.ge @!p0 [sflag:s7], $0x4000  }
0x159: {  	s4 =	sshll.u32 s28, $0x7;
	[sflag:s7] =	ssyncset.done @!p0 $0x0  }
0x15a: {  	s22 =	sand.u32 $0x3FFFFF80, s4;
	[sflag:s7] =	ssyncadd.s32 @!p0 $0xFFFFC000  }
0x15b: {  	v3 =	vld.msk [tilespmem:s22+$0x0], $0x3;
	_ =	sdelay $0x4  }
0x15c: {  	v4 =	vshll.u32 v3, $0x6  }
0x15d: {  	v3 =	vand.u32 $0x7, v3;
	v4 =	vand.u32 $0xFFFFFE00, v4  }
0x15e: {  	v3 =	vor.u32 v3, v4  }
0x15f: {  	v3 =	vperm.xlane v3, v1;
	_ =	sdelay $0x1  }
0x160: {  	v3 =	vadd.s32 v2, v3;
	_ =	sdelay $0x3  }
0x161: {  	s7 =	simm.s32 $0x0  }
0x162: {  	[tilespmem:s23], [sflag:$0x1] =	stream.indirect_vreg.gather [hbm4b:s1+s7], $0x80, v3, vm0, $0xb8;
	[tilespmem:$0x1A080] =	vst v63  }
0x163: {  	s24 =	simm.s32 $0x16880  }
0x164: {  	[tilespmem:s24], [sflag:$0x1] =	stream.indirect_vreg.gather [hbm4b:s9+s7], $0x80, v3, vm0, $0xb8;
	[tilespmem:$0x1A080] =	vst v63  }
0x165: {  	s22 =	simm.s32 $0x17080  }
0x166: {  	[tilespmem:s22], [sflag:$0x1] =	stream.indirect_vreg.gather [hbm4b:s10+s7], $0x80, v3, vm0, $0xb8;
	[tilespmem:$0x1A080] =	vst v63  }
0x167: {  	s24 =	simm.s32 $0x17880  }
0x168: {  	[tilespmem:s24], [sflag:$0x1] =	stream.indirect_vreg.gather [hbm4b:s11+s7], $0x80, v3, vm0, $0xb8;
	[tilespmem:$0x1A080] =	vst v63  }
0x169: {  	s22 =	simm.s32 $0x18080  }
0x16a: {  	[tilespmem:s22], [sflag:$0x1] =	stream.indirect_vreg.gather [hbm4b:s12+s7], $0x80, v3, vm0, $0xb8;
	[tilespmem:$0x1A080] =	vst v63  }
0x16b: {  	_ = 	snop  }
0x16c: {  	[tilespmem:s3], [sflag:$0x1] =	stream.indirect_vreg.gather [hbm4b:s13+s7], $0x80, v3, vm0, $0xb8;
	[tilespmem:$0x1A080] =	vst v63  }
0x16d: {  	_ = 	snop  }
0x16e: {  	[tilespmem:s31], [sflag:$0x1] =	stream.indirect_vreg.gather [hbm4b:s14+s7], $0x80, v3, vm0, $0xb8;
	[tilespmem:$0x1A080] =	vst v63  }
0x16f: {  	s24 =	simm.s32 $0x0  }
0x170: {  	[tilespmem:s0], [sflag:$0x1] =	stream.indirect_vreg.gather [hbm4b:s15+s7], $0x80, v3, vm0, $0xb8;
	[tilespmem:$0x1A080] =	vst v63  }
0x171: {  	v3 =	vld [tilespmem:s24+$0xE080];
	_ =	sdelay $0x1  }
0x172: {  	v4 =	vld [tilespmem:s24+$0xE090]  }
0x173: {  	v5 =	vld [tilespmem:s24+$0xE0A0];
	_ =	sdelay $0x1  }
0x174: {  	v3 =	vmul.f32 $1.442695020e+00, v3;
	_ =	sdelay $0x1  }
0x175: {  	v6 =	vld [tilespmem:s24+$0xE0B0];
	v4 =	vmul.f32 $1.442695020e+00, v4;
	(erf) = vpow2.f32 v3  }
0x176: {  	v5 =	vmul.f32 $1.442695020e+00, v5;
	v3 =	vld [tilespmem:s24+$0xE0C0]  }
0x177: {  	(erf) = vpow2.f32 v4;
	v4 =	vld [tilespmem:s24+$0xE0D0]  }
0x178: {  	(erf) = vpow2.f32 v5;
	v5 =	vld [tilespmem:s24+$0xE0E0];
	_ =	sdelay $0x1  }
0x179: {  	v6 =	vmul.f32 $1.442695020e+00, v6  }
0x17a: {  	v3 =	vmul.f32 $1.442695020e+00, v3  }
0x17b: {  	(erf) = vpow2.f32 v6;
	v6 =	vld [tilespmem:s24+$0xE0F0];
	v4 =	vmul.f32 $1.442695020e+00, v4  }
0x17c: {  	(erf) = vpow2.f32 v3;
	v5 =	vmul.f32 $1.442695020e+00, v5  }
0x17d: {  	v3 =	vimm.f32 $0.0e+00;
	(erf) = vpow2.f32 v4;
	v7 =	vpop (erf)  }
0x17e: {  	(erf) = vpow2.f32 v5;
	v5 =	vld [tilespmem:s24+$0xE180];
	v3 =	vadd.f32 v7, v3  }
0x17f: {  	v4 =	vpop (erf)  }
0x180: {  	v7 =	vld [tilespmem:s24+$0xE190];
	v3 =	vadd.f32 v4, v3;
	v4 =	vmul.f32 $1.442695020e+00, v6;
	_ =	sdelay $0x1  }
0x181: {  	v6 =	vpop (erf);
	(erf) = vpow2.f32 v4;
	v4 =	vld [tilespmem:s24+$0xE1A0]  }
0x182: {  	v8 =	vld [tilespmem:s24+$0xE1B0];
	v3 =	vadd.f32 v6, v3;
	v5 =	vmul.f32 $1.442695020e+00, v5  }
0x183: {  	v6 =	vpop (erf)  }
0x184: {  	v7 =	vmul.f32 $1.442695020e+00, v7;
	v3 =	vadd.f32 v6, v3;
	v9 =	vpop (erf);
	(erf) = vpow2.f32 v5  }
0x185: {  	v6 =	vld [tilespmem:s24+$0xE1C0]  }
0x186: {  	(erf) = vpow2.f32 v7;
	v3 =	vadd.f32 v9, v3;
	v4 =	vmul.f32 $1.442695020e+00, v4  }
0x187: {  	v63 =	vld [tilespmem:s24+$0xE1D0];
	v5 =	vmul.f32 $1.442695020e+00, v8;
	v10 =	vpop (erf)  }
0x188: {  	v7 =	vpop (erf);
	v3 =	vadd.f32 v10, v3;
	(erf) = vpow2.f32 v4  }
0x189: {  	v4 =	vld [tilespmem:s24+$0xE1E0]  }
0x18a: {  	v8 =	vmul.f32 $1.442695020e+00, v6;
	v7 =	vadd.f32 v7, v3;
	(erf) = vpow2.f32 v5  }
0x18b: {  	v3 =	vld [tilespmem:s24+$0xE1F0];
	v5 =	vpop (erf)  }
0x18c: {  	s7 =	simm.s32 $0x1000;
	s24 =	simm.s32 $0x200;
	(erf) = vpow2.f32 v8;
	v6 =	vadd.f32 v5, v7;
	v5 =	vmul.f32 $1.442695020e+00, v63  }
.LBB2_7:
0x18d: {  	p0 =	sne.s32 s7, $0xF800;
	v7 =	vld [tilespmem:s24+$0xE080];
	v8 =	vpop (erf)  }
0x18e: {  	v6 =	vadd.f32 v8, v6;
	v4 =	vmul.f32 $1.442695020e+00, v4;
	(erf) = vpow2.f32 v5  }
0x18f: {  	v5 =	vld [tilespmem:s24+$0xE090];
	v8 =	vpop (erf)  }
0x190: {  	v6 =	vadd.f32 v8, v6;
	v3 =	vmul.f32 $1.442695020e+00, v3;
	(erf) = vpow2.f32 v4  }
0x191: {  	v4 =	vld [tilespmem:s24+$0xE0A0];
	v8 =	vpop (erf)  }
0x192: {  	v7 =	vmul.f32 $1.442695020e+00, v7;
	v6 =	vadd.f32 v8, v6;
	(erf) = vpow2.f32 v3  }
0x193: {  	v3 =	vld [tilespmem:s24+$0xE0B0];
	v8 =	vpop (erf)  }
0x194: {  	v5 =	vmul.f32 $1.442695020e+00, v5;
	(erf) = vpow2.f32 v7;
	v6 =	vadd.f32 v8, v6  }
0x195: {  	v7 =	vld [tilespmem:s24+$0xE0C0];
	v8 =	vpop (erf)  }
0x196: {  	v4 =	vmul.f32 $1.442695020e+00, v4;
	(erf) = vpow2.f32 v5;
	v5 =	vadd.f32 v8, v6  }
0x197: {  	v6 =	vld [tilespmem:s24+$0xE0D0];
	v8 =	vpop (erf)  }
0x198: {  	v3 =	vmul.f32 $1.442695020e+00, v3;
	(erf) = vpow2.f32 v4;
	v4 =	vadd.f32 v8, v5  }
0x199: {  	v5 =	vld [tilespmem:s24+$0xE0E0];
	v8 =	vpop (erf)  }
0x19a: {  	v7 =	vmul.f32 $1.442695020e+00, v7;
	(erf) = vpow2.f32 v3;
	v3 =	vadd.f32 v8, v4  }
0x19b: {  	v4 =	vld [tilespmem:s24+$0xE0F0];
	v8 =	vpop (erf)  }
0x19c: {  	v6 =	vmul.f32 $1.442695020e+00, v6;
	(erf) = vpow2.f32 v7;
	v3 =	vadd.f32 v8, v3  }
0x19d: {  	v7 =	vld [tilespmem:s24+$0xE180];
	v8 =	vpop (erf)  }
0x19e: {  	v3 =	vadd.f32 v8, v3;
	v5 =	vmul.f32 $1.442695020e+00, v5;
	(erf) = vpow2.f32 v6  }
0x19f: {  	v6 =	vld [tilespmem:s24+$0xE190];
	v8 =	vpop (erf)  }
0x1a0: {  	v3 =	vadd.f32 v8, v3;
	v4 =	vmul.f32 $1.442695020e+00, v4;
	(erf) = vpow2.f32 v5  }
0x1a1: {  	v5 =	vld [tilespmem:s24+$0xE1A0];
	v8 =	vpop (erf)  }
0x1a2: {  	v3 =	vadd.f32 v8, v3;
	v7 =	vmul.f32 $1.442695020e+00, v7;
	(erf) = vpow2.f32 v4  }
0x1a3: {  	v4 =	vld [tilespmem:s24+$0xE1B0];
	v8 =	vpop (erf)  }
0x1a4: {  	v3 =	vadd.f32 v8, v3;
	v9 =	vmul.f32 $1.442695020e+00, v6;
	(erf) = vpow2.f32 v7  }
0x1a5: {  	v7 =	vld [tilespmem:s24+$0xE1C0];
	v8 =	vpop (erf)  }
0x1a6: {  	v3 =	vadd.f32 v8, v3;
	v10 =	vmul.f32 $1.442695020e+00, v5;
	(erf) = vpow2.f32 v9  }
0x1a7: {  	v8 =	vld [tilespmem:s24+$0xE1D0];
	v6 =	vpop (erf)  }
.Ltmp2:
0x1a8: {  	v3 =	vadd.f32 v6, v3;
	v9 =	vmul.f32 $1.442695020e+00, v4;
	(erf) = vpow2.f32 v10;
	(pc) =	sbr.rel @p0 .LBB2_7-.Ltmp2, $4  }
0x1a9: {  	v4 =	vld [tilespmem:s24+$0xE1E0];
	v5 =	vpop (erf)  }
0x1aa: {  	v5 =	vadd.f32 v5, v3;
	v7 =	vmul.f32 $1.442695020e+00, v7;
	(erf) = vpow2.f32 v9  }
0x1ab: {  	v3 =	vld [tilespmem:s24+$0xE1F0];
	v6 =	vpop (erf)  }
0x1ac: {  	s24 =	sshra.s32 s7, $0x2;
	s7 =	sadd.s32 $0x800, s7;
	v6 =	vadd.f32 v6, v5;
	v5 =	vmul.f32 $1.442695020e+00, v8;
	(erf) = vpow2.f32 v7  }
0x1ad: {  	v7 =	vld [tilespmem:s24+$0xE080];
	v8 =	vpop (erf)  }
0x1ae: {  	v6 =	vadd.f32 v8, v6;
	v4 =	vmul.f32 $1.442695020e+00, v4;
	(erf) = vpow2.f32 v5  }
0x1af: {  	v5 =	vld [tilespmem:s24+$0xE090];
	v8 =	vpop (erf)  }
0x1b0: {  	v6 =	vadd.f32 v8, v6;
	v3 =	vmul.f32 $1.442695020e+00, v3;
	(erf) = vpow2.f32 v4  }
0x1b1: {  	v4 =	vld [tilespmem:s24+$0xE0A0];
	v8 =	vpop (erf)  }
0x1b2: {  	v7 =	vmul.f32 $1.442695020e+00, v7;
	v6 =	vadd.f32 v8, v6;
	(erf) = vpow2.f32 v3  }
0x1b3: {  	v3 =	vld [tilespmem:s24+$0xE0B0];
	v8 =	vpop (erf)  }
0x1b4: {  	v5 =	vmul.f32 $1.442695020e+00, v5;
	(erf) = vpow2.f32 v7;
	v6 =	vadd.f32 v8, v6  }
0x1b5: {  	v7 =	vld [tilespmem:s24+$0xE0C0];
	v8 =	vpop (erf)  }
0x1b6: {  	v4 =	vmul.f32 $1.442695020e+00, v4;
	(erf) = vpow2.f32 v5;
	v5 =	vadd.f32 v8, v6  }
0x1b7: {  	v6 =	vld [tilespmem:s24+$0xE0D0];
	v8 =	vpop (erf)  }
0x1b8: {  	v3 =	vmul.f32 $1.442695020e+00, v3;
	(erf) = vpow2.f32 v4;
	v4 =	vadd.f32 v8, v5  }
0x1b9: {  	v5 =	vld [tilespmem:s24+$0xE0E0];
	v8 =	vpop (erf)  }
0x1ba: {  	v7 =	vmul.f32 $1.442695020e+00, v7;
	(erf) = vpow2.f32 v3;
	v3 =	vadd.f32 v8, v4  }
0x1bb: {  	v4 =	vld [tilespmem:s24+$0xE0F0];
	v8 =	vpop (erf)  }
0x1bc: {  	v6 =	vmul.f32 $1.442695020e+00, v6;
	(erf) = vpow2.f32 v7;
	v3 =	vadd.f32 v8, v3  }
0x1bd: {  	v7 =	vld [tilespmem:s24+$0xE180];
	v8 =	vpop (erf)  }
0x1be: {  	v5 =	vmul.f32 $1.442695020e+00, v5;
	(erf) = vpow2.f32 v6;
	v3 =	vadd.f32 v8, v3  }
0x1bf: {  	v6 =	vld [tilespmem:s24+$0xE190];
	v8 =	vpop (erf)  }
0x1c0: {  	v4 =	vmul.f32 $1.442695020e+00, v4;
	(erf) = vpow2.f32 v5;
	v3 =	vadd.f32 v8, v3  }
0x1c1: {  	v5 =	vld [tilespmem:s24+$0xE1A0];
	v8 =	vpop (erf)  }
0x1c2: {  	v7 =	vmul.f32 $1.442695020e+00, v7;
	(erf) = vpow2.f32 v4;
	v3 =	vadd.f32 v8, v3  }
0x1c3: {  	v4 =	vld [tilespmem:s24+$0xE1B0];
	v8 =	vpop (erf)  }
0x1c4: {  	v6 =	vmul.f32 $1.442695020e+00, v6;
	(erf) = vpow2.f32 v7;
	v7 =	vld [tilespmem:s24+$0xE1C0];
	v3 =	vadd.f32 v8, v3  }
0x1c5: {  	v8 =	vpop (erf)  }
0x1c6: {  	v5 =	vmul.f32 $1.442695020e+00, v5;
	(erf) = vpow2.f32 v6;
	v6 =	vld [tilespmem:s24+$0xE1D0];
	v3 =	vadd.f32 v8, v3  }
0x1c7: {  	v8 =	vpop (erf)  }
0x1c8: {  	v4 =	vmul.f32 $1.442695020e+00, v4;
	(erf) = vpow2.f32 v5;
	v5 =	vld [tilespmem:s24+$0xE1E0];
	v3 =	vadd.f32 v8, v3  }
0x1c9: {  	v7 =	vmul.f32 $1.442695020e+00, v7;
	v8 =	vpop (erf)  }
0x1ca: {  	(erf) = vpow2.f32 v4;
	v4 =	vld [tilespmem:s24+$0xE1F0];
	v3 =	vadd.f32 v8, v3  }
0x1cb: {  	v6 =	vmul.f32 $1.442695020e+00, v6;
	v8 =	vpop (erf)  }
0x1cc: {  	(erf) = vpow2.f32 v7;
	v3 =	vadd.f32 v8, v3  }
0x1cd: {  	v7 =	vpop (erf);
	v5 =	vmul.f32 $1.442695020e+00, v5  }
0x1ce: {  	(erf) = vpow2.f32 v6;
	v3 =	vadd.f32 v7, v3  }
0x1cf: {  	s7 =	sor.u32 $0x2, s8;
	v6 =	vpop (erf);
	v4 =	vmul.f32 $1.442695020e+00, v4  }
0x1d0: {  	s22 =	sld [smem:s7+$0x0];
	(erf) = vpow2.f32 v5;
	v3 =	vadd.f32 v6, v3  }
0x1d1: {  	v5 =	vpop (erf)  }
0x1d2: {  	(erf) = vpow2.f32 v4;
	v3 =	vadd.f32 v5, v3  }
0x1d3: {  	s4 =	sshra.s32 s22, $0x1F;
	v4 =	vpop (erf)  }
0x1d4: {  	s24 =	sshrl.u32 s4, $0x1C;
	v3 =	vadd.f32 v4, v3  }
0x1d5: {  	s24 =	sadd.s32 s24, s22;
	v4 =	vpop (erf)  }
0x1d6: {  	s4 =	sand.u32 $0xFFFFFFF0, s24;
	v3 =	vadd.f32 v4, v3  }
0x1d7: {  	p0 =	slt.s32 s22, $0x1;
	p1 =	sne.s32 s22, s4;
	v4 =	vpop (erf)  }
0x1d8: {  	p0 =	por !p0, !p1;
	v3 =	vadd.f32 v4, v3  }
0x1d9: {  	s4 =	simm.s32 $0x1;
	p0 =	por !p0, !p0;
	v4 =	vpop (erf)  }
0x1da: {  	s24 =	sshra.s32 s24, $0x4;
	s4 =	simm.s32 @!p0 $0x0;
	v3 =	vadd.f32 v4, v3  }
0x1db: {  	s4 =	ssub.s32 s24, s4;
	v4 =	vpop (erf)  }
0x1dc: {  	s24 =	sshll.u32 s4, $0x4;
	s4 =	sshll.u32 s4, $0x5;
	v3 =	vadd.f32 v4, v3  }
0x1dd: {  	s7 =	sshll.u32 s7, $0x7;
	s24 =	sand.u32 $0x70, s24;
	s4 =	sand.u32 $0xFFFFFF00, s4  }
0x1de: {  	s4 =	sor.u32 s24, s4;
	[tilespmem:s7+$0x2080] =	vst v3  }
0x1df: {  	v3 =	vld [tilespmem:s4+$0xE080];
	_ =	sdelay $0x1  }
0x1e0: {  	s22 =	sand.u32 $0xF, s22  }
0x1e1: {  	v4 =	vmov s22  }
0x1e2: {  	vm1 =	veq.s32 v4, v0  }
0x1e3: {  	v3 =	vnsel vm1, $0x0, v3  }
0x1e4: {  	s24 =	simm.s32 $0x0;
	[tilespmem:s7+$0x6080] =	vst v3  }
0x1e5: {  	v3 =	vld [tilespmem:s24+$0xE100];
	_ =	sdelay $0x1  }
0x1e6: {  	v4 =	vld [tilespmem:s24+$0xE110]  }
0x1e7: {  	v5 =	vld [tilespmem:s24+$0xE120];
	_ =	sdelay $0x1  }
0x1e8: {  	v3 =	vmul.f32 $1.442695020e+00, v3;
	_ =	sdelay $0x1  }
0x1e9: {  	v6 =	vld [tilespmem:s24+$0xE130];
	v4 =	vmul.f32 $1.442695020e+00, v4;
	(erf) = vpow2.f32 v3  }
0x1ea: {  	v5 =	vmul.f32 $1.442695020e+00, v5;
	v3 =	vld [tilespmem:s24+$0xE140]  }
0x1eb: {  	(erf) = vpow2.f32 v4;
	v4 =	vld [tilespmem:s24+$0xE150]  }
0x1ec: {  	(erf) = vpow2.f32 v5;
	v5 =	vld [tilespmem:s24+$0xE160];
	_ =	sdelay $0x1  }
0x1ed: {  	v6 =	vmul.f32 $1.442695020e+00, v6  }
0x1ee: {  	v3 =	vmul.f32 $1.442695020e+00, v3  }
0x1ef: {  	(erf) = vpow2.f32 v6;
	v6 =	vld [tilespmem:s24+$0xE170];
	v4 =	vmul.f32 $1.442695020e+00, v4  }
0x1f0: {  	(erf) = vpow2.f32 v3;
	v5 =	vmul.f32 $1.442695020e+00, v5  }
0x1f1: {  	v3 =	vimm.f32 $0.0e+00;
	(erf) = vpow2.f32 v4;
	v7 =	vpop (erf)  }
0x1f2: {  	(erf) = vpow2.f32 v5;
	v5 =	vld [tilespmem:s24+$0xE200];
	v3 =	vadd.f32 v7, v3  }
0x1f3: {  	v4 =	vpop (erf)  }
0x1f4: {  	v7 =	vld [tilespmem:s24+$0xE210];
	v3 =	vadd.f32 v4, v3;
	v4 =	vmul.f32 $1.442695020e+00, v6;
	_ =	sdelay $0x1  }
0x1f5: {  	v6 =	vpop (erf);
	(erf) = vpow2.f32 v4;
	v4 =	vld [tilespmem:s24+$0xE220]  }
0x1f6: {  	v8 =	vld [tilespmem:s24+$0xE230];
	v3 =	vadd.f32 v6, v3;
	v5 =	vmul.f32 $1.442695020e+00, v5  }
0x1f7: {  	v6 =	vpop (erf)  }
0x1f8: {  	v7 =	vmul.f32 $1.442695020e+00, v7;
	v3 =	vadd.f32 v6, v3;
	v9 =	vpop (erf);
	(erf) = vpow2.f32 v5  }
0x1f9: {  	v6 =	vld [tilespmem:s24+$0xE240]  }
0x1fa: {  	(erf) = vpow2.f32 v7;
	v3 =	vadd.f32 v9, v3;
	v4 =	vmul.f32 $1.442695020e+00, v4  }
0x1fb: {  	v63 =	vld [tilespmem:s24+$0xE250];
	v5 =	vmul.f32 $1.442695020e+00, v8;
	v10 =	vpop (erf)  }
0x1fc: {  	v7 =	vpop (erf);
	v3 =	vadd.f32 v10, v3;
	(erf) = vpow2.f32 v4  }
0x1fd: {  	v4 =	vld [tilespmem:s24+$0xE260]  }
0x1fe: {  	v8 =	vmul.f32 $1.442695020e+00, v6;
	v7 =	vadd.f32 v7, v3;
	(erf) = vpow2.f32 v5  }
0x1ff: {  	v3 =	vld [tilespmem:s24+$0xE270];
	v5 =	vpop (erf)  }
0x200: {  	s7 =	simm.s32 $0x1000;
	s24 =	simm.s32 $0x200;
	(erf) = vpow2.f32 v8;
	v6 =	vadd.f32 v5, v7;
	v5 =	vmul.f32 $1.442695020e+00, v63  }
.LBB2_9:
0x201: {  	p0 =	sne.s32 s7, $0xF800;
	v7 =	vld [tilespmem:s24+$0xE100];
	v8 =	vpop (erf)  }
0x202: {  	v6 =	vadd.f32 v8, v6;
	v4 =	vmul.f32 $1.442695020e+00, v4;
	(erf) = vpow2.f32 v5  }
0x203: {  	v5 =	vld [tilespmem:s24+$0xE110];
	v8 =	vpop (erf)  }
0x204: {  	v6 =	vadd.f32 v8, v6;
	v3 =	vmul.f32 $1.442695020e+00, v3;
	(erf) = vpow2.f32 v4  }
0x205: {  	v4 =	vld [tilespmem:s24+$0xE120];
	v8 =	vpop (erf)  }
0x206: {  	v7 =	vmul.f32 $1.442695020e+00, v7;
	v6 =	vadd.f32 v8, v6;
	(erf) = vpow2.f32 v3  }
0x207: {  	v3 =	vld [tilespmem:s24+$0xE130];
	v8 =	vpop (erf)  }
0x208: {  	v5 =	vmul.f32 $1.442695020e+00, v5;
	(erf) = vpow2.f32 v7;
	v6 =	vadd.f32 v8, v6  }
0x209: {  	v7 =	vld [tilespmem:s24+$0xE140];
	v8 =	vpop (erf)  }
0x20a: {  	v4 =	vmul.f32 $1.442695020e+00, v4;
	(erf) = vpow2.f32 v5;
	v5 =	vadd.f32 v8, v6  }
0x20b: {  	v6 =	vld [tilespmem:s24+$0xE150];
	v8 =	vpop (erf)  }
0x20c: {  	v3 =	vmul.f32 $1.442695020e+00, v3;
	(erf) = vpow2.f32 v4;
	v4 =	vadd.f32 v8, v5  }
0x20d: {  	v5 =	vld [tilespmem:s24+$0xE160];
	v8 =	vpop (erf)  }
0x20e: {  	v7 =	vmul.f32 $1.442695020e+00, v7;
	(erf) = vpow2.f32 v3;
	v3 =	vadd.f32 v8, v4  }
0x20f: {  	v4 =	vld [tilespmem:s24+$0xE170];
	v8 =	vpop (erf)  }
0x210: {  	v6 =	vmul.f32 $1.442695020e+00, v6;
	(erf) = vpow2.f32 v7;
	v3 =	vadd.f32 v8, v3  }
0x211: {  	v7 =	vld [tilespmem:s24+$0xE200];
	v8 =	vpop (erf)  }
0x212: {  	v3 =	vadd.f32 v8, v3;
	v5 =	vmul.f32 $1.442695020e+00, v5;
	(erf) = vpow2.f32 v6  }
0x213: {  	v6 =	vld [tilespmem:s24+$0xE210];
	v8 =	vpop (erf)  }
0x214: {  	v3 =	vadd.f32 v8, v3;
	v4 =	vmul.f32 $1.442695020e+00, v4;
	(erf) = vpow2.f32 v5  }
0x215: {  	v5 =	vld [tilespmem:s24+$0xE220];
	v8 =	vpop (erf)  }
0x216: {  	v3 =	vadd.f32 v8, v3;
	v7 =	vmul.f32 $1.442695020e+00, v7;
	(erf) = vpow2.f32 v4  }
0x217: {  	v4 =	vld [tilespmem:s24+$0xE230];
	v8 =	vpop (erf)  }
0x218: {  	v3 =	vadd.f32 v8, v3;
	v9 =	vmul.f32 $1.442695020e+00, v6;
	(erf) = vpow2.f32 v7  }
0x219: {  	v7 =	vld [tilespmem:s24+$0xE240];
	v8 =	vpop (erf)  }
0x21a: {  	v3 =	vadd.f32 v8, v3;
	v10 =	vmul.f32 $1.442695020e+00, v5;
	(erf) = vpow2.f32 v9  }
0x21b: {  	v8 =	vld [tilespmem:s24+$0xE250];
	v6 =	vpop (erf)  }
.Ltmp3:
0x21c: {  	v3 =	vadd.f32 v6, v3;
	v9 =	vmul.f32 $1.442695020e+00, v4;
	(erf) = vpow2.f32 v10;
	(pc) =	sbr.rel @p0 .LBB2_9-.Ltmp3, $4  }
0x21d: {  	v4 =	vld [tilespmem:s24+$0xE260];
	v5 =	vpop (erf)  }
0x21e: {  	v5 =	vadd.f32 v5, v3;
	v7 =	vmul.f32 $1.442695020e+00, v7;
	(erf) = vpow2.f32 v9  }
0x21f: {  	v3 =	vld [tilespmem:s24+$0xE270];
	v6 =	vpop (erf)  }
0x220: {  	s24 =	sshra.s32 s7, $0x2;
	s7 =	sadd.s32 $0x800, s7;
	v6 =	vadd.f32 v6, v5;
	v5 =	vmul.f32 $1.442695020e+00, v8;
	(erf) = vpow2.f32 v7  }
0x221: {  	v7 =	vld [tilespmem:s24+$0xE100];
	v8 =	vpop (erf)  }
0x222: {  	v6 =	vadd.f32 v8, v6;
	v4 =	vmul.f32 $1.442695020e+00, v4;
	(erf) = vpow2.f32 v5  }
0x223: {  	v5 =	vld [tilespmem:s24+$0xE110];
	v8 =	vpop (erf)  }
0x224: {  	v6 =	vadd.f32 v8, v6;
	v3 =	vmul.f32 $1.442695020e+00, v3;
	(erf) = vpow2.f32 v4  }
0x225: {  	v4 =	vld [tilespmem:s24+$0xE120];
	v8 =	vpop (erf)  }
0x226: {  	v7 =	vmul.f32 $1.442695020e+00, v7;
	v6 =	vadd.f32 v8, v6;
	(erf) = vpow2.f32 v3  }
0x227: {  	v3 =	vld [tilespmem:s24+$0xE130];
	v8 =	vpop (erf)  }
0x228: {  	v5 =	vmul.f32 $1.442695020e+00, v5;
	(erf) = vpow2.f32 v7;
	v6 =	vadd.f32 v8, v6  }
0x229: {  	v7 =	vld [tilespmem:s24+$0xE140];
	v8 =	vpop (erf)  }
0x22a: {  	v4 =	vmul.f32 $1.442695020e+00, v4;
	(erf) = vpow2.f32 v5;
	v5 =	vadd.f32 v8, v6  }
0x22b: {  	v6 =	vld [tilespmem:s24+$0xE150];
	v8 =	vpop (erf)  }
0x22c: {  	v3 =	vmul.f32 $1.442695020e+00, v3;
	(erf) = vpow2.f32 v4;
	v4 =	vadd.f32 v8, v5  }
0x22d: {  	v5 =	vld [tilespmem:s24+$0xE160];
	v8 =	vpop (erf)  }
0x22e: {  	v7 =	vmul.f32 $1.442695020e+00, v7;
	(erf) = vpow2.f32 v3;
	v3 =	vadd.f32 v8, v4  }
0x22f: {  	v4 =	vld [tilespmem:s24+$0xE170];
	v8 =	vpop (erf)  }
0x230: {  	v6 =	vmul.f32 $1.442695020e+00, v6;
	(erf) = vpow2.f32 v7;
	v3 =	vadd.f32 v8, v3  }
0x231: {  	v7 =	vld [tilespmem:s24+$0xE200];
	v8 =	vpop (erf)  }
0x232: {  	v5 =	vmul.f32 $1.442695020e+00, v5;
	(erf) = vpow2.f32 v6;
	v3 =	vadd.f32 v8, v3  }
0x233: {  	v6 =	vld [tilespmem:s24+$0xE210];
	v8 =	vpop (erf)  }
0x234: {  	v4 =	vmul.f32 $1.442695020e+00, v4;
	(erf) = vpow2.f32 v5;
	v3 =	vadd.f32 v8, v3  }
0x235: {  	v5 =	vld [tilespmem:s24+$0xE220];
	v8 =	vpop (erf)  }
0x236: {  	v7 =	vmul.f32 $1.442695020e+00, v7;
	(erf) = vpow2.f32 v4;
	v3 =	vadd.f32 v8, v3  }
0x237: {  	v4 =	vld [tilespmem:s24+$0xE230];
	v8 =	vpop (erf)  }
0x238: {  	v6 =	vmul.f32 $1.442695020e+00, v6;
	(erf) = vpow2.f32 v7;
	v7 =	vld [tilespmem:s24+$0xE240];
	v3 =	vadd.f32 v8, v3  }
0x239: {  	v8 =	vpop (erf)  }
0x23a: {  	v5 =	vmul.f32 $1.442695020e+00, v5;
	(erf) = vpow2.f32 v6;
	v6 =	vld [tilespmem:s24+$0xE250];
	v3 =	vadd.f32 v8, v3  }
0x23b: {  	v8 =	vpop (erf)  }
0x23c: {  	v4 =	vmul.f32 $1.442695020e+00, v4;
	(erf) = vpow2.f32 v5;
	v5 =	vld [tilespmem:s24+$0xE260];
	v3 =	vadd.f32 v8, v3  }
0x23d: {  	v7 =	vmul.f32 $1.442695020e+00, v7;
	v8 =	vpop (erf)  }
0x23e: {  	(erf) = vpow2.f32 v4;
	v4 =	vld [tilespmem:s24+$0xE270];
	v3 =	vadd.f32 v8, v3  }
0x23f: {  	v6 =	vmul.f32 $1.442695020e+00, v6;
	v8 =	vpop (erf)  }
0x240: {  	(erf) = vpow2.f32 v7;
	v3 =	vadd.f32 v8, v3  }
0x241: {  	v7 =	vpop (erf);
	v5 =	vmul.f32 $1.442695020e+00, v5  }
0x242: {  	(erf) = vpow2.f32 v6;
	v3 =	vadd.f32 v7, v3  }
0x243: {  	s4 =	sor.u32 $0x3, s8;
	v6 =	vpop (erf);
	v4 =	vmul.f32 $1.442695020e+00, v4  }
0x244: {  	s7 =	sld [smem:s4+$0x0];
	(erf) = vpow2.f32 v5;
	v3 =	vadd.f32 v6, v3  }
0x245: {  	v5 =	vpop (erf)  }
0x246: {  	(erf) = vpow2.f32 v4;
	v3 =	vadd.f32 v5, v3  }
0x247: {  	s24 =	sshra.s32 s7, $0x1F;
	v4 =	vpop (erf)  }
0x248: {  	s8 =	sshrl.u32 s24, $0x1C;
	v3 =	vadd.f32 v4, v3  }
0x249: {  	s8 =	sadd.s32 s8, s7;
	v4 =	vpop (erf)  }
0x24a: {  	s22 =	sand.u32 $0xFFFFFFF0, s8;
	v3 =	vadd.f32 v4, v3  }
0x24b: {  	p0 =	slt.s32 s7, $0x1;
	p1 =	sne.s32 s7, s22;
	v4 =	vpop (erf)  }
0x24c: {  	p0 =	por !p0, !p1;
	v3 =	vadd.f32 v4, v3  }
0x24d: {  	s22 =	simm.s32 $0x1;
	p0 =	por !p0, !p0;
	v4 =	vpop (erf)  }
0x24e: {  	s8 =	sshra.s32 s8, $0x4;
	s22 =	simm.s32 @!p0 $0x0;
	v3 =	vadd.f32 v4, v3  }
0x24f: {  	s8 =	ssub.s32 s8, s22;
	v4 =	vpop (erf)  }
0x250: {  	s22 =	sshll.u32 s8, $0x4;
	s8 =	sshll.u32 s8, $0x5;
	v3 =	vadd.f32 v4, v3  }
0x251: {  	s4 =	sshll.u32 s4, $0x7;
	s22 =	sand.u32 $0x70, s22;
	s8 =	sand.u32 $0xFFFFFF00, s8  }
0x252: {  	s8 =	sor.u32 s22, s8;
	[tilespmem:s4+$0x2080] =	vst v3  }
0x253: {  	v3 =	vld [tilespmem:s8+$0xE100];
	_ =	sdelay $0x1  }
0x254: {  	s7 =	sand.u32 $0xF, s7  }
0x255: {  	v4 =	vmov s7  }
0x256: {  	vm1 =	veq.s32 v4, v0  }
0x257: {  	v3 =	vnsel vm1, $0x0, v3  }
0x258: {  	s22 =	sadd.s32 s19, s16;
	[tilespmem:s4+$0x6080] =	vst v3  }
0x259: {  	[hbm4b:s22+s20] =	stream.strided.scatter [tilespmem:s26], [sflag:$0x2], $0x4000, s21, s20, $0x38;
	[tilespmem:$0x1A080] =	vst v63  }
0x25a: {  	_ =	swait.ge [sflag:s29], $0x4000  }
0x25b: {  	p0 =	seq.s32 s2, $0xF;
	[sflag:s29] =	ssyncset.done $0x0  }
0x25c: {  	s4 =	simm.s32 @!p0 $0x2;
	[sflag:s29] =	ssyncadd.s32 $0xFFFFC000  }
0x25d: {  	_ =	swait.ge @!p0 [sflag:s4], $0x4000  }
0x25e: {  	s7 =	sshll.u32 @!p0 s2, $0x9;
	[sflag:s4] =	ssyncset.done @!p0 $0x0  }
0x25f: {  	s8 =	sand.u32 @!p0 $0x3FFFFE00, s7;
	[sflag:s4] =	ssyncadd.s32 @!p0 $0xFFFFC000  }
0x260: {  	v3 =	vld.msk @!p0 [tilespmem:s8+$0x200], $0x3;
	_ =	sdelay $0x4  }
0x261: {  	v4 =	vshll.u32 @!p0 v3, $0x6  }
0x262: {  	v5 =	vlaneseq.u32 @!p0;
	v3 =	vand.u32 @!p0 $0x7, v3;
	v4 =	vand.u32 @!p0 $0xFFFFFE00, v4  }
0x263: {  	v3 =	vor.u32 @!p0 v3, v4;
	v4 =	vand.u32 @!p0 $0x1, v5;
	v5 =	vshrl.u32 @!p0 v5, $0x1  }
0x264: {  	v3 =	vperm.xlane @!p0 v3, v4;
	v4 =	vmul.u32 @!p0 $0x8, v5;
	_ =	sdelay $0x1  }
0x265: {  	v3 =	vadd.s32 @!p0 v4, v3;
	_ =	sdelay $0x3  }
0x266: {  	s7 =	simm.s32 @!p0 $0xA080;
	vm1 =	vmmov @!p0 $0xffff;
	s4 =	simm.s32 @!p0 $0x0  }
0x267: {  	[tilespmem:s7], [sflag:$0x1] =	stream.indirect_vreg.gather @!p0 [hbm4b:s1+s4], $0x80, v3, vm1, $0xb8;
	[tilespmem:$0x1A080] =	vst v63  }
0x268: {  	s7 =	simm.s32 @!p0 $0xA880  }
0x269: {  	[tilespmem:s7], [sflag:$0x1] =	stream.indirect_vreg.gather @!p0 [hbm4b:s9+s4], $0x80, v3, vm1, $0xb8;
	[tilespmem:$0x1A080] =	vst v63  }
0x26a: {  	s7 =	simm.s32 @!p0 $0xB080  }
0x26b: {  	[tilespmem:s7], [sflag:$0x1] =	stream.indirect_vreg.gather @!p0 [hbm4b:s10+s4], $0x80, v3, vm1, $0xb8;
	[tilespmem:$0x1A080] =	vst v63  }
0x26c: {  	s7 =	simm.s32 @!p0 $0xB880  }
0x26d: {  	[tilespmem:s7], [sflag:$0x1] =	stream.indirect_vreg.gather @!p0 [hbm4b:s11+s4], $0x80, v3, vm1, $0xb8;
	[tilespmem:$0x1A080] =	vst v63  }
0x26e: {  	s7 =	simm.s32 @!p0 $0xC080  }
0x26f: {  	[tilespmem:s7], [sflag:$0x1] =	stream.indirect_vreg.gather @!p0 [hbm4b:s12+s4], $0x80, v3, vm1, $0xb8;
	[tilespmem:$0x1A080] =	vst v63  }
0x270: {  	s7 =	simm.s32 @!p0 $0xC880  }
0x271: {  	[tilespmem:s7], [sflag:$0x1] =	stream.indirect_vreg.gather @!p0 [hbm4b:s13+s4], $0x80, v3, vm1, $0xb8;
	[tilespmem:$0x1A080] =	vst v63  }
0x272: {  	s7 =	simm.s32 @!p0 $0xD080  }
0x273: {  	[tilespmem:s7], [sflag:$0x1] =	stream.indirect_vreg.gather @!p0 [hbm4b:s14+s4], $0x80, v3, vm1, $0xb8;
	[tilespmem:$0x1A080] =	vst v63  }
0x274: {  	s24 =	simm.s32 $0x0;
	s7 =	simm.s32 @!p0 $0xD880  }
0x275: {  	[tilespmem:s7], [sflag:$0x1] =	stream.indirect_vreg.gather @!p0 [hbm4b:s15+s4], $0x80, v3, vm1, $0xb8;
	[tilespmem:$0x1A080] =	vst v63  }
0x276: {  	v3 =	vld [tilespmem:s24+$0x12080];
	_ =	sdelay $0x1  }
0x277: {  	v4 =	vld [tilespmem:s24+$0x12090]  }
0x278: {  	v5 =	vld [tilespmem:s24+$0x120A0];
	_ =	sdelay $0x1  }
0x279: {  	v3 =	vmul.f32 $1.442695020e+00, v3;
	_ =	sdelay $0x1  }
0x27a: {  	v6 =	vld [tilespmem:s24+$0x120B0];
	v4 =	vmul.f32 $1.442695020e+00, v4;
	(erf) = vpow2.f32 v3  }
0x27b: {  	v5 =	vmul.f32 $1.442695020e+00, v5;
	v3 =	vld [tilespmem:s24+$0x120C0]  }
0x27c: {  	(erf) = vpow2.f32 v4;
	v4 =	vld [tilespmem:s24+$0x120D0]  }
0x27d: {  	(erf) = vpow2.f32 v5;
	v5 =	vld [tilespmem:s24+$0x120E0];
	_ =	sdelay $0x1  }
0x27e: {  	v6 =	vmul.f32 $1.442695020e+00, v6  }
0x27f: {  	v3 =	vmul.f32 $1.442695020e+00, v3  }
0x280: {  	(erf) = vpow2.f32 v6;
	v6 =	vld [tilespmem:s24+$0x120F0];
	v4 =	vmul.f32 $1.442695020e+00, v4  }
0x281: {  	(erf) = vpow2.f32 v3;
	v5 =	vmul.f32 $1.442695020e+00, v5  }
0x282: {  	v3 =	vimm.f32 $0.0e+00;
	(erf) = vpow2.f32 v4;
	v7 =	vpop (erf)  }
0x283: {  	(erf) = vpow2.f32 v5;
	v5 =	vld [tilespmem:s24+$0x12180];
	v3 =	vadd.f32 v7, v3  }
0x284: {  	v4 =	vpop (erf)  }
0x285: {  	v7 =	vld [tilespmem:s24+$0x12190];
	v3 =	vadd.f32 v4, v3;
	v4 =	vmul.f32 $1.442695020e+00, v6;
	_ =	sdelay $0x1  }
0x286: {  	v6 =	vpop (erf);
	(erf) = vpow2.f32 v4;
	v4 =	vld [tilespmem:s24+$0x121A0]  }
0x287: {  	v8 =	vld [tilespmem:s24+$0x121B0];
	v3 =	vadd.f32 v6, v3;
	v5 =	vmul.f32 $1.442695020e+00, v5  }
0x288: {  	v6 =	vpop (erf)  }
0x289: {  	v7 =	vmul.f32 $1.442695020e+00, v7;
	v3 =	vadd.f32 v6, v3;
	v9 =	vpop (erf);
	(erf) = vpow2.f32 v5  }
0x28a: {  	v6 =	vld [tilespmem:s24+$0x121C0]  }
0x28b: {  	(erf) = vpow2.f32 v7;
	v3 =	vadd.f32 v9, v3;
	v4 =	vmul.f32 $1.442695020e+00, v4  }
0x28c: {  	v63 =	vld [tilespmem:s24+$0x121D0];
	v5 =	vmul.f32 $1.442695020e+00, v8;
	v10 =	vpop (erf)  }
0x28d: {  	v7 =	vpop (erf);
	v3 =	vadd.f32 v10, v3;
	(erf) = vpow2.f32 v4  }
0x28e: {  	v4 =	vld [tilespmem:s24+$0x121E0]  }
0x28f: {  	v8 =	vmul.f32 $1.442695020e+00, v6;
	v7 =	vadd.f32 v7, v3;
	(erf) = vpow2.f32 v5  }
0x290: {  	v3 =	vld [tilespmem:s24+$0x121F0];
	v5 =	vpop (erf)  }
0x291: {  	s19 =	simm.s32 $0x200;
	s7 =	simm.s32 $0x1000;
	(erf) = vpow2.f32 v8;
	v6 =	vadd.f32 v5, v7;
	v5 =	vmul.f32 $1.442695020e+00, v63  }
.LBB2_11:
0x292: {  	p1 =	sne.s32 s7, $0xF800;
	v7 =	vld [tilespmem:s19+$0x12080];
	v8 =	vpop (erf)  }
0x293: {  	v6 =	vadd.f32 v8, v6;
	v4 =	vmul.f32 $1.442695020e+00, v4;
	(erf) = vpow2.f32 v5  }
0x294: {  	v5 =	vld [tilespmem:s19+$0x12090];
	v8 =	vpop (erf)  }
0x295: {  	v6 =	vadd.f32 v8, v6;
	v3 =	vmul.f32 $1.442695020e+00, v3;
	(erf) = vpow2.f32 v4  }
0x296: {  	v4 =	vld [tilespmem:s19+$0x120A0];
	v8 =	vpop (erf)  }
0x297: {  	v7 =	vmul.f32 $1.442695020e+00, v7;
	v6 =	vadd.f32 v8, v6;
	(erf) = vpow2.f32 v3  }
0x298: {  	v3 =	vld [tilespmem:s19+$0x120B0];
	v8 =	vpop (erf)  }
0x299: {  	v5 =	vmul.f32 $1.442695020e+00, v5;
	(erf) = vpow2.f32 v7;
	v6 =	vadd.f32 v8, v6  }
0x29a: {  	v7 =	vld [tilespmem:s19+$0x120C0];
	v8 =	vpop (erf)  }
0x29b: {  	v4 =	vmul.f32 $1.442695020e+00, v4;
	(erf) = vpow2.f32 v5;
	v5 =	vadd.f32 v8, v6  }
0x29c: {  	v6 =	vld [tilespmem:s19+$0x120D0];
	v8 =	vpop (erf)  }
0x29d: {  	v3 =	vmul.f32 $1.442695020e+00, v3;
	(erf) = vpow2.f32 v4;
	v4 =	vadd.f32 v8, v5  }
0x29e: {  	v5 =	vld [tilespmem:s19+$0x120E0];
	v8 =	vpop (erf)  }
0x29f: {  	v7 =	vmul.f32 $1.442695020e+00, v7;
	(erf) = vpow2.f32 v3;
	v3 =	vadd.f32 v8, v4  }
0x2a0: {  	v4 =	vld [tilespmem:s19+$0x120F0];
	v8 =	vpop (erf)  }
0x2a1: {  	v6 =	vmul.f32 $1.442695020e+00, v6;
	(erf) = vpow2.f32 v7;
	v3 =	vadd.f32 v8, v3  }
0x2a2: {  	v7 =	vld [tilespmem:s19+$0x12180];
	v8 =	vpop (erf)  }
0x2a3: {  	v3 =	vadd.f32 v8, v3;
	v5 =	vmul.f32 $1.442695020e+00, v5;
	(erf) = vpow2.f32 v6  }
0x2a4: {  	v6 =	vld [tilespmem:s19+$0x12190];
	v8 =	vpop (erf)  }
0x2a5: {  	v3 =	vadd.f32 v8, v3;
	v4 =	vmul.f32 $1.442695020e+00, v4;
	(erf) = vpow2.f32 v5  }
0x2a6: {  	v5 =	vld [tilespmem:s19+$0x121A0];
	v8 =	vpop (erf)  }
0x2a7: {  	v3 =	vadd.f32 v8, v3;
	v7 =	vmul.f32 $1.442695020e+00, v7;
	(erf) = vpow2.f32 v4  }
0x2a8: {  	v4 =	vld [tilespmem:s19+$0x121B0];
	v8 =	vpop (erf)  }
0x2a9: {  	v3 =	vadd.f32 v8, v3;
	v9 =	vmul.f32 $1.442695020e+00, v6;
	(erf) = vpow2.f32 v7  }
0x2aa: {  	v7 =	vld [tilespmem:s19+$0x121C0];
	v8 =	vpop (erf)  }
0x2ab: {  	v3 =	vadd.f32 v8, v3;
	v10 =	vmul.f32 $1.442695020e+00, v5;
	(erf) = vpow2.f32 v9  }
0x2ac: {  	v8 =	vld [tilespmem:s19+$0x121D0];
	v6 =	vpop (erf)  }
.Ltmp4:
0x2ad: {  	v3 =	vadd.f32 v6, v3;
	v9 =	vmul.f32 $1.442695020e+00, v4;
	(erf) = vpow2.f32 v10;
	(pc) =	sbr.rel @p1 .LBB2_11-.Ltmp4, $4  }
0x2ae: {  	v4 =	vld [tilespmem:s19+$0x121E0];
	v5 =	vpop (erf)  }
0x2af: {  	v5 =	vadd.f32 v5, v3;
	v7 =	vmul.f32 $1.442695020e+00, v7;
	(erf) = vpow2.f32 v9  }
0x2b0: {  	v3 =	vld [tilespmem:s19+$0x121F0];
	v6 =	vpop (erf)  }
0x2b1: {  	s19 =	sshra.s32 s7, $0x2;
	s7 =	sadd.s32 $0x800, s7;
	v6 =	vadd.f32 v6, v5;
	v5 =	vmul.f32 $1.442695020e+00, v8;
	(erf) = vpow2.f32 v7  }
0x2b2: {  	v7 =	vld [tilespmem:s19+$0x12080];
	v8 =	vpop (erf)  }
0x2b3: {  	v6 =	vadd.f32 v8, v6;
	v4 =	vmul.f32 $1.442695020e+00, v4;
	(erf) = vpow2.f32 v5  }
0x2b4: {  	v5 =	vld [tilespmem:s19+$0x12090];
	v8 =	vpop (erf)  }
0x2b5: {  	v6 =	vadd.f32 v8, v6;
	v3 =	vmul.f32 $1.442695020e+00, v3;
	(erf) = vpow2.f32 v4  }
0x2b6: {  	v4 =	vld [tilespmem:s19+$0x120A0];
	v8 =	vpop (erf)  }
0x2b7: {  	v7 =	vmul.f32 $1.442695020e+00, v7;
	v6 =	vadd.f32 v8, v6;
	(erf) = vpow2.f32 v3  }
0x2b8: {  	v3 =	vld [tilespmem:s19+$0x120B0];
	v8 =	vpop (erf)  }
0x2b9: {  	v5 =	vmul.f32 $1.442695020e+00, v5;
	(erf) = vpow2.f32 v7;
	v6 =	vadd.f32 v8, v6  }
0x2ba: {  	v7 =	vld [tilespmem:s19+$0x120C0];
	v8 =	vpop (erf)  }
0x2bb: {  	v4 =	vmul.f32 $1.442695020e+00, v4;
	(erf) = vpow2.f32 v5;
	v5 =	vadd.f32 v8, v6  }
0x2bc: {  	v6 =	vld [tilespmem:s19+$0x120D0];
	v8 =	vpop (erf)  }
0x2bd: {  	v3 =	vmul.f32 $1.442695020e+00, v3;
	(erf) = vpow2.f32 v4;
	v4 =	vadd.f32 v8, v5  }
0x2be: {  	v5 =	vld [tilespmem:s19+$0x120E0];
	v8 =	vpop (erf)  }
0x2bf: {  	v7 =	vmul.f32 $1.442695020e+00, v7;
	(erf) = vpow2.f32 v3;
	v3 =	vadd.f32 v8, v4  }
0x2c0: {  	v4 =	vld [tilespmem:s19+$0x120F0];
	v8 =	vpop (erf)  }
0x2c1: {  	v6 =	vmul.f32 $1.442695020e+00, v6;
	(erf) = vpow2.f32 v7;
	v3 =	vadd.f32 v8, v3  }
0x2c2: {  	v7 =	vld [tilespmem:s19+$0x12180];
	v8 =	vpop (erf)  }
0x2c3: {  	v5 =	vmul.f32 $1.442695020e+00, v5;
	(erf) = vpow2.f32 v6;
	v3 =	vadd.f32 v8, v3  }
0x2c4: {  	v6 =	vld [tilespmem:s19+$0x12190];
	v8 =	vpop (erf)  }
0x2c5: {  	v4 =	vmul.f32 $1.442695020e+00, v4;
	(erf) = vpow2.f32 v5;
	v3 =	vadd.f32 v8, v3  }
0x2c6: {  	v5 =	vld [tilespmem:s19+$0x121A0];
	v8 =	vpop (erf)  }
0x2c7: {  	v7 =	vmul.f32 $1.442695020e+00, v7;
	(erf) = vpow2.f32 v4;
	v3 =	vadd.f32 v8, v3  }
0x2c8: {  	v4 =	vld [tilespmem:s19+$0x121B0];
	v8 =	vpop (erf)  }
0x2c9: {  	v6 =	vmul.f32 $1.442695020e+00, v6;
	(erf) = vpow2.f32 v7;
	v7 =	vld [tilespmem:s19+$0x121C0];
	v3 =	vadd.f32 v8, v3  }
0x2ca: {  	v8 =	vpop (erf)  }
0x2cb: {  	v5 =	vmul.f32 $1.442695020e+00, v5;
	(erf) = vpow2.f32 v6;
	v6 =	vld [tilespmem:s19+$0x121D0];
	v3 =	vadd.f32 v8, v3  }
0x2cc: {  	v8 =	vpop (erf)  }
0x2cd: {  	v4 =	vmul.f32 $1.442695020e+00, v4;
	(erf) = vpow2.f32 v5;
	v5 =	vld [tilespmem:s19+$0x121E0];
	v3 =	vadd.f32 v8, v3  }
0x2ce: {  	v7 =	vmul.f32 $1.442695020e+00, v7;
	v8 =	vpop (erf)  }
0x2cf: {  	(erf) = vpow2.f32 v4;
	v4 =	vld [tilespmem:s19+$0x121F0];
	v3 =	vadd.f32 v8, v3  }
0x2d0: {  	v6 =	vmul.f32 $1.442695020e+00, v6;
	v8 =	vpop (erf)  }
0x2d1: {  	(erf) = vpow2.f32 v7;
	v3 =	vadd.f32 v8, v3  }
0x2d2: {  	v7 =	vpop (erf);
	v5 =	vmul.f32 $1.442695020e+00, v5  }
0x2d3: {  	(erf) = vpow2.f32 v6;
	v3 =	vadd.f32 v7, v3  }
0x2d4: {  	s19 =	sshll.u32 s6, $0x1;
	v6 =	vpop (erf);
	v4 =	vmul.f32 $1.442695020e+00, v4  }
0x2d5: {  	s4 =	sld [smem:s19+$0x0];
	(erf) = vpow2.f32 v5;
	v3 =	vadd.f32 v6, v3  }
0x2d6: {  	v5 =	vpop (erf)  }
0x2d7: {  	(erf) = vpow2.f32 v4;
	v3 =	vadd.f32 v5, v3  }
0x2d8: {  	s7 =	sshra.s32 s4, $0x1F;
	v4 =	vpop (erf)  }
0x2d9: {  	s7 =	sshrl.u32 s7, $0x1C;
	v3 =	vadd.f32 v4, v3  }
0x2da: {  	s7 =	sadd.s32 s7, s4;
	v4 =	vpop (erf)  }
0x2db: {  	s22 =	sand.u32 $0xFFFFFFF0, s7;
	v3 =	vadd.f32 v4, v3  }
0x2dc: {  	p1 =	slt.s32 s4, $0x1;
	p2 =	sne.s32 s4, s22;
	v4 =	vpop (erf)  }
0x2dd: {  	p1 =	por !p1, !p2;
	v3 =	vadd.f32 v4, v3  }
0x2de: {  	s22 =	simm.s32 $0x1;
	p1 =	por !p1, !p1;
	v4 =	vpop (erf)  }
0x2df: {  	s7 =	sshra.s32 s7, $0x4;
	s22 =	simm.s32 @!p1 $0x0;
	v3 =	vadd.f32 v4, v3  }
0x2e0: {  	s7 =	ssub.s32 s7, s22;
	v4 =	vpop (erf)  }
0x2e1: {  	s22 =	sshll.u32 s7, $0x4;
	s7 =	sshll.u32 s7, $0x5;
	v3 =	vadd.f32 v4, v3  }
0x2e2: {  	s24 =	sshll.u32 s6, $0x8;
	s22 =	sand.u32 $0x70, s22;
	s7 =	sand.u32 $0xFFFFFF00, s7  }
0x2e3: {  	s7 =	sor.u32 s22, s7;
	[tilespmem:s24+$0x2080] =	vst v3  }
0x2e4: {  	v3 =	vld [tilespmem:s7+$0x12080];
	_ =	sdelay $0x1  }
0x2e5: {  	s4 =	sand.u32 $0xF, s4  }
0x2e6: {  	v4 =	vmov s4  }
0x2e7: {  	vm2 =	veq.s32 v4, v0  }
0x2e8: {  	v3 =	vnsel vm2, $0x0, v3  }
0x2e9: {  	[tilespmem:s24+$0x6080] =	vst v3;
	s24 =	simm.s32 $0x0  }
0x2ea: {  	v3 =	vld [tilespmem:s24+$0x12100];
	_ =	sdelay $0x1  }
0x2eb: {  	v4 =	vld [tilespmem:s24+$0x12110]  }
0x2ec: {  	v5 =	vld [tilespmem:s24+$0x12120];
	_ =	sdelay $0x1  }
0x2ed: {  	v3 =	vmul.f32 $1.442695020e+00, v3;
	_ =	sdelay $0x1  }
0x2ee: {  	v6 =	vld [tilespmem:s24+$0x12130];
	v4 =	vmul.f32 $1.442695020e+00, v4;
	(erf) = vpow2.f32 v3  }
0x2ef: {  	v5 =	vmul.f32 $1.442695020e+00, v5;
	v3 =	vld [tilespmem:s24+$0x12140]  }
0x2f0: {  	(erf) = vpow2.f32 v4;
	v4 =	vld [tilespmem:s24+$0x12150]  }
0x2f1: {  	(erf) = vpow2.f32 v5;
	v5 =	vld [tilespmem:s24+$0x12160];
	_ =	sdelay $0x1  }
0x2f2: {  	v6 =	vmul.f32 $1.442695020e+00, v6  }
0x2f3: {  	v3 =	vmul.f32 $1.442695020e+00, v3  }
0x2f4: {  	(erf) = vpow2.f32 v6;
	v6 =	vld [tilespmem:s24+$0x12170];
	v4 =	vmul.f32 $1.442695020e+00, v4  }
0x2f5: {  	(erf) = vpow2.f32 v3;
	v5 =	vmul.f32 $1.442695020e+00, v5  }
0x2f6: {  	v3 =	vimm.f32 $0.0e+00;
	(erf) = vpow2.f32 v4;
	v7 =	vpop (erf)  }
0x2f7: {  	(erf) = vpow2.f32 v5;
	v5 =	vld [tilespmem:s24+$0x12200];
	v3 =	vadd.f32 v7, v3  }
0x2f8: {  	v4 =	vpop (erf)  }
0x2f9: {  	v7 =	vld [tilespmem:s24+$0x12210];
	v3 =	vadd.f32 v4, v3;
	v4 =	vmul.f32 $1.442695020e+00, v6;
	_ =	sdelay $0x1  }
0x2fa: {  	v6 =	vpop (erf);
	(erf) = vpow2.f32 v4;
	v4 =	vld [tilespmem:s24+$0x12220]  }
0x2fb: {  	v8 =	vld [tilespmem:s24+$0x12230];
	v3 =	vadd.f32 v6, v3;
	v5 =	vmul.f32 $1.442695020e+00, v5  }
0x2fc: {  	v6 =	vpop (erf)  }
0x2fd: {  	v7 =	vmul.f32 $1.442695020e+00, v7;
	v3 =	vadd.f32 v6, v3;
	v9 =	vpop (erf);
	(erf) = vpow2.f32 v5  }
0x2fe: {  	v6 =	vld [tilespmem:s24+$0x12240]  }
0x2ff: {  	(erf) = vpow2.f32 v7;
	v3 =	vadd.f32 v9, v3;
	v4 =	vmul.f32 $1.442695020e+00, v4  }
0x300: {  	v63 =	vld [tilespmem:s24+$0x12250];
	v5 =	vmul.f32 $1.442695020e+00, v8;
	v10 =	vpop (erf)  }
0x301: {  	v7 =	vpop (erf);
	v3 =	vadd.f32 v10, v3;
	(erf) = vpow2.f32 v4  }
0x302: {  	v4 =	vld [tilespmem:s24+$0x12260]  }
0x303: {  	v8 =	vmul.f32 $1.442695020e+00, v6;
	v7 =	vadd.f32 v7, v3;
	(erf) = vpow2.f32 v5  }
0x304: {  	v3 =	vld [tilespmem:s24+$0x12270];
	v5 =	vpop (erf)  }
0x305: {  	s6 =	simm.s32 $0x200;
	s7 =	simm.s32 $0x1000;
	(erf) = vpow2.f32 v8;
	v6 =	vadd.f32 v5, v7;
	v5 =	vmul.f32 $1.442695020e+00, v63  }
.LBB2_13:
0x306: {  	p1 =	sne.s32 s7, $0xF800;
	v7 =	vld [tilespmem:s6+$0x12100];
	v8 =	vpop (erf)  }
0x307: {  	v6 =	vadd.f32 v8, v6;
	v4 =	vmul.f32 $1.442695020e+00, v4;
	(erf) = vpow2.f32 v5  }
0x308: {  	v5 =	vld [tilespmem:s6+$0x12110];
	v8 =	vpop (erf)  }
0x309: {  	v6 =	vadd.f32 v8, v6;
	v3 =	vmul.f32 $1.442695020e+00, v3;
	(erf) = vpow2.f32 v4  }
0x30a: {  	v4 =	vld [tilespmem:s6+$0x12120];
	v8 =	vpop (erf)  }
0x30b: {  	v7 =	vmul.f32 $1.442695020e+00, v7;
	v6 =	vadd.f32 v8, v6;
	(erf) = vpow2.f32 v3  }
0x30c: {  	v3 =	vld [tilespmem:s6+$0x12130];
	v8 =	vpop (erf)  }
0x30d: {  	v5 =	vmul.f32 $1.442695020e+00, v5;
	(erf) = vpow2.f32 v7;
	v6 =	vadd.f32 v8, v6  }
0x30e: {  	v7 =	vld [tilespmem:s6+$0x12140];
	v8 =	vpop (erf)  }
0x30f: {  	v4 =	vmul.f32 $1.442695020e+00, v4;
	(erf) = vpow2.f32 v5;
	v5 =	vadd.f32 v8, v6  }
0x310: {  	v6 =	vld [tilespmem:s6+$0x12150];
	v8 =	vpop (erf)  }
0x311: {  	v3 =	vmul.f32 $1.442695020e+00, v3;
	(erf) = vpow2.f32 v4;
	v4 =	vadd.f32 v8, v5  }
0x312: {  	v5 =	vld [tilespmem:s6+$0x12160];
	v8 =	vpop (erf)  }
0x313: {  	v7 =	vmul.f32 $1.442695020e+00, v7;
	(erf) = vpow2.f32 v3;
	v3 =	vadd.f32 v8, v4  }
0x314: {  	v4 =	vld [tilespmem:s6+$0x12170];
	v8 =	vpop (erf)  }
0x315: {  	v6 =	vmul.f32 $1.442695020e+00, v6;
	(erf) = vpow2.f32 v7;
	v3 =	vadd.f32 v8, v3  }
0x316: {  	v7 =	vld [tilespmem:s6+$0x12200];
	v8 =	vpop (erf)  }
0x317: {  	v3 =	vadd.f32 v8, v3;
	v5 =	vmul.f32 $1.442695020e+00, v5;
	(erf) = vpow2.f32 v6  }
0x318: {  	v6 =	vld [tilespmem:s6+$0x12210];
	v8 =	vpop (erf)  }
0x319: {  	v3 =	vadd.f32 v8, v3;
	v4 =	vmul.f32 $1.442695020e+00, v4;
	(erf) = vpow2.f32 v5  }
0x31a: {  	v5 =	vld [tilespmem:s6+$0x12220];
	v8 =	vpop (erf)  }
0x31b: {  	v3 =	vadd.f32 v8, v3;
	v7 =	vmul.f32 $1.442695020e+00, v7;
	(erf) = vpow2.f32 v4  }
0x31c: {  	v4 =	vld [tilespmem:s6+$0x12230];
	v8 =	vpop (erf)  }
0x31d: {  	v3 =	vadd.f32 v8, v3;
	v9 =	vmul.f32 $1.442695020e+00, v6;
	(erf) = vpow2.f32 v7  }
0x31e: {  	v7 =	vld [tilespmem:s6+$0x12240];
	v8 =	vpop (erf)  }
0x31f: {  	v3 =	vadd.f32 v8, v3;
	v10 =	vmul.f32 $1.442695020e+00, v5;
	(erf) = vpow2.f32 v9  }
0x320: {  	v8 =	vld [tilespmem:s6+$0x12250];
	v6 =	vpop (erf)  }
.Ltmp5:
0x321: {  	v3 =	vadd.f32 v6, v3;
	v9 =	vmul.f32 $1.442695020e+00, v4;
	(erf) = vpow2.f32 v10;
	(pc) =	sbr.rel @p1 .LBB2_13-.Ltmp5, $4  }
0x322: {  	v4 =	vld [tilespmem:s6+$0x12260];
	v5 =	vpop (erf)  }
0x323: {  	v5 =	vadd.f32 v5, v3;
	v7 =	vmul.f32 $1.442695020e+00, v7;
	(erf) = vpow2.f32 v9  }
0x324: {  	v3 =	vld [tilespmem:s6+$0x12270];
	v6 =	vpop (erf)  }
0x325: {  	s6 =	sshra.s32 s7, $0x2;
	s7 =	sadd.s32 $0x800, s7;
	v6 =	vadd.f32 v6, v5;
	v5 =	vmul.f32 $1.442695020e+00, v8;
	(erf) = vpow2.f32 v7  }
0x326: {  	v7 =	vld [tilespmem:s6+$0x12100];
	v8 =	vpop (erf)  }
0x327: {  	v6 =	vadd.f32 v8, v6;
	v4 =	vmul.f32 $1.442695020e+00, v4;
	(erf) = vpow2.f32 v5  }
0x328: {  	v5 =	vld [tilespmem:s6+$0x12110];
	v8 =	vpop (erf)  }
0x329: {  	v6 =	vadd.f32 v8, v6;
	v3 =	vmul.f32 $1.442695020e+00, v3;
	(erf) = vpow2.f32 v4  }
0x32a: {  	v4 =	vld [tilespmem:s6+$0x12120];
	v8 =	vpop (erf)  }
0x32b: {  	v7 =	vmul.f32 $1.442695020e+00, v7;
	v6 =	vadd.f32 v8, v6;
	(erf) = vpow2.f32 v3  }
0x32c: {  	v3 =	vld [tilespmem:s6+$0x12130];
	v8 =	vpop (erf)  }
0x32d: {  	v5 =	vmul.f32 $1.442695020e+00, v5;
	(erf) = vpow2.f32 v7;
	v6 =	vadd.f32 v8, v6  }
0x32e: {  	v7 =	vld [tilespmem:s6+$0x12140];
	v8 =	vpop (erf)  }
0x32f: {  	v4 =	vmul.f32 $1.442695020e+00, v4;
	(erf) = vpow2.f32 v5;
	v5 =	vadd.f32 v8, v6  }
0x330: {  	v6 =	vld [tilespmem:s6+$0x12150];
	v8 =	vpop (erf)  }
0x331: {  	v3 =	vmul.f32 $1.442695020e+00, v3;
	(erf) = vpow2.f32 v4;
	v4 =	vadd.f32 v8, v5  }
0x332: {  	v5 =	vld [tilespmem:s6+$0x12160];
	v8 =	vpop (erf)  }
0x333: {  	v7 =	vmul.f32 $1.442695020e+00, v7;
	(erf) = vpow2.f32 v3;
	v3 =	vadd.f32 v8, v4  }
0x334: {  	v4 =	vld [tilespmem:s6+$0x12170];
	v8 =	vpop (erf)  }
0x335: {  	v6 =	vmul.f32 $1.442695020e+00, v6;
	(erf) = vpow2.f32 v7;
	v3 =	vadd.f32 v8, v3  }
0x336: {  	v7 =	vld [tilespmem:s6+$0x12200];
	v8 =	vpop (erf)  }
0x337: {  	v5 =	vmul.f32 $1.442695020e+00, v5;
	(erf) = vpow2.f32 v6;
	v3 =	vadd.f32 v8, v3  }
0x338: {  	v6 =	vld [tilespmem:s6+$0x12210];
	v8 =	vpop (erf)  }
0x339: {  	v4 =	vmul.f32 $1.442695020e+00, v4;
	(erf) = vpow2.f32 v5;
	v3 =	vadd.f32 v8, v3  }
0x33a: {  	v5 =	vld [tilespmem:s6+$0x12220];
	v8 =	vpop (erf)  }
0x33b: {  	v7 =	vmul.f32 $1.442695020e+00, v7;
	(erf) = vpow2.f32 v4;
	v3 =	vadd.f32 v8, v3  }
0x33c: {  	v4 =	vld [tilespmem:s6+$0x12230];
	v8 =	vpop (erf)  }
0x33d: {  	v6 =	vmul.f32 $1.442695020e+00, v6;
	(erf) = vpow2.f32 v7;
	v7 =	vld [tilespmem:s6+$0x12240];
	v3 =	vadd.f32 v8, v3  }
0x33e: {  	v8 =	vpop (erf)  }
0x33f: {  	v5 =	vmul.f32 $1.442695020e+00, v5;
	(erf) = vpow2.f32 v6;
	v6 =	vld [tilespmem:s6+$0x12250];
	v3 =	vadd.f32 v8, v3  }
0x340: {  	v8 =	vpop (erf)  }
0x341: {  	v4 =	vmul.f32 $1.442695020e+00, v4;
	(erf) = vpow2.f32 v5;
	v5 =	vld [tilespmem:s6+$0x12260];
	v3 =	vadd.f32 v8, v3  }
0x342: {  	v7 =	vmul.f32 $1.442695020e+00, v7;
	v8 =	vpop (erf)  }
0x343: {  	(erf) = vpow2.f32 v4;
	v4 =	vld [tilespmem:s6+$0x12270];
	v3 =	vadd.f32 v8, v3  }
0x344: {  	v6 =	vmul.f32 $1.442695020e+00, v6;
	v8 =	vpop (erf)  }
0x345: {  	(erf) = vpow2.f32 v7;
	v3 =	vadd.f32 v8, v3  }
0x346: {  	v7 =	vpop (erf);
	v5 =	vmul.f32 $1.442695020e+00, v5  }
0x347: {  	(erf) = vpow2.f32 v6;
	v3 =	vadd.f32 v7, v3  }
0x348: {  	s4 =	sor.u32 $0x1, s19;
	v6 =	vpop (erf);
	v4 =	vmul.f32 $1.442695020e+00, v4  }
0x349: {  	s24 =	sld [smem:s4+$0x0];
	(erf) = vpow2.f32 v5;
	v3 =	vadd.f32 v6, v3  }
0x34a: {  	v5 =	vpop (erf)  }
0x34b: {  	(erf) = vpow2.f32 v4;
	v3 =	vadd.f32 v5, v3  }
0x34c: {  	s7 =	sshra.s32 s24, $0x1F;
	v4 =	vpop (erf)  }
0x34d: {  	s7 =	sshrl.u32 s7, $0x1C;
	v3 =	vadd.f32 v4, v3  }
0x34e: {  	s7 =	sadd.s32 s7, s24;
	v4 =	vpop (erf)  }
0x34f: {  	s22 =	sand.u32 $0xFFFFFFF0, s7;
	v3 =	vadd.f32 v4, v3  }
0x350: {  	p1 =	slt.s32 s24, $0x1;
	p2 =	sne.s32 s24, s22;
	v4 =	vpop (erf)  }
0x351: {  	p1 =	por !p1, !p2;
	v3 =	vadd.f32 v4, v3  }
0x352: {  	s22 =	simm.s32 $0x1;
	p1 =	por !p1, !p1;
	v4 =	vpop (erf)  }
0x353: {  	s7 =	sshra.s32 s7, $0x4;
	s22 =	simm.s32 @!p1 $0x0;
	v3 =	vadd.f32 v4, v3  }
0x354: {  	s7 =	ssub.s32 s7, s22;
	v4 =	vpop (erf)  }
0x355: {  	s22 =	sshll.u32 s7, $0x4;
	s7 =	sshll.u32 s7, $0x5;
	v3 =	vadd.f32 v4, v3  }
0x356: {  	s4 =	sshll.u32 s4, $0x7;
	s22 =	sand.u32 $0x70, s22;
	s7 =	sand.u32 $0xFFFFFF00, s7  }
0x357: {  	s7 =	sor.u32 s22, s7;
	[tilespmem:s4+$0x2080] =	vst v3  }
0x358: {  	v3 =	vld [tilespmem:s7+$0x12100];
	_ =	sdelay $0x1  }
0x359: {  	s6 =	sand.u32 $0xF, s24  }
0x35a: {  	s19 =	sadd.s32 s5, s19;
	v4 =	vmov s6  }
0x35b: {  	s6 =	sshll.u32 s19, $0xA;
	vm2 =	veq.s32 v4, v0  }
0x35c: {  	s6 =	sand.u32 $0x1FFFE000, s6;
	v3 =	vnsel vm2, $0x0, v3  }
0x35d: {  	s22 =	sadd.s32 s6, s17;
	[tilespmem:s4+$0x6080] =	vst v3  }
0x35e: {  	[hbm4b:s22+s20] =	stream.strided.scatter [tilespmem:s30], [sflag:$0x2], $0x4000, s21, s20, $0x38;
	[tilespmem:$0x1A080] =	vst v63  }
0x35f: {  	_ =	swait.ge [sflag:s29], $0x4000  }
0x360: {  	[sflag:s29] =	ssyncset.done $0x0  }
0x361: {  	s4 =	simm.s32 @!p0 $0x2;
	[sflag:s29] =	ssyncadd.s32 $0xFFFFC000  }
0x362: {  	_ =	swait.ge @!p0 [sflag:s4], $0x4000  }
0x363: {  	[sflag:s4] =	ssyncset.done @!p0 $0x0  }
0x364: {  	[sflag:s4] =	ssyncadd.s32 @!p0 $0xFFFFC000  }
0x365: {  	v3 =	vld.msk @!p0 [tilespmem:s8+$0x280], $0x3;
	_ =	sdelay $0x4  }
0x366: {  	v4 =	vshll.u32 @!p0 v3, $0x6  }
0x367: {  	v5 =	vlaneseq.u32 @!p0;
	v3 =	vand.u32 @!p0 $0x7, v3;
	v4 =	vand.u32 @!p0 $0xFFFFFE00, v4  }
0x368: {  	v3 =	vor.u32 @!p0 v3, v4;
	v4 =	vand.u32 @!p0 $0x1, v5;
	v5 =	vshrl.u32 @!p0 v5, $0x1  }
0x369: {  	v3 =	vperm.xlane @!p0 v3, v4;
	v4 =	vmul.u32 @!p0 $0x8, v5;
	_ =	sdelay $0x1  }
0x36a: {  	v3 =	vadd.s32 @!p0 v4, v3;
	_ =	sdelay $0x3  }
0x36b: {  	s6 =	simm.s32 @!p0 $0xE080;
	s4 =	simm.s32 @!p0 $0x0  }
0x36c: {  	[tilespmem:s6], [sflag:$0x1] =	stream.indirect_vreg.gather @!p0 [hbm4b:s1+s4], $0x80, v3, vm1, $0xb8;
	[tilespmem:$0x1A080] =	vst v63  }
0x36d: {  	s6 =	simm.s32 @!p0 $0xE880  }
0x36e: {  	[tilespmem:s6], [sflag:$0x1] =	stream.indirect_vreg.gather @!p0 [hbm4b:s9+s4], $0x80, v3, vm1, $0xb8;
	[tilespmem:$0x1A080] =	vst v63  }
0x36f: {  	s6 =	simm.s32 @!p0 $0xF080  }
0x370: {  	[tilespmem:s6], [sflag:$0x1] =	stream.indirect_vreg.gather @!p0 [hbm4b:s10+s4], $0x80, v3, vm1, $0xb8;
	[tilespmem:$0x1A080] =	vst v63  }
0x371: {  	s6 =	simm.s32 @!p0 $0xF880  }
0x372: {  	[tilespmem:s6], [sflag:$0x1] =	stream.indirect_vreg.gather @!p0 [hbm4b:s11+s4], $0x80, v3, vm1, $0xb8;
	[tilespmem:$0x1A080] =	vst v63  }
0x373: {  	s6 =	simm.s32 @!p0 $0x10080  }
0x374: {  	[tilespmem:s6], [sflag:$0x1] =	stream.indirect_vreg.gather @!p0 [hbm4b:s12+s4], $0x80, v3, vm1, $0xb8;
	[tilespmem:$0x1A080] =	vst v63  }
0x375: {  	s6 =	simm.s32 @!p0 $0x10880  }
0x376: {  	[tilespmem:s6], [sflag:$0x1] =	stream.indirect_vreg.gather @!p0 [hbm4b:s13+s4], $0x80, v3, vm1, $0xb8;
	[tilespmem:$0x1A080] =	vst v63  }
0x377: {  	s6 =	simm.s32 @!p0 $0x11080  }
0x378: {  	[tilespmem:s6], [sflag:$0x1] =	stream.indirect_vreg.gather @!p0 [hbm4b:s14+s4], $0x80, v3, vm1, $0xb8;
	[tilespmem:$0x1A080] =	vst v63  }
0x379: {  	s24 =	simm.s32 $0x0;
	s6 =	simm.s32 @!p0 $0x11880  }
0x37a: {  	[tilespmem:s6], [sflag:$0x1] =	stream.indirect_vreg.gather @!p0 [hbm4b:s15+s4], $0x80, v3, vm1, $0xb8;
	[tilespmem:$0x1A080] =	vst v63  }
0x37b: {  	v3 =	vld [tilespmem:s24+$0x16080];
	_ =	sdelay $0x1  }
0x37c: {  	v4 =	vld [tilespmem:s24+$0x16090]  }
0x37d: {  	v5 =	vld [tilespmem:s24+$0x160A0];
	_ =	sdelay $0x1  }
0x37e: {  	v3 =	vmul.f32 $1.442695020e+00, v3;
	_ =	sdelay $0x1  }
0x37f: {  	v6 =	vld [tilespmem:s24+$0x160B0];
	v4 =	vmul.f32 $1.442695020e+00, v4;
	(erf) = vpow2.f32 v3  }
0x380: {  	v5 =	vmul.f32 $1.442695020e+00, v5;
	v3 =	vld [tilespmem:s24+$0x160C0]  }
0x381: {  	(erf) = vpow2.f32 v4;
	v4 =	vld [tilespmem:s24+$0x160D0]  }
0x382: {  	(erf) = vpow2.f32 v5;
	v5 =	vld [tilespmem:s24+$0x160E0];
	_ =	sdelay $0x1  }
0x383: {  	v6 =	vmul.f32 $1.442695020e+00, v6  }
0x384: {  	v3 =	vmul.f32 $1.442695020e+00, v3  }
0x385: {  	(erf) = vpow2.f32 v6;
	v6 =	vld [tilespmem:s24+$0x160F0];
	v4 =	vmul.f32 $1.442695020e+00, v4  }
0x386: {  	(erf) = vpow2.f32 v3;
	v5 =	vmul.f32 $1.442695020e+00, v5  }
0x387: {  	v3 =	vimm.f32 $0.0e+00;
	(erf) = vpow2.f32 v4;
	v7 =	vpop (erf)  }
0x388: {  	(erf) = vpow2.f32 v5;
	v5 =	vld [tilespmem:s24+$0x16180];
	v3 =	vadd.f32 v7, v3  }
0x389: {  	v4 =	vpop (erf)  }
0x38a: {  	v7 =	vld [tilespmem:s24+$0x16190];
	v3 =	vadd.f32 v4, v3;
	v4 =	vmul.f32 $1.442695020e+00, v6;
	_ =	sdelay $0x1  }
0x38b: {  	v6 =	vpop (erf);
	(erf) = vpow2.f32 v4;
	v4 =	vld [tilespmem:s24+$0x161A0]  }
0x38c: {  	v8 =	vld [tilespmem:s24+$0x161B0];
	v3 =	vadd.f32 v6, v3;
	v5 =	vmul.f32 $1.442695020e+00, v5  }
0x38d: {  	v6 =	vpop (erf)  }
0x38e: {  	v7 =	vmul.f32 $1.442695020e+00, v7;
	v3 =	vadd.f32 v6, v3;
	v9 =	vpop (erf);
	(erf) = vpow2.f32 v5  }
0x38f: {  	v6 =	vld [tilespmem:s24+$0x161C0]  }
0x390: {  	(erf) = vpow2.f32 v7;
	v3 =	vadd.f32 v9, v3;
	v4 =	vmul.f32 $1.442695020e+00, v4  }
0x391: {  	v63 =	vld [tilespmem:s24+$0x161D0];
	v5 =	vmul.f32 $1.442695020e+00, v8;
	v10 =	vpop (erf)  }
0x392: {  	v7 =	vpop (erf);
	v3 =	vadd.f32 v10, v3;
	(erf) = vpow2.f32 v4  }
0x393: {  	v4 =	vld [tilespmem:s24+$0x161E0]  }
0x394: {  	v8 =	vmul.f32 $1.442695020e+00, v6;
	v7 =	vadd.f32 v7, v3;
	(erf) = vpow2.f32 v5  }
0x395: {  	v3 =	vld [tilespmem:s24+$0x161F0];
	v5 =	vpop (erf)  }
0x396: {  	s7 =	simm.s32 $0x1000;
	s6 =	simm.s32 $0x200;
	(erf) = vpow2.f32 v8;
	v6 =	vadd.f32 v5, v7;
	v5 =	vmul.f32 $1.442695020e+00, v63  }
.LBB2_15:
0x397: {  	p0 =	sne.s32 s7, $0xF800;
	v7 =	vld [tilespmem:s6+$0x16080];
	v8 =	vpop (erf)  }
0x398: {  	v6 =	vadd.f32 v8, v6;
	v4 =	vmul.f32 $1.442695020e+00, v4;
	(erf) = vpow2.f32 v5  }
0x399: {  	v5 =	vld [tilespmem:s6+$0x16090];
	v8 =	vpop (erf)  }
0x39a: {  	v6 =	vadd.f32 v8, v6;
	v3 =	vmul.f32 $1.442695020e+00, v3;
	(erf) = vpow2.f32 v4  }
0x39b: {  	v4 =	vld [tilespmem:s6+$0x160A0];
	v8 =	vpop (erf)  }
0x39c: {  	v7 =	vmul.f32 $1.442695020e+00, v7;
	v6 =	vadd.f32 v8, v6;
	(erf) = vpow2.f32 v3  }
0x39d: {  	v3 =	vld [tilespmem:s6+$0x160B0];
	v8 =	vpop (erf)  }
0x39e: {  	v5 =	vmul.f32 $1.442695020e+00, v5;
	(erf) = vpow2.f32 v7;
	v6 =	vadd.f32 v8, v6  }
0x39f: {  	v7 =	vld [tilespmem:s6+$0x160C0];
	v8 =	vpop (erf)  }
0x3a0: {  	v4 =	vmul.f32 $1.442695020e+00, v4;
	(erf) = vpow2.f32 v5;
	v5 =	vadd.f32 v8, v6  }
0x3a1: {  	v6 =	vld [tilespmem:s6+$0x160D0];
	v8 =	vpop (erf)  }
0x3a2: {  	v3 =	vmul.f32 $1.442695020e+00, v3;
	(erf) = vpow2.f32 v4;
	v4 =	vadd.f32 v8, v5  }
0x3a3: {  	v5 =	vld [tilespmem:s6+$0x160E0];
	v8 =	vpop (erf)  }
0x3a4: {  	v7 =	vmul.f32 $1.442695020e+00, v7;
	(erf) = vpow2.f32 v3;
	v3 =	vadd.f32 v8, v4  }
0x3a5: {  	v4 =	vld [tilespmem:s6+$0x160F0];
	v8 =	vpop (erf)  }
0x3a6: {  	v6 =	vmul.f32 $1.442695020e+00, v6;
	(erf) = vpow2.f32 v7;
	v3 =	vadd.f32 v8, v3  }
0x3a7: {  	v7 =	vld [tilespmem:s6+$0x16180];
	v8 =	vpop (erf)  }
0x3a8: {  	v3 =	vadd.f32 v8, v3;
	v5 =	vmul.f32 $1.442695020e+00, v5;
	(erf) = vpow2.f32 v6  }
0x3a9: {  	v6 =	vld [tilespmem:s6+$0x16190];
	v8 =	vpop (erf)  }
0x3aa: {  	v3 =	vadd.f32 v8, v3;
	v4 =	vmul.f32 $1.442695020e+00, v4;
	(erf) = vpow2.f32 v5  }
0x3ab: {  	v5 =	vld [tilespmem:s6+$0x161A0];
	v8 =	vpop (erf)  }
0x3ac: {  	v3 =	vadd.f32 v8, v3;
	v7 =	vmul.f32 $1.442695020e+00, v7;
	(erf) = vpow2.f32 v4  }
0x3ad: {  	v4 =	vld [tilespmem:s6+$0x161B0];
	v8 =	vpop (erf)  }
0x3ae: {  	v3 =	vadd.f32 v8, v3;
	v9 =	vmul.f32 $1.442695020e+00, v6;
	(erf) = vpow2.f32 v7  }
0x3af: {  	v7 =	vld [tilespmem:s6+$0x161C0];
	v8 =	vpop (erf)  }
0x3b0: {  	v3 =	vadd.f32 v8, v3;
	v10 =	vmul.f32 $1.442695020e+00, v5;
	(erf) = vpow2.f32 v9  }
0x3b1: {  	v8 =	vld [tilespmem:s6+$0x161D0];
	v6 =	vpop (erf)  }
.Ltmp6:
0x3b2: {  	v3 =	vadd.f32 v6, v3;
	v9 =	vmul.f32 $1.442695020e+00, v4;
	(erf) = vpow2.f32 v10;
	(pc) =	sbr.rel @p0 .LBB2_15-.Ltmp6, $4  }
0x3b3: {  	v4 =	vld [tilespmem:s6+$0x161E0];
	v5 =	vpop (erf)  }
0x3b4: {  	v5 =	vadd.f32 v5, v3;
	v7 =	vmul.f32 $1.442695020e+00, v7;
	(erf) = vpow2.f32 v9  }
0x3b5: {  	v3 =	vld [tilespmem:s6+$0x161F0];
	v6 =	vpop (erf)  }
0x3b6: {  	s6 =	sshra.s32 s7, $0x2;
	s7 =	sadd.s32 $0x800, s7;
	v6 =	vadd.f32 v6, v5;
	v5 =	vmul.f32 $1.442695020e+00, v8;
	(erf) = vpow2.f32 v7  }
0x3b7: {  	v7 =	vld [tilespmem:s6+$0x16080];
	v8 =	vpop (erf)  }
0x3b8: {  	v6 =	vadd.f32 v8, v6;
	v4 =	vmul.f32 $1.442695020e+00, v4;
	(erf) = vpow2.f32 v5  }
0x3b9: {  	v5 =	vld [tilespmem:s6+$0x16090];
	v8 =	vpop (erf)  }
0x3ba: {  	v6 =	vadd.f32 v8, v6;
	v3 =	vmul.f32 $1.442695020e+00, v3;
	(erf) = vpow2.f32 v4  }
0x3bb: {  	v4 =	vld [tilespmem:s6+$0x160A0];
	v8 =	vpop (erf)  }
0x3bc: {  	v7 =	vmul.f32 $1.442695020e+00, v7;
	v6 =	vadd.f32 v8, v6;
	(erf) = vpow2.f32 v3  }
0x3bd: {  	v3 =	vld [tilespmem:s6+$0x160B0];
	v8 =	vpop (erf)  }
0x3be: {  	v5 =	vmul.f32 $1.442695020e+00, v5;
	(erf) = vpow2.f32 v7;
	v6 =	vadd.f32 v8, v6  }
0x3bf: {  	v7 =	vld [tilespmem:s6+$0x160C0];
	v8 =	vpop (erf)  }
0x3c0: {  	v4 =	vmul.f32 $1.442695020e+00, v4;
	(erf) = vpow2.f32 v5;
	v5 =	vadd.f32 v8, v6  }
0x3c1: {  	v6 =	vld [tilespmem:s6+$0x160D0];
	v8 =	vpop (erf)  }
0x3c2: {  	v3 =	vmul.f32 $1.442695020e+00, v3;
	(erf) = vpow2.f32 v4;
	v4 =	vadd.f32 v8, v5  }
0x3c3: {  	v5 =	vld [tilespmem:s6+$0x160E0];
	v8 =	vpop (erf)  }
0x3c4: {  	v7 =	vmul.f32 $1.442695020e+00, v7;
	(erf) = vpow2.f32 v3;
	v3 =	vadd.f32 v8, v4  }
0x3c5: {  	v4 =	vld [tilespmem:s6+$0x160F0];
	v8 =	vpop (erf)  }
0x3c6: {  	v6 =	vmul.f32 $1.442695020e+00, v6;
	(erf) = vpow2.f32 v7;
	v3 =	vadd.f32 v8, v3  }
0x3c7: {  	v7 =	vld [tilespmem:s6+$0x16180];
	v8 =	vpop (erf)  }
0x3c8: {  	v5 =	vmul.f32 $1.442695020e+00, v5;
	(erf) = vpow2.f32 v6;
	v3 =	vadd.f32 v8, v3  }
0x3c9: {  	v6 =	vld [tilespmem:s6+$0x16190];
	v8 =	vpop (erf)  }
0x3ca: {  	v4 =	vmul.f32 $1.442695020e+00, v4;
	(erf) = vpow2.f32 v5;
	v3 =	vadd.f32 v8, v3  }
0x3cb: {  	v5 =	vld [tilespmem:s6+$0x161A0];
	v8 =	vpop (erf)  }
0x3cc: {  	v7 =	vmul.f32 $1.442695020e+00, v7;
	(erf) = vpow2.f32 v4;
	v3 =	vadd.f32 v8, v3  }
0x3cd: {  	v4 =	vld [tilespmem:s6+$0x161B0];
	v8 =	vpop (erf)  }
0x3ce: {  	v6 =	vmul.f32 $1.442695020e+00, v6;
	(erf) = vpow2.f32 v7;
	v7 =	vld [tilespmem:s6+$0x161C0];
	v3 =	vadd.f32 v8, v3  }
0x3cf: {  	v8 =	vpop (erf)  }
0x3d0: {  	v5 =	vmul.f32 $1.442695020e+00, v5;
	(erf) = vpow2.f32 v6;
	v6 =	vld [tilespmem:s6+$0x161D0];
	v3 =	vadd.f32 v8, v3  }
0x3d1: {  	v8 =	vpop (erf)  }
0x3d2: {  	v4 =	vmul.f32 $1.442695020e+00, v4;
	(erf) = vpow2.f32 v5;
	v5 =	vld [tilespmem:s6+$0x161E0];
	v3 =	vadd.f32 v8, v3  }
0x3d3: {  	v7 =	vmul.f32 $1.442695020e+00, v7;
	v8 =	vpop (erf)  }
0x3d4: {  	(erf) = vpow2.f32 v4;
	v4 =	vld [tilespmem:s6+$0x161F0];
	v3 =	vadd.f32 v8, v3  }
0x3d5: {  	v6 =	vmul.f32 $1.442695020e+00, v6;
	v8 =	vpop (erf)  }
0x3d6: {  	(erf) = vpow2.f32 v7;
	v3 =	vadd.f32 v8, v3  }
0x3d7: {  	v7 =	vpop (erf);
	v5 =	vmul.f32 $1.442695020e+00, v5  }
0x3d8: {  	(erf) = vpow2.f32 v6;
	v3 =	vadd.f32 v7, v3  }
0x3d9: {  	s6 =	sshll.u32 s28, $0x1;
	v6 =	vpop (erf);
	v4 =	vmul.f32 $1.442695020e+00, v4  }
0x3da: {  	s4 =	sld [smem:s6+$0x0];
	(erf) = vpow2.f32 v5;
	v3 =	vadd.f32 v6, v3  }
0x3db: {  	v5 =	vpop (erf)  }
0x3dc: {  	(erf) = vpow2.f32 v4;
	v3 =	vadd.f32 v5, v3  }
0x3dd: {  	s7 =	sshra.s32 s4, $0x1F;
	v4 =	vpop (erf)  }
0x3de: {  	s7 =	sshrl.u32 s7, $0x1C;
	v3 =	vadd.f32 v4, v3  }
0x3df: {  	s7 =	sadd.s32 s7, s4;
	v4 =	vpop (erf)  }
0x3e0: {  	s8 =	sand.u32 $0xFFFFFFF0, s7;
	v3 =	vadd.f32 v4, v3  }
0x3e1: {  	p0 =	slt.s32 s4, $0x1;
	p1 =	sne.s32 s4, s8;
	v4 =	vpop (erf)  }
0x3e2: {  	p0 =	por !p0, !p1;
	v3 =	vadd.f32 v4, v3  }
0x3e3: {  	s8 =	simm.s32 $0x1;
	p0 =	por !p0, !p0;
	v4 =	vpop (erf)  }
0x3e4: {  	s7 =	sshra.s32 s7, $0x4;
	s8 =	simm.s32 @!p0 $0x0;
	v3 =	vadd.f32 v4, v3  }
0x3e5: {  	s7 =	ssub.s32 s7, s8;
	v4 =	vpop (erf)  }
0x3e6: {  	s19 =	sshll.u32 s7, $0x4;
	s7 =	sshll.u32 s7, $0x5;
	v3 =	vadd.f32 v4, v3  }
0x3e7: {  	s8 =	sshll.u32 s28, $0x8;
	s19 =	sand.u32 $0x70, s19;
	s7 =	sand.u32 $0xFFFFFF00, s7  }
0x3e8: {  	s7 =	sor.u32 s19, s7;
	[tilespmem:s8+$0x2080] =	vst v3  }
0x3e9: {  	v3 =	vld [tilespmem:s7+$0x16080];
	_ =	sdelay $0x1  }
0x3ea: {  	s4 =	sand.u32 $0xF, s4  }
0x3eb: {  	v4 =	vmov s4  }
0x3ec: {  	vm1 =	veq.s32 v4, v0  }
0x3ed: {  	v3 =	vnsel vm1, $0x0, v3  }
0x3ee: {  	s28 =	simm.s32 $0x0;
	[tilespmem:s8+$0x6080] =	vst v3  }
0x3ef: {  	v3 =	vld [tilespmem:s28+$0x16100];
	_ =	sdelay $0x1  }
0x3f0: {  	v4 =	vld [tilespmem:s28+$0x16110]  }
0x3f1: {  	v5 =	vld [tilespmem:s28+$0x16120];
	_ =	sdelay $0x1  }
0x3f2: {  	v3 =	vmul.f32 $1.442695020e+00, v3;
	_ =	sdelay $0x1  }
0x3f3: {  	v6 =	vld [tilespmem:s28+$0x16130];
	v4 =	vmul.f32 $1.442695020e+00, v4;
	(erf) = vpow2.f32 v3  }
0x3f4: {  	v5 =	vmul.f32 $1.442695020e+00, v5;
	v3 =	vld [tilespmem:s28+$0x16140]  }
0x3f5: {  	(erf) = vpow2.f32 v4;
	v4 =	vld [tilespmem:s28+$0x16150]  }
0x3f6: {  	(erf) = vpow2.f32 v5;
	v5 =	vld [tilespmem:s28+$0x16160];
	_ =	sdelay $0x1  }
0x3f7: {  	v6 =	vmul.f32 $1.442695020e+00, v6  }
0x3f8: {  	v3 =	vmul.f32 $1.442695020e+00, v3  }
0x3f9: {  	(erf) = vpow2.f32 v6;
	v6 =	vld [tilespmem:s28+$0x16170];
	v4 =	vmul.f32 $1.442695020e+00, v4  }
0x3fa: {  	(erf) = vpow2.f32 v3;
	v5 =	vmul.f32 $1.442695020e+00, v5  }
0x3fb: {  	v3 =	vimm.f32 $0.0e+00;
	(erf) = vpow2.f32 v4;
	v7 =	vpop (erf)  }
0x3fc: {  	(erf) = vpow2.f32 v5;
	v5 =	vld [tilespmem:s28+$0x16200];
	v3 =	vadd.f32 v7, v3  }
0x3fd: {  	v4 =	vpop (erf)  }
0x3fe: {  	v7 =	vld [tilespmem:s28+$0x16210];
	v3 =	vadd.f32 v4, v3;
	v4 =	vmul.f32 $1.442695020e+00, v6;
	_ =	sdelay $0x1  }
0x3ff: {  	v6 =	vpop (erf);
	(erf) = vpow2.f32 v4;
	v4 =	vld [tilespmem:s28+$0x16220]  }
0x400: {  	v8 =	vld [tilespmem:s28+$0x16230];
	v3 =	vadd.f32 v6, v3;
	v5 =	vmul.f32 $1.442695020e+00, v5  }
0x401: {  	v6 =	vpop (erf)  }
0x402: {  	v7 =	vmul.f32 $1.442695020e+00, v7;
	v3 =	vadd.f32 v6, v3;
	v9 =	vpop (erf);
	(erf) = vpow2.f32 v5  }
0x403: {  	v6 =	vld [tilespmem:s28+$0x16240]  }
0x404: {  	(erf) = vpow2.f32 v7;
	v3 =	vadd.f32 v9, v3;
	v4 =	vmul.f32 $1.442695020e+00, v4  }
0x405: {  	v63 =	vld [tilespmem:s28+$0x16250];
	v5 =	vmul.f32 $1.442695020e+00, v8;
	v10 =	vpop (erf)  }
0x406: {  	v7 =	vpop (erf);
	v3 =	vadd.f32 v10, v3;
	(erf) = vpow2.f32 v4  }
0x407: {  	v4 =	vld [tilespmem:s28+$0x16260]  }
0x408: {  	v8 =	vmul.f32 $1.442695020e+00, v6;
	v7 =	vadd.f32 v7, v3;
	(erf) = vpow2.f32 v5  }
0x409: {  	v3 =	vld [tilespmem:s28+$0x16270];
	v5 =	vpop (erf)  }
0x40a: {  	s19 =	simm.s32 $0x200;
	s7 =	simm.s32 $0x1000;
	(erf) = vpow2.f32 v8;
	v6 =	vadd.f32 v5, v7;
	v5 =	vmul.f32 $1.442695020e+00, v63  }
.LBB2_17:
0x40b: {  	p0 =	sne.s32 s7, $0xF800;
	v7 =	vld [tilespmem:s19+$0x16100];
	v8 =	vpop (erf)  }
0x40c: {  	v6 =	vadd.f32 v8, v6;
	v4 =	vmul.f32 $1.442695020e+00, v4;
	(erf) = vpow2.f32 v5  }
0x40d: {  	v5 =	vld [tilespmem:s19+$0x16110];
	v8 =	vpop (erf)  }
0x40e: {  	v6 =	vadd.f32 v8, v6;
	v3 =	vmul.f32 $1.442695020e+00, v3;
	(erf) = vpow2.f32 v4  }
0x40f: {  	v4 =	vld [tilespmem:s19+$0x16120];
	v8 =	vpop (erf)  }
0x410: {  	v7 =	vmul.f32 $1.442695020e+00, v7;
	v6 =	vadd.f32 v8, v6;
	(erf) = vpow2.f32 v3  }
0x411: {  	v3 =	vld [tilespmem:s19+$0x16130];
	v8 =	vpop (erf)  }
0x412: {  	v5 =	vmul.f32 $1.442695020e+00, v5;
	(erf) = vpow2.f32 v7;
	v6 =	vadd.f32 v8, v6  }
0x413: {  	v7 =	vld [tilespmem:s19+$0x16140];
	v8 =	vpop (erf)  }
0x414: {  	v4 =	vmul.f32 $1.442695020e+00, v4;
	(erf) = vpow2.f32 v5;
	v5 =	vadd.f32 v8, v6  }
0x415: {  	v6 =	vld [tilespmem:s19+$0x16150];
	v8 =	vpop (erf)  }
0x416: {  	v3 =	vmul.f32 $1.442695020e+00, v3;
	(erf) = vpow2.f32 v4;
	v4 =	vadd.f32 v8, v5  }
0x417: {  	v5 =	vld [tilespmem:s19+$0x16160];
	v8 =	vpop (erf)  }
0x418: {  	v7 =	vmul.f32 $1.442695020e+00, v7;
	(erf) = vpow2.f32 v3;
	v3 =	vadd.f32 v8, v4  }
0x419: {  	v4 =	vld [tilespmem:s19+$0x16170];
	v8 =	vpop (erf)  }
0x41a: {  	v6 =	vmul.f32 $1.442695020e+00, v6;
	(erf) = vpow2.f32 v7;
	v3 =	vadd.f32 v8, v3  }
0x41b: {  	v7 =	vld [tilespmem:s19+$0x16200];
	v8 =	vpop (erf)  }
0x41c: {  	v3 =	vadd.f32 v8, v3;
	v5 =	vmul.f32 $1.442695020e+00, v5;
	(erf) = vpow2.f32 v6  }
0x41d: {  	v6 =	vld [tilespmem:s19+$0x16210];
	v8 =	vpop (erf)  }
0x41e: {  	v3 =	vadd.f32 v8, v3;
	v4 =	vmul.f32 $1.442695020e+00, v4;
	(erf) = vpow2.f32 v5  }
0x41f: {  	v5 =	vld [tilespmem:s19+$0x16220];
	v8 =	vpop (erf)  }
0x420: {  	v3 =	vadd.f32 v8, v3;
	v7 =	vmul.f32 $1.442695020e+00, v7;
	(erf) = vpow2.f32 v4  }
0x421: {  	v4 =	vld [tilespmem:s19+$0x16230];
	v8 =	vpop (erf)  }
0x422: {  	v3 =	vadd.f32 v8, v3;
	v9 =	vmul.f32 $1.442695020e+00, v6;
	(erf) = vpow2.f32 v7  }
0x423: {  	v7 =	vld [tilespmem:s19+$0x16240];
	v8 =	vpop (erf)  }
0x424: {  	v3 =	vadd.f32 v8, v3;
	v10 =	vmul.f32 $1.442695020e+00, v5;
	(erf) = vpow2.f32 v9  }
0x425: {  	v8 =	vld [tilespmem:s19+$0x16250];
	v6 =	vpop (erf)  }
.Ltmp7:
0x426: {  	v3 =	vadd.f32 v6, v3;
	v9 =	vmul.f32 $1.442695020e+00, v4;
	(erf) = vpow2.f32 v10;
	(pc) =	sbr.rel @p0 .LBB2_17-.Ltmp7, $4  }
0x427: {  	v4 =	vld [tilespmem:s19+$0x16260];
	v5 =	vpop (erf)  }
0x428: {  	v5 =	vadd.f32 v5, v3;
	v7 =	vmul.f32 $1.442695020e+00, v7;
	(erf) = vpow2.f32 v9  }
0x429: {  	v3 =	vld [tilespmem:s19+$0x16270];
	v6 =	vpop (erf)  }
0x42a: {  	s19 =	sshra.s32 s7, $0x2;
	s7 =	sadd.s32 $0x800, s7;
	v6 =	vadd.f32 v6, v5;
	v5 =	vmul.f32 $1.442695020e+00, v8;
	(erf) = vpow2.f32 v7  }
0x42b: {  	v7 =	vld [tilespmem:s19+$0x16100];
	v8 =	vpop (erf)  }
0x42c: {  	v6 =	vadd.f32 v8, v6;
	v4 =	vmul.f32 $1.442695020e+00, v4;
	(erf) = vpow2.f32 v5  }
0x42d: {  	v24 =	vld [tilespmem:s19+$0x16110];
	v25 =	vpop (erf)  }
0x42e: {  	v6 =	vadd.f32 v25, v6;
	v3 =	vmul.f32 $1.442695020e+00, v3;
	(erf) = vpow2.f32 v4  }
0x42f: {  	v26 =	vld [tilespmem:s19+$0x16120];
	v27 =	vpop (erf)  }
0x430: {  	v7 =	vmul.f32 $1.442695020e+00, v7;
	v6 =	vadd.f32 v27, v6;
	(erf) = vpow2.f32 v3  }
0x431: {  	v3 =	vld [tilespmem:s19+$0x16130];
	v28 =	vpop (erf)  }
0x432: {  	v5 =	vmul.f32 $1.442695020e+00, v24;
	(erf) = vpow2.f32 v7;
	v6 =	vadd.f32 v28, v6  }
0x433: {  	v29 =	vld [tilespmem:s19+$0x16140];
	v30 =	vpop (erf)  }
0x434: {  	v4 =	vmul.f32 $1.442695020e+00, v26;
	(erf) = vpow2.f32 v5;
	v31 =	vadd.f32 v30, v6  }
0x435: {  	v32 =	vld [tilespmem:s19+$0x16150];
	v33 =	vpop (erf)  }
0x436: {  	v3 =	vmul.f32 $1.442695020e+00, v3;
	(erf) = vpow2.f32 v4;
	v34 =	vadd.f32 v33, v31  }
0x437: {  	v35 =	vld [tilespmem:s19+$0x16160];
	v36 =	vpop (erf)  }
0x438: {  	v7 =	vmul.f32 $1.442695020e+00, v29;
	(erf) = vpow2.f32 v3;
	v3 =	vadd.f32 v36, v34  }
0x439: {  	v37 =	vld [tilespmem:s19+$0x16170];
	v38 =	vpop (erf)  }
0x43a: {  	v6 =	vmul.f32 $1.442695020e+00, v32;
	(erf) = vpow2.f32 v7;
	v3 =	vadd.f32 v38, v3  }
0x43b: {  	v39 =	vld [tilespmem:s19+$0x16200];
	v40 =	vpop (erf)  }
0x43c: {  	v5 =	vmul.f32 $1.442695020e+00, v35;
	(erf) = vpow2.f32 v6;
	v3 =	vadd.f32 v40, v3  }
0x43d: {  	v41 =	vld [tilespmem:s19+$0x16210];
	v42 =	vpop (erf)  }
0x43e: {  	v4 =	vmul.f32 $1.442695020e+00, v37;
	(erf) = vpow2.f32 v5;
	v3 =	vadd.f32 v42, v3  }
0x43f: {  	v43 =	vld [tilespmem:s19+$0x16220];
	v44 =	vpop (erf)  }
0x440: {  	v7 =	vmul.f32 $1.442695020e+00, v39;
	(erf) = vpow2.f32 v4;
	v3 =	vadd.f32 v44, v3  }
0x441: {  	v45 =	vld [tilespmem:s19+$0x16230];
	v46 =	vpop (erf)  }
0x442: {  	v6 =	vmul.f32 $1.442695020e+00, v41;
	(erf) = vpow2.f32 v7;
	v3 =	vadd.f32 v46, v3  }
0x443: {  	v47 =	vld [tilespmem:s19+$0x16240];
	v48 =	vpop (erf)  }
0x444: {  	v5 =	vmul.f32 $1.442695020e+00, v43;
	(erf) = vpow2.f32 v6;
	v3 =	vadd.f32 v48, v3  }
0x445: {  	v49 =	vld [tilespmem:s19+$0x16250];
	v50 =	vpop (erf)  }
0x446: {  	v4 =	vmul.f32 $1.442695020e+00, v45;
	(erf) = vpow2.f32 v5;
	v3 =	vadd.f32 v50, v3  }
0x447: {  	v51 =	vld [tilespmem:s19+$0x16260];
	v52 =	vpop (erf)  }
0x448: {  	v7 =	vmul.f32 $1.442695020e+00, v47;
	(erf) = vpow2.f32 v4;
	v3 =	vadd.f32 v52, v3  }
0x449: {  	v53 =	vld [tilespmem:s19+$0x16270];
	v54 =	vpop (erf)  }
0x44a: {  	v6 =	vmul.f32 $1.442695020e+00, v49;
	(erf) = vpow2.f32 v7;
	v3 =	vadd.f32 v54, v3  }
0x44b: {  	v55 =	vpop (erf)  }
0x44c: {  	v5 =	vmul.f32 $1.442695020e+00, v51;
	(erf) = vpow2.f32 v6;
	v3 =	vadd.f32 v55, v3  }
0x44d: {  	v56 =	vpop (erf)  }
0x44e: {  	s4 =	sld [smem:s6+$0x1];
	v4 =	vmul.f32 $1.442695020e+00, v53;
	(erf) = vpow2.f32 v5;
	v3 =	vadd.f32 v56, v3  }
0x44f: {  	v57 =	vpop (erf)  }
0x450: {  	(erf) = vpow2.f32 v4;
	v3 =	vadd.f32 v57, v3  }
0x451: {  	s7 =	sshra.s32 s4, $0x1F;
	v58 =	vpop (erf)  }
0x452: {  	s7 =	sshrl.u32 s7, $0x1C;
	v3 =	vadd.f32 v58, v3  }
0x453: {  	s7 =	sadd.s32 s7, s4;
	v59 =	vpop (erf)  }
0x454: {  	s24 =	sand.u32 $0xFFFFFFF0, s7;
	v3 =	vadd.f32 v59, v3  }
0x455: {  	p0 =	slt.s32 s4, $0x1;
	p1 =	sne.s32 s4, s24;
	v60 =	vpop (erf)  }
0x456: {  	p0 =	por !p0, !p1;
	v3 =	vadd.f32 v60, v3  }
0x457: {  	s19 =	simm.s32 $0x1;
	p0 =	por !p0, !p0;
	v61 =	vpop (erf)  }
0x458: {  	s7 =	sshra.s32 s7, $0x4;
	s19 =	simm.s32 @!p0 $0x0;
	v3 =	vadd.f32 v61, v3  }
0x459: {  	s7 =	ssub.s32 s7, s19;
	v62 =	vpop (erf)  }
0x45a: {  	s19 =	sshll.u32 s7, $0x4;
	s7 =	sshll.u32 s7, $0x5;
	v3 =	vadd.f32 v62, v3  }
0x45b: {  	s19 =	sand.u32 $0x70, s19;
	s7 =	sand.u32 $0xFFFFFF00, s7  }
0x45c: {  	s7 =	sor.u32 s19, s7;
	[tilespmem:s8+$0x2100] =	vst v3  }
0x45d: {  	v3 =	vld [tilespmem:s7+$0x16100]  }
0x45e: {  	s2 =	sadd.s32 $0x1, s2  }
0x45f: {  	s4 =	sand.u32 $0xF, s4;
	p0 =	sne.s32 s2, $0x10  }
.Ltmp8:
0x460: {  	s28 =	sadd.s32 s5, s6;
	v63 =	vmov s4;
	(pc) =	sbr.rel @p0 .LBB2_2-.Ltmp8, $4  }
0x461: {  	s4 =	sshll.u32 s28, $0xA;
	vm1 =	veq.s32 v63, v0  }
0x462: {  	s4 =	sand.u32 $0x1FFFE000, s4;
	v3 =	vnsel vm1, $0x0, v3  }
0x463: {  	s4 =	sadd.s32 s4, s18;
	[tilespmem:s8+$0x6100] =	vst v3  }
0x464: {  	[hbm4b:s4+s20] =	stream.strided.scatter [tilespmem:s23], [sflag:$0x2], $0x4000, s21, s20, $0x38;
	[tilespmem:$0x1A080] =	vst v63  }
0x465: {  	s2 =	simm.s32 $0x2  }
0x466: {  	_ =	swait.ge [sflag:s2], $0x4000  }
0x467: {  	[sflag:s2] =	ssyncset.done $0x0  }
0x468: {  	[sflag:s2] =	ssyncadd.s32 $0xFFFFC000  }
0x469: {  	_ =	swait.ge [sflag:s2], $0x4000  }
0x46a: {  	[sflag:s2] =	ssyncset.done $0x0  }
0x46b: {  	[sflag:s2] =	ssyncadd.s32 $0xFFFFC000  }
0x46c: {  	_ =	swait.ge [sflag:s2], $0x4000  }
0x46d: {  	[sflag:s2] =	ssyncset.done $0x0  }
0x46e: {  	[sflag:s2] =	ssyncadd.s32 $0xFFFFC000  }
0x46f: {  	_ =	swait.ge [sflag:s2], $0x4000  }
0x470: {  	s22 =	simm.s32 $0x0;
	[sflag:s2] =	ssyncset.done $0x0  }
0x471: {  	s4 =	simm.s32 $0x2080;
	s8 =	rddreg [dreg:$0x8];
	[sflag:s2] =	ssyncadd.s32 $0xFFFFC000  }
0x472: {  	[hbm4b:s8+s22] =	stream.linear.scatter [tilespmem:s4], [sflag:$0x3], $0x4000, $0x38;
	[tilespmem:$0x1A080] =	vst v63  }
0x473: {  	s4 =	simm.s32 $0x3  }
0x474: {  	_ =	swait.ge [sflag:s4], $0x4000  }
0x475: {  	[sflag:s4] =	ssyncset.done $0x0  }
0x476: {  	s6 =	simm.s32 $0x6080;
	s19 =	rddreg [dreg:$0x9];
	[sflag:s4] =	ssyncadd.s32 $0xFFFFC000  }
0x477: {  	[hbm4b:s19+s22] =	stream.linear.scatter [tilespmem:s6], [sflag:$0x3], $0x4000, $0x38;
	[tilespmem:$0x1A080] =	vst v63  }
0x478: {  	_ =	swait.ge [sflag:s4], $0x4000  }
0x479: {  	s24 =	rddreg [dreg:$0xd]  }
0x47a: {  	s28 =	rddreg [dreg:$0xa];
	s6 =	sadd.s32 $0x1, s24  }
0x47b: {  	p0 =	sne.s32 s6, s28  }
.Ltmp9:
0x47c: {  	_ = 	snop;
	(pc) =	sbr.rel @p0 .LBB2_1-.Ltmp9, $3  }
0x47d: {  	_ =	sdelay $0x1  }
0x47e: {  	[sflag:s4] =	ssyncset.done $0x0  }
0x47f: {  	[sflag:s4] =	ssyncadd.s32 $0xFFFFC000  }
0x480: {  	_ =	sfence.sel $0x180000  }
0x481: {  	[bflag:$0x0] =	sbarrier.arrive $0xFFFF  }
0x482: {  	_ =	strace $0x90000047  }
0x483: {  	s0 =	stileid.u32;
	[bflag:$0x2] =	sbarrier.arrive $0xFFFF  }
0x484: {  	p0 =	sne.s32 s0, $0x0;
	s0 =	rddreg [dreg:$0x4]  }
0x485: {  	s0 =	sadd.s32 @!p0 $0x100000, s0  }
0x486: {  	[sflag:s0] =	ssyncadd.tile.s32 @!p0 $0x1;
	_ =	shalt  }
.Lfunc_end2:
_tile_overlayer_lowered:
.L_overlay_start_2:
0x487: {  	(tag) =	ssettag $0x2  }
0x488: {  	s0 =	rddreg [dreg:$0x0];
	s2 =	stileid.u32  }
0x489: {  	s1 =	rddreg [dreg:$0x1];
	p0 =	sne.s32 s2, $0x0  }
0x48a: {  	s3 =	rddreg [dreg:$0x2];
	[bflag:$0x3] =	sbarrier.arrive $0xFFFF;
	s2 =	simm.s32 @!p0 $0x1C03  }
0x48b: {  	[timem:s3], [sflag:s2] =	dma.local @!p0 [hbm:s0], s1  }
0x48c: {  	s0 =	simm.s32 @!p0 $0x3  }
0x48d: {  	_ =	swait.ge @!p0 [sflag:s0], s1  }
0x48e: {  	s1 =	ssub.s32 @!p0 $0x0, s1;
	[sflag:s0] =	ssyncset.done @!p0 $0x0  }
0x48f: {  	[sflag:s0] =	ssyncadd.s32 @!p0 s1  }
0x490: {  	[bflag:$0x3] =	sbarrier.arrive $0xFFFF  }
0x491: {  	_ =	shalt  }

</sc_bundles>
